<compile_context>
chip_gen: v7x
topology: tpu7x:2x2x1
jax: 0.10.2.dev20260603
libtpu: 0.0.44.dev20260713+nightly
codegen_flags: <defaults>
</compile_context>

<pallas_src>
import functools

import jax
import jax.numpy as jnp
from jax import lax
from jax.experimental import pallas as pl
from jax.experimental.pallas import tpu as pltpu
from jax.experimental.pallas import tpu_sc as plsc

TOTAL = 32768
D = 256
B = 16
NW = 32
RPW = TOTAL // NW
CH = 128
DEGW = 5248
NKEY = 1088
TRASH = 255

_mesh = plsc.VectorSubcoreMesh(core_axis_name="c", subcore_axis_name="s")


def _sc_body(nums_hbm, starts_hbm, degs_hbm, cols_hbm,
             deg_buf, c1b, c2b, c4b, c8b, occ_tbl, pre_tbl,
             nsv, stv, k2t, k4t, k8t):
    c = lax.axis_index("c")
    si = lax.axis_index("s")
    w = si * 2 + c
    lane = lax.iota(jnp.int32, 16)
    w_start = w * RPW

    pltpu.sync_copy(nums_hbm, nsv)
    pltpu.sync_copy(starts_hbm, stv)
    nums = nsv[...]
    starts_v = stv[...]
    cum_v = plsc.cumsum(nums)
    total_used = jnp.sum(jnp.where(lane == 15, cum_v, 0))

    one16 = jnp.full((16,), 1, jnp.int32)
    k2t[pl.ds(0, 16)] = (nums + 1) >> 1
    k2t[pl.ds(16, 16)] = one16
    k4t[pl.ds(0, 16)] = (nums + 3) >> 2
    k4t[pl.ds(16, 16)] = one16
    k8t[pl.ds(0, 16)] = (nums + 7) >> 3
    k8t[pl.ds(16, 16)] = one16

    cums = [jnp.sum(jnp.where(lane == s, cum_v, 0)) for s in range(16)]

    def seg_of(gpos):
        sv = (gpos >= cums[0]).astype(jnp.int32)
        for s in range(1, 16):
            sv = sv + (gpos >= cums[s]).astype(jnp.int32)
        return sv

    s0 = jnp.int32(0)
    s1 = jnp.int32(0)
    for s in range(16):
        s0 = s0 + (w_start >= cums[s]).astype(jnp.int32)
        s1 = s1 + (w_start + RPW - 1 >= cums[s]).astype(jnp.int32)
    A = jnp.sum(jnp.where(lane == s0, starts_v, 0))
    s1e = jnp.minimum(s1, 15)
    b_end = jnp.where(s0 >= 16, 0,
                      jnp.sum(jnp.where(lane == s1e, cum_v, 0)))

    b0 = pl.multiple_of(jnp.minimum(A & (-8), TOTAL - DEGW), 8)
    off = A - b0
    pltpu.sync_copy(degs_hbm.at[pl.ds(b0, DEGW)], deg_buf)

    zero16i = jnp.zeros((16,), jnp.int32)
    for v in range(NKEY // 16):
        occ_tbl[pl.ds(v * 16, 16)] = zero16i
        pre_tbl[pl.ds(v * 16, 16)] = zero16i

    nv = jnp.maximum(b_end - A + 15, 0) >> 4

    def h_body(v, carry):
        d = deg_buf[pl.ds(off + v * 16, 16)]
        gpos = A + v * 16 + lane
        key = seg_of(gpos) * 64 + d
        m_tot = gpos < b_end
        cnt, last = plsc.scan_count(key, m_tot)
        plsc.addupdate_scatter(occ_tbl, [key], cnt, mask=last)
        m_pre = gpos < w_start
        cntp, lastp = plsc.scan_count(key, m_pre)
        plsc.addupdate_scatter(pre_tbl, [key], cntp, mask=lastp)
        return carry

    lax.fori_loop(0, nv, h_body, 0)

    def s_body(s, carry):
        h = [occ_tbl[pl.ds(s * 64 + v * 16, 16)] for v in range(4)]
        t = [jnp.sum(hv) for hv in h]
        above = [t[1] + t[2] + t[3], t[2] + t[3], t[3], jnp.int32(0)]
        for v in range(4):
            sl = pl.ds(s * 64 + v * 16, 16)
            occ_tbl[sl] = above[v] + (t[v] - plsc.cumsum(h[v])) + pre_tbl[sl]
        return carry

    lax.fori_loop(s0, s1 + 1, s_body, 0)

    def c_body(ci, carry):
        gbase = pl.multiple_of(w_start + ci * CH, CH)
        for sv in range(CH // 16):
            dsl = jnp.minimum(gbase - b0 + sv * 16, DEGW - 16)
            d = deg_buf[pl.ds(dsl, 16)]
            gpos = gbase + sv * 16 + lane
            segv = seg_of(gpos)
            valid = gpos < total_used
            key = segv * 64 + d
            cnt, last = plsc.scan_count(key, valid)
            rk0 = plsc.load_gather(occ_tbl, [key])
            rank = rk0 + cnt - 1
            plsc.addupdate_scatter(occ_tbl, [key], cnt, mask=last)
            k2 = plsc.load_gather(k2t, [segv])
            k4 = plsc.load_gather(k4t, [segv])
            k8 = plsc.load_gather(k8t, [segv])
            b2 = (rank >= k2).astype(jnp.int32)
            b4 = ((rank >= k4).astype(jnp.int32)
                  + (rank >= 2 * k4).astype(jnp.int32)
                  + (rank >= 3 * k4).astype(jnp.int32))
            b8 = (rank >= k8).astype(jnp.int32)
            for m in range(2, 8):
                b8 = b8 + (rank >= m * k8).astype(jnp.int32)
            cbase = segv * 15
            sl = pl.ds(sv * 16, 16)
            c1b[sl] = jnp.where(valid, cbase, TRASH)
            c2b[sl] = jnp.where(valid, cbase + 1 + b2, TRASH)
            c4b[sl] = jnp.where(valid, cbase + 3 + b4, TRASH)
            c8b[sl] = jnp.where(valid, cbase + 7 + b8, TRASH)
        pltpu.sync_copy(c1b, cols_hbm.at[0, pl.ds(gbase, CH)])
        pltpu.sync_copy(c2b, cols_hbm.at[1, pl.ds(gbase, CH)])
        pltpu.sync_copy(c4b, cols_hbm.at[2, pl.ds(gbase, CH)])
        pltpu.sync_copy(c8b, cols_hbm.at[3, pl.ds(gbase, CH)])
        return carry

    lax.fori_loop(0, RPW // CH, c_body, 0)


_sc_cols_kernel = functools.partial(
    pl.kernel,
    out_type=jax.ShapeDtypeStruct((4, TOTAL), jnp.int32),
    mesh=_mesh,
    compiler_params=pltpu.CompilerParams(
        needs_layout_passes=False, use_tc_tiling_on_sc=False),
    scratch_types=[
        pltpu.VMEM((DEGW,), jnp.int32),
        pltpu.VMEM((CH,), jnp.int32),
        pltpu.VMEM((CH,), jnp.int32),
        pltpu.VMEM((CH,), jnp.int32),
        pltpu.VMEM((CH,), jnp.int32),
        pltpu.VMEM((NKEY,), jnp.int32),
        pltpu.VMEM((NKEY,), jnp.int32),
        pltpu.VMEM((16,), jnp.int32),
        pltpu.VMEM((16,), jnp.int32),
        pltpu.VMEM((32,), jnp.int32),
        pltpu.VMEM((32,), jnp.int32),
        pltpu.VMEM((32,), jnp.int32),
    ],
)(_sc_body)

_RB = 4096


def _acc_body(cols_ref, x_ref, inv_ref, out_ref, acc_ref):
    i = pl.program_id(0)

    @pl.when(i == 0)
    def _():
        acc_ref[...] = jnp.zeros_like(acc_ref)

    cols = cols_ref[...]
    xb = x_ref[...]
    cio = lax.broadcasted_iota(jnp.int32, (256, _RB), 0)
    wt = (cio == cols[0:1, :]).astype(jnp.bfloat16)
    for l in range(1, 4):
        wt = wt + (cio == cols[l:l + 1, :]).astype(jnp.bfloat16)
    acc_ref[...] += lax.dot_general(
        wt, xb.astype(jnp.bfloat16), (((1,), (0,)), ((), ())),
        preferred_element_type=jnp.float32)

    @pl.when(i == TOTAL // _RB - 1)
    def _():
        src = acc_ref[...] * inv_ref[...]
        out_ref[...] = jnp.swapaxes(
            src[:B * 15].reshape(B, 15, D), 1, 2).reshape(B, D * 15)


_acc_kernel = pl.pallas_call(
    _acc_body,
    grid=(TOTAL // _RB,),
    in_specs=[
        pl.BlockSpec((4, _RB), lambda i: (0, i)),
        pl.BlockSpec((_RB, D), lambda i: (i, 0)),
        pl.BlockSpec((256, D), lambda i: (0, 0)),
    ],
    out_specs=pl.BlockSpec((B, D * 15), lambda i: (0, 0)),
    out_shape=jax.ShapeDtypeStruct((B, D * 15), jnp.float32),
    scratch_shapes=[pltpu.VMEM((256, D), jnp.float32)],
)


@jax.jit
def kernel(x, num_per_batch, degrees):
    nums = num_per_batch.astype(jnp.int32)
    starts = jnp.cumsum(nums) - nums
    lf = nums.astype(jnp.float32)
    invs = jnp.stack([
        1.0 / lf,
        1.0 / ((nums + 1) >> 1).astype(jnp.float32),
        1.0 / ((nums + 1) >> 1).astype(jnp.float32),
        1.0 / ((nums + 3) >> 2).astype(jnp.float32),
        1.0 / ((nums + 3) >> 2).astype(jnp.float32),
        1.0 / ((nums + 3) >> 2).astype(jnp.float32),
        1.0 / ((nums + 3) >> 2).astype(jnp.float32),
    ] + [1.0 / ((nums + 7) >> 3).astype(jnp.float32)] * 8, axis=1)
    invcol = jnp.zeros((256,), jnp.float32).at[:B * 15].set(invs.reshape(-1))
    invmat = jnp.broadcast_to(invcol[:, None], (256, D))
    cols = _sc_cols_kernel(nums, starts, degrees.astype(jnp.int32))
    return _acc_kernel(cols, x, invmat)

# --- scband reference (transcript-rebuilt; emitter-appended) ---
"""Pipeline reference for scband-pyramid-pooling-16913581212065 (READ-ONLY COPY).

The authoritative reference and input builder live on the scoring server;
editing this copy changes nothing except your own understanding.
"""

import math
import jax, jax.numpy as jnp
import numpy as np

LEVELS = [1, 2, 4, 8]
MODE = 'avg'


def setup_inputs(seed: int = 0) -> dict:
    key = jax.random.key(seed)
    k1, k2, k3 = jax.random.split(key, 3)
    total, d, B = 32768, 256, 16
    x = jax.random.normal(k1, (total, d), dtype=jnp.float32)
    # minval=1 guarantees every segment is non-empty (module cannot pool empty segments)
    num_per_batch = jax.random.randint(k2, (B,), 1, 2048)
    degrees = jax.random.randint(k3, (total,), 0, 64)
    return {"x": x, "num_per_batch": num_per_batch, "degrees": degrees}


def _ranked_indices(num_per_batch, degrees):
    # Host-side replication of the original Python list logic (int args are constants).
    npb = np.asarray(num_per_batch).tolist()
    degs = list(enumerate(np.asarray(degrees).tolist()))
    cut = 0
    ranked = []
    for i in npb:
        seg = degs[cut:cut + i]
        cut += i
        seg_sorted = sorted(seg, key=lambda t: t[1], reverse=True)  # stable, like Python sorted
        ranked.extend(idx for idx, _ in seg_sorted)
    return np.asarray(ranked, dtype=np.int32), npb


def _tpp(feats, levels, mode):
    # feats: [d, L]; emulate right-padded Avg/MaxPool1d with kernel=stride=ceil(L/pool)
    d, L = feats.shape
    outs = []
    for pool_size in levels:
        kernel = int(math.ceil(L / pool_size))
        total_len = kernel * pool_size
        pad = total_len - L
        padded = jnp.pad(feats, ((0, 0), (0, pad)), mode='constant', constant_values=0.0)
        blocks = padded.reshape(d, pool_size, kernel)
        if mode == 'avg':
            pooled = blocks.mean(axis=2)  # count_include_pad=True semantics
        elif mode == 'max':
            pooled = blocks.max(axis=2)
        else:
            raise RuntimeError('Unknown pooling type')
        outs.append(pooled.reshape(d, -1))
    return jnp.concatenate(outs, axis=1)  # [d, sum(levels)]


def reference(x, num_per_batch, degrees):
    total, d = x.shape
    B = num_per_batch.shape[0]
    cum = jnp.cumsum(num_per_batch)
    starts = cum - num_per_batch
    total_used = cum[-1]
    pos = jnp.arange(total)
    seg = jnp.searchsorted(cum, pos, side='right')
    # Stable sort by (segment, degree descending, original index): degrees lie in [0, 64)
    sort_key = seg * 64 + (63 - degrees)
    perm = jnp.argsort(sort_key, stable=True)
    xs = jnp.take(x, perm, axis=0)
    valid = pos < total_used
    seg_c = jnp.minimum(seg, B - 1)
    local = pos - starts[seg_c]
    outs = []
    for pool_size in LEVELS:
        kernels = -(-num_per_batch // pool_size)  # ceil(L_k / pool_size), per segment
        bins = jnp.clip(local // kernels[seg_c], 0, pool_size - 1)
        if MODE == 'avg':
            vals = jnp.where(valid[:, None], xs, jnp.zeros((), x.dtype))
            sums = jnp.zeros((B, pool_size, d), x.dtype).at[seg_c, bins].add(vals)
            pooled = sums / kernels[:, None, None].astype(x.dtype)
        elif MODE == 'max':
            vals = jnp.where(valid[:, None], xs, -jnp.inf)
            j = jnp.arange(pool_size)
            has_pad = (j[None, :] + 1) * kernels[:, None] > num_per_batch[:, None]
            init = jnp.where(has_pad, jnp.zeros((), x.dtype), -jnp.inf).astype(x.dtype)
            init = jnp.broadcast_to(init[:, :, None], (B, pool_size, d))
            pooled = init.at[seg_c, bins].max(vals)
        else:
            raise RuntimeError('Unknown pooling type')
        outs.append(jnp.swapaxes(pooled, 1, 2))  # [B, d, pool_size]
    read_out = jnp.concatenate(outs, axis=2)  # [B, d, sum(levels)]
    return read_out.reshape(B, d * sum(LEVELS))

if __name__ == "__main__":
    import jax
    _d = setup_inputs()
    print(jax.jit(kernel)(*tuple(_d.values())))

</pallas_src>

<mosaic_0001>
#map = affine_map<(d0, d1) -> (0)>
#map1 = affine_map<(d0, d1) -> (0, 0)>
module attributes {stable_mosaic.version = 14 : i64} {
  func.func @_sc_body(%arg0: i32, %arg1: i32, %arg2: memref<16xi32, #tpu.memory_space<hbm>>, %arg3: memref<16xi32, #tpu.memory_space<hbm>>, %arg4: memref<32768xi32, #tpu.memory_space<hbm>>, %arg5: memref<4x32768xi32, #tpu.memory_space<hbm>>, %arg6: memref<5248xi32, #tpu.memory_space<vmem>>, %arg7: memref<128xi32, #tpu.memory_space<vmem>>, %arg8: memref<128xi32, #tpu.memory_space<vmem>>, %arg9: memref<128xi32, #tpu.memory_space<vmem>>, %arg10: memref<128xi32, #tpu.memory_space<vmem>>, %arg11: memref<1088xi32, #tpu.memory_space<vmem>>, %arg12: memref<1088xi32, #tpu.memory_space<vmem>>, %arg13: memref<16xi32, #tpu.memory_space<vmem>>, %arg14: memref<16xi32, #tpu.memory_space<vmem>>, %arg15: memref<32xi32, #tpu.memory_space<vmem>>, %arg16: memref<32xi32, #tpu.memory_space<vmem>>, %arg17: memref<32xi32, #tpu.memory_space<vmem>>) attributes {dimension_semantics = [#tpu.dimension_semantics<core_parallel>, #tpu.dimension_semantics<subcore_parallel>], iteration_bounds = array<i64: 2, 16>, scalar_prefetch = 0 : i64, scratch_operands = 12 : i64, tpu.core_type = #tpu.core_type<sc_vector_subcore>, window_params = [{transform_indices = #map}, {transform_indices = #map}, {transform_indices = #map}, {transform_indices = #map1}]} {
    %mul3A = arith.constant 2 : i32
    %mul3A_0 = arith.muli %arg1, %mul3A : i32
    %add3A = arith.addi %mul3A_0, %arg0 : i32
    %iota3A = tpu.iota {dimensions = array<i32: 0>} : vector<16xi32>
    %mul3A_1 = arith.constant 1024 : i32
    %mul3A_2 = arith.muli %add3A, %mul3A_1 : i32
    "tpu.region"() ({
      %run_scoped3A = tpu.sem_alloc : memref<!tpu.dma_semaphore, #tpu.memory_space<semaphore_mem>>
      tpu.enqueue_dma source(%arg2 : memref<16xi32, #tpu.memory_space<hbm>>) target(%arg13 : memref<16xi32, #tpu.memory_space<vmem>>) target_semaphore(%run_scoped3A : memref<!tpu.dma_semaphore, #tpu.memory_space<semaphore_mem>>)
      tpu.wait_dma2 semaphore(%run_scoped3A : memref<!tpu.dma_semaphore, #tpu.memory_space<semaphore_mem>>) src(%arg2 : memref<16xi32, #tpu.memory_space<hbm>>) dst(%arg13 : memref<16xi32, #tpu.memory_space<vmem>>)
      tpu.yield
    }) : () -> ()
    "tpu.region"() ({
      %run_scoped3A = tpu.sem_alloc : memref<!tpu.dma_semaphore, #tpu.memory_space<semaphore_mem>>
      tpu.enqueue_dma source(%arg3 : memref<16xi32, #tpu.memory_space<hbm>>) target(%arg14 : memref<16xi32, #tpu.memory_space<vmem>>) target_semaphore(%run_scoped3A : memref<!tpu.dma_semaphore, #tpu.memory_space<semaphore_mem>>)
      tpu.wait_dma2 semaphore(%run_scoped3A : memref<!tpu.dma_semaphore, #tpu.memory_space<semaphore_mem>>) src(%arg3 : memref<16xi32, #tpu.memory_space<hbm>>) dst(%arg14 : memref<16xi32, #tpu.memory_space<vmem>>)
      tpu.yield
    }) : () -> ()
    %get3A = arith.constant 0 : index
    %get3A_3 = tpu.vector_load %arg13[%get3A] {strides = array<i32>} : memref<16xi32, #tpu.memory_space<vmem>>, vector<16xi32>,
    %get3A_4 = arith.constant 0 : index
    %get3A_5 = tpu.vector_load %arg14[%get3A_4] {strides = array<i32>} : memref<16xi32, #tpu.memory_space<vmem>>, vector<16xi32>,
    %broadcast_in_dim3A = arith.constant true
    %broadcast_in_dim3A_6 = vector.broadcast %broadcast_in_dim3A : i1 to vector<16xi1>
    %masked_cumsum3A = tpu.scan <sum>, %get3A_3 masked %broadcast_in_dim3A_6 : vector<16xi32>, vector<16xi1> -> vector<16xi32>
    %eq3A = arith.constant 15 : i32
    %eq3A_7 = vector.broadcast %eq3A : i32 to vector<16xi32>
    %eq3A_8 = arith.cmpi eq, %iota3A, %eq3A_7 : vector<16xi32>
    %jit3A = arith.constant 0 : i32
    %broadcast_in_dim3A_9 = vector.broadcast %jit3A : i32 to vector<16xi32>
    %select_n3A = arith.select %eq3A_8, %masked_cumsum3A, %broadcast_in_dim3A_9 : vector<16xi1>, vector<16xi32>
    %reduce_sum3A = arith.constant true
    %reduce_sum3A_10 = vector.broadcast %reduce_sum3A : i1 to vector<16xi1>
    %reduce_sum3A_11 = tpu.scan <sum>, %select_n3A masked %reduce_sum3A_10 : vector<16xi32>, vector<16xi1> -> vector<16xi32>
    %reduce_sum3A_12 = vector.extract %reduce_sum3A_11[15] : i32 from vector<16xi32>
    %broadcast_in_dim3A_13 = arith.constant 1 : i32
    %broadcast_in_dim3A_14 = vector.broadcast %broadcast_in_dim3A_13 : i32 to vector<16xi32>
    %add3A_15 = arith.constant 1 : i32
    %add3A_16 = vector.broadcast %add3A_15 : i32 to vector<16xi32>
    %add3A_17 = arith.addi %get3A_3, %add3A_16 : vector<16xi32>
    %shift_right_arithmetic3A = arith.constant 1 : i32
    %shift_right_arithmetic3A_18 = vector.broadcast %shift_right_arithmetic3A : i32 to vector<16xi32>
    %shift_right_arithmetic3A_19 = arith.shrsi %add3A_17, %shift_right_arithmetic3A_18 : vector<16xi32>
    %swap3A = arith.constant 0 : index
    %swap3A_20 = tpu.vector_load %arg15[%swap3A] {strides = array<i32>} : memref<32xi32, #tpu.memory_space<vmem>>, vector<16xi32>,
    tpu.vector_store %arg15[%swap3A], %shift_right_arithmetic3A_19 {strides = array<i32>} : memref<32xi32, #tpu.memory_space<vmem>>, vector<16xi32>,
    %swap3A_21 = arith.constant 16 : index
    %swap3A_22 = tpu.vector_load %arg15[%swap3A_21] {strides = array<i32>} : memref<32xi32, #tpu.memory_space<vmem>>, vector<16xi32>,
    tpu.vector_store %arg15[%swap3A_21], %broadcast_in_dim3A_14 {strides = array<i32>} : memref<32xi32, #tpu.memory_space<vmem>>, vector<16xi32>,
    %add3A_23 = arith.constant 3 : i32
    %add3A_24 = vector.broadcast %add3A_23 : i32 to vector<16xi32>
    %add3A_25 = arith.addi %get3A_3, %add3A_24 : vector<16xi32>
    %shift_right_arithmetic3A_26 = arith.constant 2 : i32
    %shift_right_arithmetic3A_27 = vector.broadcast %shift_right_arithmetic3A_26 : i32 to vector<16xi32>
    %shift_right_arithmetic3A_28 = arith.shrsi %add3A_25, %shift_right_arithmetic3A_27 : vector<16xi32>
    %swap3A_29 = arith.constant 0 : index
    %swap3A_30 = tpu.vector_load %arg16[%swap3A_29] {strides = array<i32>} : memref<32xi32, #tpu.memory_space<vmem>>, vector<16xi32>,
    tpu.vector_store %arg16[%swap3A_29], %shift_right_arithmetic3A_28 {strides = array<i32>} : memref<32xi32, #tpu.memory_space<vmem>>, vector<16xi32>,
    %swap3A_31 = arith.constant 16 : index
    %swap3A_32 = tpu.vector_load %arg16[%swap3A_31] {strides = array<i32>} : memref<32xi32, #tpu.memory_space<vmem>>, vector<16xi32>,
    tpu.vector_store %arg16[%swap3A_31], %broadcast_in_dim3A_14 {strides = array<i32>} : memref<32xi32, #tpu.memory_space<vmem>>, vector<16xi32>,
    %add3A_33 = arith.constant 7 : i32
    %add3A_34 = vector.broadcast %add3A_33 : i32 to vector<16xi32>
    %add3A_35 = arith.addi %get3A_3, %add3A_34 : vector<16xi32>
    %shift_right_arithmetic3A_36 = arith.constant 3 : i32
    %shift_right_arithmetic3A_37 = vector.broadcast %shift_right_arithmetic3A_36 : i32 to vector<16xi32>
    %shift_right_arithmetic3A_38 = arith.shrsi %add3A_35, %shift_right_arithmetic3A_37 : vector<16xi32>
    %swap3A_39 = arith.constant 0 : index
    %swap3A_40 = tpu.vector_load %arg17[%swap3A_39] {strides = array<i32>} : memref<32xi32, #tpu.memory_space<vmem>>, vector<16xi32>,
    tpu.vector_store %arg17[%swap3A_39], %shift_right_arithmetic3A_38 {strides = array<i32>} : memref<32xi32, #tpu.memory_space<vmem>>, vector<16xi32>,
    %swap3A_41 = arith.constant 16 : index
    %swap3A_42 = tpu.vector_load %arg17[%swap3A_41] {strides = array<i32>} : memref<32xi32, #tpu.memory_space<vmem>>, vector<16xi32>,
    tpu.vector_store %arg17[%swap3A_41], %broadcast_in_dim3A_14 {strides = array<i32>} : memref<32xi32, #tpu.memory_space<vmem>>, vector<16xi32>,
    %eq3A_43 = arith.constant 0 : i32
    %eq3A_44 = vector.broadcast %eq3A_43 : i32 to vector<16xi32>
    %eq3A_45 = arith.cmpi eq, %iota3A, %eq3A_44 : vector<16xi32>
    %jit3A_46 = arith.constant 0 : i32
    %broadcast_in_dim3A_47 = vector.broadcast %jit3A_46 : i32 to vector<16xi32>
    %select_n3A_48 = arith.select %eq3A_45, %masked_cumsum3A, %broadcast_in_dim3A_47 : vector<16xi1>, vector<16xi32>
    %reduce_sum3A_49 = arith.constant true
    %reduce_sum3A_50 = vector.broadcast %reduce_sum3A_49 : i1 to vector<16xi1>
    %reduce_sum3A_51 = tpu.scan <sum>, %select_n3A_48 masked %reduce_sum3A_50 : vector<16xi32>, vector<16xi1> -> vector<16xi32>
    %reduce_sum3A_52 = vector.extract %reduce_sum3A_51[15] : i32 from vector<16xi32>
    %eq3A_53 = arith.constant 1 : i32
    %eq3A_54 = vector.broadcast %eq3A_53 : i32 to vector<16xi32>
    %eq3A_55 = arith.cmpi eq, %iota3A, %eq3A_54 : vector<16xi32>
    %jit3A_56 = arith.constant 0 : i32
    %broadcast_in_dim3A_57 = vector.broadcast %jit3A_56 : i32 to vector<16xi32>
    %select_n3A_58 = arith.select %eq3A_55, %masked_cumsum3A, %broadcast_in_dim3A_57 : vector<16xi1>, vector<16xi32>
    %reduce_sum3A_59 = arith.constant true
    %reduce_sum3A_60 = vector.broadcast %reduce_sum3A_59 : i1 to vector<16xi1>
    %reduce_sum3A_61 = tpu.scan <sum>, %select_n3A_58 masked %reduce_sum3A_60 : vector<16xi32>, vector<16xi1> -> vector<16xi32>
    %reduce_sum3A_62 = vector.extract %reduce_sum3A_61[15] : i32 from vector<16xi32>
    %eq3A_63 = arith.constant 2 : i32
    %eq3A_64 = vector.broadcast %eq3A_63 : i32 to vector<16xi32>
    %eq3A_65 = arith.cmpi eq, %iota3A, %eq3A_64 : vector<16xi32>
    %jit3A_66 = arith.constant 0 : i32
    %broadcast_in_dim3A_67 = vector.broadcast %jit3A_66 : i32 to vector<16xi32>
    %select_n3A_68 = arith.select %eq3A_65, %masked_cumsum3A, %broadcast_in_dim3A_67 : vector<16xi1>, vector<16xi32>
    %reduce_sum3A_69 = arith.constant true
    %reduce_sum3A_70 = vector.broadcast %reduce_sum3A_69 : i1 to vector<16xi1>
    %reduce_sum3A_71 = tpu.scan <sum>, %select_n3A_68 masked %reduce_sum3A_70 : vector<16xi32>, vector<16xi1> -> vector<16xi32>
    %reduce_sum3A_72 = vector.extract %reduce_sum3A_71[15] : i32 from vector<16xi32>
    %eq3A_73 = arith.constant 3 : i32
    %eq3A_74 = vector.broadcast %eq3A_73 : i32 to vector<16xi32>
    %eq3A_75 = arith.cmpi eq, %iota3A, %eq3A_74 : vector<16xi32>
    %jit3A_76 = arith.constant 0 : i32
    %broadcast_in_dim3A_77 = vector.broadcast %jit3A_76 : i32 to vector<16xi32>
    %select_n3A_78 = arith.select %eq3A_75, %masked_cumsum3A, %broadcast_in_dim3A_77 : vector<16xi1>, vector<16xi32>
    %reduce_sum3A_79 = arith.constant true
    %reduce_sum3A_80 = vector.broadcast %reduce_sum3A_79 : i1 to vector<16xi1>
    %reduce_sum3A_81 = tpu.scan <sum>, %select_n3A_78 masked %reduce_sum3A_80 : vector<16xi32>, vector<16xi1> -> vector<16xi32>
    %reduce_sum3A_82 = vector.extract %reduce_sum3A_81[15] : i32 from vector<16xi32>
    %eq3A_83 = arith.constant 4 : i32
    %eq3A_84 = vector.broadcast %eq3A_83 : i32 to vector<16xi32>
    %eq3A_85 = arith.cmpi eq, %iota3A, %eq3A_84 : vector<16xi32>
    %jit3A_86 = arith.constant 0 : i32
    %broadcast_in_dim3A_87 = vector.broadcast %jit3A_86 : i32 to vector<16xi32>
    %select_n3A_88 = arith.select %eq3A_85, %masked_cumsum3A, %broadcast_in_dim3A_87 : vector<16xi1>, vector<16xi32>
    %reduce_sum3A_89 = arith.constant true
    %reduce_sum3A_90 = vector.broadcast %reduce_sum3A_89 : i1 to vector<16xi1>
    %reduce_sum3A_91 = tpu.scan <sum>, %select_n3A_88 masked %reduce_sum3A_90 : vector<16xi32>, vector<16xi1> -> vector<16xi32>
    %reduce_sum3A_92 = vector.extract %reduce_sum3A_91[15] : i32 from vector<16xi32>
    %eq3A_93 = arith.constant 5 : i32
    %eq3A_94 = vector.broadcast %eq3A_93 : i32 to vector<16xi32>
    %eq3A_95 = arith.cmpi eq, %iota3A, %eq3A_94 : vector<16xi32>
    %jit3A_96 = arith.constant 0 : i32
    %broadcast_in_dim3A_97 = vector.broadcast %jit3A_96 : i32 to vector<16xi32>
    %select_n3A_98 = arith.select %eq3A_95, %masked_cumsum3A, %broadcast_in_dim3A_97 : vector<16xi1>, vector<16xi32>
    %reduce_sum3A_99 = arith.constant true
    %reduce_sum3A_100 = vector.broadcast %reduce_sum3A_99 : i1 to vector<16xi1>
    %reduce_sum3A_101 = tpu.scan <sum>, %select_n3A_98 masked %reduce_sum3A_100 : vector<16xi32>, vector<16xi1> -> vector<16xi32>
    %reduce_sum3A_102 = vector.extract %reduce_sum3A_101[15] : i32 from vector<16xi32>
    %eq3A_103 = arith.constant 6 : i32
    %eq3A_104 = vector.broadcast %eq3A_103 : i32 to vector<16xi32>
    %eq3A_105 = arith.cmpi eq, %iota3A, %eq3A_104 : vector<16xi32>
    %jit3A_106 = arith.constant 0 : i32
    %broadcast_in_dim3A_107 = vector.broadcast %jit3A_106 : i32 to vector<16xi32>
    %select_n3A_108 = arith.select %eq3A_105, %masked_cumsum3A, %broadcast_in_dim3A_107 : vector<16xi1>, vector<16xi32>
    %reduce_sum3A_109 = arith.constant true
    %reduce_sum3A_110 = vector.broadcast %reduce_sum3A_109 : i1 to vector<16xi1>
    %reduce_sum3A_111 = tpu.scan <sum>, %select_n3A_108 masked %reduce_sum3A_110 : vector<16xi32>, vector<16xi1> -> vector<16xi32>
    %reduce_sum3A_112 = vector.extract %reduce_sum3A_111[15] : i32 from vector<16xi32>
    %eq3A_113 = arith.constant 7 : i32
    %eq3A_114 = vector.broadcast %eq3A_113 : i32 to vector<16xi32>
    %eq3A_115 = arith.cmpi eq, %iota3A, %eq3A_114 : vector<16xi32>
    %jit3A_116 = arith.constant 0 : i32
    %broadcast_in_dim3A_117 = vector.broadcast %jit3A_116 : i32 to vector<16xi32>
    %select_n3A_118 = arith.select %eq3A_115, %masked_cumsum3A, %broadcast_in_dim3A_117 : vector<16xi1>, vector<16xi32>
    %reduce_sum3A_119 = arith.constant true
    %reduce_sum3A_120 = vector.broadcast %reduce_sum3A_119 : i1 to vector<16xi1>
    %reduce_sum3A_121 = tpu.scan <sum>, %select_n3A_118 masked %reduce_sum3A_120 : vector<16xi32>, vector<16xi1> -> vector<16xi32>
    %reduce_sum3A_122 = vector.extract %reduce_sum3A_121[15] : i32 from vector<16xi32>
    %eq3A_123 = arith.constant 8 : i32
    %eq3A_124 = vector.broadcast %eq3A_123 : i32 to vector<16xi32>
    %eq3A_125 = arith.cmpi eq, %iota3A, %eq3A_124 : vector<16xi32>
    %jit3A_126 = arith.constant 0 : i32
    %broadcast_in_dim3A_127 = vector.broadcast %jit3A_126 : i32 to vector<16xi32>
    %select_n3A_128 = arith.select %eq3A_125, %masked_cumsum3A, %broadcast_in_dim3A_127 : vector<16xi1>, vector<16xi32>
    %reduce_sum3A_129 = arith.constant true
    %reduce_sum3A_130 = vector.broadcast %reduce_sum3A_129 : i1 to vector<16xi1>
    %reduce_sum3A_131 = tpu.scan <sum>, %select_n3A_128 masked %reduce_sum3A_130 : vector<16xi32>, vector<16xi1> -> vector<16xi32>
    %reduce_sum3A_132 = vector.extract %reduce_sum3A_131[15] : i32 from vector<16xi32>
    %eq3A_133 = arith.constant 9 : i32
    %eq3A_134 = vector.broadcast %eq3A_133 : i32 to vector<16xi32>
    %eq3A_135 = arith.cmpi eq, %iota3A, %eq3A_134 : vector<16xi32>
    %jit3A_136 = arith.constant 0 : i32
    %broadcast_in_dim3A_137 = vector.broadcast %jit3A_136 : i32 to vector<16xi32>
    %select_n3A_138 = arith.select %eq3A_135, %masked_cumsum3A, %broadcast_in_dim3A_137 : vector<16xi1>, vector<16xi32>
    %reduce_sum3A_139 = arith.constant true
    %reduce_sum3A_140 = vector.broadcast %reduce_sum3A_139 : i1 to vector<16xi1>
    %reduce_sum3A_141 = tpu.scan <sum>, %select_n3A_138 masked %reduce_sum3A_140 : vector<16xi32>, vector<16xi1> -> vector<16xi32>
    %reduce_sum3A_142 = vector.extract %reduce_sum3A_141[15] : i32 from vector<16xi32>
    %eq3A_143 = arith.constant 10 : i32
    %eq3A_144 = vector.broadcast %eq3A_143 : i32 to vector<16xi32>
    %eq3A_145 = arith.cmpi eq, %iota3A, %eq3A_144 : vector<16xi32>
    %jit3A_146 = arith.constant 0 : i32
    %broadcast_in_dim3A_147 = vector.broadcast %jit3A_146 : i32 to vector<16xi32>
    %select_n3A_148 = arith.select %eq3A_145, %masked_cumsum3A, %broadcast_in_dim3A_147 : vector<16xi1>, vector<16xi32>
    %reduce_sum3A_149 = arith.constant true
    %reduce_sum3A_150 = vector.broadcast %reduce_sum3A_149 : i1 to vector<16xi1>
    %reduce_sum3A_151 = tpu.scan <sum>, %select_n3A_148 masked %reduce_sum3A_150 : vector<16xi32>, vector<16xi1> -> vector<16xi32>
    %reduce_sum3A_152 = vector.extract %reduce_sum3A_151[15] : i32 from vector<16xi32>
    %eq3A_153 = arith.constant 11 : i32
    %eq3A_154 = vector.broadcast %eq3A_153 : i32 to vector<16xi32>
    %eq3A_155 = arith.cmpi eq, %iota3A, %eq3A_154 : vector<16xi32>
    %jit3A_156 = arith.constant 0 : i32
    %broadcast_in_dim3A_157 = vector.broadcast %jit3A_156 : i32 to vector<16xi32>
    %select_n3A_158 = arith.select %eq3A_155, %masked_cumsum3A, %broadcast_in_dim3A_157 : vector<16xi1>, vector<16xi32>
    %reduce_sum3A_159 = arith.constant true
    %reduce_sum3A_160 = vector.broadcast %reduce_sum3A_159 : i1 to vector<16xi1>
    %reduce_sum3A_161 = tpu.scan <sum>, %select_n3A_158 masked %reduce_sum3A_160 : vector<16xi32>, vector<16xi1> -> vector<16xi32>
    %reduce_sum3A_162 = vector.extract %reduce_sum3A_161[15] : i32 from vector<16xi32>
    %eq3A_163 = arith.constant 12 : i32
    %eq3A_164 = vector.broadcast %eq3A_163 : i32 to vector<16xi32>
    %eq3A_165 = arith.cmpi eq, %iota3A, %eq3A_164 : vector<16xi32>
    %jit3A_166 = arith.constant 0 : i32
    %broadcast_in_dim3A_167 = vector.broadcast %jit3A_166 : i32 to vector<16xi32>
    %select_n3A_168 = arith.select %eq3A_165, %masked_cumsum3A, %broadcast_in_dim3A_167 : vector<16xi1>, vector<16xi32>
    %reduce_sum3A_169 = arith.constant true
    %reduce_sum3A_170 = vector.broadcast %reduce_sum3A_169 : i1 to vector<16xi1>
    %reduce_sum3A_171 = tpu.scan <sum>, %select_n3A_168 masked %reduce_sum3A_170 : vector<16xi32>, vector<16xi1> -> vector<16xi32>
    %reduce_sum3A_172 = vector.extract %reduce_sum3A_171[15] : i32 from vector<16xi32>
    %eq3A_173 = arith.constant 13 : i32
    %eq3A_174 = vector.broadcast %eq3A_173 : i32 to vector<16xi32>
    %eq3A_175 = arith.cmpi eq, %iota3A, %eq3A_174 : vector<16xi32>
    %jit3A_176 = arith.constant 0 : i32
    %broadcast_in_dim3A_177 = vector.broadcast %jit3A_176 : i32 to vector<16xi32>
    %select_n3A_178 = arith.select %eq3A_175, %masked_cumsum3A, %broadcast_in_dim3A_177 : vector<16xi1>, vector<16xi32>
    %reduce_sum3A_179 = arith.constant true
    %reduce_sum3A_180 = vector.broadcast %reduce_sum3A_179 : i1 to vector<16xi1>
    %reduce_sum3A_181 = tpu.scan <sum>, %select_n3A_178 masked %reduce_sum3A_180 : vector<16xi32>, vector<16xi1> -> vector<16xi32>
    %reduce_sum3A_182 = vector.extract %reduce_sum3A_181[15] : i32 from vector<16xi32>
    %eq3A_183 = arith.constant 14 : i32
    %eq3A_184 = vector.broadcast %eq3A_183 : i32 to vector<16xi32>
    %eq3A_185 = arith.cmpi eq, %iota3A, %eq3A_184 : vector<16xi32>
    %jit3A_186 = arith.constant 0 : i32
    %broadcast_in_dim3A_187 = vector.broadcast %jit3A_186 : i32 to vector<16xi32>
    %select_n3A_188 = arith.select %eq3A_185, %masked_cumsum3A, %broadcast_in_dim3A_187 : vector<16xi1>, vector<16xi32>
    %reduce_sum3A_189 = arith.constant true
    %reduce_sum3A_190 = vector.broadcast %reduce_sum3A_189 : i1 to vector<16xi1>
    %reduce_sum3A_191 = tpu.scan <sum>, %select_n3A_188 masked %reduce_sum3A_190 : vector<16xi32>, vector<16xi1> -> vector<16xi32>
    %reduce_sum3A_192 = vector.extract %reduce_sum3A_191[15] : i32 from vector<16xi32>
    %eq3A_193 = arith.constant 15 : i32
    %eq3A_194 = vector.broadcast %eq3A_193 : i32 to vector<16xi32>
    %eq3A_195 = arith.cmpi eq, %iota3A, %eq3A_194 : vector<16xi32>
    %jit3A_196 = arith.constant 0 : i32
    %broadcast_in_dim3A_197 = vector.broadcast %jit3A_196 : i32 to vector<16xi32>
    %select_n3A_198 = arith.select %eq3A_195, %masked_cumsum3A, %broadcast_in_dim3A_197 : vector<16xi1>, vector<16xi32>
    %reduce_sum3A_199 = arith.constant true
    %reduce_sum3A_200 = vector.broadcast %reduce_sum3A_199 : i1 to vector<16xi1>
    %reduce_sum3A_201 = tpu.scan <sum>, %select_n3A_198 masked %reduce_sum3A_200 : vector<16xi32>, vector<16xi1> -> vector<16xi32>
    %reduce_sum3A_202 = vector.extract %reduce_sum3A_201[15] : i32 from vector<16xi32>
    %ge3A = arith.cmpi sge, %mul3A_2, %reduce_sum3A_52 : i32
    %convert_element_type3A = arith.extui %ge3A : i1 to i32
    %add3A_203 = arith.constant 0 : i32
    %add3A_204 = arith.addi %add3A_203, %convert_element_type3A : i32
    %add3A_205 = arith.constant 1024 : i32
    %add3A_206 = arith.addi %mul3A_2, %add3A_205 : i32
    %sub3A = arith.constant 1 : i32
    %sub3A_207 = arith.subi %add3A_206, %sub3A : i32
    %ge3A_208 = arith.cmpi sge, %sub3A_207, %reduce_sum3A_52 : i32
    %convert_element_type3A_209 = arith.extui %ge3A_208 : i1 to i32
    %add3A_210 = arith.constant 0 : i32
    %add3A_211 = arith.addi %add3A_210, %convert_element_type3A_209 : i32
    %ge3A_212 = arith.cmpi sge, %mul3A_2, %reduce_sum3A_62 : i32
    %convert_element_type3A_213 = arith.extui %ge3A_212 : i1 to i32
    %add3A_214 = arith.addi %add3A_204, %convert_element_type3A_213 : i32
    %add3A_215 = arith.constant 1024 : i32
    %add3A_216 = arith.addi %mul3A_2, %add3A_215 : i32
    %sub3A_217 = arith.constant 1 : i32
    %sub3A_218 = arith.subi %add3A_216, %sub3A_217 : i32
    %ge3A_219 = arith.cmpi sge, %sub3A_218, %reduce_sum3A_62 : i32
    %convert_element_type3A_220 = arith.extui %ge3A_219 : i1 to i32
    %add3A_221 = arith.addi %add3A_211, %convert_element_type3A_220 : i32
    %ge3A_222 = arith.cmpi sge, %mul3A_2, %reduce_sum3A_72 : i32
    %convert_element_type3A_223 = arith.extui %ge3A_222 : i1 to i32
    %add3A_224 = arith.addi %add3A_214, %convert_element_type3A_223 : i32
    %add3A_225 = arith.constant 1024 : i32
    %add3A_226 = arith.addi %mul3A_2, %add3A_225 : i32
    %sub3A_227 = arith.constant 1 : i32
    %sub3A_228 = arith.subi %add3A_226, %sub3A_227 : i32
    %ge3A_229 = arith.cmpi sge, %sub3A_228, %reduce_sum3A_72 : i32
    %convert_element_type3A_230 = arith.extui %ge3A_229 : i1 to i32
    %add3A_231 = arith.addi %add3A_221, %convert_element_type3A_230 : i32
    %ge3A_232 = arith.cmpi sge, %mul3A_2, %reduce_sum3A_82 : i32
    %convert_element_type3A_233 = arith.extui %ge3A_232 : i1 to i32
    %add3A_234 = arith.addi %add3A_224, %convert_element_type3A_233 : i32
    %add3A_235 = arith.constant 1024 : i32
    %add3A_236 = arith.addi %mul3A_2, %add3A_235 : i32
    %sub3A_237 = arith.constant 1 : i32
    %sub3A_238 = arith.subi %add3A_236, %sub3A_237 : i32
    %ge3A_239 = arith.cmpi sge, %sub3A_238, %reduce_sum3A_82 : i32
    %convert_element_type3A_240 = arith.extui %ge3A_239 : i1 to i32
    %add3A_241 = arith.addi %add3A_231, %convert_element_type3A_240 : i32
    %ge3A_242 = arith.cmpi sge, %mul3A_2, %reduce_sum3A_92 : i32
    %convert_element_type3A_243 = arith.extui %ge3A_242 : i1 to i32
    %add3A_244 = arith.addi %add3A_234, %convert_element_type3A_243 : i32
    %add3A_245 = arith.constant 1024 : i32
    %add3A_246 = arith.addi %mul3A_2, %add3A_245 : i32
    %sub3A_247 = arith.constant 1 : i32
    %sub3A_248 = arith.subi %add3A_246, %sub3A_247 : i32
    %ge3A_249 = arith.cmpi sge, %sub3A_248, %reduce_sum3A_92 : i32
    %convert_element_type3A_250 = arith.extui %ge3A_249 : i1 to i32
    %add3A_251 = arith.addi %add3A_241, %convert_element_type3A_250 : i32
    %ge3A_252 = arith.cmpi sge, %mul3A_2, %reduce_sum3A_102 : i32
    %convert_element_type3A_253 = arith.extui %ge3A_252 : i1 to i32
    %add3A_254 = arith.addi %add3A_244, %convert_element_type3A_253 : i32
    %add3A_255 = arith.constant 1024 : i32
    %add3A_256 = arith.addi %mul3A_2, %add3A_255 : i32
    %sub3A_257 = arith.constant 1 : i32
    %sub3A_258 = arith.subi %add3A_256, %sub3A_257 : i32
    %ge3A_259 = arith.cmpi sge, %sub3A_258, %reduce_sum3A_102 : i32
    %convert_element_type3A_260 = arith.extui %ge3A_259 : i1 to i32
    %add3A_261 = arith.addi %add3A_251, %convert_element_type3A_260 : i32
    %ge3A_262 = arith.cmpi sge, %mul3A_2, %reduce_sum3A_112 : i32
    %convert_element_type3A_263 = arith.extui %ge3A_262 : i1 to i32
    %add3A_264 = arith.addi %add3A_254, %convert_element_type3A_263 : i32
    %add3A_265 = arith.constant 1024 : i32
    %add3A_266 = arith.addi %mul3A_2, %add3A_265 : i32
    %sub3A_267 = arith.constant 1 : i32
    %sub3A_268 = arith.subi %add3A_266, %sub3A_267 : i32
    %ge3A_269 = arith.cmpi sge, %sub3A_268, %reduce_sum3A_112 : i32
    %convert_element_type3A_270 = arith.extui %ge3A_269 : i1 to i32
    %add3A_271 = arith.addi %add3A_261, %convert_element_type3A_270 : i32
    %ge3A_272 = arith.cmpi sge, %mul3A_2, %reduce_sum3A_122 : i32
    %convert_element_type3A_273 = arith.extui %ge3A_272 : i1 to i32
    %add3A_274 = arith.addi %add3A_264, %convert_element_type3A_273 : i32
    %add3A_275 = arith.constant 1024 : i32
    %add3A_276 = arith.addi %mul3A_2, %add3A_275 : i32
    %sub3A_277 = arith.constant 1 : i32
    %sub3A_278 = arith.subi %add3A_276, %sub3A_277 : i32
    %ge3A_279 = arith.cmpi sge, %sub3A_278, %reduce_sum3A_122 : i32
    %convert_element_type3A_280 = arith.extui %ge3A_279 : i1 to i32
    %add3A_281 = arith.addi %add3A_271, %convert_element_type3A_280 : i32
    %ge3A_282 = arith.cmpi sge, %mul3A_2, %reduce_sum3A_132 : i32
    %convert_element_type3A_283 = arith.extui %ge3A_282 : i1 to i32
    %add3A_284 = arith.addi %add3A_274, %convert_element_type3A_283 : i32
    %add3A_285 = arith.constant 1024 : i32
    %add3A_286 = arith.addi %mul3A_2, %add3A_285 : i32
    %sub3A_287 = arith.constant 1 : i32
    %sub3A_288 = arith.subi %add3A_286, %sub3A_287 : i32
    %ge3A_289 = arith.cmpi sge, %sub3A_288, %reduce_sum3A_132 : i32
    %convert_element_type3A_290 = arith.extui %ge3A_289 : i1 to i32
    %add3A_291 = arith.addi %add3A_281, %convert_element_type3A_290 : i32
    %ge3A_292 = arith.cmpi sge, %mul3A_2, %reduce_sum3A_142 : i32
    %convert_element_type3A_293 = arith.extui %ge3A_292 : i1 to i32
    %add3A_294 = arith.addi %add3A_284, %convert_element_type3A_293 : i32
    %add3A_295 = arith.constant 1024 : i32
    %add3A_296 = arith.addi %mul3A_2, %add3A_295 : i32
    %sub3A_297 = arith.constant 1 : i32
    %sub3A_298 = arith.subi %add3A_296, %sub3A_297 : i32
    %ge3A_299 = arith.cmpi sge, %sub3A_298, %reduce_sum3A_142 : i32
    %convert_element_type3A_300 = arith.extui %ge3A_299 : i1 to i32
    %add3A_301 = arith.addi %add3A_291, %convert_element_type3A_300 : i32
    %ge3A_302 = arith.cmpi sge, %mul3A_2, %reduce_sum3A_152 : i32
    %convert_element_type3A_303 = arith.extui %ge3A_302 : i1 to i32
    %add3A_304 = arith.addi %add3A_294, %convert_element_type3A_303 : i32
    %add3A_305 = arith.constant 1024 : i32
    %add3A_306 = arith.addi %mul3A_2, %add3A_305 : i32
    %sub3A_307 = arith.constant 1 : i32
    %sub3A_308 = arith.subi %add3A_306, %sub3A_307 : i32
    %ge3A_309 = arith.cmpi sge, %sub3A_308, %reduce_sum3A_152 : i32
    %convert_element_type3A_310 = arith.extui %ge3A_309 : i1 to i32
    %add3A_311 = arith.addi %add3A_301, %convert_element_type3A_310 : i32
    %ge3A_312 = arith.cmpi sge, %mul3A_2, %reduce_sum3A_162 : i32
    %convert_element_type3A_313 = arith.extui %ge3A_312 : i1 to i32
    %add3A_314 = arith.addi %add3A_304, %convert_element_type3A_313 : i32
    %add3A_315 = arith.constant 1024 : i32
    %add3A_316 = arith.addi %mul3A_2, %add3A_315 : i32
    %sub3A_317 = arith.constant 1 : i32
    %sub3A_318 = arith.subi %add3A_316, %sub3A_317 : i32
    %ge3A_319 = arith.cmpi sge, %sub3A_318, %reduce_sum3A_162 : i32
    %convert_element_type3A_320 = arith.extui %ge3A_319 : i1 to i32
    %add3A_321 = arith.addi %add3A_311, %convert_element_type3A_320 : i32
    %ge3A_322 = arith.cmpi sge, %mul3A_2, %reduce_sum3A_172 : i32
    %convert_element_type3A_323 = arith.extui %ge3A_322 : i1 to i32
    %add3A_324 = arith.addi %add3A_314, %convert_element_type3A_323 : i32
    %add3A_325 = arith.constant 1024 : i32
    %add3A_326 = arith.addi %mul3A_2, %add3A_325 : i32
    %sub3A_327 = arith.constant 1 : i32
    %sub3A_328 = arith.subi %add3A_326, %sub3A_327 : i32
    %ge3A_329 = arith.cmpi sge, %sub3A_328, %reduce_sum3A_172 : i32
    %convert_element_type3A_330 = arith.extui %ge3A_329 : i1 to i32
    %add3A_331 = arith.addi %add3A_321, %convert_element_type3A_330 : i32
    %ge3A_332 = arith.cmpi sge, %mul3A_2, %reduce_sum3A_182 : i32
    %convert_element_type3A_333 = arith.extui %ge3A_332 : i1 to i32
    %add3A_334 = arith.addi %add3A_324, %convert_element_type3A_333 : i32
    %add3A_335 = arith.constant 1024 : i32
    %add3A_336 = arith.addi %mul3A_2, %add3A_335 : i32
    %sub3A_337 = arith.constant 1 : i32
    %sub3A_338 = arith.subi %add3A_336, %sub3A_337 : i32
    %ge3A_339 = arith.cmpi sge, %sub3A_338, %reduce_sum3A_182 : i32
    %convert_element_type3A_340 = arith.extui %ge3A_339 : i1 to i32
    %add3A_341 = arith.addi %add3A_331, %convert_element_type3A_340 : i32
    %ge3A_342 = arith.cmpi sge, %mul3A_2, %reduce_sum3A_192 : i32
    %convert_element_type3A_343 = arith.extui %ge3A_342 : i1 to i32
    %add3A_344 = arith.addi %add3A_334, %convert_element_type3A_343 : i32
    %add3A_345 = arith.constant 1024 : i32
    %add3A_346 = arith.addi %mul3A_2, %add3A_345 : i32
    %sub3A_347 = arith.constant 1 : i32
    %sub3A_348 = arith.subi %add3A_346, %sub3A_347 : i32
    %ge3A_349 = arith.cmpi sge, %sub3A_348, %reduce_sum3A_192 : i32
    %convert_element_type3A_350 = arith.extui %ge3A_349 : i1 to i32
    %add3A_351 = arith.addi %add3A_341, %convert_element_type3A_350 : i32
    %ge3A_352 = arith.cmpi sge, %mul3A_2, %reduce_sum3A_202 : i32
    %convert_element_type3A_353 = arith.extui %ge3A_352 : i1 to i32
    %add3A_354 = arith.addi %add3A_344, %convert_element_type3A_353 : i32
    %add3A_355 = arith.constant 1024 : i32
    %add3A_356 = arith.addi %mul3A_2, %add3A_355 : i32
    %sub3A_357 = arith.constant 1 : i32
    %sub3A_358 = arith.subi %add3A_356, %sub3A_357 : i32
    %ge3A_359 = arith.cmpi sge, %sub3A_358, %reduce_sum3A_202 : i32
    %convert_element_type3A_360 = arith.extui %ge3A_359 : i1 to i32
    %add3A_361 = arith.addi %add3A_351, %convert_element_type3A_360 : i32
    %eq3A_362 = vector.broadcast %add3A_354 : i32 to vector<16xi32>
    %eq3A_363 = arith.cmpi eq, %iota3A, %eq3A_362 : vector<16xi32>
    %jit3A_364 = arith.constant 0 : i32
    %broadcast_in_dim3A_365 = vector.broadcast %jit3A_364 : i32 to vector<16xi32>
    %select_n3A_366 = arith.select %eq3A_363, %get3A_5, %broadcast_in_dim3A_365 : vector<16xi1>, vector<16xi32>
    %reduce_sum3A_367 = arith.constant true
    %reduce_sum3A_368 = vector.broadcast %reduce_sum3A_367 : i1 to vector<16xi1>
    %reduce_sum3A_369 = tpu.scan <sum>, %select_n3A_366 masked %reduce_sum3A_368 : vector<16xi32>, vector<16xi1> -> vector<16xi32>
    %reduce_sum3A_370 = vector.extract %reduce_sum3A_369[15] : i32 from vector<16xi32>
    %min3A = arith.constant 15 : i32
    %min3A_371 = arith.minsi %add3A_361, %min3A : i32
    %ge3A_372 = arith.constant 16 : i32
    %ge3A_373 = arith.cmpi sge, %add3A_354, %ge3A_372 : i32
    %eq3A_374 = vector.broadcast %min3A_371 : i32 to vector<16xi32>
    %eq3A_375 = arith.cmpi eq, %iota3A, %eq3A_374 : vector<16xi32>
    %jit3A_376 = arith.constant 0 : i32
    %broadcast_in_dim3A_377 = vector.broadcast %jit3A_376 : i32 to vector<16xi32>
    %select_n3A_378 = arith.select %eq3A_375, %masked_cumsum3A, %broadcast_in_dim3A_377 : vector<16xi1>, vector<16xi32>
    %reduce_sum3A_379 = arith.constant true
    %reduce_sum3A_380 = vector.broadcast %reduce_sum3A_379 : i1 to vector<16xi1>
    %reduce_sum3A_381 = tpu.scan <sum>, %select_n3A_378 masked %reduce_sum3A_380 : vector<16xi32>, vector<16xi1> -> vector<16xi32>
    %reduce_sum3A_382 = vector.extract %reduce_sum3A_381[15] : i32 from vector<16xi32>
    %jit3A_383 = arith.constant 0 : i32
    %select_n3A_384 = arith.select %ge3A_373, %jit3A_383, %reduce_sum3A_382 : i32
    %and3A = arith.constant -8 : i32
    %and3A_385 = arith.andi %reduce_sum3A_370, %and3A : i32
    %min3A_386 = arith.constant 27520 : i32
    %min3A_387 = arith.minsi %and3A_385, %min3A_386 : i32
    %multiple_of3A = tpu.assume_multiple %min3A_387, 8 : i32
    %sub3A_388 = arith.subi %reduce_sum3A_370, %multiple_of3A : i32
    "tpu.region"() ({
      %run_scoped3A = tpu.sem_alloc : memref<!tpu.dma_semaphore, #tpu.memory_space<semaphore_mem>>
      %dma_start3A = tpu.memref_slice %arg4[%multiple_of3A] : memref<32768xi32, #tpu.memory_space<hbm>> -> memref<5248xi32, #tpu.memory_space<hbm>>
      %dma_start3A_694 = tpu.memref_slice %arg4[%multiple_of3A] : memref<32768xi32, #tpu.memory_space<hbm>> -> memref<5248xi32, #tpu.memory_space<hbm>>
      tpu.enqueue_dma source(%dma_start3A_694 : memref<5248xi32, #tpu.memory_space<hbm>>) target(%arg6 : memref<5248xi32, #tpu.memory_space<vmem>>) target_semaphore(%run_scoped3A : memref<!tpu.dma_semaphore, #tpu.memory_space<semaphore_mem>>)
      %dma_wait3A = tpu.memref_slice %arg4[%multiple_of3A] : memref<32768xi32, #tpu.memory_space<hbm>> -> memref<5248xi32, #tpu.memory_space<hbm>>
      %dma_wait3A_695 = tpu.memref_slice %arg4[%multiple_of3A] : memref<32768xi32, #tpu.memory_space<hbm>> -> memref<5248xi32, #tpu.memory_space<hbm>>
      tpu.wait_dma2 semaphore(%run_scoped3A : memref<!tpu.dma_semaphore, #tpu.memory_space<semaphore_mem>>) src(%dma_wait3A_695 : memref<5248xi32, #tpu.memory_space<hbm>>) dst(%arg6 : memref<5248xi32, #tpu.memory_space<vmem>>)
      tpu.yield
    }) : () -> ()
    %broadcast_in_dim3A_389 = arith.constant 0 : i32
    %broadcast_in_dim3A_390 = vector.broadcast %broadcast_in_dim3A_389 : i32 to vector<16xi32>
    %swap3A_391 = arith.constant 0 : index
    %swap3A_392 = tpu.vector_load %arg11[%swap3A_391] {strides = array<i32>} : memref<1088xi32, #tpu.memory_space<vmem>>, vector<16xi32>,
    tpu.vector_store %arg11[%swap3A_391], %broadcast_in_dim3A_390 {strides = array<i32>} : memref<1088xi32, #tpu.memory_space<vmem>>, vector<16xi32>,
    %swap3A_393 = arith.constant 0 : index
    %swap3A_394 = tpu.vector_load %arg12[%swap3A_393] {strides = array<i32>} : memref<1088xi32, #tpu.memory_space<vmem>>, vector<16xi32>,
    tpu.vector_store %arg12[%swap3A_393], %broadcast_in_dim3A_390 {strides = array<i32>} : memref<1088xi32, #tpu.memory_space<vmem>>, vector<16xi32>,
    %swap3A_395 = arith.constant 16 : index
    %swap3A_396 = tpu.vector_load %arg11[%swap3A_395] {strides = array<i32>} : memref<1088xi32, #tpu.memory_space<vmem>>, vector<16xi32>,
    tpu.vector_store %arg11[%swap3A_395], %broadcast_in_dim3A_390 {strides = array<i32>} : memref<1088xi32, #tpu.memory_space<vmem>>, vector<16xi32>,
    %swap3A_397 = arith.constant 16 : index
    %swap3A_398 = tpu.vector_load %arg12[%swap3A_397] {strides = array<i32>} : memref<1088xi32, #tpu.memory_space<vmem>>, vector<16xi32>,
    tpu.vector_store %arg12[%swap3A_397], %broadcast_in_dim3A_390 {strides = array<i32>} : memref<1088xi32, #tpu.memory_space<vmem>>, vector<16xi32>,
    %swap3A_399 = arith.constant 32 : index
    %swap3A_400 = tpu.vector_load %arg11[%swap3A_399] {strides = array<i32>} : memref<1088xi32, #tpu.memory_space<vmem>>, vector<16xi32>,
    tpu.vector_store %arg11[%swap3A_399], %broadcast_in_dim3A_390 {strides = array<i32>} : memref<1088xi32, #tpu.memory_space<vmem>>, vector<16xi32>,
    %swap3A_401 = arith.constant 32 : index
    %swap3A_402 = tpu.vector_load %arg12[%swap3A_401] {strides = array<i32>} : memref<1088xi32, #tpu.memory_space<vmem>>, vector<16xi32>,
    tpu.vector_store %arg12[%swap3A_401], %broadcast_in_dim3A_390 {strides = array<i32>} : memref<1088xi32, #tpu.memory_space<vmem>>, vector<16xi32>,
    %swap3A_403 = arith.constant 48 : index
    %swap3A_404 = tpu.vector_load %arg11[%swap3A_403] {strides = array<i32>} : memref<1088xi32, #tpu.memory_space<vmem>>, vector<16xi32>,
    tpu.vector_store %arg11[%swap3A_403], %broadcast_in_dim3A_390 {strides = array<i32>} : memref<1088xi32, #tpu.memory_space<vmem>>, vector<16xi32>,
    %swap3A_405 = arith.constant 48 : index
    %swap3A_406 = tpu.vector_load %arg12[%swap3A_405] {strides = array<i32>} : memref<1088xi32, #tpu.memory_space<vmem>>, vector<16xi32>,
    tpu.vector_store %arg12[%swap3A_405], %broadcast_in_dim3A_390 {strides = array<i32>} : memref<1088xi32, #tpu.memory_space<vmem>>, vector<16xi32>,
    %swap3A_407 = arith.constant 64 : index
    %swap3A_408 = tpu.vector_load %arg11[%swap3A_407] {strides = array<i32>} : memref<1088xi32, #tpu.memory_space<vmem>>, vector<16xi32>,
    tpu.vector_store %arg11[%swap3A_407], %broadcast_in_dim3A_390 {strides = array<i32>} : memref<1088xi32, #tpu.memory_space<vmem>>, vector<16xi32>,
    %swap3A_409 = arith.constant 64 : index
    %swap3A_410 = tpu.vector_load %arg12[%swap3A_409] {strides = array<i32>} : memref<1088xi32, #tpu.memory_space<vmem>>, vector<16xi32>,
    tpu.vector_store %arg12[%swap3A_409], %broadcast_in_dim3A_390 {strides = array<i32>} : memref<1088xi32, #tpu.memory_space<vmem>>, vector<16xi32>,
    %swap3A_411 = arith.constant 80 : index
    %swap3A_412 = tpu.vector_load %arg11[%swap3A_411] {strides = array<i32>} : memref<1088xi32, #tpu.memory_space<vmem>>, vector<16xi32>,
    tpu.vector_store %arg11[%swap3A_411], %broadcast_in_dim3A_390 {strides = array<i32>} : memref<1088xi32, #tpu.memory_space<vmem>>, vector<16xi32>,
    %swap3A_413 = arith.constant 80 : index
    %swap3A_414 = tpu.vector_load %arg12[%swap3A_413] {strides = array<i32>} : memref<1088xi32, #tpu.memory_space<vmem>>, vector<16xi32>,
    tpu.vector_store %arg12[%swap3A_413], %broadcast_in_dim3A_390 {strides = array<i32>} : memref<1088xi32, #tpu.memory_space<vmem>>, vector<16xi32>,
    %swap3A_415 = arith.constant 96 : index
    %swap3A_416 = tpu.vector_load %arg11[%swap3A_415] {strides = array<i32>} : memref<1088xi32, #tpu.memory_space<vmem>>, vector<16xi32>,
    tpu.vector_store %arg11[%swap3A_415], %broadcast_in_dim3A_390 {strides = array<i32>} : memref<1088xi32, #tpu.memory_space<vmem>>, vector<16xi32>,
    %swap3A_417 = arith.constant 96 : index
    %swap3A_418 = tpu.vector_load %arg12[%swap3A_417] {strides = array<i32>} : memref<1088xi32, #tpu.memory_space<vmem>>, vector<16xi32>,
    tpu.vector_store %arg12[%swap3A_417], %broadcast_in_dim3A_390 {strides = array<i32>} : memref<1088xi32, #tpu.memory_space<vmem>>, vector<16xi32>,
    %swap3A_419 = arith.constant 112 : index
    %swap3A_420 = tpu.vector_load %arg11[%swap3A_419] {strides = array<i32>} : memref<1088xi32, #tpu.memory_space<vmem>>, vector<16xi32>,
    tpu.vector_store %arg11[%swap3A_419], %broadcast_in_dim3A_390 {strides = array<i32>} : memref<1088xi32, #tpu.memory_space<vmem>>, vector<16xi32>,
    %swap3A_421 = arith.constant 112 : index
    %swap3A_422 = tpu.vector_load %arg12[%swap3A_421] {strides = array<i32>} : memref<1088xi32, #tpu.memory_space<vmem>>, vector<16xi32>,
    tpu.vector_store %arg12[%swap3A_421], %broadcast_in_dim3A_390 {strides = array<i32>} : memref<1088xi32, #tpu.memory_space<vmem>>, vector<16xi32>,
    %swap3A_423 = arith.constant 128 : index
    %swap3A_424 = tpu.vector_load %arg11[%swap3A_423] {strides = array<i32>} : memref<1088xi32, #tpu.memory_space<vmem>>, vector<16xi32>,
    tpu.vector_store %arg11[%swap3A_423], %broadcast_in_dim3A_390 {strides = array<i32>} : memref<1088xi32, #tpu.memory_space<vmem>>, vector<16xi32>,
    %swap3A_425 = arith.constant 128 : index
    %swap3A_426 = tpu.vector_load %arg12[%swap3A_425] {strides = array<i32>} : memref<1088xi32, #tpu.memory_space<vmem>>, vector<16xi32>,
    tpu.vector_store %arg12[%swap3A_425], %broadcast_in_dim3A_390 {strides = array<i32>} : memref<1088xi32, #tpu.memory_space<vmem>>, vector<16xi32>,
    %swap3A_427 = arith.constant 144 : index
    %swap3A_428 = tpu.vector_load %arg11[%swap3A_427] {strides = array<i32>} : memref<1088xi32, #tpu.memory_space<vmem>>, vector<16xi32>,
    tpu.vector_store %arg11[%swap3A_427], %broadcast_in_dim3A_390 {strides = array<i32>} : memref<1088xi32, #tpu.memory_space<vmem>>, vector<16xi32>,
    %swap3A_429 = arith.constant 144 : index
    %swap3A_430 = tpu.vector_load %arg12[%swap3A_429] {strides = array<i32>} : memref<1088xi32, #tpu.memory_space<vmem>>, vector<16xi32>,
    tpu.vector_store %arg12[%swap3A_429], %broadcast_in_dim3A_390 {strides = array<i32>} : memref<1088xi32, #tpu.memory_space<vmem>>, vector<16xi32>,
    %swap3A_431 = arith.constant 160 : index
    %swap3A_432 = tpu.vector_load %arg11[%swap3A_431] {strides = array<i32>} : memref<1088xi32, #tpu.memory_space<vmem>>, vector<16xi32>,
    tpu.vector_store %arg11[%swap3A_431], %broadcast_in_dim3A_390 {strides = array<i32>} : memref<1088xi32, #tpu.memory_space<vmem>>, vector<16xi32>,
    %swap3A_433 = arith.constant 160 : index
    %swap3A_434 = tpu.vector_load %arg12[%swap3A_433] {strides = array<i32>} : memref<1088xi32, #tpu.memory_space<vmem>>, vector<16xi32>,
    tpu.vector_store %arg12[%swap3A_433], %broadcast_in_dim3A_390 {strides = array<i32>} : memref<1088xi32, #tpu.memory_space<vmem>>, vector<16xi32>,
    %swap3A_435 = arith.constant 176 : index
    %swap3A_436 = tpu.vector_load %arg11[%swap3A_435] {strides = array<i32>} : memref<1088xi32, #tpu.memory_space<vmem>>, vector<16xi32>,
    tpu.vector_store %arg11[%swap3A_435], %broadcast_in_dim3A_390 {strides = array<i32>} : memref<1088xi32, #tpu.memory_space<vmem>>, vector<16xi32>,
    %swap3A_437 = arith.constant 176 : index
    %swap3A_438 = tpu.vector_load %arg12[%swap3A_437] {strides = array<i32>} : memref<1088xi32, #tpu.memory_space<vmem>>, vector<16xi32>,
    tpu.vector_store %arg12[%swap3A_437], %broadcast_in_dim3A_390 {strides = array<i32>} : memref<1088xi32, #tpu.memory_space<vmem>>, vector<16xi32>,
    %swap3A_439 = arith.constant 192 : index
    %swap3A_440 = tpu.vector_load %arg11[%swap3A_439] {strides = array<i32>} : memref<1088xi32, #tpu.memory_space<vmem>>, vector<16xi32>,
    tpu.vector_store %arg11[%swap3A_439], %broadcast_in_dim3A_390 {strides = array<i32>} : memref<1088xi32, #tpu.memory_space<vmem>>, vector<16xi32>,
    %swap3A_441 = arith.constant 192 : index
    %swap3A_442 = tpu.vector_load %arg12[%swap3A_441] {strides = array<i32>} : memref<1088xi32, #tpu.memory_space<vmem>>, vector<16xi32>,
    tpu.vector_store %arg12[%swap3A_441], %broadcast_in_dim3A_390 {strides = array<i32>} : memref<1088xi32, #tpu.memory_space<vmem>>, vector<16xi32>,
    %swap3A_443 = arith.constant 208 : index
    %swap3A_444 = tpu.vector_load %arg11[%swap3A_443] {strides = array<i32>} : memref<1088xi32, #tpu.memory_space<vmem>>, vector<16xi32>,
    tpu.vector_store %arg11[%swap3A_443], %broadcast_in_dim3A_390 {strides = array<i32>} : memref<1088xi32, #tpu.memory_space<vmem>>, vector<16xi32>,
    %swap3A_445 = arith.constant 208 : index
    %swap3A_446 = tpu.vector_load %arg12[%swap3A_445] {strides = array<i32>} : memref<1088xi32, #tpu.memory_space<vmem>>, vector<16xi32>,
    tpu.vector_store %arg12[%swap3A_445], %broadcast_in_dim3A_390 {strides = array<i32>} : memref<1088xi32, #tpu.memory_space<vmem>>, vector<16xi32>,
    %swap3A_447 = arith.constant 224 : index
    %swap3A_448 = tpu.vector_load %arg11[%swap3A_447] {strides = array<i32>} : memref<1088xi32, #tpu.memory_space<vmem>>, vector<16xi32>,
    tpu.vector_store %arg11[%swap3A_447], %broadcast_in_dim3A_390 {strides = array<i32>} : memref<1088xi32, #tpu.memory_space<vmem>>, vector<16xi32>,
    %swap3A_449 = arith.constant 224 : index
    %swap3A_450 = tpu.vector_load %arg12[%swap3A_449] {strides = array<i32>} : memref<1088xi32, #tpu.memory_space<vmem>>, vector<16xi32>,
    tpu.vector_store %arg12[%swap3A_449], %broadcast_in_dim3A_390 {strides = array<i32>} : memref<1088xi32, #tpu.memory_space<vmem>>, vector<16xi32>,
    %swap3A_451 = arith.constant 240 : index
    %swap3A_452 = tpu.vector_load %arg11[%swap3A_451] {strides = array<i32>} : memref<1088xi32, #tpu.memory_space<vmem>>, vector<16xi32>,
    tpu.vector_store %arg11[%swap3A_451], %broadcast_in_dim3A_390 {strides = array<i32>} : memref<1088xi32, #tpu.memory_space<vmem>>, vector<16xi32>,
    %swap3A_453 = arith.constant 240 : index
    %swap3A_454 = tpu.vector_load %arg12[%swap3A_453] {strides = array<i32>} : memref<1088xi32, #tpu.memory_space<vmem>>, vector<16xi32>,
    tpu.vector_store %arg12[%swap3A_453], %broadcast_in_dim3A_390 {strides = array<i32>} : memref<1088xi32, #tpu.memory_space<vmem>>, vector<16xi32>,
    %swap3A_455 = arith.constant 256 : index
    %swap3A_456 = tpu.vector_load %arg11[%swap3A_455] {strides = array<i32>} : memref<1088xi32, #tpu.memory_space<vmem>>, vector<16xi32>,
    tpu.vector_store %arg11[%swap3A_455], %broadcast_in_dim3A_390 {strides = array<i32>} : memref<1088xi32, #tpu.memory_space<vmem>>, vector<16xi32>,
    %swap3A_457 = arith.constant 256 : index
    %swap3A_458 = tpu.vector_load %arg12[%swap3A_457] {strides = array<i32>} : memref<1088xi32, #tpu.memory_space<vmem>>, vector<16xi32>,
    tpu.vector_store %arg12[%swap3A_457], %broadcast_in_dim3A_390 {strides = array<i32>} : memref<1088xi32, #tpu.memory_space<vmem>>, vector<16xi32>,
    %swap3A_459 = arith.constant 272 : index
    %swap3A_460 = tpu.vector_load %arg11[%swap3A_459] {strides = array<i32>} : memref<1088xi32, #tpu.memory_space<vmem>>, vector<16xi32>,
    tpu.vector_store %arg11[%swap3A_459], %broadcast_in_dim3A_390 {strides = array<i32>} : memref<1088xi32, #tpu.memory_space<vmem>>, vector<16xi32>,
    %swap3A_461 = arith.constant 272 : index
    %swap3A_462 = tpu.vector_load %arg12[%swap3A_461] {strides = array<i32>} : memref<1088xi32, #tpu.memory_space<vmem>>, vector<16xi32>,
    tpu.vector_store %arg12[%swap3A_461], %broadcast_in_dim3A_390 {strides = array<i32>} : memref<1088xi32, #tpu.memory_space<vmem>>, vector<16xi32>,
    %swap3A_463 = arith.constant 288 : index
    %swap3A_464 = tpu.vector_load %arg11[%swap3A_463] {strides = array<i32>} : memref<1088xi32, #tpu.memory_space<vmem>>, vector<16xi32>,
    tpu.vector_store %arg11[%swap3A_463], %broadcast_in_dim3A_390 {strides = array<i32>} : memref<1088xi32, #tpu.memory_space<vmem>>, vector<16xi32>,
    %swap3A_465 = arith.constant 288 : index
    %swap3A_466 = tpu.vector_load %arg12[%swap3A_465] {strides = array<i32>} : memref<1088xi32, #tpu.memory_space<vmem>>, vector<16xi32>,
    tpu.vector_store %arg12[%swap3A_465], %broadcast_in_dim3A_390 {strides = array<i32>} : memref<1088xi32, #tpu.memory_space<vmem>>, vector<16xi32>,
    %swap3A_467 = arith.constant 304 : index
    %swap3A_468 = tpu.vector_load %arg11[%swap3A_467] {strides = array<i32>} : memref<1088xi32, #tpu.memory_space<vmem>>, vector<16xi32>,
    tpu.vector_store %arg11[%swap3A_467], %broadcast_in_dim3A_390 {strides = array<i32>} : memref<1088xi32, #tpu.memory_space<vmem>>, vector<16xi32>,
    %swap3A_469 = arith.constant 304 : index
    %swap3A_470 = tpu.vector_load %arg12[%swap3A_469] {strides = array<i32>} : memref<1088xi32, #tpu.memory_space<vmem>>, vector<16xi32>,
    tpu.vector_store %arg12[%swap3A_469], %broadcast_in_dim3A_390 {strides = array<i32>} : memref<1088xi32, #tpu.memory_space<vmem>>, vector<16xi32>,
    %swap3A_471 = arith.constant 320 : index
    %swap3A_472 = tpu.vector_load %arg11[%swap3A_471] {strides = array<i32>} : memref<1088xi32, #tpu.memory_space<vmem>>, vector<16xi32>,
    tpu.vector_store %arg11[%swap3A_471], %broadcast_in_dim3A_390 {strides = array<i32>} : memref<1088xi32, #tpu.memory_space<vmem>>, vector<16xi32>,
    %swap3A_473 = arith.constant 320 : index
    %swap3A_474 = tpu.vector_load %arg12[%swap3A_473] {strides = array<i32>} : memref<1088xi32, #tpu.memory_space<vmem>>, vector<16xi32>,
    tpu.vector_store %arg12[%swap3A_473], %broadcast_in_dim3A_390 {strides = array<i32>} : memref<1088xi32, #tpu.memory_space<vmem>>, vector<16xi32>,
    %swap3A_475 = arith.constant 336 : index
    %swap3A_476 = tpu.vector_load %arg11[%swap3A_475] {strides = array<i32>} : memref<1088xi32, #tpu.memory_space<vmem>>, vector<16xi32>,
    tpu.vector_store %arg11[%swap3A_475], %broadcast_in_dim3A_390 {strides = array<i32>} : memref<1088xi32, #tpu.memory_space<vmem>>, vector<16xi32>,
    %swap3A_477 = arith.constant 336 : index
    %swap3A_478 = tpu.vector_load %arg12[%swap3A_477] {strides = array<i32>} : memref<1088xi32, #tpu.memory_space<vmem>>, vector<16xi32>,
    tpu.vector_store %arg12[%swap3A_477], %broadcast_in_dim3A_390 {strides = array<i32>} : memref<1088xi32, #tpu.memory_space<vmem>>, vector<16xi32>,
    %swap3A_479 = arith.constant 352 : index
    %swap3A_480 = tpu.vector_load %arg11[%swap3A_479] {strides = array<i32>} : memref<1088xi32, #tpu.memory_space<vmem>>, vector<16xi32>,
    tpu.vector_store %arg11[%swap3A_479], %broadcast_in_dim3A_390 {strides = array<i32>} : memref<1088xi32, #tpu.memory_space<vmem>>, vector<16xi32>,
    %swap3A_481 = arith.constant 352 : index
    %swap3A_482 = tpu.vector_load %arg12[%swap3A_481] {strides = array<i32>} : memref<1088xi32, #tpu.memory_space<vmem>>, vector<16xi32>,
    tpu.vector_store %arg12[%swap3A_481], %broadcast_in_dim3A_390 {strides = array<i32>} : memref<1088xi32, #tpu.memory_space<vmem>>, vector<16xi32>,
    %swap3A_483 = arith.constant 368 : index
    %swap3A_484 = tpu.vector_load %arg11[%swap3A_483] {strides = array<i32>} : memref<1088xi32, #tpu.memory_space<vmem>>, vector<16xi32>,
    tpu.vector_store %arg11[%swap3A_483], %broadcast_in_dim3A_390 {strides = array<i32>} : memref<1088xi32, #tpu.memory_space<vmem>>, vector<16xi32>,
    %swap3A_485 = arith.constant 368 : index
    %swap3A_486 = tpu.vector_load %arg12[%swap3A_485] {strides = array<i32>} : memref<1088xi32, #tpu.memory_space<vmem>>, vector<16xi32>,
    tpu.vector_store %arg12[%swap3A_485], %broadcast_in_dim3A_390 {strides = array<i32>} : memref<1088xi32, #tpu.memory_space<vmem>>, vector<16xi32>,
    %swap3A_487 = arith.constant 384 : index
    %swap3A_488 = tpu.vector_load %arg11[%swap3A_487] {strides = array<i32>} : memref<1088xi32, #tpu.memory_space<vmem>>, vector<16xi32>,
    tpu.vector_store %arg11[%swap3A_487], %broadcast_in_dim3A_390 {strides = array<i32>} : memref<1088xi32, #tpu.memory_space<vmem>>, vector<16xi32>,
    %swap3A_489 = arith.constant 384 : index
    %swap3A_490 = tpu.vector_load %arg12[%swap3A_489] {strides = array<i32>} : memref<1088xi32, #tpu.memory_space<vmem>>, vector<16xi32>,
    tpu.vector_store %arg12[%swap3A_489], %broadcast_in_dim3A_390 {strides = array<i32>} : memref<1088xi32, #tpu.memory_space<vmem>>, vector<16xi32>,
    %swap3A_491 = arith.constant 400 : index
    %swap3A_492 = tpu.vector_load %arg11[%swap3A_491] {strides = array<i32>} : memref<1088xi32, #tpu.memory_space<vmem>>, vector<16xi32>,
    tpu.vector_store %arg11[%swap3A_491], %broadcast_in_dim3A_390 {strides = array<i32>} : memref<1088xi32, #tpu.memory_space<vmem>>, vector<16xi32>,
    %swap3A_493 = arith.constant 400 : index
    %swap3A_494 = tpu.vector_load %arg12[%swap3A_493] {strides = array<i32>} : memref<1088xi32, #tpu.memory_space<vmem>>, vector<16xi32>,
    tpu.vector_store %arg12[%swap3A_493], %broadcast_in_dim3A_390 {strides = array<i32>} : memref<1088xi32, #tpu.memory_space<vmem>>, vector<16xi32>,
    %swap3A_495 = arith.constant 416 : index
    %swap3A_496 = tpu.vector_load %arg11[%swap3A_495] {strides = array<i32>} : memref<1088xi32, #tpu.memory_space<vmem>>, vector<16xi32>,
    tpu.vector_store %arg11[%swap3A_495], %broadcast_in_dim3A_390 {strides = array<i32>} : memref<1088xi32, #tpu.memory_space<vmem>>, vector<16xi32>,
    %swap3A_497 = arith.constant 416 : index
    %swap3A_498 = tpu.vector_load %arg12[%swap3A_497] {strides = array<i32>} : memref<1088xi32, #tpu.memory_space<vmem>>, vector<16xi32>,
    tpu.vector_store %arg12[%swap3A_497], %broadcast_in_dim3A_390 {strides = array<i32>} : memref<1088xi32, #tpu.memory_space<vmem>>, vector<16xi32>,
    %swap3A_499 = arith.constant 432 : index
    %swap3A_500 = tpu.vector_load %arg11[%swap3A_499] {strides = array<i32>} : memref<1088xi32, #tpu.memory_space<vmem>>, vector<16xi32>,
    tpu.vector_store %arg11[%swap3A_499], %broadcast_in_dim3A_390 {strides = array<i32>} : memref<1088xi32, #tpu.memory_space<vmem>>, vector<16xi32>,
    %swap3A_501 = arith.constant 432 : index
    %swap3A_502 = tpu.vector_load %arg12[%swap3A_501] {strides = array<i32>} : memref<1088xi32, #tpu.memory_space<vmem>>, vector<16xi32>,
    tpu.vector_store %arg12[%swap3A_501], %broadcast_in_dim3A_390 {strides = array<i32>} : memref<1088xi32, #tpu.memory_space<vmem>>, vector<16xi32>,
    %swap3A_503 = arith.constant 448 : index
    %swap3A_504 = tpu.vector_load %arg11[%swap3A_503] {strides = array<i32>} : memref<1088xi32, #tpu.memory_space<vmem>>, vector<16xi32>,
    tpu.vector_store %arg11[%swap3A_503], %broadcast_in_dim3A_390 {strides = array<i32>} : memref<1088xi32, #tpu.memory_space<vmem>>, vector<16xi32>,
    %swap3A_505 = arith.constant 448 : index
    %swap3A_506 = tpu.vector_load %arg12[%swap3A_505] {strides = array<i32>} : memref<1088xi32, #tpu.memory_space<vmem>>, vector<16xi32>,
    tpu.vector_store %arg12[%swap3A_505], %broadcast_in_dim3A_390 {strides = array<i32>} : memref<1088xi32, #tpu.memory_space<vmem>>, vector<16xi32>,
    %swap3A_507 = arith.constant 464 : index
    %swap3A_508 = tpu.vector_load %arg11[%swap3A_507] {strides = array<i32>} : memref<1088xi32, #tpu.memory_space<vmem>>, vector<16xi32>,
    tpu.vector_store %arg11[%swap3A_507], %broadcast_in_dim3A_390 {strides = array<i32>} : memref<1088xi32, #tpu.memory_space<vmem>>, vector<16xi32>,
    %swap3A_509 = arith.constant 464 : index
    %swap3A_510 = tpu.vector_load %arg12[%swap3A_509] {strides = array<i32>} : memref<1088xi32, #tpu.memory_space<vmem>>, vector<16xi32>,
    tpu.vector_store %arg12[%swap3A_509], %broadcast_in_dim3A_390 {strides = array<i32>} : memref<1088xi32, #tpu.memory_space<vmem>>, vector<16xi32>,
    %swap3A_511 = arith.constant 480 : index
    %swap3A_512 = tpu.vector_load %arg11[%swap3A_511] {strides = array<i32>} : memref<1088xi32, #tpu.memory_space<vmem>>, vector<16xi32>,
    tpu.vector_store %arg11[%swap3A_511], %broadcast_in_dim3A_390 {strides = array<i32>} : memref<1088xi32, #tpu.memory_space<vmem>>, vector<16xi32>,
    %swap3A_513 = arith.constant 480 : index
    %swap3A_514 = tpu.vector_load %arg12[%swap3A_513] {strides = array<i32>} : memref<1088xi32, #tpu.memory_space<vmem>>, vector<16xi32>,
    tpu.vector_store %arg12[%swap3A_513], %broadcast_in_dim3A_390 {strides = array<i32>} : memref<1088xi32, #tpu.memory_space<vmem>>, vector<16xi32>,
    %swap3A_515 = arith.constant 496 : index
    %swap3A_516 = tpu.vector_load %arg11[%swap3A_515] {strides = array<i32>} : memref<1088xi32, #tpu.memory_space<vmem>>, vector<16xi32>,
    tpu.vector_store %arg11[%swap3A_515], %broadcast_in_dim3A_390 {strides = array<i32>} : memref<1088xi32, #tpu.memory_space<vmem>>, vector<16xi32>,
    %swap3A_517 = arith.constant 496 : index
    %swap3A_518 = tpu.vector_load %arg12[%swap3A_517] {strides = array<i32>} : memref<1088xi32, #tpu.memory_space<vmem>>, vector<16xi32>,
    tpu.vector_store %arg12[%swap3A_517], %broadcast_in_dim3A_390 {strides = array<i32>} : memref<1088xi32, #tpu.memory_space<vmem>>, vector<16xi32>,
    %swap3A_519 = arith.constant 512 : index
    %swap3A_520 = tpu.vector_load %arg11[%swap3A_519] {strides = array<i32>} : memref<1088xi32, #tpu.memory_space<vmem>>, vector<16xi32>,
    tpu.vector_store %arg11[%swap3A_519], %broadcast_in_dim3A_390 {strides = array<i32>} : memref<1088xi32, #tpu.memory_space<vmem>>, vector<16xi32>,
    %swap3A_521 = arith.constant 512 : index
    %swap3A_522 = tpu.vector_load %arg12[%swap3A_521] {strides = array<i32>} : memref<1088xi32, #tpu.memory_space<vmem>>, vector<16xi32>,
    tpu.vector_store %arg12[%swap3A_521], %broadcast_in_dim3A_390 {strides = array<i32>} : memref<1088xi32, #tpu.memory_space<vmem>>, vector<16xi32>,
    %swap3A_523 = arith.constant 528 : index
    %swap3A_524 = tpu.vector_load %arg11[%swap3A_523] {strides = array<i32>} : memref<1088xi32, #tpu.memory_space<vmem>>, vector<16xi32>,
    tpu.vector_store %arg11[%swap3A_523], %broadcast_in_dim3A_390 {strides = array<i32>} : memref<1088xi32, #tpu.memory_space<vmem>>, vector<16xi32>,
    %swap3A_525 = arith.constant 528 : index
    %swap3A_526 = tpu.vector_load %arg12[%swap3A_525] {strides = array<i32>} : memref<1088xi32, #tpu.memory_space<vmem>>, vector<16xi32>,
    tpu.vector_store %arg12[%swap3A_525], %broadcast_in_dim3A_390 {strides = array<i32>} : memref<1088xi32, #tpu.memory_space<vmem>>, vector<16xi32>,
    %swap3A_527 = arith.constant 544 : index
    %swap3A_528 = tpu.vector_load %arg11[%swap3A_527] {strides = array<i32>} : memref<1088xi32, #tpu.memory_space<vmem>>, vector<16xi32>,
    tpu.vector_store %arg11[%swap3A_527], %broadcast_in_dim3A_390 {strides = array<i32>} : memref<1088xi32, #tpu.memory_space<vmem>>, vector<16xi32>,
    %swap3A_529 = arith.constant 544 : index
    %swap3A_530 = tpu.vector_load %arg12[%swap3A_529] {strides = array<i32>} : memref<1088xi32, #tpu.memory_space<vmem>>, vector<16xi32>,
    tpu.vector_store %arg12[%swap3A_529], %broadcast_in_dim3A_390 {strides = array<i32>} : memref<1088xi32, #tpu.memory_space<vmem>>, vector<16xi32>,
    %swap3A_531 = arith.constant 560 : index
    %swap3A_532 = tpu.vector_load %arg11[%swap3A_531] {strides = array<i32>} : memref<1088xi32, #tpu.memory_space<vmem>>, vector<16xi32>,
    tpu.vector_store %arg11[%swap3A_531], %broadcast_in_dim3A_390 {strides = array<i32>} : memref<1088xi32, #tpu.memory_space<vmem>>, vector<16xi32>,
    %swap3A_533 = arith.constant 560 : index
    %swap3A_534 = tpu.vector_load %arg12[%swap3A_533] {strides = array<i32>} : memref<1088xi32, #tpu.memory_space<vmem>>, vector<16xi32>,
    tpu.vector_store %arg12[%swap3A_533], %broadcast_in_dim3A_390 {strides = array<i32>} : memref<1088xi32, #tpu.memory_space<vmem>>, vector<16xi32>,
    %swap3A_535 = arith.constant 576 : index
    %swap3A_536 = tpu.vector_load %arg11[%swap3A_535] {strides = array<i32>} : memref<1088xi32, #tpu.memory_space<vmem>>, vector<16xi32>,
    tpu.vector_store %arg11[%swap3A_535], %broadcast_in_dim3A_390 {strides = array<i32>} : memref<1088xi32, #tpu.memory_space<vmem>>, vector<16xi32>,
    %swap3A_537 = arith.constant 576 : index
    %swap3A_538 = tpu.vector_load %arg12[%swap3A_537] {strides = array<i32>} : memref<1088xi32, #tpu.memory_space<vmem>>, vector<16xi32>,
    tpu.vector_store %arg12[%swap3A_537], %broadcast_in_dim3A_390 {strides = array<i32>} : memref<1088xi32, #tpu.memory_space<vmem>>, vector<16xi32>,
    %swap3A_539 = arith.constant 592 : index
    %swap3A_540 = tpu.vector_load %arg11[%swap3A_539] {strides = array<i32>} : memref<1088xi32, #tpu.memory_space<vmem>>, vector<16xi32>,
    tpu.vector_store %arg11[%swap3A_539], %broadcast_in_dim3A_390 {strides = array<i32>} : memref<1088xi32, #tpu.memory_space<vmem>>, vector<16xi32>,
    %swap3A_541 = arith.constant 592 : index
    %swap3A_542 = tpu.vector_load %arg12[%swap3A_541] {strides = array<i32>} : memref<1088xi32, #tpu.memory_space<vmem>>, vector<16xi32>,
    tpu.vector_store %arg12[%swap3A_541], %broadcast_in_dim3A_390 {strides = array<i32>} : memref<1088xi32, #tpu.memory_space<vmem>>, vector<16xi32>,
    %swap3A_543 = arith.constant 608 : index
    %swap3A_544 = tpu.vector_load %arg11[%swap3A_543] {strides = array<i32>} : memref<1088xi32, #tpu.memory_space<vmem>>, vector<16xi32>,
    tpu.vector_store %arg11[%swap3A_543], %broadcast_in_dim3A_390 {strides = array<i32>} : memref<1088xi32, #tpu.memory_space<vmem>>, vector<16xi32>,
    %swap3A_545 = arith.constant 608 : index
    %swap3A_546 = tpu.vector_load %arg12[%swap3A_545] {strides = array<i32>} : memref<1088xi32, #tpu.memory_space<vmem>>, vector<16xi32>,
    tpu.vector_store %arg12[%swap3A_545], %broadcast_in_dim3A_390 {strides = array<i32>} : memref<1088xi32, #tpu.memory_space<vmem>>, vector<16xi32>,
    %swap3A_547 = arith.constant 624 : index
    %swap3A_548 = tpu.vector_load %arg11[%swap3A_547] {strides = array<i32>} : memref<1088xi32, #tpu.memory_space<vmem>>, vector<16xi32>,
    tpu.vector_store %arg11[%swap3A_547], %broadcast_in_dim3A_390 {strides = array<i32>} : memref<1088xi32, #tpu.memory_space<vmem>>, vector<16xi32>,
    %swap3A_549 = arith.constant 624 : index
    %swap3A_550 = tpu.vector_load %arg12[%swap3A_549] {strides = array<i32>} : memref<1088xi32, #tpu.memory_space<vmem>>, vector<16xi32>,
    tpu.vector_store %arg12[%swap3A_549], %broadcast_in_dim3A_390 {strides = array<i32>} : memref<1088xi32, #tpu.memory_space<vmem>>, vector<16xi32>,
    %swap3A_551 = arith.constant 640 : index
    %swap3A_552 = tpu.vector_load %arg11[%swap3A_551] {strides = array<i32>} : memref<1088xi32, #tpu.memory_space<vmem>>, vector<16xi32>,
    tpu.vector_store %arg11[%swap3A_551], %broadcast_in_dim3A_390 {strides = array<i32>} : memref<1088xi32, #tpu.memory_space<vmem>>, vector<16xi32>,
    %swap3A_553 = arith.constant 640 : index
    %swap3A_554 = tpu.vector_load %arg12[%swap3A_553] {strides = array<i32>} : memref<1088xi32, #tpu.memory_space<vmem>>, vector<16xi32>,
    tpu.vector_store %arg12[%swap3A_553], %broadcast_in_dim3A_390 {strides = array<i32>} : memref<1088xi32, #tpu.memory_space<vmem>>, vector<16xi32>,
    %swap3A_555 = arith.constant 656 : index
    %swap3A_556 = tpu.vector_load %arg11[%swap3A_555] {strides = array<i32>} : memref<1088xi32, #tpu.memory_space<vmem>>, vector<16xi32>,
    tpu.vector_store %arg11[%swap3A_555], %broadcast_in_dim3A_390 {strides = array<i32>} : memref<1088xi32, #tpu.memory_space<vmem>>, vector<16xi32>,
    %swap3A_557 = arith.constant 656 : index
    %swap3A_558 = tpu.vector_load %arg12[%swap3A_557] {strides = array<i32>} : memref<1088xi32, #tpu.memory_space<vmem>>, vector<16xi32>,
    tpu.vector_store %arg12[%swap3A_557], %broadcast_in_dim3A_390 {strides = array<i32>} : memref<1088xi32, #tpu.memory_space<vmem>>, vector<16xi32>,
    %swap3A_559 = arith.constant 672 : index
    %swap3A_560 = tpu.vector_load %arg11[%swap3A_559] {strides = array<i32>} : memref<1088xi32, #tpu.memory_space<vmem>>, vector<16xi32>,
    tpu.vector_store %arg11[%swap3A_559], %broadcast_in_dim3A_390 {strides = array<i32>} : memref<1088xi32, #tpu.memory_space<vmem>>, vector<16xi32>,
    %swap3A_561 = arith.constant 672 : index
    %swap3A_562 = tpu.vector_load %arg12[%swap3A_561] {strides = array<i32>} : memref<1088xi32, #tpu.memory_space<vmem>>, vector<16xi32>,
    tpu.vector_store %arg12[%swap3A_561], %broadcast_in_dim3A_390 {strides = array<i32>} : memref<1088xi32, #tpu.memory_space<vmem>>, vector<16xi32>,
    %swap3A_563 = arith.constant 688 : index
    %swap3A_564 = tpu.vector_load %arg11[%swap3A_563] {strides = array<i32>} : memref<1088xi32, #tpu.memory_space<vmem>>, vector<16xi32>,
    tpu.vector_store %arg11[%swap3A_563], %broadcast_in_dim3A_390 {strides = array<i32>} : memref<1088xi32, #tpu.memory_space<vmem>>, vector<16xi32>,
    %swap3A_565 = arith.constant 688 : index
    %swap3A_566 = tpu.vector_load %arg12[%swap3A_565] {strides = array<i32>} : memref<1088xi32, #tpu.memory_space<vmem>>, vector<16xi32>,
    tpu.vector_store %arg12[%swap3A_565], %broadcast_in_dim3A_390 {strides = array<i32>} : memref<1088xi32, #tpu.memory_space<vmem>>, vector<16xi32>,
    %swap3A_567 = arith.constant 704 : index
    %swap3A_568 = tpu.vector_load %arg11[%swap3A_567] {strides = array<i32>} : memref<1088xi32, #tpu.memory_space<vmem>>, vector<16xi32>,
    tpu.vector_store %arg11[%swap3A_567], %broadcast_in_dim3A_390 {strides = array<i32>} : memref<1088xi32, #tpu.memory_space<vmem>>, vector<16xi32>,
    %swap3A_569 = arith.constant 704 : index
    %swap3A_570 = tpu.vector_load %arg12[%swap3A_569] {strides = array<i32>} : memref<1088xi32, #tpu.memory_space<vmem>>, vector<16xi32>,
    tpu.vector_store %arg12[%swap3A_569], %broadcast_in_dim3A_390 {strides = array<i32>} : memref<1088xi32, #tpu.memory_space<vmem>>, vector<16xi32>,
    %swap3A_571 = arith.constant 720 : index
    %swap3A_572 = tpu.vector_load %arg11[%swap3A_571] {strides = array<i32>} : memref<1088xi32, #tpu.memory_space<vmem>>, vector<16xi32>,
    tpu.vector_store %arg11[%swap3A_571], %broadcast_in_dim3A_390 {strides = array<i32>} : memref<1088xi32, #tpu.memory_space<vmem>>, vector<16xi32>,
    %swap3A_573 = arith.constant 720 : index
    %swap3A_574 = tpu.vector_load %arg12[%swap3A_573] {strides = array<i32>} : memref<1088xi32, #tpu.memory_space<vmem>>, vector<16xi32>,
    tpu.vector_store %arg12[%swap3A_573], %broadcast_in_dim3A_390 {strides = array<i32>} : memref<1088xi32, #tpu.memory_space<vmem>>, vector<16xi32>,
    %swap3A_575 = arith.constant 736 : index
    %swap3A_576 = tpu.vector_load %arg11[%swap3A_575] {strides = array<i32>} : memref<1088xi32, #tpu.memory_space<vmem>>, vector<16xi32>,
    tpu.vector_store %arg11[%swap3A_575], %broadcast_in_dim3A_390 {strides = array<i32>} : memref<1088xi32, #tpu.memory_space<vmem>>, vector<16xi32>,
    %swap3A_577 = arith.constant 736 : index
    %swap3A_578 = tpu.vector_load %arg12[%swap3A_577] {strides = array<i32>} : memref<1088xi32, #tpu.memory_space<vmem>>, vector<16xi32>,
    tpu.vector_store %arg12[%swap3A_577], %broadcast_in_dim3A_390 {strides = array<i32>} : memref<1088xi32, #tpu.memory_space<vmem>>, vector<16xi32>,
    %swap3A_579 = arith.constant 752 : index
    %swap3A_580 = tpu.vector_load %arg11[%swap3A_579] {strides = array<i32>} : memref<1088xi32, #tpu.memory_space<vmem>>, vector<16xi32>,
    tpu.vector_store %arg11[%swap3A_579], %broadcast_in_dim3A_390 {strides = array<i32>} : memref<1088xi32, #tpu.memory_space<vmem>>, vector<16xi32>,
    %swap3A_581 = arith.constant 752 : index
    %swap3A_582 = tpu.vector_load %arg12[%swap3A_581] {strides = array<i32>} : memref<1088xi32, #tpu.memory_space<vmem>>, vector<16xi32>,
    tpu.vector_store %arg12[%swap3A_581], %broadcast_in_dim3A_390 {strides = array<i32>} : memref<1088xi32, #tpu.memory_space<vmem>>, vector<16xi32>,
    %swap3A_583 = arith.constant 768 : index
    %swap3A_584 = tpu.vector_load %arg11[%swap3A_583] {strides = array<i32>} : memref<1088xi32, #tpu.memory_space<vmem>>, vector<16xi32>,
    tpu.vector_store %arg11[%swap3A_583], %broadcast_in_dim3A_390 {strides = array<i32>} : memref<1088xi32, #tpu.memory_space<vmem>>, vector<16xi32>,
    %swap3A_585 = arith.constant 768 : index
    %swap3A_586 = tpu.vector_load %arg12[%swap3A_585] {strides = array<i32>} : memref<1088xi32, #tpu.memory_space<vmem>>, vector<16xi32>,
    tpu.vector_store %arg12[%swap3A_585], %broadcast_in_dim3A_390 {strides = array<i32>} : memref<1088xi32, #tpu.memory_space<vmem>>, vector<16xi32>,
    %swap3A_587 = arith.constant 784 : index
    %swap3A_588 = tpu.vector_load %arg11[%swap3A_587] {strides = array<i32>} : memref<1088xi32, #tpu.memory_space<vmem>>, vector<16xi32>,
    tpu.vector_store %arg11[%swap3A_587], %broadcast_in_dim3A_390 {strides = array<i32>} : memref<1088xi32, #tpu.memory_space<vmem>>, vector<16xi32>,
    %swap3A_589 = arith.constant 784 : index
    %swap3A_590 = tpu.vector_load %arg12[%swap3A_589] {strides = array<i32>} : memref<1088xi32, #tpu.memory_space<vmem>>, vector<16xi32>,
    tpu.vector_store %arg12[%swap3A_589], %broadcast_in_dim3A_390 {strides = array<i32>} : memref<1088xi32, #tpu.memory_space<vmem>>, vector<16xi32>,
    %swap3A_591 = arith.constant 800 : index
    %swap3A_592 = tpu.vector_load %arg11[%swap3A_591] {strides = array<i32>} : memref<1088xi32, #tpu.memory_space<vmem>>, vector<16xi32>,
    tpu.vector_store %arg11[%swap3A_591], %broadcast_in_dim3A_390 {strides = array<i32>} : memref<1088xi32, #tpu.memory_space<vmem>>, vector<16xi32>,
    %swap3A_593 = arith.constant 800 : index
    %swap3A_594 = tpu.vector_load %arg12[%swap3A_593] {strides = array<i32>} : memref<1088xi32, #tpu.memory_space<vmem>>, vector<16xi32>,
    tpu.vector_store %arg12[%swap3A_593], %broadcast_in_dim3A_390 {strides = array<i32>} : memref<1088xi32, #tpu.memory_space<vmem>>, vector<16xi32>,
    %swap3A_595 = arith.constant 816 : index
    %swap3A_596 = tpu.vector_load %arg11[%swap3A_595] {strides = array<i32>} : memref<1088xi32, #tpu.memory_space<vmem>>, vector<16xi32>,
    tpu.vector_store %arg11[%swap3A_595], %broadcast_in_dim3A_390 {strides = array<i32>} : memref<1088xi32, #tpu.memory_space<vmem>>, vector<16xi32>,
    %swap3A_597 = arith.constant 816 : index
    %swap3A_598 = tpu.vector_load %arg12[%swap3A_597] {strides = array<i32>} : memref<1088xi32, #tpu.memory_space<vmem>>, vector<16xi32>,
    tpu.vector_store %arg12[%swap3A_597], %broadcast_in_dim3A_390 {strides = array<i32>} : memref<1088xi32, #tpu.memory_space<vmem>>, vector<16xi32>,
    %swap3A_599 = arith.constant 832 : index
    %swap3A_600 = tpu.vector_load %arg11[%swap3A_599] {strides = array<i32>} : memref<1088xi32, #tpu.memory_space<vmem>>, vector<16xi32>,
    tpu.vector_store %arg11[%swap3A_599], %broadcast_in_dim3A_390 {strides = array<i32>} : memref<1088xi32, #tpu.memory_space<vmem>>, vector<16xi32>,
    %swap3A_601 = arith.constant 832 : index
    %swap3A_602 = tpu.vector_load %arg12[%swap3A_601] {strides = array<i32>} : memref<1088xi32, #tpu.memory_space<vmem>>, vector<16xi32>,
    tpu.vector_store %arg12[%swap3A_601], %broadcast_in_dim3A_390 {strides = array<i32>} : memref<1088xi32, #tpu.memory_space<vmem>>, vector<16xi32>,
    %swap3A_603 = arith.constant 848 : index
    %swap3A_604 = tpu.vector_load %arg11[%swap3A_603] {strides = array<i32>} : memref<1088xi32, #tpu.memory_space<vmem>>, vector<16xi32>,
    tpu.vector_store %arg11[%swap3A_603], %broadcast_in_dim3A_390 {strides = array<i32>} : memref<1088xi32, #tpu.memory_space<vmem>>, vector<16xi32>,
    %swap3A_605 = arith.constant 848 : index
    %swap3A_606 = tpu.vector_load %arg12[%swap3A_605] {strides = array<i32>} : memref<1088xi32, #tpu.memory_space<vmem>>, vector<16xi32>,
    tpu.vector_store %arg12[%swap3A_605], %broadcast_in_dim3A_390 {strides = array<i32>} : memref<1088xi32, #tpu.memory_space<vmem>>, vector<16xi32>,
    %swap3A_607 = arith.constant 864 : index
    %swap3A_608 = tpu.vector_load %arg11[%swap3A_607] {strides = array<i32>} : memref<1088xi32, #tpu.memory_space<vmem>>, vector<16xi32>,
    tpu.vector_store %arg11[%swap3A_607], %broadcast_in_dim3A_390 {strides = array<i32>} : memref<1088xi32, #tpu.memory_space<vmem>>, vector<16xi32>,
    %swap3A_609 = arith.constant 864 : index
    %swap3A_610 = tpu.vector_load %arg12[%swap3A_609] {strides = array<i32>} : memref<1088xi32, #tpu.memory_space<vmem>>, vector<16xi32>,
    tpu.vector_store %arg12[%swap3A_609], %broadcast_in_dim3A_390 {strides = array<i32>} : memref<1088xi32, #tpu.memory_space<vmem>>, vector<16xi32>,
    %swap3A_611 = arith.constant 880 : index
    %swap3A_612 = tpu.vector_load %arg11[%swap3A_611] {strides = array<i32>} : memref<1088xi32, #tpu.memory_space<vmem>>, vector<16xi32>,
    tpu.vector_store %arg11[%swap3A_611], %broadcast_in_dim3A_390 {strides = array<i32>} : memref<1088xi32, #tpu.memory_space<vmem>>, vector<16xi32>,
    %swap3A_613 = arith.constant 880 : index
    %swap3A_614 = tpu.vector_load %arg12[%swap3A_613] {strides = array<i32>} : memref<1088xi32, #tpu.memory_space<vmem>>, vector<16xi32>,
    tpu.vector_store %arg12[%swap3A_613], %broadcast_in_dim3A_390 {strides = array<i32>} : memref<1088xi32, #tpu.memory_space<vmem>>, vector<16xi32>,
    %swap3A_615 = arith.constant 896 : index
    %swap3A_616 = tpu.vector_load %arg11[%swap3A_615] {strides = array<i32>} : memref<1088xi32, #tpu.memory_space<vmem>>, vector<16xi32>,
    tpu.vector_store %arg11[%swap3A_615], %broadcast_in_dim3A_390 {strides = array<i32>} : memref<1088xi32, #tpu.memory_space<vmem>>, vector<16xi32>,
    %swap3A_617 = arith.constant 896 : index
    %swap3A_618 = tpu.vector_load %arg12[%swap3A_617] {strides = array<i32>} : memref<1088xi32, #tpu.memory_space<vmem>>, vector<16xi32>,
    tpu.vector_store %arg12[%swap3A_617], %broadcast_in_dim3A_390 {strides = array<i32>} : memref<1088xi32, #tpu.memory_space<vmem>>, vector<16xi32>,
    %swap3A_619 = arith.constant 912 : index
    %swap3A_620 = tpu.vector_load %arg11[%swap3A_619] {strides = array<i32>} : memref<1088xi32, #tpu.memory_space<vmem>>, vector<16xi32>,
    tpu.vector_store %arg11[%swap3A_619], %broadcast_in_dim3A_390 {strides = array<i32>} : memref<1088xi32, #tpu.memory_space<vmem>>, vector<16xi32>,
    %swap3A_621 = arith.constant 912 : index
    %swap3A_622 = tpu.vector_load %arg12[%swap3A_621] {strides = array<i32>} : memref<1088xi32, #tpu.memory_space<vmem>>, vector<16xi32>,
    tpu.vector_store %arg12[%swap3A_621], %broadcast_in_dim3A_390 {strides = array<i32>} : memref<1088xi32, #tpu.memory_space<vmem>>, vector<16xi32>,
    %swap3A_623 = arith.constant 928 : index
    %swap3A_624 = tpu.vector_load %arg11[%swap3A_623] {strides = array<i32>} : memref<1088xi32, #tpu.memory_space<vmem>>, vector<16xi32>,
    tpu.vector_store %arg11[%swap3A_623], %broadcast_in_dim3A_390 {strides = array<i32>} : memref<1088xi32, #tpu.memory_space<vmem>>, vector<16xi32>,
    %swap3A_625 = arith.constant 928 : index
    %swap3A_626 = tpu.vector_load %arg12[%swap3A_625] {strides = array<i32>} : memref<1088xi32, #tpu.memory_space<vmem>>, vector<16xi32>,
    tpu.vector_store %arg12[%swap3A_625], %broadcast_in_dim3A_390 {strides = array<i32>} : memref<1088xi32, #tpu.memory_space<vmem>>, vector<16xi32>,
    %swap3A_627 = arith.constant 944 : index
    %swap3A_628 = tpu.vector_load %arg11[%swap3A_627] {strides = array<i32>} : memref<1088xi32, #tpu.memory_space<vmem>>, vector<16xi32>,
    tpu.vector_store %arg11[%swap3A_627], %broadcast_in_dim3A_390 {strides = array<i32>} : memref<1088xi32, #tpu.memory_space<vmem>>, vector<16xi32>,
    %swap3A_629 = arith.constant 944 : index
    %swap3A_630 = tpu.vector_load %arg12[%swap3A_629] {strides = array<i32>} : memref<1088xi32, #tpu.memory_space<vmem>>, vector<16xi32>,
    tpu.vector_store %arg12[%swap3A_629], %broadcast_in_dim3A_390 {strides = array<i32>} : memref<1088xi32, #tpu.memory_space<vmem>>, vector<16xi32>,
    %swap3A_631 = arith.constant 960 : index
    %swap3A_632 = tpu.vector_load %arg11[%swap3A_631] {strides = array<i32>} : memref<1088xi32, #tpu.memory_space<vmem>>, vector<16xi32>,
    tpu.vector_store %arg11[%swap3A_631], %broadcast_in_dim3A_390 {strides = array<i32>} : memref<1088xi32, #tpu.memory_space<vmem>>, vector<16xi32>,
    %swap3A_633 = arith.constant 960 : index
    %swap3A_634 = tpu.vector_load %arg12[%swap3A_633] {strides = array<i32>} : memref<1088xi32, #tpu.memory_space<vmem>>, vector<16xi32>,
    tpu.vector_store %arg12[%swap3A_633], %broadcast_in_dim3A_390 {strides = array<i32>} : memref<1088xi32, #tpu.memory_space<vmem>>, vector<16xi32>,
    %swap3A_635 = arith.constant 976 : index
    %swap3A_636 = tpu.vector_load %arg11[%swap3A_635] {strides = array<i32>} : memref<1088xi32, #tpu.memory_space<vmem>>, vector<16xi32>,
    tpu.vector_store %arg11[%swap3A_635], %broadcast_in_dim3A_390 {strides = array<i32>} : memref<1088xi32, #tpu.memory_space<vmem>>, vector<16xi32>,
    %swap3A_637 = arith.constant 976 : index
    %swap3A_638 = tpu.vector_load %arg12[%swap3A_637] {strides = array<i32>} : memref<1088xi32, #tpu.memory_space<vmem>>, vector<16xi32>,
    tpu.vector_store %arg12[%swap3A_637], %broadcast_in_dim3A_390 {strides = array<i32>} : memref<1088xi32, #tpu.memory_space<vmem>>, vector<16xi32>,
    %swap3A_639 = arith.constant 992 : index
    %swap3A_640 = tpu.vector_load %arg11[%swap3A_639] {strides = array<i32>} : memref<1088xi32, #tpu.memory_space<vmem>>, vector<16xi32>,
    tpu.vector_store %arg11[%swap3A_639], %broadcast_in_dim3A_390 {strides = array<i32>} : memref<1088xi32, #tpu.memory_space<vmem>>, vector<16xi32>,
    %swap3A_641 = arith.constant 992 : index
    %swap3A_642 = tpu.vector_load %arg12[%swap3A_641] {strides = array<i32>} : memref<1088xi32, #tpu.memory_space<vmem>>, vector<16xi32>,
    tpu.vector_store %arg12[%swap3A_641], %broadcast_in_dim3A_390 {strides = array<i32>} : memref<1088xi32, #tpu.memory_space<vmem>>, vector<16xi32>,
    %swap3A_643 = arith.constant 1008 : index
    %swap3A_644 = tpu.vector_load %arg11[%swap3A_643] {strides = array<i32>} : memref<1088xi32, #tpu.memory_space<vmem>>, vector<16xi32>,
    tpu.vector_store %arg11[%swap3A_643], %broadcast_in_dim3A_390 {strides = array<i32>} : memref<1088xi32, #tpu.memory_space<vmem>>, vector<16xi32>,
    %swap3A_645 = arith.constant 1008 : index
    %swap3A_646 = tpu.vector_load %arg12[%swap3A_645] {strides = array<i32>} : memref<1088xi32, #tpu.memory_space<vmem>>, vector<16xi32>,
    tpu.vector_store %arg12[%swap3A_645], %broadcast_in_dim3A_390 {strides = array<i32>} : memref<1088xi32, #tpu.memory_space<vmem>>, vector<16xi32>,
    %swap3A_647 = arith.constant 1024 : index
    %swap3A_648 = tpu.vector_load %arg11[%swap3A_647] {strides = array<i32>} : memref<1088xi32, #tpu.memory_space<vmem>>, vector<16xi32>,
    tpu.vector_store %arg11[%swap3A_647], %broadcast_in_dim3A_390 {strides = array<i32>} : memref<1088xi32, #tpu.memory_space<vmem>>, vector<16xi32>,
    %swap3A_649 = arith.constant 1024 : index
    %swap3A_650 = tpu.vector_load %arg12[%swap3A_649] {strides = array<i32>} : memref<1088xi32, #tpu.memory_space<vmem>>, vector<16xi32>,
    tpu.vector_store %arg12[%swap3A_649], %broadcast_in_dim3A_390 {strides = array<i32>} : memref<1088xi32, #tpu.memory_space<vmem>>, vector<16xi32>,
    %swap3A_651 = arith.constant 1040 : index
    %swap3A_652 = tpu.vector_load %arg11[%swap3A_651] {strides = array<i32>} : memref<1088xi32, #tpu.memory_space<vmem>>, vector<16xi32>,
    tpu.vector_store %arg11[%swap3A_651], %broadcast_in_dim3A_390 {strides = array<i32>} : memref<1088xi32, #tpu.memory_space<vmem>>, vector<16xi32>,
    %swap3A_653 = arith.constant 1040 : index
    %swap3A_654 = tpu.vector_load %arg12[%swap3A_653] {strides = array<i32>} : memref<1088xi32, #tpu.memory_space<vmem>>, vector<16xi32>,
    tpu.vector_store %arg12[%swap3A_653], %broadcast_in_dim3A_390 {strides = array<i32>} : memref<1088xi32, #tpu.memory_space<vmem>>, vector<16xi32>,
    %swap3A_655 = arith.constant 1056 : index
    %swap3A_656 = tpu.vector_load %arg11[%swap3A_655] {strides = array<i32>} : memref<1088xi32, #tpu.memory_space<vmem>>, vector<16xi32>,
    tpu.vector_store %arg11[%swap3A_655], %broadcast_in_dim3A_390 {strides = array<i32>} : memref<1088xi32, #tpu.memory_space<vmem>>, vector<16xi32>,
    %swap3A_657 = arith.constant 1056 : index
    %swap3A_658 = tpu.vector_load %arg12[%swap3A_657] {strides = array<i32>} : memref<1088xi32, #tpu.memory_space<vmem>>, vector<16xi32>,
    tpu.vector_store %arg12[%swap3A_657], %broadcast_in_dim3A_390 {strides = array<i32>} : memref<1088xi32, #tpu.memory_space<vmem>>, vector<16xi32>,
    %swap3A_659 = arith.constant 1072 : index
    %swap3A_660 = tpu.vector_load %arg11[%swap3A_659] {strides = array<i32>} : memref<1088xi32, #tpu.memory_space<vmem>>, vector<16xi32>,
    tpu.vector_store %arg11[%swap3A_659], %broadcast_in_dim3A_390 {strides = array<i32>} : memref<1088xi32, #tpu.memory_space<vmem>>, vector<16xi32>,
    %swap3A_661 = arith.constant 1072 : index
    %swap3A_662 = tpu.vector_load %arg12[%swap3A_661] {strides = array<i32>} : memref<1088xi32, #tpu.memory_space<vmem>>, vector<16xi32>,
    tpu.vector_store %arg12[%swap3A_661], %broadcast_in_dim3A_390 {strides = array<i32>} : memref<1088xi32, #tpu.memory_space<vmem>>, vector<16xi32>,
    %sub3A_663 = arith.subi %select_n3A_384, %reduce_sum3A_370 : i32
    %add3A_664 = arith.constant 15 : i32
    %add3A_665 = arith.addi %sub3A_663, %add3A_664 : i32
    %max3A = arith.constant 0 : i32
    %max3A_666 = arith.maxsi %add3A_665, %max3A : i32
    %shift_right_arithmetic3A_667 = arith.constant 4 : i32
    %shift_right_arithmetic3A_668 = arith.shrsi %max3A_666, %shift_right_arithmetic3A_667 : i32
    %while3A = arith.constant 0 : i32
    %while3A_669 = arith.constant 0 : i32
    %while3A_670 = arith.subi %shift_right_arithmetic3A_668, %while3A_669 : i32
    %while3A_671 = arith.addi %while3A_669, %while3A_670 : i32
    %while3A_672 = arith.constant 1 : i32
    %while3A_673 = arith.divsi %while3A_670, %while3A_672 : i32
    %while3A_674 = arith.muli %while3A_673, %while3A_672 : i32
    %while3A_675 = arith.addi %while3A_669, %while3A_674 : i32
    %while3A_676 = arith.constant 1 : i32
    scf.for %while3A_694 = %while3A_669 to %while3A_675 step %while3A_676  : i32 {
      %mul3A_695 = arith.constant 16 : i32
      %mul3A_696 = arith.muli %while3A_694, %mul3A_695 : i32
      %add3A_697 = arith.addi %sub3A_388, %mul3A_696 : i32
      %get3A_698 = arith.index_cast %add3A_697 : i32 to index
      %get3A_699 = tpu.vector_load %arg6[%get3A_698] {strides = array<i32>} : memref<5248xi32, #tpu.memory_space<vmem>>, vector<16xi32>,
      %mul3A_700 = arith.constant 16 : i32
      %mul3A_701 = arith.muli %while3A_694, %mul3A_700 : i32
      %add3A_702 = arith.addi %reduce_sum3A_370, %mul3A_701 : i32
      %add3A_703 = vector.broadcast %add3A_702 : i32 to vector<16xi32>
      %add3A_704 = arith.addi %add3A_703, %iota3A : vector<16xi32>
      %ge3A_705 = vector.broadcast %reduce_sum3A_52 : i32 to vector<16xi32>
      %ge3A_706 = arith.cmpi sge, %add3A_704, %ge3A_705 : vector<16xi32>
      %convert_element_type3A_707 = arith.extui %ge3A_706 : vector<16xi1> to vector<16xi32>
      %ge3A_708 = vector.broadcast %reduce_sum3A_62 : i32 to vector<16xi32>
      %ge3A_709 = arith.cmpi sge, %add3A_704, %ge3A_708 : vector<16xi32>
      %convert_element_type3A_710 = arith.extui %ge3A_709 : vector<16xi1> to vector<16xi32>
      %add3A_711 = arith.addi %convert_element_type3A_707, %convert_element_type3A_710 : vector<16xi32>
      %ge3A_712 = vector.broadcast %reduce_sum3A_72 : i32 to vector<16xi32>
      %ge3A_713 = arith.cmpi sge, %add3A_704, %ge3A_712 : vector<16xi32>
      %convert_element_type3A_714 = arith.extui %ge3A_713 : vector<16xi1> to vector<16xi32>
      %add3A_715 = arith.addi %add3A_711, %convert_element_type3A_714 : vector<16xi32>
      %ge3A_716 = vector.broadcast %reduce_sum3A_82 : i32 to vector<16xi32>
      %ge3A_717 = arith.cmpi sge, %add3A_704, %ge3A_716 : vector<16xi32>
      %convert_element_type3A_718 = arith.extui %ge3A_717 : vector<16xi1> to vector<16xi32>
      %add3A_719 = arith.addi %add3A_715, %convert_element_type3A_718 : vector<16xi32>
      %ge3A_720 = vector.broadcast %reduce_sum3A_92 : i32 to vector<16xi32>
      %ge3A_721 = arith.cmpi sge, %add3A_704, %ge3A_720 : vector<16xi32>
      %convert_element_type3A_722 = arith.extui %ge3A_721 : vector<16xi1> to vector<16xi32>
      %add3A_723 = arith.addi %add3A_719, %convert_element_type3A_722 : vector<16xi32>
      %ge3A_724 = vector.broadcast %reduce_sum3A_102 : i32 to vector<16xi32>
      %ge3A_725 = arith.cmpi sge, %add3A_704, %ge3A_724 : vector<16xi32>
      %convert_element_type3A_726 = arith.extui %ge3A_725 : vector<16xi1> to vector<16xi32>
      %add3A_727 = arith.addi %add3A_723, %convert_element_type3A_726 : vector<16xi32>
      %ge3A_728 = vector.broadcast %reduce_sum3A_112 : i32 to vector<16xi32>
      %ge3A_729 = arith.cmpi sge, %add3A_704, %ge3A_728 : vector<16xi32>
      %convert_element_type3A_730 = arith.extui %ge3A_729 : vector<16xi1> to vector<16xi32>
      %add3A_731 = arith.addi %add3A_727, %convert_element_type3A_730 : vector<16xi32>
      %ge3A_732 = vector.broadcast %reduce_sum3A_122 : i32 to vector<16xi32>
      %ge3A_733 = arith.cmpi sge, %add3A_704, %ge3A_732 : vector<16xi32>
      %convert_element_type3A_734 = arith.extui %ge3A_733 : vector<16xi1> to vector<16xi32>
      %add3A_735 = arith.addi %add3A_731, %convert_element_type3A_734 : vector<16xi32>
      %ge3A_736 = vector.broadcast %reduce_sum3A_132 : i32 to vector<16xi32>
      %ge3A_737 = arith.cmpi sge, %add3A_704, %ge3A_736 : vector<16xi32>
      %convert_element_type3A_738 = arith.extui %ge3A_737 : vector<16xi1> to vector<16xi32>
      %add3A_739 = arith.addi %add3A_735, %convert_element_type3A_738 : vector<16xi32>
      %ge3A_740 = vector.broadcast %reduce_sum3A_142 : i32 to vector<16xi32>
      %ge3A_741 = arith.cmpi sge, %add3A_704, %ge3A_740 : vector<16xi32>
      %convert_element_type3A_742 = arith.extui %ge3A_741 : vector<16xi1> to vector<16xi32>
      %add3A_743 = arith.addi %add3A_739, %convert_element_type3A_742 : vector<16xi32>
      %ge3A_744 = vector.broadcast %reduce_sum3A_152 : i32 to vector<16xi32>
      %ge3A_745 = arith.cmpi sge, %add3A_704, %ge3A_744 : vector<16xi32>
      %convert_element_type3A_746 = arith.extui %ge3A_745 : vector<16xi1> to vector<16xi32>
      %add3A_747 = arith.addi %add3A_743, %convert_element_type3A_746 : vector<16xi32>
      %ge3A_748 = vector.broadcast %reduce_sum3A_162 : i32 to vector<16xi32>
      %ge3A_749 = arith.cmpi sge, %add3A_704, %ge3A_748 : vector<16xi32>
      %convert_element_type3A_750 = arith.extui %ge3A_749 : vector<16xi1> to vector<16xi32>
      %add3A_751 = arith.addi %add3A_747, %convert_element_type3A_750 : vector<16xi32>
      %ge3A_752 = vector.broadcast %reduce_sum3A_172 : i32 to vector<16xi32>
      %ge3A_753 = arith.cmpi sge, %add3A_704, %ge3A_752 : vector<16xi32>
      %convert_element_type3A_754 = arith.extui %ge3A_753 : vector<16xi1> to vector<16xi32>
      %add3A_755 = arith.addi %add3A_751, %convert_element_type3A_754 : vector<16xi32>
      %ge3A_756 = vector.broadcast %reduce_sum3A_182 : i32 to vector<16xi32>
      %ge3A_757 = arith.cmpi sge, %add3A_704, %ge3A_756 : vector<16xi32>
      %convert_element_type3A_758 = arith.extui %ge3A_757 : vector<16xi1> to vector<16xi32>
      %add3A_759 = arith.addi %add3A_755, %convert_element_type3A_758 : vector<16xi32>
      %ge3A_760 = vector.broadcast %reduce_sum3A_192 : i32 to vector<16xi32>
      %ge3A_761 = arith.cmpi sge, %add3A_704, %ge3A_760 : vector<16xi32>
      %convert_element_type3A_762 = arith.extui %ge3A_761 : vector<16xi1> to vector<16xi32>
      %add3A_763 = arith.addi %add3A_759, %convert_element_type3A_762 : vector<16xi32>
      %ge3A_764 = vector.broadcast %reduce_sum3A_202 : i32 to vector<16xi32>
      %ge3A_765 = arith.cmpi sge, %add3A_704, %ge3A_764 : vector<16xi32>
      %convert_element_type3A_766 = arith.extui %ge3A_765 : vector<16xi1> to vector<16xi32>
      %add3A_767 = arith.addi %add3A_763, %convert_element_type3A_766 : vector<16xi32>
      %mul3A_768 = arith.constant 64 : i32
      %mul3A_769 = vector.broadcast %mul3A_768 : i32 to vector<16xi32>
      %mul3A_770 = arith.muli %add3A_767, %mul3A_769 : vector<16xi32>
      %add3A_771 = arith.addi %mul3A_770, %get3A_699 : vector<16xi32>
      %lt3A = vector.broadcast %select_n3A_384 : i32 to vector<16xi32>
      %lt3A_772 = arith.cmpi slt, %add3A_704, %lt3A : vector<16xi32>
      %unique3A, %unique3A_773 = tpu.scan_count mask(%lt3A_772 : vector<16xi1>) value(%add3A_771 : vector<16xi32>) : vector<16xi1>, vector<16xi32>
      tpu.vector_store_idx %arg11[%add3A_771], %unique3A_773 masked %unique3A {add = true} : memref<1088xi32, #tpu.memory_space<vmem>>[vector<16xi32>], vector<16xi32>, vector<16xi1>
      %lt3A_774 = vector.broadcast %mul3A_2 : i32 to vector<16xi32>
      %lt3A_775 = arith.cmpi slt, %add3A_704, %lt3A_774 : vector<16xi32>
      %unique3A_776, %unique3A_777 = tpu.scan_count mask(%lt3A_775 : vector<16xi1>) value(%add3A_771 : vector<16xi32>) : vector<16xi1>, vector<16xi32>
      tpu.vector_store_idx %arg12[%add3A_771], %unique3A_777 masked %unique3A_776 {add = true} : memref<1088xi32, #tpu.memory_space<vmem>>[vector<16xi32>], vector<16xi32>, vector<16xi1>
    }
    %while3A_677 = arith.constant 1 : i32
    scf.for %while3A_694 = %while3A_675 to %while3A_671 step %while3A_677  : i32 {
      %mul3A_695 = arith.constant 16 : i32
      %mul3A_696 = arith.muli %while3A_694, %mul3A_695 : i32
      %add3A_697 = arith.addi %sub3A_388, %mul3A_696 : i32
      %get3A_698 = arith.index_cast %add3A_697 : i32 to index
      %get3A_699 = tpu.vector_load %arg6[%get3A_698] {strides = array<i32>} : memref<5248xi32, #tpu.memory_space<vmem>>, vector<16xi32>,
      %mul3A_700 = arith.constant 16 : i32
      %mul3A_701 = arith.muli %while3A_694, %mul3A_700 : i32
      %add3A_702 = arith.addi %reduce_sum3A_370, %mul3A_701 : i32
      %add3A_703 = vector.broadcast %add3A_702 : i32 to vector<16xi32>
      %add3A_704 = arith.addi %add3A_703, %iota3A : vector<16xi32>
      %ge3A_705 = vector.broadcast %reduce_sum3A_52 : i32 to vector<16xi32>
      %ge3A_706 = arith.cmpi sge, %add3A_704, %ge3A_705 : vector<16xi32>
      %convert_element_type3A_707 = arith.extui %ge3A_706 : vector<16xi1> to vector<16xi32>
      %ge3A_708 = vector.broadcast %reduce_sum3A_62 : i32 to vector<16xi32>
      %ge3A_709 = arith.cmpi sge, %add3A_704, %ge3A_708 : vector<16xi32>
      %convert_element_type3A_710 = arith.extui %ge3A_709 : vector<16xi1> to vector<16xi32>
      %add3A_711 = arith.addi %convert_element_type3A_707, %convert_element_type3A_710 : vector<16xi32>
      %ge3A_712 = vector.broadcast %reduce_sum3A_72 : i32 to vector<16xi32>
      %ge3A_713 = arith.cmpi sge, %add3A_704, %ge3A_712 : vector<16xi32>
      %convert_element_type3A_714 = arith.extui %ge3A_713 : vector<16xi1> to vector<16xi32>
      %add3A_715 = arith.addi %add3A_711, %convert_element_type3A_714 : vector<16xi32>
      %ge3A_716 = vector.broadcast %reduce_sum3A_82 : i32 to vector<16xi32>
      %ge3A_717 = arith.cmpi sge, %add3A_704, %ge3A_716 : vector<16xi32>
      %convert_element_type3A_718 = arith.extui %ge3A_717 : vector<16xi1> to vector<16xi32>
      %add3A_719 = arith.addi %add3A_715, %convert_element_type3A_718 : vector<16xi32>
      %ge3A_720 = vector.broadcast %reduce_sum3A_92 : i32 to vector<16xi32>
      %ge3A_721 = arith.cmpi sge, %add3A_704, %ge3A_720 : vector<16xi32>
      %convert_element_type3A_722 = arith.extui %ge3A_721 : vector<16xi1> to vector<16xi32>
      %add3A_723 = arith.addi %add3A_719, %convert_element_type3A_722 : vector<16xi32>
      %ge3A_724 = vector.broadcast %reduce_sum3A_102 : i32 to vector<16xi32>
      %ge3A_725 = arith.cmpi sge, %add3A_704, %ge3A_724 : vector<16xi32>
      %convert_element_type3A_726 = arith.extui %ge3A_725 : vector<16xi1> to vector<16xi32>
      %add3A_727 = arith.addi %add3A_723, %convert_element_type3A_726 : vector<16xi32>
      %ge3A_728 = vector.broadcast %reduce_sum3A_112 : i32 to vector<16xi32>
      %ge3A_729 = arith.cmpi sge, %add3A_704, %ge3A_728 : vector<16xi32>
      %convert_element_type3A_730 = arith.extui %ge3A_729 : vector<16xi1> to vector<16xi32>
      %add3A_731 = arith.addi %add3A_727, %convert_element_type3A_730 : vector<16xi32>
      %ge3A_732 = vector.broadcast %reduce_sum3A_122 : i32 to vector<16xi32>
      %ge3A_733 = arith.cmpi sge, %add3A_704, %ge3A_732 : vector<16xi32>
      %convert_element_type3A_734 = arith.extui %ge3A_733 : vector<16xi1> to vector<16xi32>
      %add3A_735 = arith.addi %add3A_731, %convert_element_type3A_734 : vector<16xi32>
      %ge3A_736 = vector.broadcast %reduce_sum3A_132 : i32 to vector<16xi32>
      %ge3A_737 = arith.cmpi sge, %add3A_704, %ge3A_736 : vector<16xi32>
      %convert_element_type3A_738 = arith.extui %ge3A_737 : vector<16xi1> to vector<16xi32>
      %add3A_739 = arith.addi %add3A_735, %convert_element_type3A_738 : vector<16xi32>
      %ge3A_740 = vector.broadcast %reduce_sum3A_142 : i32 to vector<16xi32>
      %ge3A_741 = arith.cmpi sge, %add3A_704, %ge3A_740 : vector<16xi32>
      %convert_element_type3A_742 = arith.extui %ge3A_741 : vector<16xi1> to vector<16xi32>
      %add3A_743 = arith.addi %add3A_739, %convert_element_type3A_742 : vector<16xi32>
      %ge3A_744 = vector.broadcast %reduce_sum3A_152 : i32 to vector<16xi32>
      %ge3A_745 = arith.cmpi sge, %add3A_704, %ge3A_744 : vector<16xi32>
      %convert_element_type3A_746 = arith.extui %ge3A_745 : vector<16xi1> to vector<16xi32>
      %add3A_747 = arith.addi %add3A_743, %convert_element_type3A_746 : vector<16xi32>
      %ge3A_748 = vector.broadcast %reduce_sum3A_162 : i32 to vector<16xi32>
      %ge3A_749 = arith.cmpi sge, %add3A_704, %ge3A_748 : vector<16xi32>
      %convert_element_type3A_750 = arith.extui %ge3A_749 : vector<16xi1> to vector<16xi32>
      %add3A_751 = arith.addi %add3A_747, %convert_element_type3A_750 : vector<16xi32>
      %ge3A_752 = vector.broadcast %reduce_sum3A_172 : i32 to vector<16xi32>
      %ge3A_753 = arith.cmpi sge, %add3A_704, %ge3A_752 : vector<16xi32>
      %convert_element_type3A_754 = arith.extui %ge3A_753 : vector<16xi1> to vector<16xi32>
      %add3A_755 = arith.addi %add3A_751, %convert_element_type3A_754 : vector<16xi32>
      %ge3A_756 = vector.broadcast %reduce_sum3A_182 : i32 to vector<16xi32>
      %ge3A_757 = arith.cmpi sge, %add3A_704, %ge3A_756 : vector<16xi32>
      %convert_element_type3A_758 = arith.extui %ge3A_757 : vector<16xi1> to vector<16xi32>
      %add3A_759 = arith.addi %add3A_755, %convert_element_type3A_758 : vector<16xi32>
      %ge3A_760 = vector.broadcast %reduce_sum3A_192 : i32 to vector<16xi32>
      %ge3A_761 = arith.cmpi sge, %add3A_704, %ge3A_760 : vector<16xi32>
      %convert_element_type3A_762 = arith.extui %ge3A_761 : vector<16xi1> to vector<16xi32>
      %add3A_763 = arith.addi %add3A_759, %convert_element_type3A_762 : vector<16xi32>
      %ge3A_764 = vector.broadcast %reduce_sum3A_202 : i32 to vector<16xi32>
      %ge3A_765 = arith.cmpi sge, %add3A_704, %ge3A_764 : vector<16xi32>
      %convert_element_type3A_766 = arith.extui %ge3A_765 : vector<16xi1> to vector<16xi32>
      %add3A_767 = arith.addi %add3A_763, %convert_element_type3A_766 : vector<16xi32>
      %mul3A_768 = arith.constant 64 : i32
      %mul3A_769 = vector.broadcast %mul3A_768 : i32 to vector<16xi32>
      %mul3A_770 = arith.muli %add3A_767, %mul3A_769 : vector<16xi32>
      %add3A_771 = arith.addi %mul3A_770, %get3A_699 : vector<16xi32>
      %lt3A = vector.broadcast %select_n3A_384 : i32 to vector<16xi32>
      %lt3A_772 = arith.cmpi slt, %add3A_704, %lt3A : vector<16xi32>
      %unique3A, %unique3A_773 = tpu.scan_count mask(%lt3A_772 : vector<16xi1>) value(%add3A_771 : vector<16xi32>) : vector<16xi1>, vector<16xi32>
      tpu.vector_store_idx %arg11[%add3A_771], %unique3A_773 masked %unique3A {add = true} : memref<1088xi32, #tpu.memory_space<vmem>>[vector<16xi32>], vector<16xi32>, vector<16xi1>
      %lt3A_774 = vector.broadcast %mul3A_2 : i32 to vector<16xi32>
      %lt3A_775 = arith.cmpi slt, %add3A_704, %lt3A_774 : vector<16xi32>
      %unique3A_776, %unique3A_777 = tpu.scan_count mask(%lt3A_775 : vector<16xi1>) value(%add3A_771 : vector<16xi32>) : vector<16xi1>, vector<16xi32>
      tpu.vector_store_idx %arg12[%add3A_771], %unique3A_777 masked %unique3A_776 {add = true} : memref<1088xi32, #tpu.memory_space<vmem>>[vector<16xi32>], vector<16xi32>, vector<16xi1>
    }
    %add3A_678 = arith.constant 1 : i32
    %add3A_679 = arith.addi %add3A_361, %add3A_678 : i32
    %while3A_680 = arith.constant 0 : i32
    %while3A_681 = arith.subi %add3A_679, %add3A_354 : i32
    %while3A_682 = arith.addi %add3A_354, %while3A_681 : i32
    %while3A_683 = arith.constant 1 : i32
    %while3A_684 = arith.divsi %while3A_681, %while3A_683 : i32
    %while3A_685 = arith.muli %while3A_684, %while3A_683 : i32
    %while3A_686 = arith.addi %add3A_354, %while3A_685 : i32
    %while3A_687 = arith.constant 1 : i32
    scf.for %while3A_694 = %add3A_354 to %while3A_686 step %while3A_687  : i32 {
      %mul3A_695 = arith.constant 64 : i32
      %mul3A_696 = arith.muli %while3A_694, %mul3A_695 : i32
      %add3A_697 = arith.constant 0 : i32
      %add3A_698 = arith.addi %mul3A_696, %add3A_697 : i32
      %get3A_699 = arith.index_cast %add3A_698 : i32 to index
      %get3A_700 = tpu.vector_load %arg11[%get3A_699] {strides = array<i32>} : memref<1088xi32, #tpu.memory_space<vmem>>, vector<16xi32>,
      %mul3A_701 = arith.constant 64 : i32
      %mul3A_702 = arith.muli %while3A_694, %mul3A_701 : i32
      %add3A_703 = arith.constant 16 : i32
      %add3A_704 = arith.addi %mul3A_702, %add3A_703 : i32
      %get3A_705 = arith.index_cast %add3A_704 : i32 to index
      %get3A_706 = tpu.vector_load %arg11[%get3A_705] {strides = array<i32>} : memref<1088xi32, #tpu.memory_space<vmem>>, vector<16xi32>,
      %mul3A_707 = arith.constant 64 : i32
      %mul3A_708 = arith.muli %while3A_694, %mul3A_707 : i32
      %add3A_709 = arith.constant 32 : i32
      %add3A_710 = arith.addi %mul3A_708, %add3A_709 : i32
      %get3A_711 = arith.index_cast %add3A_710 : i32 to index
      %get3A_712 = tpu.vector_load %arg11[%get3A_711] {strides = array<i32>} : memref<1088xi32, #tpu.memory_space<vmem>>, vector<16xi32>,
      %mul3A_713 = arith.constant 64 : i32
      %mul3A_714 = arith.muli %while3A_694, %mul3A_713 : i32
      %add3A_715 = arith.constant 48 : i32
      %add3A_716 = arith.addi %mul3A_714, %add3A_715 : i32
      %get3A_717 = arith.index_cast %add3A_716 : i32 to index
      %get3A_718 = tpu.vector_load %arg11[%get3A_717] {strides = array<i32>} : memref<1088xi32, #tpu.memory_space<vmem>>, vector<16xi32>,
      %reduce_sum3A_719 = arith.constant true
      %reduce_sum3A_720 = vector.broadcast %reduce_sum3A_719 : i1 to vector<16xi1>
      %reduce_sum3A_721 = tpu.scan <sum>, %get3A_700 masked %reduce_sum3A_720 : vector<16xi32>, vector<16xi1> -> vector<16xi32>
      %reduce_sum3A_722 = vector.extract %reduce_sum3A_721[15] : i32 from vector<16xi32>
      %reduce_sum3A_723 = arith.constant true
      %reduce_sum3A_724 = vector.broadcast %reduce_sum3A_723 : i1 to vector<16xi1>
      %reduce_sum3A_725 = tpu.scan <sum>, %get3A_706 masked %reduce_sum3A_724 : vector<16xi32>, vector<16xi1> -> vector<16xi32>
      %reduce_sum3A_726 = vector.extract %reduce_sum3A_725[15] : i32 from vector<16xi32>
      %reduce_sum3A_727 = arith.constant true
      %reduce_sum3A_728 = vector.broadcast %reduce_sum3A_727 : i1 to vector<16xi1>
      %reduce_sum3A_729 = tpu.scan <sum>, %get3A_712 masked %reduce_sum3A_728 : vector<16xi32>, vector<16xi1> -> vector<16xi32>
      %reduce_sum3A_730 = vector.extract %reduce_sum3A_729[15] : i32 from vector<16xi32>
      %reduce_sum3A_731 = arith.constant true
      %reduce_sum3A_732 = vector.broadcast %reduce_sum3A_731 : i1 to vector<16xi1>
      %reduce_sum3A_733 = tpu.scan <sum>, %get3A_718 masked %reduce_sum3A_732 : vector<16xi32>, vector<16xi1> -> vector<16xi32>
      %reduce_sum3A_734 = vector.extract %reduce_sum3A_733[15] : i32 from vector<16xi32>
      %add3A_735 = arith.addi %reduce_sum3A_726, %reduce_sum3A_730 : i32
      %add3A_736 = arith.addi %add3A_735, %reduce_sum3A_734 : i32
      %add3A_737 = arith.addi %reduce_sum3A_730, %reduce_sum3A_734 : i32
      %mul3A_738 = arith.constant 64 : i32
      %mul3A_739 = arith.muli %while3A_694, %mul3A_738 : i32
      %add3A_740 = arith.constant 0 : i32
      %add3A_741 = arith.addi %mul3A_739, %add3A_740 : i32
      %broadcast_in_dim3A_742 = arith.constant true
      %broadcast_in_dim3A_743 = vector.broadcast %broadcast_in_dim3A_742 : i1 to vector<16xi1>
      %masked_cumsum3A_744 = tpu.scan <sum>, %get3A_700 masked %broadcast_in_dim3A_743 : vector<16xi32>, vector<16xi1> -> vector<16xi32>
      %sub3A_745 = vector.broadcast %reduce_sum3A_722 : i32 to vector<16xi32>
      %sub3A_746 = arith.subi %sub3A_745, %masked_cumsum3A_744 : vector<16xi32>
      %add3A_747 = vector.broadcast %add3A_736 : i32 to vector<16xi32>
      %add3A_748 = arith.addi %add3A_747, %sub3A_746 : vector<16xi32>
      %get3A_749 = arith.index_cast %add3A_741 : i32 to index
      %get3A_750 = tpu.vector_load %arg12[%get3A_749] {strides = array<i32>} : memref<1088xi32, #tpu.memory_space<vmem>>, vector<16xi32>,
      %add3A_751 = arith.addi %add3A_748, %get3A_750 : vector<16xi32>
      %swap3A_752 = arith.index_cast %add3A_741 : i32 to index
      %swap3A_753 = tpu.vector_load %arg11[%swap3A_752] {strides = array<i32>} : memref<1088xi32, #tpu.memory_space<vmem>>, vector<16xi32>,
      tpu.vector_store %arg11[%swap3A_752], %add3A_751 {strides = array<i32>} : memref<1088xi32, #tpu.memory_space<vmem>>, vector<16xi32>,
      %mul3A_754 = arith.constant 64 : i32
      %mul3A_755 = arith.muli %while3A_694, %mul3A_754 : i32
      %add3A_756 = arith.constant 16 : i32
      %add3A_757 = arith.addi %mul3A_755, %add3A_756 : i32
      %broadcast_in_dim3A_758 = arith.constant true
      %broadcast_in_dim3A_759 = vector.broadcast %broadcast_in_dim3A_758 : i1 to vector<16xi1>
      %masked_cumsum3A_760 = tpu.scan <sum>, %get3A_706 masked %broadcast_in_dim3A_759 : vector<16xi32>, vector<16xi1> -> vector<16xi32>
      %sub3A_761 = vector.broadcast %reduce_sum3A_726 : i32 to vector<16xi32>
      %sub3A_762 = arith.subi %sub3A_761, %masked_cumsum3A_760 : vector<16xi32>
      %add3A_763 = vector.broadcast %add3A_737 : i32 to vector<16xi32>
      %add3A_764 = arith.addi %add3A_763, %sub3A_762 : vector<16xi32>
      %get3A_765 = arith.index_cast %add3A_757 : i32 to index
      %get3A_766 = tpu.vector_load %arg12[%get3A_765] {strides = array<i32>} : memref<1088xi32, #tpu.memory_space<vmem>>, vector<16xi32>,
      %add3A_767 = arith.addi %add3A_764, %get3A_766 : vector<16xi32>
      %swap3A_768 = arith.index_cast %add3A_757 : i32 to index
      %swap3A_769 = tpu.vector_load %arg11[%swap3A_768] {strides = array<i32>} : memref<1088xi32, #tpu.memory_space<vmem>>, vector<16xi32>,
      tpu.vector_store %arg11[%swap3A_768], %add3A_767 {strides = array<i32>} : memref<1088xi32, #tpu.memory_space<vmem>>, vector<16xi32>,
      %mul3A_770 = arith.constant 64 : i32
      %mul3A_771 = arith.muli %while3A_694, %mul3A_770 : i32
      %add3A_772 = arith.constant 32 : i32
      %add3A_773 = arith.addi %mul3A_771, %add3A_772 : i32
      %broadcast_in_dim3A_774 = arith.constant true
      %broadcast_in_dim3A_775 = vector.broadcast %broadcast_in_dim3A_774 : i1 to vector<16xi1>
      %masked_cumsum3A_776 = tpu.scan <sum>, %get3A_712 masked %broadcast_in_dim3A_775 : vector<16xi32>, vector<16xi1> -> vector<16xi32>
      %sub3A_777 = vector.broadcast %reduce_sum3A_730 : i32 to vector<16xi32>
      %sub3A_778 = arith.subi %sub3A_777, %masked_cumsum3A_776 : vector<16xi32>
      %add3A_779 = vector.broadcast %reduce_sum3A_734 : i32 to vector<16xi32>
      %add3A_780 = arith.addi %add3A_779, %sub3A_778 : vector<16xi32>
      %get3A_781 = arith.index_cast %add3A_773 : i32 to index
      %get3A_782 = tpu.vector_load %arg12[%get3A_781] {strides = array<i32>} : memref<1088xi32, #tpu.memory_space<vmem>>, vector<16xi32>,
      %add3A_783 = arith.addi %add3A_780, %get3A_782 : vector<16xi32>
      %swap3A_784 = arith.index_cast %add3A_773 : i32 to index
      %swap3A_785 = tpu.vector_load %arg11[%swap3A_784] {strides = array<i32>} : memref<1088xi32, #tpu.memory_space<vmem>>, vector<16xi32>,
      tpu.vector_store %arg11[%swap3A_784], %add3A_783 {strides = array<i32>} : memref<1088xi32, #tpu.memory_space<vmem>>, vector<16xi32>,
      %mul3A_786 = arith.constant 64 : i32
      %mul3A_787 = arith.muli %while3A_694, %mul3A_786 : i32
      %add3A_788 = arith.constant 48 : i32
      %add3A_789 = arith.addi %mul3A_787, %add3A_788 : i32
      %broadcast_in_dim3A_790 = arith.constant true
      %broadcast_in_dim3A_791 = vector.broadcast %broadcast_in_dim3A_790 : i1 to vector<16xi1>
      %masked_cumsum3A_792 = tpu.scan <sum>, %get3A_718 masked %broadcast_in_dim3A_791 : vector<16xi32>, vector<16xi1> -> vector<16xi32>
      %sub3A_793 = vector.broadcast %reduce_sum3A_734 : i32 to vector<16xi32>
      %sub3A_794 = arith.subi %sub3A_793, %masked_cumsum3A_792 : vector<16xi32>
      %add3A_795 = arith.constant 0 : i32
      %add3A_796 = vector.broadcast %add3A_795 : i32 to vector<16xi32>
      %add3A_797 = arith.addi %add3A_796, %sub3A_794 : vector<16xi32>
      %get3A_798 = arith.index_cast %add3A_789 : i32 to index
      %get3A_799 = tpu.vector_load %arg12[%get3A_798] {strides = array<i32>} : memref<1088xi32, #tpu.memory_space<vmem>>, vector<16xi32>,
      %add3A_800 = arith.addi %add3A_797, %get3A_799 : vector<16xi32>
      %swap3A_801 = arith.index_cast %add3A_789 : i32 to index
      %swap3A_802 = tpu.vector_load %arg11[%swap3A_801] {strides = array<i32>} : memref<1088xi32, #tpu.memory_space<vmem>>, vector<16xi32>,
      tpu.vector_store %arg11[%swap3A_801], %add3A_800 {strides = array<i32>} : memref<1088xi32, #tpu.memory_space<vmem>>, vector<16xi32>,
    }
    %while3A_688 = arith.constant 1 : i32
    scf.for %while3A_694 = %while3A_686 to %while3A_682 step %while3A_688  : i32 {
      %mul3A_695 = arith.constant 64 : i32
      %mul3A_696 = arith.muli %while3A_694, %mul3A_695 : i32
      %add3A_697 = arith.constant 0 : i32
      %add3A_698 = arith.addi %mul3A_696, %add3A_697 : i32
      %get3A_699 = arith.index_cast %add3A_698 : i32 to index
      %get3A_700 = tpu.vector_load %arg11[%get3A_699] {strides = array<i32>} : memref<1088xi32, #tpu.memory_space<vmem>>, vector<16xi32>,
      %mul3A_701 = arith.constant 64 : i32
      %mul3A_702 = arith.muli %while3A_694, %mul3A_701 : i32
      %add3A_703 = arith.constant 16 : i32
      %add3A_704 = arith.addi %mul3A_702, %add3A_703 : i32
      %get3A_705 = arith.index_cast %add3A_704 : i32 to index
      %get3A_706 = tpu.vector_load %arg11[%get3A_705] {strides = array<i32>} : memref<1088xi32, #tpu.memory_space<vmem>>, vector<16xi32>,
      %mul3A_707 = arith.constant 64 : i32
      %mul3A_708 = arith.muli %while3A_694, %mul3A_707 : i32
      %add3A_709 = arith.constant 32 : i32
      %add3A_710 = arith.addi %mul3A_708, %add3A_709 : i32
      %get3A_711 = arith.index_cast %add3A_710 : i32 to index
      %get3A_712 = tpu.vector_load %arg11[%get3A_711] {strides = array<i32>} : memref<1088xi32, #tpu.memory_space<vmem>>, vector<16xi32>,
      %mul3A_713 = arith.constant 64 : i32
      %mul3A_714 = arith.muli %while3A_694, %mul3A_713 : i32
      %add3A_715 = arith.constant 48 : i32
      %add3A_716 = arith.addi %mul3A_714, %add3A_715 : i32
      %get3A_717 = arith.index_cast %add3A_716 : i32 to index
      %get3A_718 = tpu.vector_load %arg11[%get3A_717] {strides = array<i32>} : memref<1088xi32, #tpu.memory_space<vmem>>, vector<16xi32>,
      %reduce_sum3A_719 = arith.constant true
      %reduce_sum3A_720 = vector.broadcast %reduce_sum3A_719 : i1 to vector<16xi1>
      %reduce_sum3A_721 = tpu.scan <sum>, %get3A_700 masked %reduce_sum3A_720 : vector<16xi32>, vector<16xi1> -> vector<16xi32>
      %reduce_sum3A_722 = vector.extract %reduce_sum3A_721[15] : i32 from vector<16xi32>
      %reduce_sum3A_723 = arith.constant true
      %reduce_sum3A_724 = vector.broadcast %reduce_sum3A_723 : i1 to vector<16xi1>
      %reduce_sum3A_725 = tpu.scan <sum>, %get3A_706 masked %reduce_sum3A_724 : vector<16xi32>, vector<16xi1> -> vector<16xi32>
      %reduce_sum3A_726 = vector.extract %reduce_sum3A_725[15] : i32 from vector<16xi32>
      %reduce_sum3A_727 = arith.constant true
      %reduce_sum3A_728 = vector.broadcast %reduce_sum3A_727 : i1 to vector<16xi1>
      %reduce_sum3A_729 = tpu.scan <sum>, %get3A_712 masked %reduce_sum3A_728 : vector<16xi32>, vector<16xi1> -> vector<16xi32>
      %reduce_sum3A_730 = vector.extract %reduce_sum3A_729[15] : i32 from vector<16xi32>
      %reduce_sum3A_731 = arith.constant true
      %reduce_sum3A_732 = vector.broadcast %reduce_sum3A_731 : i1 to vector<16xi1>
      %reduce_sum3A_733 = tpu.scan <sum>, %get3A_718 masked %reduce_sum3A_732 : vector<16xi32>, vector<16xi1> -> vector<16xi32>
      %reduce_sum3A_734 = vector.extract %reduce_sum3A_733[15] : i32 from vector<16xi32>
      %add3A_735 = arith.addi %reduce_sum3A_726, %reduce_sum3A_730 : i32
      %add3A_736 = arith.addi %add3A_735, %reduce_sum3A_734 : i32
      %add3A_737 = arith.addi %reduce_sum3A_730, %reduce_sum3A_734 : i32
      %mul3A_738 = arith.constant 64 : i32
      %mul3A_739 = arith.muli %while3A_694, %mul3A_738 : i32
      %add3A_740 = arith.constant 0 : i32
      %add3A_741 = arith.addi %mul3A_739, %add3A_740 : i32
      %broadcast_in_dim3A_742 = arith.constant true
      %broadcast_in_dim3A_743 = vector.broadcast %broadcast_in_dim3A_742 : i1 to vector<16xi1>
      %masked_cumsum3A_744 = tpu.scan <sum>, %get3A_700 masked %broadcast_in_dim3A_743 : vector<16xi32>, vector<16xi1> -> vector<16xi32>
      %sub3A_745 = vector.broadcast %reduce_sum3A_722 : i32 to vector<16xi32>
      %sub3A_746 = arith.subi %sub3A_745, %masked_cumsum3A_744 : vector<16xi32>
      %add3A_747 = vector.broadcast %add3A_736 : i32 to vector<16xi32>
      %add3A_748 = arith.addi %add3A_747, %sub3A_746 : vector<16xi32>
      %get3A_749 = arith.index_cast %add3A_741 : i32 to index
      %get3A_750 = tpu.vector_load %arg12[%get3A_749] {strides = array<i32>} : memref<1088xi32, #tpu.memory_space<vmem>>, vector<16xi32>,
      %add3A_751 = arith.addi %add3A_748, %get3A_750 : vector<16xi32>
      %swap3A_752 = arith.index_cast %add3A_741 : i32 to index
      %swap3A_753 = tpu.vector_load %arg11[%swap3A_752] {strides = array<i32>} : memref<1088xi32, #tpu.memory_space<vmem>>, vector<16xi32>,
      tpu.vector_store %arg11[%swap3A_752], %add3A_751 {strides = array<i32>} : memref<1088xi32, #tpu.memory_space<vmem>>, vector<16xi32>,
      %mul3A_754 = arith.constant 64 : i32
      %mul3A_755 = arith.muli %while3A_694, %mul3A_754 : i32
      %add3A_756 = arith.constant 16 : i32
      %add3A_757 = arith.addi %mul3A_755, %add3A_756 : i32
      %broadcast_in_dim3A_758 = arith.constant true
      %broadcast_in_dim3A_759 = vector.broadcast %broadcast_in_dim3A_758 : i1 to vector<16xi1>
      %masked_cumsum3A_760 = tpu.scan <sum>, %get3A_706 masked %broadcast_in_dim3A_759 : vector<16xi32>, vector<16xi1> -> vector<16xi32>
      %sub3A_761 = vector.broadcast %reduce_sum3A_726 : i32 to vector<16xi32>
      %sub3A_762 = arith.subi %sub3A_761, %masked_cumsum3A_760 : vector<16xi32>
      %add3A_763 = vector.broadcast %add3A_737 : i32 to vector<16xi32>
      %add3A_764 = arith.addi %add3A_763, %sub3A_762 : vector<16xi32>
      %get3A_765 = arith.index_cast %add3A_757 : i32 to index
      %get3A_766 = tpu.vector_load %arg12[%get3A_765] {strides = array<i32>} : memref<1088xi32, #tpu.memory_space<vmem>>, vector<16xi32>,
      %add3A_767 = arith.addi %add3A_764, %get3A_766 : vector<16xi32>
      %swap3A_768 = arith.index_cast %add3A_757 : i32 to index
      %swap3A_769 = tpu.vector_load %arg11[%swap3A_768] {strides = array<i32>} : memref<1088xi32, #tpu.memory_space<vmem>>, vector<16xi32>,
      tpu.vector_store %arg11[%swap3A_768], %add3A_767 {strides = array<i32>} : memref<1088xi32, #tpu.memory_space<vmem>>, vector<16xi32>,
      %mul3A_770 = arith.constant 64 : i32
      %mul3A_771 = arith.muli %while3A_694, %mul3A_770 : i32
      %add3A_772 = arith.constant 32 : i32
      %add3A_773 = arith.addi %mul3A_771, %add3A_772 : i32
      %broadcast_in_dim3A_774 = arith.constant true
      %broadcast_in_dim3A_775 = vector.broadcast %broadcast_in_dim3A_774 : i1 to vector<16xi1>
      %masked_cumsum3A_776 = tpu.scan <sum>, %get3A_712 masked %broadcast_in_dim3A_775 : vector<16xi32>, vector<16xi1> -> vector<16xi32>
      %sub3A_777 = vector.broadcast %reduce_sum3A_730 : i32 to vector<16xi32>
      %sub3A_778 = arith.subi %sub3A_777, %masked_cumsum3A_776 : vector<16xi32>
      %add3A_779 = vector.broadcast %reduce_sum3A_734 : i32 to vector<16xi32>
      %add3A_780 = arith.addi %add3A_779, %sub3A_778 : vector<16xi32>
      %get3A_781 = arith.index_cast %add3A_773 : i32 to index
      %get3A_782 = tpu.vector_load %arg12[%get3A_781] {strides = array<i32>} : memref<1088xi32, #tpu.memory_space<vmem>>, vector<16xi32>,
      %add3A_783 = arith.addi %add3A_780, %get3A_782 : vector<16xi32>
      %swap3A_784 = arith.index_cast %add3A_773 : i32 to index
      %swap3A_785 = tpu.vector_load %arg11[%swap3A_784] {strides = array<i32>} : memref<1088xi32, #tpu.memory_space<vmem>>, vector<16xi32>,
      tpu.vector_store %arg11[%swap3A_784], %add3A_783 {strides = array<i32>} : memref<1088xi32, #tpu.memory_space<vmem>>, vector<16xi32>,
      %mul3A_786 = arith.constant 64 : i32
      %mul3A_787 = arith.muli %while3A_694, %mul3A_786 : i32
      %add3A_788 = arith.constant 48 : i32
      %add3A_789 = arith.addi %mul3A_787, %add3A_788 : i32
      %broadcast_in_dim3A_790 = arith.constant true
      %broadcast_in_dim3A_791 = vector.broadcast %broadcast_in_dim3A_790 : i1 to vector<16xi1>
      %masked_cumsum3A_792 = tpu.scan <sum>, %get3A_718 masked %broadcast_in_dim3A_791 : vector<16xi32>, vector<16xi1> -> vector<16xi32>
      %sub3A_793 = vector.broadcast %reduce_sum3A_734 : i32 to vector<16xi32>
      %sub3A_794 = arith.subi %sub3A_793, %masked_cumsum3A_792 : vector<16xi32>
      %add3A_795 = arith.constant 0 : i32
      %add3A_796 = vector.broadcast %add3A_795 : i32 to vector<16xi32>
      %add3A_797 = arith.addi %add3A_796, %sub3A_794 : vector<16xi32>
      %get3A_798 = arith.index_cast %add3A_789 : i32 to index
      %get3A_799 = tpu.vector_load %arg12[%get3A_798] {strides = array<i32>} : memref<1088xi32, #tpu.memory_space<vmem>>, vector<16xi32>,
      %add3A_800 = arith.addi %add3A_797, %get3A_799 : vector<16xi32>
      %swap3A_801 = arith.index_cast %add3A_789 : i32 to index
      %swap3A_802 = tpu.vector_load %arg11[%swap3A_801] {strides = array<i32>} : memref<1088xi32, #tpu.memory_space<vmem>>, vector<16xi32>,
      tpu.vector_store %arg11[%swap3A_801], %add3A_800 {strides = array<i32>} : memref<1088xi32, #tpu.memory_space<vmem>>, vector<16xi32>,
    }
    %scan3A = arith.constant 0 : i32
    %scan3A_689 = arith.constant 0 : i32
    %scan3A_690 = arith.constant 8 : i32
    %scan3A_691 = arith.addi %scan3A_689, %scan3A_690 : i32
    %scan3A_692 = arith.constant 1 : i32
    scf.for %scan3A_694 = %scan3A_689 to %scan3A_691 step %scan3A_692  : i32 {
      %mul3A_695 = arith.constant 128 : i32
      %mul3A_696 = arith.muli %scan3A_694, %mul3A_695 : i32
      %add3A_697 = arith.addi %mul3A_2, %mul3A_696 : i32
      %multiple_of3A_698 = tpu.assume_multiple %add3A_697, 128 : i32
      %sub3A_699 = arith.subi %multiple_of3A_698, %multiple_of3A : i32
      %add3A_700 = arith.constant 0 : i32
      %add3A_701 = arith.addi %sub3A_699, %add3A_700 : i32
      %min3A_702 = arith.constant 5232 : i32
      %min3A_703 = arith.minsi %add3A_701, %min3A_702 : i32
      %get3A_704 = arith.index_cast %min3A_703 : i32 to index
      %get3A_705 = tpu.vector_load %arg6[%get3A_704] {strides = array<i32>} : memref<5248xi32, #tpu.memory_space<vmem>>, vector<16xi32>,
      %add3A_706 = arith.constant 0 : i32
      %add3A_707 = arith.addi %multiple_of3A_698, %add3A_706 : i32
      %add3A_708 = vector.broadcast %add3A_707 : i32 to vector<16xi32>
      %add3A_709 = arith.addi %add3A_708, %iota3A : vector<16xi32>
      %ge3A_710 = vector.broadcast %reduce_sum3A_52 : i32 to vector<16xi32>
      %ge3A_711 = arith.cmpi sge, %add3A_709, %ge3A_710 : vector<16xi32>
      %convert_element_type3A_712 = arith.extui %ge3A_711 : vector<16xi1> to vector<16xi32>
      %ge3A_713 = vector.broadcast %reduce_sum3A_62 : i32 to vector<16xi32>
      %ge3A_714 = arith.cmpi sge, %add3A_709, %ge3A_713 : vector<16xi32>
      %convert_element_type3A_715 = arith.extui %ge3A_714 : vector<16xi1> to vector<16xi32>
      %add3A_716 = arith.addi %convert_element_type3A_712, %convert_element_type3A_715 : vector<16xi32>
      %ge3A_717 = vector.broadcast %reduce_sum3A_72 : i32 to vector<16xi32>
      %ge3A_718 = arith.cmpi sge, %add3A_709, %ge3A_717 : vector<16xi32>
      %convert_element_type3A_719 = arith.extui %ge3A_718 : vector<16xi1> to vector<16xi32>
      %add3A_720 = arith.addi %add3A_716, %convert_element_type3A_719 : vector<16xi32>
      %ge3A_721 = vector.broadcast %reduce_sum3A_82 : i32 to vector<16xi32>
      %ge3A_722 = arith.cmpi sge, %add3A_709, %ge3A_721 : vector<16xi32>
      %convert_element_type3A_723 = arith.extui %ge3A_722 : vector<16xi1> to vector<16xi32>
      %add3A_724 = arith.addi %add3A_720, %convert_element_type3A_723 : vector<16xi32>
      %ge3A_725 = vector.broadcast %reduce_sum3A_92 : i32 to vector<16xi32>
      %ge3A_726 = arith.cmpi sge, %add3A_709, %ge3A_725 : vector<16xi32>
      %convert_element_type3A_727 = arith.extui %ge3A_726 : vector<16xi1> to vector<16xi32>
      %add3A_728 = arith.addi %add3A_724, %convert_element_type3A_727 : vector<16xi32>
      %ge3A_729 = vector.broadcast %reduce_sum3A_102 : i32 to vector<16xi32>
      %ge3A_730 = arith.cmpi sge, %add3A_709, %ge3A_729 : vector<16xi32>
      %convert_element_type3A_731 = arith.extui %ge3A_730 : vector<16xi1> to vector<16xi32>
      %add3A_732 = arith.addi %add3A_728, %convert_element_type3A_731 : vector<16xi32>
      %ge3A_733 = vector.broadcast %reduce_sum3A_112 : i32 to vector<16xi32>
      %ge3A_734 = arith.cmpi sge, %add3A_709, %ge3A_733 : vector<16xi32>
      %convert_element_type3A_735 = arith.extui %ge3A_734 : vector<16xi1> to vector<16xi32>
      %add3A_736 = arith.addi %add3A_732, %convert_element_type3A_735 : vector<16xi32>
      %ge3A_737 = vector.broadcast %reduce_sum3A_122 : i32 to vector<16xi32>
      %ge3A_738 = arith.cmpi sge, %add3A_709, %ge3A_737 : vector<16xi32>
      %convert_element_type3A_739 = arith.extui %ge3A_738 : vector<16xi1> to vector<16xi32>
      %add3A_740 = arith.addi %add3A_736, %convert_element_type3A_739 : vector<16xi32>
      %ge3A_741 = vector.broadcast %reduce_sum3A_132 : i32 to vector<16xi32>
      %ge3A_742 = arith.cmpi sge, %add3A_709, %ge3A_741 : vector<16xi32>
      %convert_element_type3A_743 = arith.extui %ge3A_742 : vector<16xi1> to vector<16xi32>
      %add3A_744 = arith.addi %add3A_740, %convert_element_type3A_743 : vector<16xi32>
      %ge3A_745 = vector.broadcast %reduce_sum3A_142 : i32 to vector<16xi32>
      %ge3A_746 = arith.cmpi sge, %add3A_709, %ge3A_745 : vector<16xi32>
      %convert_element_type3A_747 = arith.extui %ge3A_746 : vector<16xi1> to vector<16xi32>
      %add3A_748 = arith.addi %add3A_744, %convert_element_type3A_747 : vector<16xi32>
      %ge3A_749 = vector.broadcast %reduce_sum3A_152 : i32 to vector<16xi32>
      %ge3A_750 = arith.cmpi sge, %add3A_709, %ge3A_749 : vector<16xi32>
      %convert_element_type3A_751 = arith.extui %ge3A_750 : vector<16xi1> to vector<16xi32>
      %add3A_752 = arith.addi %add3A_748, %convert_element_type3A_751 : vector<16xi32>
      %ge3A_753 = vector.broadcast %reduce_sum3A_162 : i32 to vector<16xi32>
      %ge3A_754 = arith.cmpi sge, %add3A_709, %ge3A_753 : vector<16xi32>
      %convert_element_type3A_755 = arith.extui %ge3A_754 : vector<16xi1> to vector<16xi32>
      %add3A_756 = arith.addi %add3A_752, %convert_element_type3A_755 : vector<16xi32>
      %ge3A_757 = vector.broadcast %reduce_sum3A_172 : i32 to vector<16xi32>
      %ge3A_758 = arith.cmpi sge, %add3A_709, %ge3A_757 : vector<16xi32>
      %convert_element_type3A_759 = arith.extui %ge3A_758 : vector<16xi1> to vector<16xi32>
      %add3A_760 = arith.addi %add3A_756, %convert_element_type3A_759 : vector<16xi32>
      %ge3A_761 = vector.broadcast %reduce_sum3A_182 : i32 to vector<16xi32>
      %ge3A_762 = arith.cmpi sge, %add3A_709, %ge3A_761 : vector<16xi32>
      %convert_element_type3A_763 = arith.extui %ge3A_762 : vector<16xi1> to vector<16xi32>
      %add3A_764 = arith.addi %add3A_760, %convert_element_type3A_763 : vector<16xi32>
      %ge3A_765 = vector.broadcast %reduce_sum3A_192 : i32 to vector<16xi32>
      %ge3A_766 = arith.cmpi sge, %add3A_709, %ge3A_765 : vector<16xi32>
      %convert_element_type3A_767 = arith.extui %ge3A_766 : vector<16xi1> to vector<16xi32>
      %add3A_768 = arith.addi %add3A_764, %convert_element_type3A_767 : vector<16xi32>
      %ge3A_769 = vector.broadcast %reduce_sum3A_202 : i32 to vector<16xi32>
      %ge3A_770 = arith.cmpi sge, %add3A_709, %ge3A_769 : vector<16xi32>
      %convert_element_type3A_771 = arith.extui %ge3A_770 : vector<16xi1> to vector<16xi32>
      %add3A_772 = arith.addi %add3A_768, %convert_element_type3A_771 : vector<16xi32>
      %lt3A = vector.broadcast %reduce_sum3A_12 : i32 to vector<16xi32>
      %lt3A_773 = arith.cmpi slt, %add3A_709, %lt3A : vector<16xi32>
      %mul3A_774 = arith.constant 64 : i32
      %mul3A_775 = vector.broadcast %mul3A_774 : i32 to vector<16xi32>
      %mul3A_776 = arith.muli %add3A_772, %mul3A_775 : vector<16xi32>
      %add3A_777 = arith.addi %mul3A_776, %get3A_705 : vector<16xi32>
      %unique3A, %unique3A_778 = tpu.scan_count mask(%lt3A_773 : vector<16xi1>) value(%add3A_777 : vector<16xi32>) : vector<16xi1>, vector<16xi32>
      %gather3A = tpu.vector_load_idx %arg11[%add3A_777] : memref<1088xi32, #tpu.memory_space<vmem>>[vector<16xi32>], vector<16xi32>,
      %add3A_779 = arith.addi %gather3A, %unique3A_778 : vector<16xi32>
      %sub3A_780 = arith.constant 1 : i32
      %sub3A_781 = vector.broadcast %sub3A_780 : i32 to vector<16xi32>
      %sub3A_782 = arith.subi %add3A_779, %sub3A_781 : vector<16xi32>
      tpu.vector_store_idx %arg11[%add3A_777], %unique3A_778 masked %unique3A {add = true} : memref<1088xi32, #tpu.memory_space<vmem>>[vector<16xi32>], vector<16xi32>, vector<16xi1>
      %gather3A_783 = tpu.vector_load_idx %arg15[%add3A_772] : memref<32xi32, #tpu.memory_space<vmem>>[vector<16xi32>], vector<16xi32>,
      %gather3A_784 = tpu.vector_load_idx %arg16[%add3A_772] : memref<32xi32, #tpu.memory_space<vmem>>[vector<16xi32>], vector<16xi32>,
      %gather3A_785 = tpu.vector_load_idx %arg17[%add3A_772] : memref<32xi32, #tpu.memory_space<vmem>>[vector<16xi32>], vector<16xi32>,
      %ge3A_786 = arith.cmpi sge, %sub3A_782, %gather3A_783 : vector<16xi32>
      %convert_element_type3A_787 = arith.extui %ge3A_786 : vector<16xi1> to vector<16xi32>
      %ge3A_788 = arith.cmpi sge, %sub3A_782, %gather3A_784 : vector<16xi32>
      %convert_element_type3A_789 = arith.extui %ge3A_788 : vector<16xi1> to vector<16xi32>
      %mul3A_790 = arith.constant 2 : i32
      %mul3A_791 = vector.broadcast %mul3A_790 : i32 to vector<16xi32>
      %mul3A_792 = arith.muli %mul3A_791, %gather3A_784 : vector<16xi32>
      %ge3A_793 = arith.cmpi sge, %sub3A_782, %mul3A_792 : vector<16xi32>
      %convert_element_type3A_794 = arith.extui %ge3A_793 : vector<16xi1> to vector<16xi32>
      %add3A_795 = arith.addi %convert_element_type3A_789, %convert_element_type3A_794 : vector<16xi32>
      %mul3A_796 = arith.constant 3 : i32
      %mul3A_797 = vector.broadcast %mul3A_796 : i32 to vector<16xi32>
      %mul3A_798 = arith.muli %mul3A_797, %gather3A_784 : vector<16xi32>
      %ge3A_799 = arith.cmpi sge, %sub3A_782, %mul3A_798 : vector<16xi32>
      %convert_element_type3A_800 = arith.extui %ge3A_799 : vector<16xi1> to vector<16xi32>
      %add3A_801 = arith.addi %add3A_795, %convert_element_type3A_800 : vector<16xi32>
      %ge3A_802 = arith.cmpi sge, %sub3A_782, %gather3A_785 : vector<16xi32>
      %convert_element_type3A_803 = arith.extui %ge3A_802 : vector<16xi1> to vector<16xi32>
      %mul3A_804 = arith.constant 2 : i32
      %mul3A_805 = vector.broadcast %mul3A_804 : i32 to vector<16xi32>
      %mul3A_806 = arith.muli %mul3A_805, %gather3A_785 : vector<16xi32>
      %ge3A_807 = arith.cmpi sge, %sub3A_782, %mul3A_806 : vector<16xi32>
      %convert_element_type3A_808 = arith.extui %ge3A_807 : vector<16xi1> to vector<16xi32>
      %add3A_809 = arith.addi %convert_element_type3A_803, %convert_element_type3A_808 : vector<16xi32>
      %mul3A_810 = arith.constant 3 : i32
      %mul3A_811 = vector.broadcast %mul3A_810 : i32 to vector<16xi32>
      %mul3A_812 = arith.muli %mul3A_811, %gather3A_785 : vector<16xi32>
      %ge3A_813 = arith.cmpi sge, %sub3A_782, %mul3A_812 : vector<16xi32>
      %convert_element_type3A_814 = arith.extui %ge3A_813 : vector<16xi1> to vector<16xi32>
      %add3A_815 = arith.addi %add3A_809, %convert_element_type3A_814 : vector<16xi32>
      %mul3A_816 = arith.constant 4 : i32
      %mul3A_817 = vector.broadcast %mul3A_816 : i32 to vector<16xi32>
      %mul3A_818 = arith.muli %mul3A_817, %gather3A_785 : vector<16xi32>
      %ge3A_819 = arith.cmpi sge, %sub3A_782, %mul3A_818 : vector<16xi32>
      %convert_element_type3A_820 = arith.extui %ge3A_819 : vector<16xi1> to vector<16xi32>
      %add3A_821 = arith.addi %add3A_815, %convert_element_type3A_820 : vector<16xi32>
      %mul3A_822 = arith.constant 5 : i32
      %mul3A_823 = vector.broadcast %mul3A_822 : i32 to vector<16xi32>
      %mul3A_824 = arith.muli %mul3A_823, %gather3A_785 : vector<16xi32>
      %ge3A_825 = arith.cmpi sge, %sub3A_782, %mul3A_824 : vector<16xi32>
      %convert_element_type3A_826 = arith.extui %ge3A_825 : vector<16xi1> to vector<16xi32>
      %add3A_827 = arith.addi %add3A_821, %convert_element_type3A_826 : vector<16xi32>
      %mul3A_828 = arith.constant 6 : i32
      %mul3A_829 = vector.broadcast %mul3A_828 : i32 to vector<16xi32>
      %mul3A_830 = arith.muli %mul3A_829, %gather3A_785 : vector<16xi32>
      %ge3A_831 = arith.cmpi sge, %sub3A_782, %mul3A_830 : vector<16xi32>
      %convert_element_type3A_832 = arith.extui %ge3A_831 : vector<16xi1> to vector<16xi32>
      %add3A_833 = arith.addi %add3A_827, %convert_element_type3A_832 : vector<16xi32>
      %mul3A_834 = arith.constant 7 : i32
      %mul3A_835 = vector.broadcast %mul3A_834 : i32 to vector<16xi32>
      %mul3A_836 = arith.muli %mul3A_835, %gather3A_785 : vector<16xi32>
      %ge3A_837 = arith.cmpi sge, %sub3A_782, %mul3A_836 : vector<16xi32>
      %convert_element_type3A_838 = arith.extui %ge3A_837 : vector<16xi1> to vector<16xi32>
      %add3A_839 = arith.addi %add3A_833, %convert_element_type3A_838 : vector<16xi32>
      %mul3A_840 = arith.constant 15 : i32
      %mul3A_841 = vector.broadcast %mul3A_840 : i32 to vector<16xi32>
      %mul3A_842 = arith.muli %add3A_772, %mul3A_841 : vector<16xi32>
      %jit3A_843 = arith.constant 255 : i32
      %broadcast_in_dim3A_844 = vector.broadcast %jit3A_843 : i32 to vector<16xi32>
      %select_n3A_845 = arith.select %lt3A_773, %mul3A_842, %broadcast_in_dim3A_844 : vector<16xi1>, vector<16xi32>
      %swap3A_846 = arith.constant 0 : index
      %swap3A_847 = tpu.vector_load %arg7[%swap3A_846] {strides = array<i32>} : memref<128xi32, #tpu.memory_space<vmem>>, vector<16xi32>,
      tpu.vector_store %arg7[%swap3A_846], %select_n3A_845 {strides = array<i32>} : memref<128xi32, #tpu.memory_space<vmem>>, vector<16xi32>,
      %add3A_848 = arith.constant 1 : i32
      %add3A_849 = vector.broadcast %add3A_848 : i32 to vector<16xi32>
      %add3A_850 = arith.addi %mul3A_842, %add3A_849 : vector<16xi32>
      %add3A_851 = arith.addi %add3A_850, %convert_element_type3A_787 : vector<16xi32>
      %jit3A_852 = arith.constant 255 : i32
      %broadcast_in_dim3A_853 = vector.broadcast %jit3A_852 : i32 to vector<16xi32>
      %select_n3A_854 = arith.select %lt3A_773, %add3A_851, %broadcast_in_dim3A_853 : vector<16xi1>, vector<16xi32>
      %swap3A_855 = arith.constant 0 : index
      %swap3A_856 = tpu.vector_load %arg8[%swap3A_855] {strides = array<i32>} : memref<128xi32, #tpu.memory_space<vmem>>, vector<16xi32>,
      tpu.vector_store %arg8[%swap3A_855], %select_n3A_854 {strides = array<i32>} : memref<128xi32, #tpu.memory_space<vmem>>, vector<16xi32>,
      %add3A_857 = arith.constant 3 : i32
      %add3A_858 = vector.broadcast %add3A_857 : i32 to vector<16xi32>
      %add3A_859 = arith.addi %mul3A_842, %add3A_858 : vector<16xi32>
      %add3A_860 = arith.addi %add3A_859, %add3A_801 : vector<16xi32>
      %jit3A_861 = arith.constant 255 : i32
      %broadcast_in_dim3A_862 = vector.broadcast %jit3A_861 : i32 to vector<16xi32>
      %select_n3A_863 = arith.select %lt3A_773, %add3A_860, %broadcast_in_dim3A_862 : vector<16xi1>, vector<16xi32>
      %swap3A_864 = arith.constant 0 : index
      %swap3A_865 = tpu.vector_load %arg9[%swap3A_864] {strides = array<i32>} : memref<128xi32, #tpu.memory_space<vmem>>, vector<16xi32>,
      tpu.vector_store %arg9[%swap3A_864], %select_n3A_863 {strides = array<i32>} : memref<128xi32, #tpu.memory_space<vmem>>, vector<16xi32>,
      %add3A_866 = arith.constant 7 : i32
      %add3A_867 = vector.broadcast %add3A_866 : i32 to vector<16xi32>
      %add3A_868 = arith.addi %mul3A_842, %add3A_867 : vector<16xi32>
      %add3A_869 = arith.addi %add3A_868, %add3A_839 : vector<16xi32>
      %jit3A_870 = arith.constant 255 : i32
      %broadcast_in_dim3A_871 = vector.broadcast %jit3A_870 : i32 to vector<16xi32>
      %select_n3A_872 = arith.select %lt3A_773, %add3A_869, %broadcast_in_dim3A_871 : vector<16xi1>, vector<16xi32>
      %swap3A_873 = arith.constant 0 : index
      %swap3A_874 = tpu.vector_load %arg10[%swap3A_873] {strides = array<i32>} : memref<128xi32, #tpu.memory_space<vmem>>, vector<16xi32>,
      tpu.vector_store %arg10[%swap3A_873], %select_n3A_872 {strides = array<i32>} : memref<128xi32, #tpu.memory_space<vmem>>, vector<16xi32>,
      %sub3A_875 = arith.subi %multiple_of3A_698, %multiple_of3A : i32
      %add3A_876 = arith.constant 16 : i32
      %add3A_877 = arith.addi %sub3A_875, %add3A_876 : i32
      %min3A_878 = arith.constant 5232 : i32
      %min3A_879 = arith.minsi %add3A_877, %min3A_878 : i32
      %get3A_880 = arith.index_cast %min3A_879 : i32 to index
      %get3A_881 = tpu.vector_load %arg6[%get3A_880] {strides = array<i32>} : memref<5248xi32, #tpu.memory_space<vmem>>, vector<16xi32>,
      %add3A_882 = arith.constant 16 : i32
      %add3A_883 = arith.addi %multiple_of3A_698, %add3A_882 : i32
      %add3A_884 = vector.broadcast %add3A_883 : i32 to vector<16xi32>
      %add3A_885 = arith.addi %add3A_884, %iota3A : vector<16xi32>
      %ge3A_886 = vector.broadcast %reduce_sum3A_52 : i32 to vector<16xi32>
      %ge3A_887 = arith.cmpi sge, %add3A_885, %ge3A_886 : vector<16xi32>
      %convert_element_type3A_888 = arith.extui %ge3A_887 : vector<16xi1> to vector<16xi32>
      %ge3A_889 = vector.broadcast %reduce_sum3A_62 : i32 to vector<16xi32>
      %ge3A_890 = arith.cmpi sge, %add3A_885, %ge3A_889 : vector<16xi32>
      %convert_element_type3A_891 = arith.extui %ge3A_890 : vector<16xi1> to vector<16xi32>
      %add3A_892 = arith.addi %convert_element_type3A_888, %convert_element_type3A_891 : vector<16xi32>
      %ge3A_893 = vector.broadcast %reduce_sum3A_72 : i32 to vector<16xi32>
      %ge3A_894 = arith.cmpi sge, %add3A_885, %ge3A_893 : vector<16xi32>
      %convert_element_type3A_895 = arith.extui %ge3A_894 : vector<16xi1> to vector<16xi32>
      %add3A_896 = arith.addi %add3A_892, %convert_element_type3A_895 : vector<16xi32>
      %ge3A_897 = vector.broadcast %reduce_sum3A_82 : i32 to vector<16xi32>
      %ge3A_898 = arith.cmpi sge, %add3A_885, %ge3A_897 : vector<16xi32>
      %convert_element_type3A_899 = arith.extui %ge3A_898 : vector<16xi1> to vector<16xi32>
      %add3A_900 = arith.addi %add3A_896, %convert_element_type3A_899 : vector<16xi32>
      %ge3A_901 = vector.broadcast %reduce_sum3A_92 : i32 to vector<16xi32>
      %ge3A_902 = arith.cmpi sge, %add3A_885, %ge3A_901 : vector<16xi32>
      %convert_element_type3A_903 = arith.extui %ge3A_902 : vector<16xi1> to vector<16xi32>
      %add3A_904 = arith.addi %add3A_900, %convert_element_type3A_903 : vector<16xi32>
      %ge3A_905 = vector.broadcast %reduce_sum3A_102 : i32 to vector<16xi32>
      %ge3A_906 = arith.cmpi sge, %add3A_885, %ge3A_905 : vector<16xi32>
      %convert_element_type3A_907 = arith.extui %ge3A_906 : vector<16xi1> to vector<16xi32>
      %add3A_908 = arith.addi %add3A_904, %convert_element_type3A_907 : vector<16xi32>
      %ge3A_909 = vector.broadcast %reduce_sum3A_112 : i32 to vector<16xi32>
      %ge3A_910 = arith.cmpi sge, %add3A_885, %ge3A_909 : vector<16xi32>
      %convert_element_type3A_911 = arith.extui %ge3A_910 : vector<16xi1> to vector<16xi32>
      %add3A_912 = arith.addi %add3A_908, %convert_element_type3A_911 : vector<16xi32>
      %ge3A_913 = vector.broadcast %reduce_sum3A_122 : i32 to vector<16xi32>
      %ge3A_914 = arith.cmpi sge, %add3A_885, %ge3A_913 : vector<16xi32>
      %convert_element_type3A_915 = arith.extui %ge3A_914 : vector<16xi1> to vector<16xi32>
      %add3A_916 = arith.addi %add3A_912, %convert_element_type3A_915 : vector<16xi32>
      %ge3A_917 = vector.broadcast %reduce_sum3A_132 : i32 to vector<16xi32>
      %ge3A_918 = arith.cmpi sge, %add3A_885, %ge3A_917 : vector<16xi32>
      %convert_element_type3A_919 = arith.extui %ge3A_918 : vector<16xi1> to vector<16xi32>
      %add3A_920 = arith.addi %add3A_916, %convert_element_type3A_919 : vector<16xi32>
      %ge3A_921 = vector.broadcast %reduce_sum3A_142 : i32 to vector<16xi32>
      %ge3A_922 = arith.cmpi sge, %add3A_885, %ge3A_921 : vector<16xi32>
      %convert_element_type3A_923 = arith.extui %ge3A_922 : vector<16xi1> to vector<16xi32>
      %add3A_924 = arith.addi %add3A_920, %convert_element_type3A_923 : vector<16xi32>
      %ge3A_925 = vector.broadcast %reduce_sum3A_152 : i32 to vector<16xi32>
      %ge3A_926 = arith.cmpi sge, %add3A_885, %ge3A_925 : vector<16xi32>
      %convert_element_type3A_927 = arith.extui %ge3A_926 : vector<16xi1> to vector<16xi32>
      %add3A_928 = arith.addi %add3A_924, %convert_element_type3A_927 : vector<16xi32>
      %ge3A_929 = vector.broadcast %reduce_sum3A_162 : i32 to vector<16xi32>
      %ge3A_930 = arith.cmpi sge, %add3A_885, %ge3A_929 : vector<16xi32>
      %convert_element_type3A_931 = arith.extui %ge3A_930 : vector<16xi1> to vector<16xi32>
      %add3A_932 = arith.addi %add3A_928, %convert_element_type3A_931 : vector<16xi32>
      %ge3A_933 = vector.broadcast %reduce_sum3A_172 : i32 to vector<16xi32>
      %ge3A_934 = arith.cmpi sge, %add3A_885, %ge3A_933 : vector<16xi32>
      %convert_element_type3A_935 = arith.extui %ge3A_934 : vector<16xi1> to vector<16xi32>
      %add3A_936 = arith.addi %add3A_932, %convert_element_type3A_935 : vector<16xi32>
      %ge3A_937 = vector.broadcast %reduce_sum3A_182 : i32 to vector<16xi32>
      %ge3A_938 = arith.cmpi sge, %add3A_885, %ge3A_937 : vector<16xi32>
      %convert_element_type3A_939 = arith.extui %ge3A_938 : vector<16xi1> to vector<16xi32>
      %add3A_940 = arith.addi %add3A_936, %convert_element_type3A_939 : vector<16xi32>
      %ge3A_941 = vector.broadcast %reduce_sum3A_192 : i32 to vector<16xi32>
      %ge3A_942 = arith.cmpi sge, %add3A_885, %ge3A_941 : vector<16xi32>
      %convert_element_type3A_943 = arith.extui %ge3A_942 : vector<16xi1> to vector<16xi32>
      %add3A_944 = arith.addi %add3A_940, %convert_element_type3A_943 : vector<16xi32>
      %ge3A_945 = vector.broadcast %reduce_sum3A_202 : i32 to vector<16xi32>
      %ge3A_946 = arith.cmpi sge, %add3A_885, %ge3A_945 : vector<16xi32>
      %convert_element_type3A_947 = arith.extui %ge3A_946 : vector<16xi1> to vector<16xi32>
      %add3A_948 = arith.addi %add3A_944, %convert_element_type3A_947 : vector<16xi32>
      %lt3A_949 = vector.broadcast %reduce_sum3A_12 : i32 to vector<16xi32>
      %lt3A_950 = arith.cmpi slt, %add3A_885, %lt3A_949 : vector<16xi32>
      %mul3A_951 = arith.constant 64 : i32
      %mul3A_952 = vector.broadcast %mul3A_951 : i32 to vector<16xi32>
      %mul3A_953 = arith.muli %add3A_948, %mul3A_952 : vector<16xi32>
      %add3A_954 = arith.addi %mul3A_953, %get3A_881 : vector<16xi32>
      %unique3A_955, %unique3A_956 = tpu.scan_count mask(%lt3A_950 : vector<16xi1>) value(%add3A_954 : vector<16xi32>) : vector<16xi1>, vector<16xi32>
      %gather3A_957 = tpu.vector_load_idx %arg11[%add3A_954] : memref<1088xi32, #tpu.memory_space<vmem>>[vector<16xi32>], vector<16xi32>,
      %add3A_958 = arith.addi %gather3A_957, %unique3A_956 : vector<16xi32>
      %sub3A_959 = arith.constant 1 : i32
      %sub3A_960 = vector.broadcast %sub3A_959 : i32 to vector<16xi32>
      %sub3A_961 = arith.subi %add3A_958, %sub3A_960 : vector<16xi32>
      tpu.vector_store_idx %arg11[%add3A_954], %unique3A_956 masked %unique3A_955 {add = true} : memref<1088xi32, #tpu.memory_space<vmem>>[vector<16xi32>], vector<16xi32>, vector<16xi1>
      %gather3A_962 = tpu.vector_load_idx %arg15[%add3A_948] : memref<32xi32, #tpu.memory_space<vmem>>[vector<16xi32>], vector<16xi32>,
      %gather3A_963 = tpu.vector_load_idx %arg16[%add3A_948] : memref<32xi32, #tpu.memory_space<vmem>>[vector<16xi32>], vector<16xi32>,
      %gather3A_964 = tpu.vector_load_idx %arg17[%add3A_948] : memref<32xi32, #tpu.memory_space<vmem>>[vector<16xi32>], vector<16xi32>,
      %ge3A_965 = arith.cmpi sge, %sub3A_961, %gather3A_962 : vector<16xi32>
      %convert_element_type3A_966 = arith.extui %ge3A_965 : vector<16xi1> to vector<16xi32>
      %ge3A_967 = arith.cmpi sge, %sub3A_961, %gather3A_963 : vector<16xi32>
      %convert_element_type3A_968 = arith.extui %ge3A_967 : vector<16xi1> to vector<16xi32>
      %mul3A_969 = arith.constant 2 : i32
      %mul3A_970 = vector.broadcast %mul3A_969 : i32 to vector<16xi32>
      %mul3A_971 = arith.muli %mul3A_970, %gather3A_963 : vector<16xi32>
      %ge3A_972 = arith.cmpi sge, %sub3A_961, %mul3A_971 : vector<16xi32>
      %convert_element_type3A_973 = arith.extui %ge3A_972 : vector<16xi1> to vector<16xi32>
      %add3A_974 = arith.addi %convert_element_type3A_968, %convert_element_type3A_973 : vector<16xi32>
      %mul3A_975 = arith.constant 3 : i32
      %mul3A_976 = vector.broadcast %mul3A_975 : i32 to vector<16xi32>
      %mul3A_977 = arith.muli %mul3A_976, %gather3A_963 : vector<16xi32>
      %ge3A_978 = arith.cmpi sge, %sub3A_961, %mul3A_977 : vector<16xi32>
      %convert_element_type3A_979 = arith.extui %ge3A_978 : vector<16xi1> to vector<16xi32>
      %add3A_980 = arith.addi %add3A_974, %convert_element_type3A_979 : vector<16xi32>
      %ge3A_981 = arith.cmpi sge, %sub3A_961, %gather3A_964 : vector<16xi32>
      %convert_element_type3A_982 = arith.extui %ge3A_981 : vector<16xi1> to vector<16xi32>
      %mul3A_983 = arith.constant 2 : i32
      %mul3A_984 = vector.broadcast %mul3A_983 : i32 to vector<16xi32>
      %mul3A_985 = arith.muli %mul3A_984, %gather3A_964 : vector<16xi32>
      %ge3A_986 = arith.cmpi sge, %sub3A_961, %mul3A_985 : vector<16xi32>
      %convert_element_type3A_987 = arith.extui %ge3A_986 : vector<16xi1> to vector<16xi32>
      %add3A_988 = arith.addi %convert_element_type3A_982, %convert_element_type3A_987 : vector<16xi32>
      %mul3A_989 = arith.constant 3 : i32
      %mul3A_990 = vector.broadcast %mul3A_989 : i32 to vector<16xi32>
      %mul3A_991 = arith.muli %mul3A_990, %gather3A_964 : vector<16xi32>
      %ge3A_992 = arith.cmpi sge, %sub3A_961, %mul3A_991 : vector<16xi32>
      %convert_element_type3A_993 = arith.extui %ge3A_992 : vector<16xi1> to vector<16xi32>
      %add3A_994 = arith.addi %add3A_988, %convert_element_type3A_993 : vector<16xi32>
      %mul3A_995 = arith.constant 4 : i32
      %mul3A_996 = vector.broadcast %mul3A_995 : i32 to vector<16xi32>
      %mul3A_997 = arith.muli %mul3A_996, %gather3A_964 : vector<16xi32>
      %ge3A_998 = arith.cmpi sge, %sub3A_961, %mul3A_997 : vector<16xi32>
      %convert_element_type3A_999 = arith.extui %ge3A_998 : vector<16xi1> to vector<16xi32>
      %add3A_1000 = arith.addi %add3A_994, %convert_element_type3A_999 : vector<16xi32>
      %mul3A_1001 = arith.constant 5 : i32
      %mul3A_1002 = vector.broadcast %mul3A_1001 : i32 to vector<16xi32>
      %mul3A_1003 = arith.muli %mul3A_1002, %gather3A_964 : vector<16xi32>
      %ge3A_1004 = arith.cmpi sge, %sub3A_961, %mul3A_1003 : vector<16xi32>
      %convert_element_type3A_1005 = arith.extui %ge3A_1004 : vector<16xi1> to vector<16xi32>
      %add3A_1006 = arith.addi %add3A_1000, %convert_element_type3A_1005 : vector<16xi32>
      %mul3A_1007 = arith.constant 6 : i32
      %mul3A_1008 = vector.broadcast %mul3A_1007 : i32 to vector<16xi32>
      %mul3A_1009 = arith.muli %mul3A_1008, %gather3A_964 : vector<16xi32>
      %ge3A_1010 = arith.cmpi sge, %sub3A_961, %mul3A_1009 : vector<16xi32>
      %convert_element_type3A_1011 = arith.extui %ge3A_1010 : vector<16xi1> to vector<16xi32>
      %add3A_1012 = arith.addi %add3A_1006, %convert_element_type3A_1011 : vector<16xi32>
      %mul3A_1013 = arith.constant 7 : i32
      %mul3A_1014 = vector.broadcast %mul3A_1013 : i32 to vector<16xi32>
      %mul3A_1015 = arith.muli %mul3A_1014, %gather3A_964 : vector<16xi32>
      %ge3A_1016 = arith.cmpi sge, %sub3A_961, %mul3A_1015 : vector<16xi32>
      %convert_element_type3A_1017 = arith.extui %ge3A_1016 : vector<16xi1> to vector<16xi32>
      %add3A_1018 = arith.addi %add3A_1012, %convert_element_type3A_1017 : vector<16xi32>
      %mul3A_1019 = arith.constant 15 : i32
      %mul3A_1020 = vector.broadcast %mul3A_1019 : i32 to vector<16xi32>
      %mul3A_1021 = arith.muli %add3A_948, %mul3A_1020 : vector<16xi32>
      %jit3A_1022 = arith.constant 255 : i32
      %broadcast_in_dim3A_1023 = vector.broadcast %jit3A_1022 : i32 to vector<16xi32>
      %select_n3A_1024 = arith.select %lt3A_950, %mul3A_1021, %broadcast_in_dim3A_1023 : vector<16xi1>, vector<16xi32>
      %swap3A_1025 = arith.constant 16 : index
      %swap3A_1026 = tpu.vector_load %arg7[%swap3A_1025] {strides = array<i32>} : memref<128xi32, #tpu.memory_space<vmem>>, vector<16xi32>,
      tpu.vector_store %arg7[%swap3A_1025], %select_n3A_1024 {strides = array<i32>} : memref<128xi32, #tpu.memory_space<vmem>>, vector<16xi32>,
      %add3A_1027 = arith.constant 1 : i32
      %add3A_1028 = vector.broadcast %add3A_1027 : i32 to vector<16xi32>
      %add3A_1029 = arith.addi %mul3A_1021, %add3A_1028 : vector<16xi32>
      %add3A_1030 = arith.addi %add3A_1029, %convert_element_type3A_966 : vector<16xi32>
      %jit3A_1031 = arith.constant 255 : i32
      %broadcast_in_dim3A_1032 = vector.broadcast %jit3A_1031 : i32 to vector<16xi32>
      %select_n3A_1033 = arith.select %lt3A_950, %add3A_1030, %broadcast_in_dim3A_1032 : vector<16xi1>, vector<16xi32>
      %swap3A_1034 = arith.constant 16 : index
      %swap3A_1035 = tpu.vector_load %arg8[%swap3A_1034] {strides = array<i32>} : memref<128xi32, #tpu.memory_space<vmem>>, vector<16xi32>,
      tpu.vector_store %arg8[%swap3A_1034], %select_n3A_1033 {strides = array<i32>} : memref<128xi32, #tpu.memory_space<vmem>>, vector<16xi32>,
      %add3A_1036 = arith.constant 3 : i32
      %add3A_1037 = vector.broadcast %add3A_1036 : i32 to vector<16xi32>
      %add3A_1038 = arith.addi %mul3A_1021, %add3A_1037 : vector<16xi32>
      %add3A_1039 = arith.addi %add3A_1038, %add3A_980 : vector<16xi32>
      %jit3A_1040 = arith.constant 255 : i32
      %broadcast_in_dim3A_1041 = vector.broadcast %jit3A_1040 : i32 to vector<16xi32>
      %select_n3A_1042 = arith.select %lt3A_950, %add3A_1039, %broadcast_in_dim3A_1041 : vector<16xi1>, vector<16xi32>
      %swap3A_1043 = arith.constant 16 : index
      %swap3A_1044 = tpu.vector_load %arg9[%swap3A_1043] {strides = array<i32>} : memref<128xi32, #tpu.memory_space<vmem>>, vector<16xi32>,
      tpu.vector_store %arg9[%swap3A_1043], %select_n3A_1042 {strides = array<i32>} : memref<128xi32, #tpu.memory_space<vmem>>, vector<16xi32>,
      %add3A_1045 = arith.constant 7 : i32
      %add3A_1046 = vector.broadcast %add3A_1045 : i32 to vector<16xi32>
      %add3A_1047 = arith.addi %mul3A_1021, %add3A_1046 : vector<16xi32>
      %add3A_1048 = arith.addi %add3A_1047, %add3A_1018 : vector<16xi32>
      %jit3A_1049 = arith.constant 255 : i32
      %broadcast_in_dim3A_1050 = vector.broadcast %jit3A_1049 : i32 to vector<16xi32>
      %select_n3A_1051 = arith.select %lt3A_950, %add3A_1048, %broadcast_in_dim3A_1050 : vector<16xi1>, vector<16xi32>
      %swap3A_1052 = arith.constant 16 : index
      %swap3A_1053 = tpu.vector_load %arg10[%swap3A_1052] {strides = array<i32>} : memref<128xi32, #tpu.memory_space<vmem>>, vector<16xi32>,
      tpu.vector_store %arg10[%swap3A_1052], %select_n3A_1051 {strides = array<i32>} : memref<128xi32, #tpu.memory_space<vmem>>, vector<16xi32>,
      %sub3A_1054 = arith.subi %multiple_of3A_698, %multiple_of3A : i32
      %add3A_1055 = arith.constant 32 : i32
      %add3A_1056 = arith.addi %sub3A_1054, %add3A_1055 : i32
      %min3A_1057 = arith.constant 5232 : i32
      %min3A_1058 = arith.minsi %add3A_1056, %min3A_1057 : i32
      %get3A_1059 = arith.index_cast %min3A_1058 : i32 to index
      %get3A_1060 = tpu.vector_load %arg6[%get3A_1059] {strides = array<i32>} : memref<5248xi32, #tpu.memory_space<vmem>>, vector<16xi32>,
      %add3A_1061 = arith.constant 32 : i32
      %add3A_1062 = arith.addi %multiple_of3A_698, %add3A_1061 : i32
      %add3A_1063 = vector.broadcast %add3A_1062 : i32 to vector<16xi32>
      %add3A_1064 = arith.addi %add3A_1063, %iota3A : vector<16xi32>
      %ge3A_1065 = vector.broadcast %reduce_sum3A_52 : i32 to vector<16xi32>
      %ge3A_1066 = arith.cmpi sge, %add3A_1064, %ge3A_1065 : vector<16xi32>
      %convert_element_type3A_1067 = arith.extui %ge3A_1066 : vector<16xi1> to vector<16xi32>
      %ge3A_1068 = vector.broadcast %reduce_sum3A_62 : i32 to vector<16xi32>
      %ge3A_1069 = arith.cmpi sge, %add3A_1064, %ge3A_1068 : vector<16xi32>
      %convert_element_type3A_1070 = arith.extui %ge3A_1069 : vector<16xi1> to vector<16xi32>
      %add3A_1071 = arith.addi %convert_element_type3A_1067, %convert_element_type3A_1070 : vector<16xi32>
      %ge3A_1072 = vector.broadcast %reduce_sum3A_72 : i32 to vector<16xi32>
      %ge3A_1073 = arith.cmpi sge, %add3A_1064, %ge3A_1072 : vector<16xi32>
      %convert_element_type3A_1074 = arith.extui %ge3A_1073 : vector<16xi1> to vector<16xi32>
      %add3A_1075 = arith.addi %add3A_1071, %convert_element_type3A_1074 : vector<16xi32>
      %ge3A_1076 = vector.broadcast %reduce_sum3A_82 : i32 to vector<16xi32>
      %ge3A_1077 = arith.cmpi sge, %add3A_1064, %ge3A_1076 : vector<16xi32>
      %convert_element_type3A_1078 = arith.extui %ge3A_1077 : vector<16xi1> to vector<16xi32>
      %add3A_1079 = arith.addi %add3A_1075, %convert_element_type3A_1078 : vector<16xi32>
      %ge3A_1080 = vector.broadcast %reduce_sum3A_92 : i32 to vector<16xi32>
      %ge3A_1081 = arith.cmpi sge, %add3A_1064, %ge3A_1080 : vector<16xi32>
      %convert_element_type3A_1082 = arith.extui %ge3A_1081 : vector<16xi1> to vector<16xi32>
      %add3A_1083 = arith.addi %add3A_1079, %convert_element_type3A_1082 : vector<16xi32>
      %ge3A_1084 = vector.broadcast %reduce_sum3A_102 : i32 to vector<16xi32>
      %ge3A_1085 = arith.cmpi sge, %add3A_1064, %ge3A_1084 : vector<16xi32>
      %convert_element_type3A_1086 = arith.extui %ge3A_1085 : vector<16xi1> to vector<16xi32>
      %add3A_1087 = arith.addi %add3A_1083, %convert_element_type3A_1086 : vector<16xi32>
      %ge3A_1088 = vector.broadcast %reduce_sum3A_112 : i32 to vector<16xi32>
      %ge3A_1089 = arith.cmpi sge, %add3A_1064, %ge3A_1088 : vector<16xi32>
      %convert_element_type3A_1090 = arith.extui %ge3A_1089 : vector<16xi1> to vector<16xi32>
      %add3A_1091 = arith.addi %add3A_1087, %convert_element_type3A_1090 : vector<16xi32>
      %ge3A_1092 = vector.broadcast %reduce_sum3A_122 : i32 to vector<16xi32>
      %ge3A_1093 = arith.cmpi sge, %add3A_1064, %ge3A_1092 : vector<16xi32>
      %convert_element_type3A_1094 = arith.extui %ge3A_1093 : vector<16xi1> to vector<16xi32>
      %add3A_1095 = arith.addi %add3A_1091, %convert_element_type3A_1094 : vector<16xi32>
      %ge3A_1096 = vector.broadcast %reduce_sum3A_132 : i32 to vector<16xi32>
      %ge3A_1097 = arith.cmpi sge, %add3A_1064, %ge3A_1096 : vector<16xi32>
      %convert_element_type3A_1098 = arith.extui %ge3A_1097 : vector<16xi1> to vector<16xi32>
      %add3A_1099 = arith.addi %add3A_1095, %convert_element_type3A_1098 : vector<16xi32>
      %ge3A_1100 = vector.broadcast %reduce_sum3A_142 : i32 to vector<16xi32>
      %ge3A_1101 = arith.cmpi sge, %add3A_1064, %ge3A_1100 : vector<16xi32>
      %convert_element_type3A_1102 = arith.extui %ge3A_1101 : vector<16xi1> to vector<16xi32>
      %add3A_1103 = arith.addi %add3A_1099, %convert_element_type3A_1102 : vector<16xi32>
      %ge3A_1104 = vector.broadcast %reduce_sum3A_152 : i32 to vector<16xi32>
      %ge3A_1105 = arith.cmpi sge, %add3A_1064, %ge3A_1104 : vector<16xi32>
      %convert_element_type3A_1106 = arith.extui %ge3A_1105 : vector<16xi1> to vector<16xi32>
      %add3A_1107 = arith.addi %add3A_1103, %convert_element_type3A_1106 : vector<16xi32>
      %ge3A_1108 = vector.broadcast %reduce_sum3A_162 : i32 to vector<16xi32>
      %ge3A_1109 = arith.cmpi sge, %add3A_1064, %ge3A_1108 : vector<16xi32>
      %convert_element_type3A_1110 = arith.extui %ge3A_1109 : vector<16xi1> to vector<16xi32>
      %add3A_1111 = arith.addi %add3A_1107, %convert_element_type3A_1110 : vector<16xi32>
      %ge3A_1112 = vector.broadcast %reduce_sum3A_172 : i32 to vector<16xi32>
      %ge3A_1113 = arith.cmpi sge, %add3A_1064, %ge3A_1112 : vector<16xi32>
      %convert_element_type3A_1114 = arith.extui %ge3A_1113 : vector<16xi1> to vector<16xi32>
      %add3A_1115 = arith.addi %add3A_1111, %convert_element_type3A_1114 : vector<16xi32>
      %ge3A_1116 = vector.broadcast %reduce_sum3A_182 : i32 to vector<16xi32>
      %ge3A_1117 = arith.cmpi sge, %add3A_1064, %ge3A_1116 : vector<16xi32>
      %convert_element_type3A_1118 = arith.extui %ge3A_1117 : vector<16xi1> to vector<16xi32>
      %add3A_1119 = arith.addi %add3A_1115, %convert_element_type3A_1118 : vector<16xi32>
      %ge3A_1120 = vector.broadcast %reduce_sum3A_192 : i32 to vector<16xi32>
      %ge3A_1121 = arith.cmpi sge, %add3A_1064, %ge3A_1120 : vector<16xi32>
      %convert_element_type3A_1122 = arith.extui %ge3A_1121 : vector<16xi1> to vector<16xi32>
      %add3A_1123 = arith.addi %add3A_1119, %convert_element_type3A_1122 : vector<16xi32>
      %ge3A_1124 = vector.broadcast %reduce_sum3A_202 : i32 to vector<16xi32>
      %ge3A_1125 = arith.cmpi sge, %add3A_1064, %ge3A_1124 : vector<16xi32>
      %convert_element_type3A_1126 = arith.extui %ge3A_1125 : vector<16xi1> to vector<16xi32>
      %add3A_1127 = arith.addi %add3A_1123, %convert_element_type3A_1126 : vector<16xi32>
      %lt3A_1128 = vector.broadcast %reduce_sum3A_12 : i32 to vector<16xi32>
      %lt3A_1129 = arith.cmpi slt, %add3A_1064, %lt3A_1128 : vector<16xi32>
      %mul3A_1130 = arith.constant 64 : i32
      %mul3A_1131 = vector.broadcast %mul3A_1130 : i32 to vector<16xi32>
      %mul3A_1132 = arith.muli %add3A_1127, %mul3A_1131 : vector<16xi32>
      %add3A_1133 = arith.addi %mul3A_1132, %get3A_1060 : vector<16xi32>
      %unique3A_1134, %unique3A_1135 = tpu.scan_count mask(%lt3A_1129 : vector<16xi1>) value(%add3A_1133 : vector<16xi32>) : vector<16xi1>, vector<16xi32>
      %gather3A_1136 = tpu.vector_load_idx %arg11[%add3A_1133] : memref<1088xi32, #tpu.memory_space<vmem>>[vector<16xi32>], vector<16xi32>,
      %add3A_1137 = arith.addi %gather3A_1136, %unique3A_1135 : vector<16xi32>
      %sub3A_1138 = arith.constant 1 : i32
      %sub3A_1139 = vector.broadcast %sub3A_1138 : i32 to vector<16xi32>
      %sub3A_1140 = arith.subi %add3A_1137, %sub3A_1139 : vector<16xi32>
      tpu.vector_store_idx %arg11[%add3A_1133], %unique3A_1135 masked %unique3A_1134 {add = true} : memref<1088xi32, #tpu.memory_space<vmem>>[vector<16xi32>], vector<16xi32>, vector<16xi1>
      %gather3A_1141 = tpu.vector_load_idx %arg15[%add3A_1127] : memref<32xi32, #tpu.memory_space<vmem>>[vector<16xi32>], vector<16xi32>,
      %gather3A_1142 = tpu.vector_load_idx %arg16[%add3A_1127] : memref<32xi32, #tpu.memory_space<vmem>>[vector<16xi32>], vector<16xi32>,
      %gather3A_1143 = tpu.vector_load_idx %arg17[%add3A_1127] : memref<32xi32, #tpu.memory_space<vmem>>[vector<16xi32>], vector<16xi32>,
      %ge3A_1144 = arith.cmpi sge, %sub3A_1140, %gather3A_1141 : vector<16xi32>
      %convert_element_type3A_1145 = arith.extui %ge3A_1144 : vector<16xi1> to vector<16xi32>
      %ge3A_1146 = arith.cmpi sge, %sub3A_1140, %gather3A_1142 : vector<16xi32>
      %convert_element_type3A_1147 = arith.extui %ge3A_1146 : vector<16xi1> to vector<16xi32>
      %mul3A_1148 = arith.constant 2 : i32
      %mul3A_1149 = vector.broadcast %mul3A_1148 : i32 to vector<16xi32>
      %mul3A_1150 = arith.muli %mul3A_1149, %gather3A_1142 : vector<16xi32>
      %ge3A_1151 = arith.cmpi sge, %sub3A_1140, %mul3A_1150 : vector<16xi32>
      %convert_element_type3A_1152 = arith.extui %ge3A_1151 : vector<16xi1> to vector<16xi32>
      %add3A_1153 = arith.addi %convert_element_type3A_1147, %convert_element_type3A_1152 : vector<16xi32>
      %mul3A_1154 = arith.constant 3 : i32
      %mul3A_1155 = vector.broadcast %mul3A_1154 : i32 to vector<16xi32>
      %mul3A_1156 = arith.muli %mul3A_1155, %gather3A_1142 : vector<16xi32>
      %ge3A_1157 = arith.cmpi sge, %sub3A_1140, %mul3A_1156 : vector<16xi32>
      %convert_element_type3A_1158 = arith.extui %ge3A_1157 : vector<16xi1> to vector<16xi32>
      %add3A_1159 = arith.addi %add3A_1153, %convert_element_type3A_1158 : vector<16xi32>
      %ge3A_1160 = arith.cmpi sge, %sub3A_1140, %gather3A_1143 : vector<16xi32>
      %convert_element_type3A_1161 = arith.extui %ge3A_1160 : vector<16xi1> to vector<16xi32>
      %mul3A_1162 = arith.constant 2 : i32
      %mul3A_1163 = vector.broadcast %mul3A_1162 : i32 to vector<16xi32>
      %mul3A_1164 = arith.muli %mul3A_1163, %gather3A_1143 : vector<16xi32>
      %ge3A_1165 = arith.cmpi sge, %sub3A_1140, %mul3A_1164 : vector<16xi32>
      %convert_element_type3A_1166 = arith.extui %ge3A_1165 : vector<16xi1> to vector<16xi32>
      %add3A_1167 = arith.addi %convert_element_type3A_1161, %convert_element_type3A_1166 : vector<16xi32>
      %mul3A_1168 = arith.constant 3 : i32
      %mul3A_1169 = vector.broadcast %mul3A_1168 : i32 to vector<16xi32>
      %mul3A_1170 = arith.muli %mul3A_1169, %gather3A_1143 : vector<16xi32>
      %ge3A_1171 = arith.cmpi sge, %sub3A_1140, %mul3A_1170 : vector<16xi32>
      %convert_element_type3A_1172 = arith.extui %ge3A_1171 : vector<16xi1> to vector<16xi32>
      %add3A_1173 = arith.addi %add3A_1167, %convert_element_type3A_1172 : vector<16xi32>
      %mul3A_1174 = arith.constant 4 : i32
      %mul3A_1175 = vector.broadcast %mul3A_1174 : i32 to vector<16xi32>
      %mul3A_1176 = arith.muli %mul3A_1175, %gather3A_1143 : vector<16xi32>
      %ge3A_1177 = arith.cmpi sge, %sub3A_1140, %mul3A_1176 : vector<16xi32>
      %convert_element_type3A_1178 = arith.extui %ge3A_1177 : vector<16xi1> to vector<16xi32>
      %add3A_1179 = arith.addi %add3A_1173, %convert_element_type3A_1178 : vector<16xi32>
      %mul3A_1180 = arith.constant 5 : i32
      %mul3A_1181 = vector.broadcast %mul3A_1180 : i32 to vector<16xi32>
      %mul3A_1182 = arith.muli %mul3A_1181, %gather3A_1143 : vector<16xi32>
      %ge3A_1183 = arith.cmpi sge, %sub3A_1140, %mul3A_1182 : vector<16xi32>
      %convert_element_type3A_1184 = arith.extui %ge3A_1183 : vector<16xi1> to vector<16xi32>
      %add3A_1185 = arith.addi %add3A_1179, %convert_element_type3A_1184 : vector<16xi32>
      %mul3A_1186 = arith.constant 6 : i32
      %mul3A_1187 = vector.broadcast %mul3A_1186 : i32 to vector<16xi32>
      %mul3A_1188 = arith.muli %mul3A_1187, %gather3A_1143 : vector<16xi32>
      %ge3A_1189 = arith.cmpi sge, %sub3A_1140, %mul3A_1188 : vector<16xi32>
      %convert_element_type3A_1190 = arith.extui %ge3A_1189 : vector<16xi1> to vector<16xi32>
      %add3A_1191 = arith.addi %add3A_1185, %convert_element_type3A_1190 : vector<16xi32>
      %mul3A_1192 = arith.constant 7 : i32
      %mul3A_1193 = vector.broadcast %mul3A_1192 : i32 to vector<16xi32>
      %mul3A_1194 = arith.muli %mul3A_1193, %gather3A_1143 : vector<16xi32>
      %ge3A_1195 = arith.cmpi sge, %sub3A_1140, %mul3A_1194 : vector<16xi32>
      %convert_element_type3A_1196 = arith.extui %ge3A_1195 : vector<16xi1> to vector<16xi32>
      %add3A_1197 = arith.addi %add3A_1191, %convert_element_type3A_1196 : vector<16xi32>
      %mul3A_1198 = arith.constant 15 : i32
      %mul3A_1199 = vector.broadcast %mul3A_1198 : i32 to vector<16xi32>
      %mul3A_1200 = arith.muli %add3A_1127, %mul3A_1199 : vector<16xi32>
      %jit3A_1201 = arith.constant 255 : i32
      %broadcast_in_dim3A_1202 = vector.broadcast %jit3A_1201 : i32 to vector<16xi32>
      %select_n3A_1203 = arith.select %lt3A_1129, %mul3A_1200, %broadcast_in_dim3A_1202 : vector<16xi1>, vector<16xi32>
      %swap3A_1204 = arith.constant 32 : index
      %swap3A_1205 = tpu.vector_load %arg7[%swap3A_1204] {strides = array<i32>} : memref<128xi32, #tpu.memory_space<vmem>>, vector<16xi32>,
      tpu.vector_store %arg7[%swap3A_1204], %select_n3A_1203 {strides = array<i32>} : memref<128xi32, #tpu.memory_space<vmem>>, vector<16xi32>,
      %add3A_1206 = arith.constant 1 : i32
      %add3A_1207 = vector.broadcast %add3A_1206 : i32 to vector<16xi32>
      %add3A_1208 = arith.addi %mul3A_1200, %add3A_1207 : vector<16xi32>
      %add3A_1209 = arith.addi %add3A_1208, %convert_element_type3A_1145 : vector<16xi32>
      %jit3A_1210 = arith.constant 255 : i32
      %broadcast_in_dim3A_1211 = vector.broadcast %jit3A_1210 : i32 to vector<16xi32>
      %select_n3A_1212 = arith.select %lt3A_1129, %add3A_1209, %broadcast_in_dim3A_1211 : vector<16xi1>, vector<16xi32>
      %swap3A_1213 = arith.constant 32 : index
      %swap3A_1214 = tpu.vector_load %arg8[%swap3A_1213] {strides = array<i32>} : memref<128xi32, #tpu.memory_space<vmem>>, vector<16xi32>,
      tpu.vector_store %arg8[%swap3A_1213], %select_n3A_1212 {strides = array<i32>} : memref<128xi32, #tpu.memory_space<vmem>>, vector<16xi32>,
      %add3A_1215 = arith.constant 3 : i32
      %add3A_1216 = vector.broadcast %add3A_1215 : i32 to vector<16xi32>
      %add3A_1217 = arith.addi %mul3A_1200, %add3A_1216 : vector<16xi32>
      %add3A_1218 = arith.addi %add3A_1217, %add3A_1159 : vector<16xi32>
      %jit3A_1219 = arith.constant 255 : i32
      %broadcast_in_dim3A_1220 = vector.broadcast %jit3A_1219 : i32 to vector<16xi32>
      %select_n3A_1221 = arith.select %lt3A_1129, %add3A_1218, %broadcast_in_dim3A_1220 : vector<16xi1>, vector<16xi32>
      %swap3A_1222 = arith.constant 32 : index
      %swap3A_1223 = tpu.vector_load %arg9[%swap3A_1222] {strides = array<i32>} : memref<128xi32, #tpu.memory_space<vmem>>, vector<16xi32>,
      tpu.vector_store %arg9[%swap3A_1222], %select_n3A_1221 {strides = array<i32>} : memref<128xi32, #tpu.memory_space<vmem>>, vector<16xi32>,
      %add3A_1224 = arith.constant 7 : i32
      %add3A_1225 = vector.broadcast %add3A_1224 : i32 to vector<16xi32>
      %add3A_1226 = arith.addi %mul3A_1200, %add3A_1225 : vector<16xi32>
      %add3A_1227 = arith.addi %add3A_1226, %add3A_1197 : vector<16xi32>
      %jit3A_1228 = arith.constant 255 : i32
      %broadcast_in_dim3A_1229 = vector.broadcast %jit3A_1228 : i32 to vector<16xi32>
      %select_n3A_1230 = arith.select %lt3A_1129, %add3A_1227, %broadcast_in_dim3A_1229 : vector<16xi1>, vector<16xi32>
      %swap3A_1231 = arith.constant 32 : index
      %swap3A_1232 = tpu.vector_load %arg10[%swap3A_1231] {strides = array<i32>} : memref<128xi32, #tpu.memory_space<vmem>>, vector<16xi32>,
      tpu.vector_store %arg10[%swap3A_1231], %select_n3A_1230 {strides = array<i32>} : memref<128xi32, #tpu.memory_space<vmem>>, vector<16xi32>,
      %sub3A_1233 = arith.subi %multiple_of3A_698, %multiple_of3A : i32
      %add3A_1234 = arith.constant 48 : i32
      %add3A_1235 = arith.addi %sub3A_1233, %add3A_1234 : i32
      %min3A_1236 = arith.constant 5232 : i32
      %min3A_1237 = arith.minsi %add3A_1235, %min3A_1236 : i32
      %get3A_1238 = arith.index_cast %min3A_1237 : i32 to index
      %get3A_1239 = tpu.vector_load %arg6[%get3A_1238] {strides = array<i32>} : memref<5248xi32, #tpu.memory_space<vmem>>, vector<16xi32>,
      %add3A_1240 = arith.constant 48 : i32
      %add3A_1241 = arith.addi %multiple_of3A_698, %add3A_1240 : i32
      %add3A_1242 = vector.broadcast %add3A_1241 : i32 to vector<16xi32>
      %add3A_1243 = arith.addi %add3A_1242, %iota3A : vector<16xi32>
      %ge3A_1244 = vector.broadcast %reduce_sum3A_52 : i32 to vector<16xi32>
      %ge3A_1245 = arith.cmpi sge, %add3A_1243, %ge3A_1244 : vector<16xi32>
      %convert_element_type3A_1246 = arith.extui %ge3A_1245 : vector<16xi1> to vector<16xi32>
      %ge3A_1247 = vector.broadcast %reduce_sum3A_62 : i32 to vector<16xi32>
      %ge3A_1248 = arith.cmpi sge, %add3A_1243, %ge3A_1247 : vector<16xi32>
      %convert_element_type3A_1249 = arith.extui %ge3A_1248 : vector<16xi1> to vector<16xi32>
      %add3A_1250 = arith.addi %convert_element_type3A_1246, %convert_element_type3A_1249 : vector<16xi32>
      %ge3A_1251 = vector.broadcast %reduce_sum3A_72 : i32 to vector<16xi32>
      %ge3A_1252 = arith.cmpi sge, %add3A_1243, %ge3A_1251 : vector<16xi32>
      %convert_element_type3A_1253 = arith.extui %ge3A_1252 : vector<16xi1> to vector<16xi32>
      %add3A_1254 = arith.addi %add3A_1250, %convert_element_type3A_1253 : vector<16xi32>
      %ge3A_1255 = vector.broadcast %reduce_sum3A_82 : i32 to vector<16xi32>
      %ge3A_1256 = arith.cmpi sge, %add3A_1243, %ge3A_1255 : vector<16xi32>
      %convert_element_type3A_1257 = arith.extui %ge3A_1256 : vector<16xi1> to vector<16xi32>
      %add3A_1258 = arith.addi %add3A_1254, %convert_element_type3A_1257 : vector<16xi32>
      %ge3A_1259 = vector.broadcast %reduce_sum3A_92 : i32 to vector<16xi32>
      %ge3A_1260 = arith.cmpi sge, %add3A_1243, %ge3A_1259 : vector<16xi32>
      %convert_element_type3A_1261 = arith.extui %ge3A_1260 : vector<16xi1> to vector<16xi32>
      %add3A_1262 = arith.addi %add3A_1258, %convert_element_type3A_1261 : vector<16xi32>
      %ge3A_1263 = vector.broadcast %reduce_sum3A_102 : i32 to vector<16xi32>
      %ge3A_1264 = arith.cmpi sge, %add3A_1243, %ge3A_1263 : vector<16xi32>
      %convert_element_type3A_1265 = arith.extui %ge3A_1264 : vector<16xi1> to vector<16xi32>
      %add3A_1266 = arith.addi %add3A_1262, %convert_element_type3A_1265 : vector<16xi32>
      %ge3A_1267 = vector.broadcast %reduce_sum3A_112 : i32 to vector<16xi32>
      %ge3A_1268 = arith.cmpi sge, %add3A_1243, %ge3A_1267 : vector<16xi32>
      %convert_element_type3A_1269 = arith.extui %ge3A_1268 : vector<16xi1> to vector<16xi32>
      %add3A_1270 = arith.addi %add3A_1266, %convert_element_type3A_1269 : vector<16xi32>
      %ge3A_1271 = vector.broadcast %reduce_sum3A_122 : i32 to vector<16xi32>
      %ge3A_1272 = arith.cmpi sge, %add3A_1243, %ge3A_1271 : vector<16xi32>
      %convert_element_type3A_1273 = arith.extui %ge3A_1272 : vector<16xi1> to vector<16xi32>
      %add3A_1274 = arith.addi %add3A_1270, %convert_element_type3A_1273 : vector<16xi32>
      %ge3A_1275 = vector.broadcast %reduce_sum3A_132 : i32 to vector<16xi32>
      %ge3A_1276 = arith.cmpi sge, %add3A_1243, %ge3A_1275 : vector<16xi32>
      %convert_element_type3A_1277 = arith.extui %ge3A_1276 : vector<16xi1> to vector<16xi32>
      %add3A_1278 = arith.addi %add3A_1274, %convert_element_type3A_1277 : vector<16xi32>
      %ge3A_1279 = vector.broadcast %reduce_sum3A_142 : i32 to vector<16xi32>
      %ge3A_1280 = arith.cmpi sge, %add3A_1243, %ge3A_1279 : vector<16xi32>
      %convert_element_type3A_1281 = arith.extui %ge3A_1280 : vector<16xi1> to vector<16xi32>
      %add3A_1282 = arith.addi %add3A_1278, %convert_element_type3A_1281 : vector<16xi32>
      %ge3A_1283 = vector.broadcast %reduce_sum3A_152 : i32 to vector<16xi32>
      %ge3A_1284 = arith.cmpi sge, %add3A_1243, %ge3A_1283 : vector<16xi32>
      %convert_element_type3A_1285 = arith.extui %ge3A_1284 : vector<16xi1> to vector<16xi32>
      %add3A_1286 = arith.addi %add3A_1282, %convert_element_type3A_1285 : vector<16xi32>
      %ge3A_1287 = vector.broadcast %reduce_sum3A_162 : i32 to vector<16xi32>
      %ge3A_1288 = arith.cmpi sge, %add3A_1243, %ge3A_1287 : vector<16xi32>
      %convert_element_type3A_1289 = arith.extui %ge3A_1288 : vector<16xi1> to vector<16xi32>
      %add3A_1290 = arith.addi %add3A_1286, %convert_element_type3A_1289 : vector<16xi32>
      %ge3A_1291 = vector.broadcast %reduce_sum3A_172 : i32 to vector<16xi32>
      %ge3A_1292 = arith.cmpi sge, %add3A_1243, %ge3A_1291 : vector<16xi32>
      %convert_element_type3A_1293 = arith.extui %ge3A_1292 : vector<16xi1> to vector<16xi32>
      %add3A_1294 = arith.addi %add3A_1290, %convert_element_type3A_1293 : vector<16xi32>
      %ge3A_1295 = vector.broadcast %reduce_sum3A_182 : i32 to vector<16xi32>
      %ge3A_1296 = arith.cmpi sge, %add3A_1243, %ge3A_1295 : vector<16xi32>
      %convert_element_type3A_1297 = arith.extui %ge3A_1296 : vector<16xi1> to vector<16xi32>
      %add3A_1298 = arith.addi %add3A_1294, %convert_element_type3A_1297 : vector<16xi32>
      %ge3A_1299 = vector.broadcast %reduce_sum3A_192 : i32 to vector<16xi32>
      %ge3A_1300 = arith.cmpi sge, %add3A_1243, %ge3A_1299 : vector<16xi32>
      %convert_element_type3A_1301 = arith.extui %ge3A_1300 : vector<16xi1> to vector<16xi32>
      %add3A_1302 = arith.addi %add3A_1298, %convert_element_type3A_1301 : vector<16xi32>
      %ge3A_1303 = vector.broadcast %reduce_sum3A_202 : i32 to vector<16xi32>
      %ge3A_1304 = arith.cmpi sge, %add3A_1243, %ge3A_1303 : vector<16xi32>
      %convert_element_type3A_1305 = arith.extui %ge3A_1304 : vector<16xi1> to vector<16xi32>
      %add3A_1306 = arith.addi %add3A_1302, %convert_element_type3A_1305 : vector<16xi32>
      %lt3A_1307 = vector.broadcast %reduce_sum3A_12 : i32 to vector<16xi32>
      %lt3A_1308 = arith.cmpi slt, %add3A_1243, %lt3A_1307 : vector<16xi32>
      %mul3A_1309 = arith.constant 64 : i32
      %mul3A_1310 = vector.broadcast %mul3A_1309 : i32 to vector<16xi32>
      %mul3A_1311 = arith.muli %add3A_1306, %mul3A_1310 : vector<16xi32>
      %add3A_1312 = arith.addi %mul3A_1311, %get3A_1239 : vector<16xi32>
      %unique3A_1313, %unique3A_1314 = tpu.scan_count mask(%lt3A_1308 : vector<16xi1>) value(%add3A_1312 : vector<16xi32>) : vector<16xi1>, vector<16xi32>
      %gather3A_1315 = tpu.vector_load_idx %arg11[%add3A_1312] : memref<1088xi32, #tpu.memory_space<vmem>>[vector<16xi32>], vector<16xi32>,
      %add3A_1316 = arith.addi %gather3A_1315, %unique3A_1314 : vector<16xi32>
      %sub3A_1317 = arith.constant 1 : i32
      %sub3A_1318 = vector.broadcast %sub3A_1317 : i32 to vector<16xi32>
      %sub3A_1319 = arith.subi %add3A_1316, %sub3A_1318 : vector<16xi32>
      tpu.vector_store_idx %arg11[%add3A_1312], %unique3A_1314 masked %unique3A_1313 {add = true} : memref<1088xi32, #tpu.memory_space<vmem>>[vector<16xi32>], vector<16xi32>, vector<16xi1>
      %gather3A_1320 = tpu.vector_load_idx %arg15[%add3A_1306] : memref<32xi32, #tpu.memory_space<vmem>>[vector<16xi32>], vector<16xi32>,
      %gather3A_1321 = tpu.vector_load_idx %arg16[%add3A_1306] : memref<32xi32, #tpu.memory_space<vmem>>[vector<16xi32>], vector<16xi32>,
      %gather3A_1322 = tpu.vector_load_idx %arg17[%add3A_1306] : memref<32xi32, #tpu.memory_space<vmem>>[vector<16xi32>], vector<16xi32>,
      %ge3A_1323 = arith.cmpi sge, %sub3A_1319, %gather3A_1320 : vector<16xi32>
      %convert_element_type3A_1324 = arith.extui %ge3A_1323 : vector<16xi1> to vector<16xi32>
      %ge3A_1325 = arith.cmpi sge, %sub3A_1319, %gather3A_1321 : vector<16xi32>
      %convert_element_type3A_1326 = arith.extui %ge3A_1325 : vector<16xi1> to vector<16xi32>
      %mul3A_1327 = arith.constant 2 : i32
      %mul3A_1328 = vector.broadcast %mul3A_1327 : i32 to vector<16xi32>
      %mul3A_1329 = arith.muli %mul3A_1328, %gather3A_1321 : vector<16xi32>
      %ge3A_1330 = arith.cmpi sge, %sub3A_1319, %mul3A_1329 : vector<16xi32>
      %convert_element_type3A_1331 = arith.extui %ge3A_1330 : vector<16xi1> to vector<16xi32>
      %add3A_1332 = arith.addi %convert_element_type3A_1326, %convert_element_type3A_1331 : vector<16xi32>
      %mul3A_1333 = arith.constant 3 : i32
      %mul3A_1334 = vector.broadcast %mul3A_1333 : i32 to vector<16xi32>
      %mul3A_1335 = arith.muli %mul3A_1334, %gather3A_1321 : vector<16xi32>
      %ge3A_1336 = arith.cmpi sge, %sub3A_1319, %mul3A_1335 : vector<16xi32>
      %convert_element_type3A_1337 = arith.extui %ge3A_1336 : vector<16xi1> to vector<16xi32>
      %add3A_1338 = arith.addi %add3A_1332, %convert_element_type3A_1337 : vector<16xi32>
      %ge3A_1339 = arith.cmpi sge, %sub3A_1319, %gather3A_1322 : vector<16xi32>
      %convert_element_type3A_1340 = arith.extui %ge3A_1339 : vector<16xi1> to vector<16xi32>
      %mul3A_1341 = arith.constant 2 : i32
      %mul3A_1342 = vector.broadcast %mul3A_1341 : i32 to vector<16xi32>
      %mul3A_1343 = arith.muli %mul3A_1342, %gather3A_1322 : vector<16xi32>
      %ge3A_1344 = arith.cmpi sge, %sub3A_1319, %mul3A_1343 : vector<16xi32>
      %convert_element_type3A_1345 = arith.extui %ge3A_1344 : vector<16xi1> to vector<16xi32>
      %add3A_1346 = arith.addi %convert_element_type3A_1340, %convert_element_type3A_1345 : vector<16xi32>
      %mul3A_1347 = arith.constant 3 : i32
      %mul3A_1348 = vector.broadcast %mul3A_1347 : i32 to vector<16xi32>
      %mul3A_1349 = arith.muli %mul3A_1348, %gather3A_1322 : vector<16xi32>
      %ge3A_1350 = arith.cmpi sge, %sub3A_1319, %mul3A_1349 : vector<16xi32>
      %convert_element_type3A_1351 = arith.extui %ge3A_1350 : vector<16xi1> to vector<16xi32>
      %add3A_1352 = arith.addi %add3A_1346, %convert_element_type3A_1351 : vector<16xi32>
      %mul3A_1353 = arith.constant 4 : i32
      %mul3A_1354 = vector.broadcast %mul3A_1353 : i32 to vector<16xi32>
      %mul3A_1355 = arith.muli %mul3A_1354, %gather3A_1322 : vector<16xi32>
      %ge3A_1356 = arith.cmpi sge, %sub3A_1319, %mul3A_1355 : vector<16xi32>
      %convert_element_type3A_1357 = arith.extui %ge3A_1356 : vector<16xi1> to vector<16xi32>
      %add3A_1358 = arith.addi %add3A_1352, %convert_element_type3A_1357 : vector<16xi32>
      %mul3A_1359 = arith.constant 5 : i32
      %mul3A_1360 = vector.broadcast %mul3A_1359 : i32 to vector<16xi32>
      %mul3A_1361 = arith.muli %mul3A_1360, %gather3A_1322 : vector<16xi32>
      %ge3A_1362 = arith.cmpi sge, %sub3A_1319, %mul3A_1361 : vector<16xi32>
      %convert_element_type3A_1363 = arith.extui %ge3A_1362 : vector<16xi1> to vector<16xi32>
      %add3A_1364 = arith.addi %add3A_1358, %convert_element_type3A_1363 : vector<16xi32>
      %mul3A_1365 = arith.constant 6 : i32
      %mul3A_1366 = vector.broadcast %mul3A_1365 : i32 to vector<16xi32>
      %mul3A_1367 = arith.muli %mul3A_1366, %gather3A_1322 : vector<16xi32>
      %ge3A_1368 = arith.cmpi sge, %sub3A_1319, %mul3A_1367 : vector<16xi32>
      %convert_element_type3A_1369 = arith.extui %ge3A_1368 : vector<16xi1> to vector<16xi32>
      %add3A_1370 = arith.addi %add3A_1364, %convert_element_type3A_1369 : vector<16xi32>
      %mul3A_1371 = arith.constant 7 : i32
      %mul3A_1372 = vector.broadcast %mul3A_1371 : i32 to vector<16xi32>
      %mul3A_1373 = arith.muli %mul3A_1372, %gather3A_1322 : vector<16xi32>
      %ge3A_1374 = arith.cmpi sge, %sub3A_1319, %mul3A_1373 : vector<16xi32>
      %convert_element_type3A_1375 = arith.extui %ge3A_1374 : vector<16xi1> to vector<16xi32>
      %add3A_1376 = arith.addi %add3A_1370, %convert_element_type3A_1375 : vector<16xi32>
      %mul3A_1377 = arith.constant 15 : i32
      %mul3A_1378 = vector.broadcast %mul3A_1377 : i32 to vector<16xi32>
      %mul3A_1379 = arith.muli %add3A_1306, %mul3A_1378 : vector<16xi32>
      %jit3A_1380 = arith.constant 255 : i32
      %broadcast_in_dim3A_1381 = vector.broadcast %jit3A_1380 : i32 to vector<16xi32>
      %select_n3A_1382 = arith.select %lt3A_1308, %mul3A_1379, %broadcast_in_dim3A_1381 : vector<16xi1>, vector<16xi32>
      %swap3A_1383 = arith.constant 48 : index
      %swap3A_1384 = tpu.vector_load %arg7[%swap3A_1383] {strides = array<i32>} : memref<128xi32, #tpu.memory_space<vmem>>, vector<16xi32>,
      tpu.vector_store %arg7[%swap3A_1383], %select_n3A_1382 {strides = array<i32>} : memref<128xi32, #tpu.memory_space<vmem>>, vector<16xi32>,
      %add3A_1385 = arith.constant 1 : i32
      %add3A_1386 = vector.broadcast %add3A_1385 : i32 to vector<16xi32>
      %add3A_1387 = arith.addi %mul3A_1379, %add3A_1386 : vector<16xi32>
      %add3A_1388 = arith.addi %add3A_1387, %convert_element_type3A_1324 : vector<16xi32>
      %jit3A_1389 = arith.constant 255 : i32
      %broadcast_in_dim3A_1390 = vector.broadcast %jit3A_1389 : i32 to vector<16xi32>
      %select_n3A_1391 = arith.select %lt3A_1308, %add3A_1388, %broadcast_in_dim3A_1390 : vector<16xi1>, vector<16xi32>
      %swap3A_1392 = arith.constant 48 : index
      %swap3A_1393 = tpu.vector_load %arg8[%swap3A_1392] {strides = array<i32>} : memref<128xi32, #tpu.memory_space<vmem>>, vector<16xi32>,
      tpu.vector_store %arg8[%swap3A_1392], %select_n3A_1391 {strides = array<i32>} : memref<128xi32, #tpu.memory_space<vmem>>, vector<16xi32>,
      %add3A_1394 = arith.constant 3 : i32
      %add3A_1395 = vector.broadcast %add3A_1394 : i32 to vector<16xi32>
      %add3A_1396 = arith.addi %mul3A_1379, %add3A_1395 : vector<16xi32>
      %add3A_1397 = arith.addi %add3A_1396, %add3A_1338 : vector<16xi32>
      %jit3A_1398 = arith.constant 255 : i32
      %broadcast_in_dim3A_1399 = vector.broadcast %jit3A_1398 : i32 to vector<16xi32>
      %select_n3A_1400 = arith.select %lt3A_1308, %add3A_1397, %broadcast_in_dim3A_1399 : vector<16xi1>, vector<16xi32>
      %swap3A_1401 = arith.constant 48 : index
      %swap3A_1402 = tpu.vector_load %arg9[%swap3A_1401] {strides = array<i32>} : memref<128xi32, #tpu.memory_space<vmem>>, vector<16xi32>,
      tpu.vector_store %arg9[%swap3A_1401], %select_n3A_1400 {strides = array<i32>} : memref<128xi32, #tpu.memory_space<vmem>>, vector<16xi32>,
      %add3A_1403 = arith.constant 7 : i32
      %add3A_1404 = vector.broadcast %add3A_1403 : i32 to vector<16xi32>
      %add3A_1405 = arith.addi %mul3A_1379, %add3A_1404 : vector<16xi32>
      %add3A_1406 = arith.addi %add3A_1405, %add3A_1376 : vector<16xi32>
      %jit3A_1407 = arith.constant 255 : i32
      %broadcast_in_dim3A_1408 = vector.broadcast %jit3A_1407 : i32 to vector<16xi32>
      %select_n3A_1409 = arith.select %lt3A_1308, %add3A_1406, %broadcast_in_dim3A_1408 : vector<16xi1>, vector<16xi32>
      %swap3A_1410 = arith.constant 48 : index
      %swap3A_1411 = tpu.vector_load %arg10[%swap3A_1410] {strides = array<i32>} : memref<128xi32, #tpu.memory_space<vmem>>, vector<16xi32>,
      tpu.vector_store %arg10[%swap3A_1410], %select_n3A_1409 {strides = array<i32>} : memref<128xi32, #tpu.memory_space<vmem>>, vector<16xi32>,
      %sub3A_1412 = arith.subi %multiple_of3A_698, %multiple_of3A : i32
      %add3A_1413 = arith.constant 64 : i32
      %add3A_1414 = arith.addi %sub3A_1412, %add3A_1413 : i32
      %min3A_1415 = arith.constant 5232 : i32
      %min3A_1416 = arith.minsi %add3A_1414, %min3A_1415 : i32
      %get3A_1417 = arith.index_cast %min3A_1416 : i32 to index
      %get3A_1418 = tpu.vector_load %arg6[%get3A_1417] {strides = array<i32>} : memref<5248xi32, #tpu.memory_space<vmem>>, vector<16xi32>,
      %add3A_1419 = arith.constant 64 : i32
      %add3A_1420 = arith.addi %multiple_of3A_698, %add3A_1419 : i32
      %add3A_1421 = vector.broadcast %add3A_1420 : i32 to vector<16xi32>
      %add3A_1422 = arith.addi %add3A_1421, %iota3A : vector<16xi32>
      %ge3A_1423 = vector.broadcast %reduce_sum3A_52 : i32 to vector<16xi32>
      %ge3A_1424 = arith.cmpi sge, %add3A_1422, %ge3A_1423 : vector<16xi32>
      %convert_element_type3A_1425 = arith.extui %ge3A_1424 : vector<16xi1> to vector<16xi32>
      %ge3A_1426 = vector.broadcast %reduce_sum3A_62 : i32 to vector<16xi32>
      %ge3A_1427 = arith.cmpi sge, %add3A_1422, %ge3A_1426 : vector<16xi32>
      %convert_element_type3A_1428 = arith.extui %ge3A_1427 : vector<16xi1> to vector<16xi32>
      %add3A_1429 = arith.addi %convert_element_type3A_1425, %convert_element_type3A_1428 : vector<16xi32>
      %ge3A_1430 = vector.broadcast %reduce_sum3A_72 : i32 to vector<16xi32>
      %ge3A_1431 = arith.cmpi sge, %add3A_1422, %ge3A_1430 : vector<16xi32>
      %convert_element_type3A_1432 = arith.extui %ge3A_1431 : vector<16xi1> to vector<16xi32>
      %add3A_1433 = arith.addi %add3A_1429, %convert_element_type3A_1432 : vector<16xi32>
      %ge3A_1434 = vector.broadcast %reduce_sum3A_82 : i32 to vector<16xi32>
      %ge3A_1435 = arith.cmpi sge, %add3A_1422, %ge3A_1434 : vector<16xi32>
      %convert_element_type3A_1436 = arith.extui %ge3A_1435 : vector<16xi1> to vector<16xi32>
      %add3A_1437 = arith.addi %add3A_1433, %convert_element_type3A_1436 : vector<16xi32>
      %ge3A_1438 = vector.broadcast %reduce_sum3A_92 : i32 to vector<16xi32>
      %ge3A_1439 = arith.cmpi sge, %add3A_1422, %ge3A_1438 : vector<16xi32>
      %convert_element_type3A_1440 = arith.extui %ge3A_1439 : vector<16xi1> to vector<16xi32>
      %add3A_1441 = arith.addi %add3A_1437, %convert_element_type3A_1440 : vector<16xi32>
      %ge3A_1442 = vector.broadcast %reduce_sum3A_102 : i32 to vector<16xi32>
      %ge3A_1443 = arith.cmpi sge, %add3A_1422, %ge3A_1442 : vector<16xi32>
      %convert_element_type3A_1444 = arith.extui %ge3A_1443 : vector<16xi1> to vector<16xi32>
      %add3A_1445 = arith.addi %add3A_1441, %convert_element_type3A_1444 : vector<16xi32>
      %ge3A_1446 = vector.broadcast %reduce_sum3A_112 : i32 to vector<16xi32>
      %ge3A_1447 = arith.cmpi sge, %add3A_1422, %ge3A_1446 : vector<16xi32>
      %convert_element_type3A_1448 = arith.extui %ge3A_1447 : vector<16xi1> to vector<16xi32>
      %add3A_1449 = arith.addi %add3A_1445, %convert_element_type3A_1448 : vector<16xi32>
      %ge3A_1450 = vector.broadcast %reduce_sum3A_122 : i32 to vector<16xi32>
      %ge3A_1451 = arith.cmpi sge, %add3A_1422, %ge3A_1450 : vector<16xi32>
      %convert_element_type3A_1452 = arith.extui %ge3A_1451 : vector<16xi1> to vector<16xi32>
      %add3A_1453 = arith.addi %add3A_1449, %convert_element_type3A_1452 : vector<16xi32>
      %ge3A_1454 = vector.broadcast %reduce_sum3A_132 : i32 to vector<16xi32>
      %ge3A_1455 = arith.cmpi sge, %add3A_1422, %ge3A_1454 : vector<16xi32>
      %convert_element_type3A_1456 = arith.extui %ge3A_1455 : vector<16xi1> to vector<16xi32>
      %add3A_1457 = arith.addi %add3A_1453, %convert_element_type3A_1456 : vector<16xi32>
      %ge3A_1458 = vector.broadcast %reduce_sum3A_142 : i32 to vector<16xi32>
      %ge3A_1459 = arith.cmpi sge, %add3A_1422, %ge3A_1458 : vector<16xi32>
      %convert_element_type3A_1460 = arith.extui %ge3A_1459 : vector<16xi1> to vector<16xi32>
      %add3A_1461 = arith.addi %add3A_1457, %convert_element_type3A_1460 : vector<16xi32>
      %ge3A_1462 = vector.broadcast %reduce_sum3A_152 : i32 to vector<16xi32>
      %ge3A_1463 = arith.cmpi sge, %add3A_1422, %ge3A_1462 : vector<16xi32>
      %convert_element_type3A_1464 = arith.extui %ge3A_1463 : vector<16xi1> to vector<16xi32>
      %add3A_1465 = arith.addi %add3A_1461, %convert_element_type3A_1464 : vector<16xi32>
      %ge3A_1466 = vector.broadcast %reduce_sum3A_162 : i32 to vector<16xi32>
      %ge3A_1467 = arith.cmpi sge, %add3A_1422, %ge3A_1466 : vector<16xi32>
      %convert_element_type3A_1468 = arith.extui %ge3A_1467 : vector<16xi1> to vector<16xi32>
      %add3A_1469 = arith.addi %add3A_1465, %convert_element_type3A_1468 : vector<16xi32>
      %ge3A_1470 = vector.broadcast %reduce_sum3A_172 : i32 to vector<16xi32>
      %ge3A_1471 = arith.cmpi sge, %add3A_1422, %ge3A_1470 : vector<16xi32>
      %convert_element_type3A_1472 = arith.extui %ge3A_1471 : vector<16xi1> to vector<16xi32>
      %add3A_1473 = arith.addi %add3A_1469, %convert_element_type3A_1472 : vector<16xi32>
      %ge3A_1474 = vector.broadcast %reduce_sum3A_182 : i32 to vector<16xi32>
      %ge3A_1475 = arith.cmpi sge, %add3A_1422, %ge3A_1474 : vector<16xi32>
      %convert_element_type3A_1476 = arith.extui %ge3A_1475 : vector<16xi1> to vector<16xi32>
      %add3A_1477 = arith.addi %add3A_1473, %convert_element_type3A_1476 : vector<16xi32>
      %ge3A_1478 = vector.broadcast %reduce_sum3A_192 : i32 to vector<16xi32>
      %ge3A_1479 = arith.cmpi sge, %add3A_1422, %ge3A_1478 : vector<16xi32>
      %convert_element_type3A_1480 = arith.extui %ge3A_1479 : vector<16xi1> to vector<16xi32>
      %add3A_1481 = arith.addi %add3A_1477, %convert_element_type3A_1480 : vector<16xi32>
      %ge3A_1482 = vector.broadcast %reduce_sum3A_202 : i32 to vector<16xi32>
      %ge3A_1483 = arith.cmpi sge, %add3A_1422, %ge3A_1482 : vector<16xi32>
      %convert_element_type3A_1484 = arith.extui %ge3A_1483 : vector<16xi1> to vector<16xi32>
      %add3A_1485 = arith.addi %add3A_1481, %convert_element_type3A_1484 : vector<16xi32>
      %lt3A_1486 = vector.broadcast %reduce_sum3A_12 : i32 to vector<16xi32>
      %lt3A_1487 = arith.cmpi slt, %add3A_1422, %lt3A_1486 : vector<16xi32>
      %mul3A_1488 = arith.constant 64 : i32
      %mul3A_1489 = vector.broadcast %mul3A_1488 : i32 to vector<16xi32>
      %mul3A_1490 = arith.muli %add3A_1485, %mul3A_1489 : vector<16xi32>
      %add3A_1491 = arith.addi %mul3A_1490, %get3A_1418 : vector<16xi32>
      %unique3A_1492, %unique3A_1493 = tpu.scan_count mask(%lt3A_1487 : vector<16xi1>) value(%add3A_1491 : vector<16xi32>) : vector<16xi1>, vector<16xi32>
      %gather3A_1494 = tpu.vector_load_idx %arg11[%add3A_1491] : memref<1088xi32, #tpu.memory_space<vmem>>[vector<16xi32>], vector<16xi32>,
      %add3A_1495 = arith.addi %gather3A_1494, %unique3A_1493 : vector<16xi32>
      %sub3A_1496 = arith.constant 1 : i32
      %sub3A_1497 = vector.broadcast %sub3A_1496 : i32 to vector<16xi32>
      %sub3A_1498 = arith.subi %add3A_1495, %sub3A_1497 : vector<16xi32>
      tpu.vector_store_idx %arg11[%add3A_1491], %unique3A_1493 masked %unique3A_1492 {add = true} : memref<1088xi32, #tpu.memory_space<vmem>>[vector<16xi32>], vector<16xi32>, vector<16xi1>
      %gather3A_1499 = tpu.vector_load_idx %arg15[%add3A_1485] : memref<32xi32, #tpu.memory_space<vmem>>[vector<16xi32>], vector<16xi32>,
      %gather3A_1500 = tpu.vector_load_idx %arg16[%add3A_1485] : memref<32xi32, #tpu.memory_space<vmem>>[vector<16xi32>], vector<16xi32>,
      %gather3A_1501 = tpu.vector_load_idx %arg17[%add3A_1485] : memref<32xi32, #tpu.memory_space<vmem>>[vector<16xi32>], vector<16xi32>,
      %ge3A_1502 = arith.cmpi sge, %sub3A_1498, %gather3A_1499 : vector<16xi32>
      %convert_element_type3A_1503 = arith.extui %ge3A_1502 : vector<16xi1> to vector<16xi32>
      %ge3A_1504 = arith.cmpi sge, %sub3A_1498, %gather3A_1500 : vector<16xi32>
      %convert_element_type3A_1505 = arith.extui %ge3A_1504 : vector<16xi1> to vector<16xi32>
      %mul3A_1506 = arith.constant 2 : i32
      %mul3A_1507 = vector.broadcast %mul3A_1506 : i32 to vector<16xi32>
      %mul3A_1508 = arith.muli %mul3A_1507, %gather3A_1500 : vector<16xi32>
      %ge3A_1509 = arith.cmpi sge, %sub3A_1498, %mul3A_1508 : vector<16xi32>
      %convert_element_type3A_1510 = arith.extui %ge3A_1509 : vector<16xi1> to vector<16xi32>
      %add3A_1511 = arith.addi %convert_element_type3A_1505, %convert_element_type3A_1510 : vector<16xi32>
      %mul3A_1512 = arith.constant 3 : i32
      %mul3A_1513 = vector.broadcast %mul3A_1512 : i32 to vector<16xi32>
      %mul3A_1514 = arith.muli %mul3A_1513, %gather3A_1500 : vector<16xi32>
      %ge3A_1515 = arith.cmpi sge, %sub3A_1498, %mul3A_1514 : vector<16xi32>
      %convert_element_type3A_1516 = arith.extui %ge3A_1515 : vector<16xi1> to vector<16xi32>
      %add3A_1517 = arith.addi %add3A_1511, %convert_element_type3A_1516 : vector<16xi32>
      %ge3A_1518 = arith.cmpi sge, %sub3A_1498, %gather3A_1501 : vector<16xi32>
      %convert_element_type3A_1519 = arith.extui %ge3A_1518 : vector<16xi1> to vector<16xi32>
      %mul3A_1520 = arith.constant 2 : i32
      %mul3A_1521 = vector.broadcast %mul3A_1520 : i32 to vector<16xi32>
      %mul3A_1522 = arith.muli %mul3A_1521, %gather3A_1501 : vector<16xi32>
      %ge3A_1523 = arith.cmpi sge, %sub3A_1498, %mul3A_1522 : vector<16xi32>
      %convert_element_type3A_1524 = arith.extui %ge3A_1523 : vector<16xi1> to vector<16xi32>
      %add3A_1525 = arith.addi %convert_element_type3A_1519, %convert_element_type3A_1524 : vector<16xi32>
      %mul3A_1526 = arith.constant 3 : i32
      %mul3A_1527 = vector.broadcast %mul3A_1526 : i32 to vector<16xi32>
      %mul3A_1528 = arith.muli %mul3A_1527, %gather3A_1501 : vector<16xi32>
      %ge3A_1529 = arith.cmpi sge, %sub3A_1498, %mul3A_1528 : vector<16xi32>
      %convert_element_type3A_1530 = arith.extui %ge3A_1529 : vector<16xi1> to vector<16xi32>
      %add3A_1531 = arith.addi %add3A_1525, %convert_element_type3A_1530 : vector<16xi32>
      %mul3A_1532 = arith.constant 4 : i32
      %mul3A_1533 = vector.broadcast %mul3A_1532 : i32 to vector<16xi32>
      %mul3A_1534 = arith.muli %mul3A_1533, %gather3A_1501 : vector<16xi32>
      %ge3A_1535 = arith.cmpi sge, %sub3A_1498, %mul3A_1534 : vector<16xi32>
      %convert_element_type3A_1536 = arith.extui %ge3A_1535 : vector<16xi1> to vector<16xi32>
      %add3A_1537 = arith.addi %add3A_1531, %convert_element_type3A_1536 : vector<16xi32>
      %mul3A_1538 = arith.constant 5 : i32
      %mul3A_1539 = vector.broadcast %mul3A_1538 : i32 to vector<16xi32>
      %mul3A_1540 = arith.muli %mul3A_1539, %gather3A_1501 : vector<16xi32>
      %ge3A_1541 = arith.cmpi sge, %sub3A_1498, %mul3A_1540 : vector<16xi32>
      %convert_element_type3A_1542 = arith.extui %ge3A_1541 : vector<16xi1> to vector<16xi32>
      %add3A_1543 = arith.addi %add3A_1537, %convert_element_type3A_1542 : vector<16xi32>
      %mul3A_1544 = arith.constant 6 : i32
      %mul3A_1545 = vector.broadcast %mul3A_1544 : i32 to vector<16xi32>
      %mul3A_1546 = arith.muli %mul3A_1545, %gather3A_1501 : vector<16xi32>
      %ge3A_1547 = arith.cmpi sge, %sub3A_1498, %mul3A_1546 : vector<16xi32>
      %convert_element_type3A_1548 = arith.extui %ge3A_1547 : vector<16xi1> to vector<16xi32>
      %add3A_1549 = arith.addi %add3A_1543, %convert_element_type3A_1548 : vector<16xi32>
      %mul3A_1550 = arith.constant 7 : i32
      %mul3A_1551 = vector.broadcast %mul3A_1550 : i32 to vector<16xi32>
      %mul3A_1552 = arith.muli %mul3A_1551, %gather3A_1501 : vector<16xi32>
      %ge3A_1553 = arith.cmpi sge, %sub3A_1498, %mul3A_1552 : vector<16xi32>
      %convert_element_type3A_1554 = arith.extui %ge3A_1553 : vector<16xi1> to vector<16xi32>
      %add3A_1555 = arith.addi %add3A_1549, %convert_element_type3A_1554 : vector<16xi32>
      %mul3A_1556 = arith.constant 15 : i32
      %mul3A_1557 = vector.broadcast %mul3A_1556 : i32 to vector<16xi32>
      %mul3A_1558 = arith.muli %add3A_1485, %mul3A_1557 : vector<16xi32>
      %jit3A_1559 = arith.constant 255 : i32
      %broadcast_in_dim3A_1560 = vector.broadcast %jit3A_1559 : i32 to vector<16xi32>
      %select_n3A_1561 = arith.select %lt3A_1487, %mul3A_1558, %broadcast_in_dim3A_1560 : vector<16xi1>, vector<16xi32>
      %swap3A_1562 = arith.constant 64 : index
      %swap3A_1563 = tpu.vector_load %arg7[%swap3A_1562] {strides = array<i32>} : memref<128xi32, #tpu.memory_space<vmem>>, vector<16xi32>,
      tpu.vector_store %arg7[%swap3A_1562], %select_n3A_1561 {strides = array<i32>} : memref<128xi32, #tpu.memory_space<vmem>>, vector<16xi32>,
      %add3A_1564 = arith.constant 1 : i32
      %add3A_1565 = vector.broadcast %add3A_1564 : i32 to vector<16xi32>
      %add3A_1566 = arith.addi %mul3A_1558, %add3A_1565 : vector<16xi32>
      %add3A_1567 = arith.addi %add3A_1566, %convert_element_type3A_1503 : vector<16xi32>
      %jit3A_1568 = arith.constant 255 : i32
      %broadcast_in_dim3A_1569 = vector.broadcast %jit3A_1568 : i32 to vector<16xi32>
      %select_n3A_1570 = arith.select %lt3A_1487, %add3A_1567, %broadcast_in_dim3A_1569 : vector<16xi1>, vector<16xi32>
      %swap3A_1571 = arith.constant 64 : index
      %swap3A_1572 = tpu.vector_load %arg8[%swap3A_1571] {strides = array<i32>} : memref<128xi32, #tpu.memory_space<vmem>>, vector<16xi32>,
      tpu.vector_store %arg8[%swap3A_1571], %select_n3A_1570 {strides = array<i32>} : memref<128xi32, #tpu.memory_space<vmem>>, vector<16xi32>,
      %add3A_1573 = arith.constant 3 : i32
      %add3A_1574 = vector.broadcast %add3A_1573 : i32 to vector<16xi32>
      %add3A_1575 = arith.addi %mul3A_1558, %add3A_1574 : vector<16xi32>
      %add3A_1576 = arith.addi %add3A_1575, %add3A_1517 : vector<16xi32>
      %jit3A_1577 = arith.constant 255 : i32
      %broadcast_in_dim3A_1578 = vector.broadcast %jit3A_1577 : i32 to vector<16xi32>
      %select_n3A_1579 = arith.select %lt3A_1487, %add3A_1576, %broadcast_in_dim3A_1578 : vector<16xi1>, vector<16xi32>
      %swap3A_1580 = arith.constant 64 : index
      %swap3A_1581 = tpu.vector_load %arg9[%swap3A_1580] {strides = array<i32>} : memref<128xi32, #tpu.memory_space<vmem>>, vector<16xi32>,
      tpu.vector_store %arg9[%swap3A_1580], %select_n3A_1579 {strides = array<i32>} : memref<128xi32, #tpu.memory_space<vmem>>, vector<16xi32>,
      %add3A_1582 = arith.constant 7 : i32
      %add3A_1583 = vector.broadcast %add3A_1582 : i32 to vector<16xi32>
      %add3A_1584 = arith.addi %mul3A_1558, %add3A_1583 : vector<16xi32>
      %add3A_1585 = arith.addi %add3A_1584, %add3A_1555 : vector<16xi32>
      %jit3A_1586 = arith.constant 255 : i32
      %broadcast_in_dim3A_1587 = vector.broadcast %jit3A_1586 : i32 to vector<16xi32>
      %select_n3A_1588 = arith.select %lt3A_1487, %add3A_1585, %broadcast_in_dim3A_1587 : vector<16xi1>, vector<16xi32>
      %swap3A_1589 = arith.constant 64 : index
      %swap3A_1590 = tpu.vector_load %arg10[%swap3A_1589] {strides = array<i32>} : memref<128xi32, #tpu.memory_space<vmem>>, vector<16xi32>,
      tpu.vector_store %arg10[%swap3A_1589], %select_n3A_1588 {strides = array<i32>} : memref<128xi32, #tpu.memory_space<vmem>>, vector<16xi32>,
      %sub3A_1591 = arith.subi %multiple_of3A_698, %multiple_of3A : i32
      %add3A_1592 = arith.constant 80 : i32
      %add3A_1593 = arith.addi %sub3A_1591, %add3A_1592 : i32
      %min3A_1594 = arith.constant 5232 : i32
      %min3A_1595 = arith.minsi %add3A_1593, %min3A_1594 : i32
      %get3A_1596 = arith.index_cast %min3A_1595 : i32 to index
      %get3A_1597 = tpu.vector_load %arg6[%get3A_1596] {strides = array<i32>} : memref<5248xi32, #tpu.memory_space<vmem>>, vector<16xi32>,
      %add3A_1598 = arith.constant 80 : i32
      %add3A_1599 = arith.addi %multiple_of3A_698, %add3A_1598 : i32
      %add3A_1600 = vector.broadcast %add3A_1599 : i32 to vector<16xi32>
      %add3A_1601 = arith.addi %add3A_1600, %iota3A : vector<16xi32>
      %ge3A_1602 = vector.broadcast %reduce_sum3A_52 : i32 to vector<16xi32>
      %ge3A_1603 = arith.cmpi sge, %add3A_1601, %ge3A_1602 : vector<16xi32>
      %convert_element_type3A_1604 = arith.extui %ge3A_1603 : vector<16xi1> to vector<16xi32>
      %ge3A_1605 = vector.broadcast %reduce_sum3A_62 : i32 to vector<16xi32>
      %ge3A_1606 = arith.cmpi sge, %add3A_1601, %ge3A_1605 : vector<16xi32>
      %convert_element_type3A_1607 = arith.extui %ge3A_1606 : vector<16xi1> to vector<16xi32>
      %add3A_1608 = arith.addi %convert_element_type3A_1604, %convert_element_type3A_1607 : vector<16xi32>
      %ge3A_1609 = vector.broadcast %reduce_sum3A_72 : i32 to vector<16xi32>
      %ge3A_1610 = arith.cmpi sge, %add3A_1601, %ge3A_1609 : vector<16xi32>
      %convert_element_type3A_1611 = arith.extui %ge3A_1610 : vector<16xi1> to vector<16xi32>
      %add3A_1612 = arith.addi %add3A_1608, %convert_element_type3A_1611 : vector<16xi32>
      %ge3A_1613 = vector.broadcast %reduce_sum3A_82 : i32 to vector<16xi32>
      %ge3A_1614 = arith.cmpi sge, %add3A_1601, %ge3A_1613 : vector<16xi32>
      %convert_element_type3A_1615 = arith.extui %ge3A_1614 : vector<16xi1> to vector<16xi32>
      %add3A_1616 = arith.addi %add3A_1612, %convert_element_type3A_1615 : vector<16xi32>
      %ge3A_1617 = vector.broadcast %reduce_sum3A_92 : i32 to vector<16xi32>
      %ge3A_1618 = arith.cmpi sge, %add3A_1601, %ge3A_1617 : vector<16xi32>
      %convert_element_type3A_1619 = arith.extui %ge3A_1618 : vector<16xi1> to vector<16xi32>
      %add3A_1620 = arith.addi %add3A_1616, %convert_element_type3A_1619 : vector<16xi32>
      %ge3A_1621 = vector.broadcast %reduce_sum3A_102 : i32 to vector<16xi32>
      %ge3A_1622 = arith.cmpi sge, %add3A_1601, %ge3A_1621 : vector<16xi32>
      %convert_element_type3A_1623 = arith.extui %ge3A_1622 : vector<16xi1> to vector<16xi32>
      %add3A_1624 = arith.addi %add3A_1620, %convert_element_type3A_1623 : vector<16xi32>
      %ge3A_1625 = vector.broadcast %reduce_sum3A_112 : i32 to vector<16xi32>
      %ge3A_1626 = arith.cmpi sge, %add3A_1601, %ge3A_1625 : vector<16xi32>
      %convert_element_type3A_1627 = arith.extui %ge3A_1626 : vector<16xi1> to vector<16xi32>
      %add3A_1628 = arith.addi %add3A_1624, %convert_element_type3A_1627 : vector<16xi32>
      %ge3A_1629 = vector.broadcast %reduce_sum3A_122 : i32 to vector<16xi32>
      %ge3A_1630 = arith.cmpi sge, %add3A_1601, %ge3A_1629 : vector<16xi32>
      %convert_element_type3A_1631 = arith.extui %ge3A_1630 : vector<16xi1> to vector<16xi32>
      %add3A_1632 = arith.addi %add3A_1628, %convert_element_type3A_1631 : vector<16xi32>
      %ge3A_1633 = vector.broadcast %reduce_sum3A_132 : i32 to vector<16xi32>
      %ge3A_1634 = arith.cmpi sge, %add3A_1601, %ge3A_1633 : vector<16xi32>
      %convert_element_type3A_1635 = arith.extui %ge3A_1634 : vector<16xi1> to vector<16xi32>
      %add3A_1636 = arith.addi %add3A_1632, %convert_element_type3A_1635 : vector<16xi32>
      %ge3A_1637 = vector.broadcast %reduce_sum3A_142 : i32 to vector<16xi32>
      %ge3A_1638 = arith.cmpi sge, %add3A_1601, %ge3A_1637 : vector<16xi32>
      %convert_element_type3A_1639 = arith.extui %ge3A_1638 : vector<16xi1> to vector<16xi32>
      %add3A_1640 = arith.addi %add3A_1636, %convert_element_type3A_1639 : vector<16xi32>
      %ge3A_1641 = vector.broadcast %reduce_sum3A_152 : i32 to vector<16xi32>
      %ge3A_1642 = arith.cmpi sge, %add3A_1601, %ge3A_1641 : vector<16xi32>
      %convert_element_type3A_1643 = arith.extui %ge3A_1642 : vector<16xi1> to vector<16xi32>
      %add3A_1644 = arith.addi %add3A_1640, %convert_element_type3A_1643 : vector<16xi32>
      %ge3A_1645 = vector.broadcast %reduce_sum3A_162 : i32 to vector<16xi32>
      %ge3A_1646 = arith.cmpi sge, %add3A_1601, %ge3A_1645 : vector<16xi32>
      %convert_element_type3A_1647 = arith.extui %ge3A_1646 : vector<16xi1> to vector<16xi32>
      %add3A_1648 = arith.addi %add3A_1644, %convert_element_type3A_1647 : vector<16xi32>
      %ge3A_1649 = vector.broadcast %reduce_sum3A_172 : i32 to vector<16xi32>
      %ge3A_1650 = arith.cmpi sge, %add3A_1601, %ge3A_1649 : vector<16xi32>
      %convert_element_type3A_1651 = arith.extui %ge3A_1650 : vector<16xi1> to vector<16xi32>
      %add3A_1652 = arith.addi %add3A_1648, %convert_element_type3A_1651 : vector<16xi32>
      %ge3A_1653 = vector.broadcast %reduce_sum3A_182 : i32 to vector<16xi32>
      %ge3A_1654 = arith.cmpi sge, %add3A_1601, %ge3A_1653 : vector<16xi32>
      %convert_element_type3A_1655 = arith.extui %ge3A_1654 : vector<16xi1> to vector<16xi32>
      %add3A_1656 = arith.addi %add3A_1652, %convert_element_type3A_1655 : vector<16xi32>
      %ge3A_1657 = vector.broadcast %reduce_sum3A_192 : i32 to vector<16xi32>
      %ge3A_1658 = arith.cmpi sge, %add3A_1601, %ge3A_1657 : vector<16xi32>
      %convert_element_type3A_1659 = arith.extui %ge3A_1658 : vector<16xi1> to vector<16xi32>
      %add3A_1660 = arith.addi %add3A_1656, %convert_element_type3A_1659 : vector<16xi32>
      %ge3A_1661 = vector.broadcast %reduce_sum3A_202 : i32 to vector<16xi32>
      %ge3A_1662 = arith.cmpi sge, %add3A_1601, %ge3A_1661 : vector<16xi32>
      %convert_element_type3A_1663 = arith.extui %ge3A_1662 : vector<16xi1> to vector<16xi32>
      %add3A_1664 = arith.addi %add3A_1660, %convert_element_type3A_1663 : vector<16xi32>
      %lt3A_1665 = vector.broadcast %reduce_sum3A_12 : i32 to vector<16xi32>
      %lt3A_1666 = arith.cmpi slt, %add3A_1601, %lt3A_1665 : vector<16xi32>
      %mul3A_1667 = arith.constant 64 : i32
      %mul3A_1668 = vector.broadcast %mul3A_1667 : i32 to vector<16xi32>
      %mul3A_1669 = arith.muli %add3A_1664, %mul3A_1668 : vector<16xi32>
      %add3A_1670 = arith.addi %mul3A_1669, %get3A_1597 : vector<16xi32>
      %unique3A_1671, %unique3A_1672 = tpu.scan_count mask(%lt3A_1666 : vector<16xi1>) value(%add3A_1670 : vector<16xi32>) : vector<16xi1>, vector<16xi32>
      %gather3A_1673 = tpu.vector_load_idx %arg11[%add3A_1670] : memref<1088xi32, #tpu.memory_space<vmem>>[vector<16xi32>], vector<16xi32>,
      %add3A_1674 = arith.addi %gather3A_1673, %unique3A_1672 : vector<16xi32>
      %sub3A_1675 = arith.constant 1 : i32
      %sub3A_1676 = vector.broadcast %sub3A_1675 : i32 to vector<16xi32>
      %sub3A_1677 = arith.subi %add3A_1674, %sub3A_1676 : vector<16xi32>
      tpu.vector_store_idx %arg11[%add3A_1670], %unique3A_1672 masked %unique3A_1671 {add = true} : memref<1088xi32, #tpu.memory_space<vmem>>[vector<16xi32>], vector<16xi32>, vector<16xi1>
      %gather3A_1678 = tpu.vector_load_idx %arg15[%add3A_1664] : memref<32xi32, #tpu.memory_space<vmem>>[vector<16xi32>], vector<16xi32>,
      %gather3A_1679 = tpu.vector_load_idx %arg16[%add3A_1664] : memref<32xi32, #tpu.memory_space<vmem>>[vector<16xi32>], vector<16xi32>,
      %gather3A_1680 = tpu.vector_load_idx %arg17[%add3A_1664] : memref<32xi32, #tpu.memory_space<vmem>>[vector<16xi32>], vector<16xi32>,
      %ge3A_1681 = arith.cmpi sge, %sub3A_1677, %gather3A_1678 : vector<16xi32>
      %convert_element_type3A_1682 = arith.extui %ge3A_1681 : vector<16xi1> to vector<16xi32>
      %ge3A_1683 = arith.cmpi sge, %sub3A_1677, %gather3A_1679 : vector<16xi32>
      %convert_element_type3A_1684 = arith.extui %ge3A_1683 : vector<16xi1> to vector<16xi32>
      %mul3A_1685 = arith.constant 2 : i32
      %mul3A_1686 = vector.broadcast %mul3A_1685 : i32 to vector<16xi32>
      %mul3A_1687 = arith.muli %mul3A_1686, %gather3A_1679 : vector<16xi32>
      %ge3A_1688 = arith.cmpi sge, %sub3A_1677, %mul3A_1687 : vector<16xi32>
      %convert_element_type3A_1689 = arith.extui %ge3A_1688 : vector<16xi1> to vector<16xi32>
      %add3A_1690 = arith.addi %convert_element_type3A_1684, %convert_element_type3A_1689 : vector<16xi32>
      %mul3A_1691 = arith.constant 3 : i32
      %mul3A_1692 = vector.broadcast %mul3A_1691 : i32 to vector<16xi32>
      %mul3A_1693 = arith.muli %mul3A_1692, %gather3A_1679 : vector<16xi32>
      %ge3A_1694 = arith.cmpi sge, %sub3A_1677, %mul3A_1693 : vector<16xi32>
      %convert_element_type3A_1695 = arith.extui %ge3A_1694 : vector<16xi1> to vector<16xi32>
      %add3A_1696 = arith.addi %add3A_1690, %convert_element_type3A_1695 : vector<16xi32>
      %ge3A_1697 = arith.cmpi sge, %sub3A_1677, %gather3A_1680 : vector<16xi32>
      %convert_element_type3A_1698 = arith.extui %ge3A_1697 : vector<16xi1> to vector<16xi32>
      %mul3A_1699 = arith.constant 2 : i32
      %mul3A_1700 = vector.broadcast %mul3A_1699 : i32 to vector<16xi32>
      %mul3A_1701 = arith.muli %mul3A_1700, %gather3A_1680 : vector<16xi32>
      %ge3A_1702 = arith.cmpi sge, %sub3A_1677, %mul3A_1701 : vector<16xi32>
      %convert_element_type3A_1703 = arith.extui %ge3A_1702 : vector<16xi1> to vector<16xi32>
      %add3A_1704 = arith.addi %convert_element_type3A_1698, %convert_element_type3A_1703 : vector<16xi32>
      %mul3A_1705 = arith.constant 3 : i32
      %mul3A_1706 = vector.broadcast %mul3A_1705 : i32 to vector<16xi32>
      %mul3A_1707 = arith.muli %mul3A_1706, %gather3A_1680 : vector<16xi32>
      %ge3A_1708 = arith.cmpi sge, %sub3A_1677, %mul3A_1707 : vector<16xi32>
      %convert_element_type3A_1709 = arith.extui %ge3A_1708 : vector<16xi1> to vector<16xi32>
      %add3A_1710 = arith.addi %add3A_1704, %convert_element_type3A_1709 : vector<16xi32>
      %mul3A_1711 = arith.constant 4 : i32
      %mul3A_1712 = vector.broadcast %mul3A_1711 : i32 to vector<16xi32>
      %mul3A_1713 = arith.muli %mul3A_1712, %gather3A_1680 : vector<16xi32>
      %ge3A_1714 = arith.cmpi sge, %sub3A_1677, %mul3A_1713 : vector<16xi32>
      %convert_element_type3A_1715 = arith.extui %ge3A_1714 : vector<16xi1> to vector<16xi32>
      %add3A_1716 = arith.addi %add3A_1710, %convert_element_type3A_1715 : vector<16xi32>
      %mul3A_1717 = arith.constant 5 : i32
      %mul3A_1718 = vector.broadcast %mul3A_1717 : i32 to vector<16xi32>
      %mul3A_1719 = arith.muli %mul3A_1718, %gather3A_1680 : vector<16xi32>
      %ge3A_1720 = arith.cmpi sge, %sub3A_1677, %mul3A_1719 : vector<16xi32>
      %convert_element_type3A_1721 = arith.extui %ge3A_1720 : vector<16xi1> to vector<16xi32>
      %add3A_1722 = arith.addi %add3A_1716, %convert_element_type3A_1721 : vector<16xi32>
      %mul3A_1723 = arith.constant 6 : i32
      %mul3A_1724 = vector.broadcast %mul3A_1723 : i32 to vector<16xi32>
      %mul3A_1725 = arith.muli %mul3A_1724, %gather3A_1680 : vector<16xi32>
      %ge3A_1726 = arith.cmpi sge, %sub3A_1677, %mul3A_1725 : vector<16xi32>
      %convert_element_type3A_1727 = arith.extui %ge3A_1726 : vector<16xi1> to vector<16xi32>
      %add3A_1728 = arith.addi %add3A_1722, %convert_element_type3A_1727 : vector<16xi32>
      %mul3A_1729 = arith.constant 7 : i32
      %mul3A_1730 = vector.broadcast %mul3A_1729 : i32 to vector<16xi32>
      %mul3A_1731 = arith.muli %mul3A_1730, %gather3A_1680 : vector<16xi32>
      %ge3A_1732 = arith.cmpi sge, %sub3A_1677, %mul3A_1731 : vector<16xi32>
      %convert_element_type3A_1733 = arith.extui %ge3A_1732 : vector<16xi1> to vector<16xi32>
      %add3A_1734 = arith.addi %add3A_1728, %convert_element_type3A_1733 : vector<16xi32>
      %mul3A_1735 = arith.constant 15 : i32
      %mul3A_1736 = vector.broadcast %mul3A_1735 : i32 to vector<16xi32>
      %mul3A_1737 = arith.muli %add3A_1664, %mul3A_1736 : vector<16xi32>
      %jit3A_1738 = arith.constant 255 : i32
      %broadcast_in_dim3A_1739 = vector.broadcast %jit3A_1738 : i32 to vector<16xi32>
      %select_n3A_1740 = arith.select %lt3A_1666, %mul3A_1737, %broadcast_in_dim3A_1739 : vector<16xi1>, vector<16xi32>
      %swap3A_1741 = arith.constant 80 : index
      %swap3A_1742 = tpu.vector_load %arg7[%swap3A_1741] {strides = array<i32>} : memref<128xi32, #tpu.memory_space<vmem>>, vector<16xi32>,
      tpu.vector_store %arg7[%swap3A_1741], %select_n3A_1740 {strides = array<i32>} : memref<128xi32, #tpu.memory_space<vmem>>, vector<16xi32>,
      %add3A_1743 = arith.constant 1 : i32
      %add3A_1744 = vector.broadcast %add3A_1743 : i32 to vector<16xi32>
      %add3A_1745 = arith.addi %mul3A_1737, %add3A_1744 : vector<16xi32>
      %add3A_1746 = arith.addi %add3A_1745, %convert_element_type3A_1682 : vector<16xi32>
      %jit3A_1747 = arith.constant 255 : i32
      %broadcast_in_dim3A_1748 = vector.broadcast %jit3A_1747 : i32 to vector<16xi32>
      %select_n3A_1749 = arith.select %lt3A_1666, %add3A_1746, %broadcast_in_dim3A_1748 : vector<16xi1>, vector<16xi32>
      %swap3A_1750 = arith.constant 80 : index
      %swap3A_1751 = tpu.vector_load %arg8[%swap3A_1750] {strides = array<i32>} : memref<128xi32, #tpu.memory_space<vmem>>, vector<16xi32>,
      tpu.vector_store %arg8[%swap3A_1750], %select_n3A_1749 {strides = array<i32>} : memref<128xi32, #tpu.memory_space<vmem>>, vector<16xi32>,
      %add3A_1752 = arith.constant 3 : i32
      %add3A_1753 = vector.broadcast %add3A_1752 : i32 to vector<16xi32>
      %add3A_1754 = arith.addi %mul3A_1737, %add3A_1753 : vector<16xi32>
      %add3A_1755 = arith.addi %add3A_1754, %add3A_1696 : vector<16xi32>
      %jit3A_1756 = arith.constant 255 : i32
      %broadcast_in_dim3A_1757 = vector.broadcast %jit3A_1756 : i32 to vector<16xi32>
      %select_n3A_1758 = arith.select %lt3A_1666, %add3A_1755, %broadcast_in_dim3A_1757 : vector<16xi1>, vector<16xi32>
      %swap3A_1759 = arith.constant 80 : index
      %swap3A_1760 = tpu.vector_load %arg9[%swap3A_1759] {strides = array<i32>} : memref<128xi32, #tpu.memory_space<vmem>>, vector<16xi32>,
      tpu.vector_store %arg9[%swap3A_1759], %select_n3A_1758 {strides = array<i32>} : memref<128xi32, #tpu.memory_space<vmem>>, vector<16xi32>,
      %add3A_1761 = arith.constant 7 : i32
      %add3A_1762 = vector.broadcast %add3A_1761 : i32 to vector<16xi32>
      %add3A_1763 = arith.addi %mul3A_1737, %add3A_1762 : vector<16xi32>
      %add3A_1764 = arith.addi %add3A_1763, %add3A_1734 : vector<16xi32>
      %jit3A_1765 = arith.constant 255 : i32
      %broadcast_in_dim3A_1766 = vector.broadcast %jit3A_1765 : i32 to vector<16xi32>
      %select_n3A_1767 = arith.select %lt3A_1666, %add3A_1764, %broadcast_in_dim3A_1766 : vector<16xi1>, vector<16xi32>
      %swap3A_1768 = arith.constant 80 : index
      %swap3A_1769 = tpu.vector_load %arg10[%swap3A_1768] {strides = array<i32>} : memref<128xi32, #tpu.memory_space<vmem>>, vector<16xi32>,
      tpu.vector_store %arg10[%swap3A_1768], %select_n3A_1767 {strides = array<i32>} : memref<128xi32, #tpu.memory_space<vmem>>, vector<16xi32>,
      %sub3A_1770 = arith.subi %multiple_of3A_698, %multiple_of3A : i32
      %add3A_1771 = arith.constant 96 : i32
      %add3A_1772 = arith.addi %sub3A_1770, %add3A_1771 : i32
      %min3A_1773 = arith.constant 5232 : i32
      %min3A_1774 = arith.minsi %add3A_1772, %min3A_1773 : i32
      %get3A_1775 = arith.index_cast %min3A_1774 : i32 to index
      %get3A_1776 = tpu.vector_load %arg6[%get3A_1775] {strides = array<i32>} : memref<5248xi32, #tpu.memory_space<vmem>>, vector<16xi32>,
      %add3A_1777 = arith.constant 96 : i32
      %add3A_1778 = arith.addi %multiple_of3A_698, %add3A_1777 : i32
      %add3A_1779 = vector.broadcast %add3A_1778 : i32 to vector<16xi32>
      %add3A_1780 = arith.addi %add3A_1779, %iota3A : vector<16xi32>
      %ge3A_1781 = vector.broadcast %reduce_sum3A_52 : i32 to vector<16xi32>
      %ge3A_1782 = arith.cmpi sge, %add3A_1780, %ge3A_1781 : vector<16xi32>
      %convert_element_type3A_1783 = arith.extui %ge3A_1782 : vector<16xi1> to vector<16xi32>
      %ge3A_1784 = vector.broadcast %reduce_sum3A_62 : i32 to vector<16xi32>
      %ge3A_1785 = arith.cmpi sge, %add3A_1780, %ge3A_1784 : vector<16xi32>
      %convert_element_type3A_1786 = arith.extui %ge3A_1785 : vector<16xi1> to vector<16xi32>
      %add3A_1787 = arith.addi %convert_element_type3A_1783, %convert_element_type3A_1786 : vector<16xi32>
      %ge3A_1788 = vector.broadcast %reduce_sum3A_72 : i32 to vector<16xi32>
      %ge3A_1789 = arith.cmpi sge, %add3A_1780, %ge3A_1788 : vector<16xi32>
      %convert_element_type3A_1790 = arith.extui %ge3A_1789 : vector<16xi1> to vector<16xi32>
      %add3A_1791 = arith.addi %add3A_1787, %convert_element_type3A_1790 : vector<16xi32>
      %ge3A_1792 = vector.broadcast %reduce_sum3A_82 : i32 to vector<16xi32>
      %ge3A_1793 = arith.cmpi sge, %add3A_1780, %ge3A_1792 : vector<16xi32>
      %convert_element_type3A_1794 = arith.extui %ge3A_1793 : vector<16xi1> to vector<16xi32>
      %add3A_1795 = arith.addi %add3A_1791, %convert_element_type3A_1794 : vector<16xi32>
      %ge3A_1796 = vector.broadcast %reduce_sum3A_92 : i32 to vector<16xi32>
      %ge3A_1797 = arith.cmpi sge, %add3A_1780, %ge3A_1796 : vector<16xi32>
      %convert_element_type3A_1798 = arith.extui %ge3A_1797 : vector<16xi1> to vector<16xi32>
      %add3A_1799 = arith.addi %add3A_1795, %convert_element_type3A_1798 : vector<16xi32>
      %ge3A_1800 = vector.broadcast %reduce_sum3A_102 : i32 to vector<16xi32>
      %ge3A_1801 = arith.cmpi sge, %add3A_1780, %ge3A_1800 : vector<16xi32>
      %convert_element_type3A_1802 = arith.extui %ge3A_1801 : vector<16xi1> to vector<16xi32>
      %add3A_1803 = arith.addi %add3A_1799, %convert_element_type3A_1802 : vector<16xi32>
      %ge3A_1804 = vector.broadcast %reduce_sum3A_112 : i32 to vector<16xi32>
      %ge3A_1805 = arith.cmpi sge, %add3A_1780, %ge3A_1804 : vector<16xi32>
      %convert_element_type3A_1806 = arith.extui %ge3A_1805 : vector<16xi1> to vector<16xi32>
      %add3A_1807 = arith.addi %add3A_1803, %convert_element_type3A_1806 : vector<16xi32>
      %ge3A_1808 = vector.broadcast %reduce_sum3A_122 : i32 to vector<16xi32>
      %ge3A_1809 = arith.cmpi sge, %add3A_1780, %ge3A_1808 : vector<16xi32>
      %convert_element_type3A_1810 = arith.extui %ge3A_1809 : vector<16xi1> to vector<16xi32>
      %add3A_1811 = arith.addi %add3A_1807, %convert_element_type3A_1810 : vector<16xi32>
      %ge3A_1812 = vector.broadcast %reduce_sum3A_132 : i32 to vector<16xi32>
      %ge3A_1813 = arith.cmpi sge, %add3A_1780, %ge3A_1812 : vector<16xi32>
      %convert_element_type3A_1814 = arith.extui %ge3A_1813 : vector<16xi1> to vector<16xi32>
      %add3A_1815 = arith.addi %add3A_1811, %convert_element_type3A_1814 : vector<16xi32>
      %ge3A_1816 = vector.broadcast %reduce_sum3A_142 : i32 to vector<16xi32>
      %ge3A_1817 = arith.cmpi sge, %add3A_1780, %ge3A_1816 : vector<16xi32>
      %convert_element_type3A_1818 = arith.extui %ge3A_1817 : vector<16xi1> to vector<16xi32>
      %add3A_1819 = arith.addi %add3A_1815, %convert_element_type3A_1818 : vector<16xi32>
      %ge3A_1820 = vector.broadcast %reduce_sum3A_152 : i32 to vector<16xi32>
      %ge3A_1821 = arith.cmpi sge, %add3A_1780, %ge3A_1820 : vector<16xi32>
      %convert_element_type3A_1822 = arith.extui %ge3A_1821 : vector<16xi1> to vector<16xi32>
      %add3A_1823 = arith.addi %add3A_1819, %convert_element_type3A_1822 : vector<16xi32>
      %ge3A_1824 = vector.broadcast %reduce_sum3A_162 : i32 to vector<16xi32>
      %ge3A_1825 = arith.cmpi sge, %add3A_1780, %ge3A_1824 : vector<16xi32>
      %convert_element_type3A_1826 = arith.extui %ge3A_1825 : vector<16xi1> to vector<16xi32>
      %add3A_1827 = arith.addi %add3A_1823, %convert_element_type3A_1826 : vector<16xi32>
      %ge3A_1828 = vector.broadcast %reduce_sum3A_172 : i32 to vector<16xi32>
      %ge3A_1829 = arith.cmpi sge, %add3A_1780, %ge3A_1828 : vector<16xi32>
      %convert_element_type3A_1830 = arith.extui %ge3A_1829 : vector<16xi1> to vector<16xi32>
      %add3A_1831 = arith.addi %add3A_1827, %convert_element_type3A_1830 : vector<16xi32>
      %ge3A_1832 = vector.broadcast %reduce_sum3A_182 : i32 to vector<16xi32>
      %ge3A_1833 = arith.cmpi sge, %add3A_1780, %ge3A_1832 : vector<16xi32>
      %convert_element_type3A_1834 = arith.extui %ge3A_1833 : vector<16xi1> to vector<16xi32>
      %add3A_1835 = arith.addi %add3A_1831, %convert_element_type3A_1834 : vector<16xi32>
      %ge3A_1836 = vector.broadcast %reduce_sum3A_192 : i32 to vector<16xi32>
      %ge3A_1837 = arith.cmpi sge, %add3A_1780, %ge3A_1836 : vector<16xi32>
      %convert_element_type3A_1838 = arith.extui %ge3A_1837 : vector<16xi1> to vector<16xi32>
      %add3A_1839 = arith.addi %add3A_1835, %convert_element_type3A_1838 : vector<16xi32>
      %ge3A_1840 = vector.broadcast %reduce_sum3A_202 : i32 to vector<16xi32>
      %ge3A_1841 = arith.cmpi sge, %add3A_1780, %ge3A_1840 : vector<16xi32>
      %convert_element_type3A_1842 = arith.extui %ge3A_1841 : vector<16xi1> to vector<16xi32>
      %add3A_1843 = arith.addi %add3A_1839, %convert_element_type3A_1842 : vector<16xi32>
      %lt3A_1844 = vector.broadcast %reduce_sum3A_12 : i32 to vector<16xi32>
      %lt3A_1845 = arith.cmpi slt, %add3A_1780, %lt3A_1844 : vector<16xi32>
      %mul3A_1846 = arith.constant 64 : i32
      %mul3A_1847 = vector.broadcast %mul3A_1846 : i32 to vector<16xi32>
      %mul3A_1848 = arith.muli %add3A_1843, %mul3A_1847 : vector<16xi32>
      %add3A_1849 = arith.addi %mul3A_1848, %get3A_1776 : vector<16xi32>
      %unique3A_1850, %unique3A_1851 = tpu.scan_count mask(%lt3A_1845 : vector<16xi1>) value(%add3A_1849 : vector<16xi32>) : vector<16xi1>, vector<16xi32>
      %gather3A_1852 = tpu.vector_load_idx %arg11[%add3A_1849] : memref<1088xi32, #tpu.memory_space<vmem>>[vector<16xi32>], vector<16xi32>,
      %add3A_1853 = arith.addi %gather3A_1852, %unique3A_1851 : vector<16xi32>
      %sub3A_1854 = arith.constant 1 : i32
      %sub3A_1855 = vector.broadcast %sub3A_1854 : i32 to vector<16xi32>
      %sub3A_1856 = arith.subi %add3A_1853, %sub3A_1855 : vector<16xi32>
      tpu.vector_store_idx %arg11[%add3A_1849], %unique3A_1851 masked %unique3A_1850 {add = true} : memref<1088xi32, #tpu.memory_space<vmem>>[vector<16xi32>], vector<16xi32>, vector<16xi1>
      %gather3A_1857 = tpu.vector_load_idx %arg15[%add3A_1843] : memref<32xi32, #tpu.memory_space<vmem>>[vector<16xi32>], vector<16xi32>,
      %gather3A_1858 = tpu.vector_load_idx %arg16[%add3A_1843] : memref<32xi32, #tpu.memory_space<vmem>>[vector<16xi32>], vector<16xi32>,
      %gather3A_1859 = tpu.vector_load_idx %arg17[%add3A_1843] : memref<32xi32, #tpu.memory_space<vmem>>[vector<16xi32>], vector<16xi32>,
      %ge3A_1860 = arith.cmpi sge, %sub3A_1856, %gather3A_1857 : vector<16xi32>
      %convert_element_type3A_1861 = arith.extui %ge3A_1860 : vector<16xi1> to vector<16xi32>
      %ge3A_1862 = arith.cmpi sge, %sub3A_1856, %gather3A_1858 : vector<16xi32>
      %convert_element_type3A_1863 = arith.extui %ge3A_1862 : vector<16xi1> to vector<16xi32>
      %mul3A_1864 = arith.constant 2 : i32
      %mul3A_1865 = vector.broadcast %mul3A_1864 : i32 to vector<16xi32>
      %mul3A_1866 = arith.muli %mul3A_1865, %gather3A_1858 : vector<16xi32>
      %ge3A_1867 = arith.cmpi sge, %sub3A_1856, %mul3A_1866 : vector<16xi32>
      %convert_element_type3A_1868 = arith.extui %ge3A_1867 : vector<16xi1> to vector<16xi32>
      %add3A_1869 = arith.addi %convert_element_type3A_1863, %convert_element_type3A_1868 : vector<16xi32>
      %mul3A_1870 = arith.constant 3 : i32
      %mul3A_1871 = vector.broadcast %mul3A_1870 : i32 to vector<16xi32>
      %mul3A_1872 = arith.muli %mul3A_1871, %gather3A_1858 : vector<16xi32>
      %ge3A_1873 = arith.cmpi sge, %sub3A_1856, %mul3A_1872 : vector<16xi32>
      %convert_element_type3A_1874 = arith.extui %ge3A_1873 : vector<16xi1> to vector<16xi32>
      %add3A_1875 = arith.addi %add3A_1869, %convert_element_type3A_1874 : vector<16xi32>
      %ge3A_1876 = arith.cmpi sge, %sub3A_1856, %gather3A_1859 : vector<16xi32>
      %convert_element_type3A_1877 = arith.extui %ge3A_1876 : vector<16xi1> to vector<16xi32>
      %mul3A_1878 = arith.constant 2 : i32
      %mul3A_1879 = vector.broadcast %mul3A_1878 : i32 to vector<16xi32>
      %mul3A_1880 = arith.muli %mul3A_1879, %gather3A_1859 : vector<16xi32>
      %ge3A_1881 = arith.cmpi sge, %sub3A_1856, %mul3A_1880 : vector<16xi32>
      %convert_element_type3A_1882 = arith.extui %ge3A_1881 : vector<16xi1> to vector<16xi32>
      %add3A_1883 = arith.addi %convert_element_type3A_1877, %convert_element_type3A_1882 : vector<16xi32>
      %mul3A_1884 = arith.constant 3 : i32
      %mul3A_1885 = vector.broadcast %mul3A_1884 : i32 to vector<16xi32>
      %mul3A_1886 = arith.muli %mul3A_1885, %gather3A_1859 : vector<16xi32>
      %ge3A_1887 = arith.cmpi sge, %sub3A_1856, %mul3A_1886 : vector<16xi32>
      %convert_element_type3A_1888 = arith.extui %ge3A_1887 : vector<16xi1> to vector<16xi32>
      %add3A_1889 = arith.addi %add3A_1883, %convert_element_type3A_1888 : vector<16xi32>
      %mul3A_1890 = arith.constant 4 : i32
      %mul3A_1891 = vector.broadcast %mul3A_1890 : i32 to vector<16xi32>
      %mul3A_1892 = arith.muli %mul3A_1891, %gather3A_1859 : vector<16xi32>
      %ge3A_1893 = arith.cmpi sge, %sub3A_1856, %mul3A_1892 : vector<16xi32>
      %convert_element_type3A_1894 = arith.extui %ge3A_1893 : vector<16xi1> to vector<16xi32>
      %add3A_1895 = arith.addi %add3A_1889, %convert_element_type3A_1894 : vector<16xi32>
      %mul3A_1896 = arith.constant 5 : i32
      %mul3A_1897 = vector.broadcast %mul3A_1896 : i32 to vector<16xi32>
      %mul3A_1898 = arith.muli %mul3A_1897, %gather3A_1859 : vector<16xi32>
      %ge3A_1899 = arith.cmpi sge, %sub3A_1856, %mul3A_1898 : vector<16xi32>
      %convert_element_type3A_1900 = arith.extui %ge3A_1899 : vector<16xi1> to vector<16xi32>
      %add3A_1901 = arith.addi %add3A_1895, %convert_element_type3A_1900 : vector<16xi32>
      %mul3A_1902 = arith.constant 6 : i32
      %mul3A_1903 = vector.broadcast %mul3A_1902 : i32 to vector<16xi32>
      %mul3A_1904 = arith.muli %mul3A_1903, %gather3A_1859 : vector<16xi32>
      %ge3A_1905 = arith.cmpi sge, %sub3A_1856, %mul3A_1904 : vector<16xi32>
      %convert_element_type3A_1906 = arith.extui %ge3A_1905 : vector<16xi1> to vector<16xi32>
      %add3A_1907 = arith.addi %add3A_1901, %convert_element_type3A_1906 : vector<16xi32>
      %mul3A_1908 = arith.constant 7 : i32
      %mul3A_1909 = vector.broadcast %mul3A_1908 : i32 to vector<16xi32>
      %mul3A_1910 = arith.muli %mul3A_1909, %gather3A_1859 : vector<16xi32>
      %ge3A_1911 = arith.cmpi sge, %sub3A_1856, %mul3A_1910 : vector<16xi32>
      %convert_element_type3A_1912 = arith.extui %ge3A_1911 : vector<16xi1> to vector<16xi32>
      %add3A_1913 = arith.addi %add3A_1907, %convert_element_type3A_1912 : vector<16xi32>
      %mul3A_1914 = arith.constant 15 : i32
      %mul3A_1915 = vector.broadcast %mul3A_1914 : i32 to vector<16xi32>
      %mul3A_1916 = arith.muli %add3A_1843, %mul3A_1915 : vector<16xi32>
      %jit3A_1917 = arith.constant 255 : i32
      %broadcast_in_dim3A_1918 = vector.broadcast %jit3A_1917 : i32 to vector<16xi32>
      %select_n3A_1919 = arith.select %lt3A_1845, %mul3A_1916, %broadcast_in_dim3A_1918 : vector<16xi1>, vector<16xi32>
      %swap3A_1920 = arith.constant 96 : index
      %swap3A_1921 = tpu.vector_load %arg7[%swap3A_1920] {strides = array<i32>} : memref<128xi32, #tpu.memory_space<vmem>>, vector<16xi32>,
      tpu.vector_store %arg7[%swap3A_1920], %select_n3A_1919 {strides = array<i32>} : memref<128xi32, #tpu.memory_space<vmem>>, vector<16xi32>,
      %add3A_1922 = arith.constant 1 : i32
      %add3A_1923 = vector.broadcast %add3A_1922 : i32 to vector<16xi32>
      %add3A_1924 = arith.addi %mul3A_1916, %add3A_1923 : vector<16xi32>
      %add3A_1925 = arith.addi %add3A_1924, %convert_element_type3A_1861 : vector<16xi32>
      %jit3A_1926 = arith.constant 255 : i32
      %broadcast_in_dim3A_1927 = vector.broadcast %jit3A_1926 : i32 to vector<16xi32>
      %select_n3A_1928 = arith.select %lt3A_1845, %add3A_1925, %broadcast_in_dim3A_1927 : vector<16xi1>, vector<16xi32>
      %swap3A_1929 = arith.constant 96 : index
      %swap3A_1930 = tpu.vector_load %arg8[%swap3A_1929] {strides = array<i32>} : memref<128xi32, #tpu.memory_space<vmem>>, vector<16xi32>,
      tpu.vector_store %arg8[%swap3A_1929], %select_n3A_1928 {strides = array<i32>} : memref<128xi32, #tpu.memory_space<vmem>>, vector<16xi32>,
      %add3A_1931 = arith.constant 3 : i32
      %add3A_1932 = vector.broadcast %add3A_1931 : i32 to vector<16xi32>
      %add3A_1933 = arith.addi %mul3A_1916, %add3A_1932 : vector<16xi32>
      %add3A_1934 = arith.addi %add3A_1933, %add3A_1875 : vector<16xi32>
      %jit3A_1935 = arith.constant 255 : i32
      %broadcast_in_dim3A_1936 = vector.broadcast %jit3A_1935 : i32 to vector<16xi32>
      %select_n3A_1937 = arith.select %lt3A_1845, %add3A_1934, %broadcast_in_dim3A_1936 : vector<16xi1>, vector<16xi32>
      %swap3A_1938 = arith.constant 96 : index
      %swap3A_1939 = tpu.vector_load %arg9[%swap3A_1938] {strides = array<i32>} : memref<128xi32, #tpu.memory_space<vmem>>, vector<16xi32>,
      tpu.vector_store %arg9[%swap3A_1938], %select_n3A_1937 {strides = array<i32>} : memref<128xi32, #tpu.memory_space<vmem>>, vector<16xi32>,
      %add3A_1940 = arith.constant 7 : i32
      %add3A_1941 = vector.broadcast %add3A_1940 : i32 to vector<16xi32>
      %add3A_1942 = arith.addi %mul3A_1916, %add3A_1941 : vector<16xi32>
      %add3A_1943 = arith.addi %add3A_1942, %add3A_1913 : vector<16xi32>
      %jit3A_1944 = arith.constant 255 : i32
      %broadcast_in_dim3A_1945 = vector.broadcast %jit3A_1944 : i32 to vector<16xi32>
      %select_n3A_1946 = arith.select %lt3A_1845, %add3A_1943, %broadcast_in_dim3A_1945 : vector<16xi1>, vector<16xi32>
      %swap3A_1947 = arith.constant 96 : index
      %swap3A_1948 = tpu.vector_load %arg10[%swap3A_1947] {strides = array<i32>} : memref<128xi32, #tpu.memory_space<vmem>>, vector<16xi32>,
      tpu.vector_store %arg10[%swap3A_1947], %select_n3A_1946 {strides = array<i32>} : memref<128xi32, #tpu.memory_space<vmem>>, vector<16xi32>,
      %sub3A_1949 = arith.subi %multiple_of3A_698, %multiple_of3A : i32
      %add3A_1950 = arith.constant 112 : i32
      %add3A_1951 = arith.addi %sub3A_1949, %add3A_1950 : i32
      %min3A_1952 = arith.constant 5232 : i32
      %min3A_1953 = arith.minsi %add3A_1951, %min3A_1952 : i32
      %get3A_1954 = arith.index_cast %min3A_1953 : i32 to index
      %get3A_1955 = tpu.vector_load %arg6[%get3A_1954] {strides = array<i32>} : memref<5248xi32, #tpu.memory_space<vmem>>, vector<16xi32>,
      %add3A_1956 = arith.constant 112 : i32
      %add3A_1957 = arith.addi %multiple_of3A_698, %add3A_1956 : i32
      %add3A_1958 = vector.broadcast %add3A_1957 : i32 to vector<16xi32>
      %add3A_1959 = arith.addi %add3A_1958, %iota3A : vector<16xi32>
      %ge3A_1960 = vector.broadcast %reduce_sum3A_52 : i32 to vector<16xi32>
      %ge3A_1961 = arith.cmpi sge, %add3A_1959, %ge3A_1960 : vector<16xi32>
      %convert_element_type3A_1962 = arith.extui %ge3A_1961 : vector<16xi1> to vector<16xi32>
      %ge3A_1963 = vector.broadcast %reduce_sum3A_62 : i32 to vector<16xi32>
      %ge3A_1964 = arith.cmpi sge, %add3A_1959, %ge3A_1963 : vector<16xi32>
      %convert_element_type3A_1965 = arith.extui %ge3A_1964 : vector<16xi1> to vector<16xi32>
      %add3A_1966 = arith.addi %convert_element_type3A_1962, %convert_element_type3A_1965 : vector<16xi32>
      %ge3A_1967 = vector.broadcast %reduce_sum3A_72 : i32 to vector<16xi32>
      %ge3A_1968 = arith.cmpi sge, %add3A_1959, %ge3A_1967 : vector<16xi32>
      %convert_element_type3A_1969 = arith.extui %ge3A_1968 : vector<16xi1> to vector<16xi32>
      %add3A_1970 = arith.addi %add3A_1966, %convert_element_type3A_1969 : vector<16xi32>
      %ge3A_1971 = vector.broadcast %reduce_sum3A_82 : i32 to vector<16xi32>
      %ge3A_1972 = arith.cmpi sge, %add3A_1959, %ge3A_1971 : vector<16xi32>
      %convert_element_type3A_1973 = arith.extui %ge3A_1972 : vector<16xi1> to vector<16xi32>
      %add3A_1974 = arith.addi %add3A_1970, %convert_element_type3A_1973 : vector<16xi32>
      %ge3A_1975 = vector.broadcast %reduce_sum3A_92 : i32 to vector<16xi32>
      %ge3A_1976 = arith.cmpi sge, %add3A_1959, %ge3A_1975 : vector<16xi32>
      %convert_element_type3A_1977 = arith.extui %ge3A_1976 : vector<16xi1> to vector<16xi32>
      %add3A_1978 = arith.addi %add3A_1974, %convert_element_type3A_1977 : vector<16xi32>
      %ge3A_1979 = vector.broadcast %reduce_sum3A_102 : i32 to vector<16xi32>
      %ge3A_1980 = arith.cmpi sge, %add3A_1959, %ge3A_1979 : vector<16xi32>
      %convert_element_type3A_1981 = arith.extui %ge3A_1980 : vector<16xi1> to vector<16xi32>
      %add3A_1982 = arith.addi %add3A_1978, %convert_element_type3A_1981 : vector<16xi32>
      %ge3A_1983 = vector.broadcast %reduce_sum3A_112 : i32 to vector<16xi32>
      %ge3A_1984 = arith.cmpi sge, %add3A_1959, %ge3A_1983 : vector<16xi32>
      %convert_element_type3A_1985 = arith.extui %ge3A_1984 : vector<16xi1> to vector<16xi32>
      %add3A_1986 = arith.addi %add3A_1982, %convert_element_type3A_1985 : vector<16xi32>
      %ge3A_1987 = vector.broadcast %reduce_sum3A_122 : i32 to vector<16xi32>
      %ge3A_1988 = arith.cmpi sge, %add3A_1959, %ge3A_1987 : vector<16xi32>
      %convert_element_type3A_1989 = arith.extui %ge3A_1988 : vector<16xi1> to vector<16xi32>
      %add3A_1990 = arith.addi %add3A_1986, %convert_element_type3A_1989 : vector<16xi32>
      %ge3A_1991 = vector.broadcast %reduce_sum3A_132 : i32 to vector<16xi32>
      %ge3A_1992 = arith.cmpi sge, %add3A_1959, %ge3A_1991 : vector<16xi32>
      %convert_element_type3A_1993 = arith.extui %ge3A_1992 : vector<16xi1> to vector<16xi32>
      %add3A_1994 = arith.addi %add3A_1990, %convert_element_type3A_1993 : vector<16xi32>
      %ge3A_1995 = vector.broadcast %reduce_sum3A_142 : i32 to vector<16xi32>
      %ge3A_1996 = arith.cmpi sge, %add3A_1959, %ge3A_1995 : vector<16xi32>
      %convert_element_type3A_1997 = arith.extui %ge3A_1996 : vector<16xi1> to vector<16xi32>
      %add3A_1998 = arith.addi %add3A_1994, %convert_element_type3A_1997 : vector<16xi32>
      %ge3A_1999 = vector.broadcast %reduce_sum3A_152 : i32 to vector<16xi32>
      %ge3A_2000 = arith.cmpi sge, %add3A_1959, %ge3A_1999 : vector<16xi32>
      %convert_element_type3A_2001 = arith.extui %ge3A_2000 : vector<16xi1> to vector<16xi32>
      %add3A_2002 = arith.addi %add3A_1998, %convert_element_type3A_2001 : vector<16xi32>
      %ge3A_2003 = vector.broadcast %reduce_sum3A_162 : i32 to vector<16xi32>
      %ge3A_2004 = arith.cmpi sge, %add3A_1959, %ge3A_2003 : vector<16xi32>
      %convert_element_type3A_2005 = arith.extui %ge3A_2004 : vector<16xi1> to vector<16xi32>
      %add3A_2006 = arith.addi %add3A_2002, %convert_element_type3A_2005 : vector<16xi32>
      %ge3A_2007 = vector.broadcast %reduce_sum3A_172 : i32 to vector<16xi32>
      %ge3A_2008 = arith.cmpi sge, %add3A_1959, %ge3A_2007 : vector<16xi32>
      %convert_element_type3A_2009 = arith.extui %ge3A_2008 : vector<16xi1> to vector<16xi32>
      %add3A_2010 = arith.addi %add3A_2006, %convert_element_type3A_2009 : vector<16xi32>
      %ge3A_2011 = vector.broadcast %reduce_sum3A_182 : i32 to vector<16xi32>
      %ge3A_2012 = arith.cmpi sge, %add3A_1959, %ge3A_2011 : vector<16xi32>
      %convert_element_type3A_2013 = arith.extui %ge3A_2012 : vector<16xi1> to vector<16xi32>
      %add3A_2014 = arith.addi %add3A_2010, %convert_element_type3A_2013 : vector<16xi32>
      %ge3A_2015 = vector.broadcast %reduce_sum3A_192 : i32 to vector<16xi32>
      %ge3A_2016 = arith.cmpi sge, %add3A_1959, %ge3A_2015 : vector<16xi32>
      %convert_element_type3A_2017 = arith.extui %ge3A_2016 : vector<16xi1> to vector<16xi32>
      %add3A_2018 = arith.addi %add3A_2014, %convert_element_type3A_2017 : vector<16xi32>
      %ge3A_2019 = vector.broadcast %reduce_sum3A_202 : i32 to vector<16xi32>
      %ge3A_2020 = arith.cmpi sge, %add3A_1959, %ge3A_2019 : vector<16xi32>
      %convert_element_type3A_2021 = arith.extui %ge3A_2020 : vector<16xi1> to vector<16xi32>
      %add3A_2022 = arith.addi %add3A_2018, %convert_element_type3A_2021 : vector<16xi32>
      %lt3A_2023 = vector.broadcast %reduce_sum3A_12 : i32 to vector<16xi32>
      %lt3A_2024 = arith.cmpi slt, %add3A_1959, %lt3A_2023 : vector<16xi32>
      %mul3A_2025 = arith.constant 64 : i32
      %mul3A_2026 = vector.broadcast %mul3A_2025 : i32 to vector<16xi32>
      %mul3A_2027 = arith.muli %add3A_2022, %mul3A_2026 : vector<16xi32>
      %add3A_2028 = arith.addi %mul3A_2027, %get3A_1955 : vector<16xi32>
      %unique3A_2029, %unique3A_2030 = tpu.scan_count mask(%lt3A_2024 : vector<16xi1>) value(%add3A_2028 : vector<16xi32>) : vector<16xi1>, vector<16xi32>
      %gather3A_2031 = tpu.vector_load_idx %arg11[%add3A_2028] : memref<1088xi32, #tpu.memory_space<vmem>>[vector<16xi32>], vector<16xi32>,
      %add3A_2032 = arith.addi %gather3A_2031, %unique3A_2030 : vector<16xi32>
      %sub3A_2033 = arith.constant 1 : i32
      %sub3A_2034 = vector.broadcast %sub3A_2033 : i32 to vector<16xi32>
      %sub3A_2035 = arith.subi %add3A_2032, %sub3A_2034 : vector<16xi32>
      tpu.vector_store_idx %arg11[%add3A_2028], %unique3A_2030 masked %unique3A_2029 {add = true} : memref<1088xi32, #tpu.memory_space<vmem>>[vector<16xi32>], vector<16xi32>, vector<16xi1>
      %gather3A_2036 = tpu.vector_load_idx %arg15[%add3A_2022] : memref<32xi32, #tpu.memory_space<vmem>>[vector<16xi32>], vector<16xi32>,
      %gather3A_2037 = tpu.vector_load_idx %arg16[%add3A_2022] : memref<32xi32, #tpu.memory_space<vmem>>[vector<16xi32>], vector<16xi32>,
      %gather3A_2038 = tpu.vector_load_idx %arg17[%add3A_2022] : memref<32xi32, #tpu.memory_space<vmem>>[vector<16xi32>], vector<16xi32>,
      %ge3A_2039 = arith.cmpi sge, %sub3A_2035, %gather3A_2036 : vector<16xi32>
      %convert_element_type3A_2040 = arith.extui %ge3A_2039 : vector<16xi1> to vector<16xi32>
      %ge3A_2041 = arith.cmpi sge, %sub3A_2035, %gather3A_2037 : vector<16xi32>
      %convert_element_type3A_2042 = arith.extui %ge3A_2041 : vector<16xi1> to vector<16xi32>
      %mul3A_2043 = arith.constant 2 : i32
      %mul3A_2044 = vector.broadcast %mul3A_2043 : i32 to vector<16xi32>
      %mul3A_2045 = arith.muli %mul3A_2044, %gather3A_2037 : vector<16xi32>
      %ge3A_2046 = arith.cmpi sge, %sub3A_2035, %mul3A_2045 : vector<16xi32>
      %convert_element_type3A_2047 = arith.extui %ge3A_2046 : vector<16xi1> to vector<16xi32>
      %add3A_2048 = arith.addi %convert_element_type3A_2042, %convert_element_type3A_2047 : vector<16xi32>
      %mul3A_2049 = arith.constant 3 : i32
      %mul3A_2050 = vector.broadcast %mul3A_2049 : i32 to vector<16xi32>
      %mul3A_2051 = arith.muli %mul3A_2050, %gather3A_2037 : vector<16xi32>
      %ge3A_2052 = arith.cmpi sge, %sub3A_2035, %mul3A_2051 : vector<16xi32>
      %convert_element_type3A_2053 = arith.extui %ge3A_2052 : vector<16xi1> to vector<16xi32>
      %add3A_2054 = arith.addi %add3A_2048, %convert_element_type3A_2053 : vector<16xi32>
      %ge3A_2055 = arith.cmpi sge, %sub3A_2035, %gather3A_2038 : vector<16xi32>
      %convert_element_type3A_2056 = arith.extui %ge3A_2055 : vector<16xi1> to vector<16xi32>
      %mul3A_2057 = arith.constant 2 : i32
      %mul3A_2058 = vector.broadcast %mul3A_2057 : i32 to vector<16xi32>
      %mul3A_2059 = arith.muli %mul3A_2058, %gather3A_2038 : vector<16xi32>
      %ge3A_2060 = arith.cmpi sge, %sub3A_2035, %mul3A_2059 : vector<16xi32>
      %convert_element_type3A_2061 = arith.extui %ge3A_2060 : vector<16xi1> to vector<16xi32>
      %add3A_2062 = arith.addi %convert_element_type3A_2056, %convert_element_type3A_2061 : vector<16xi32>
      %mul3A_2063 = arith.constant 3 : i32
      %mul3A_2064 = vector.broadcast %mul3A_2063 : i32 to vector<16xi32>
      %mul3A_2065 = arith.muli %mul3A_2064, %gather3A_2038 : vector<16xi32>
      %ge3A_2066 = arith.cmpi sge, %sub3A_2035, %mul3A_2065 : vector<16xi32>
      %convert_element_type3A_2067 = arith.extui %ge3A_2066 : vector<16xi1> to vector<16xi32>
      %add3A_2068 = arith.addi %add3A_2062, %convert_element_type3A_2067 : vector<16xi32>
      %mul3A_2069 = arith.constant 4 : i32
      %mul3A_2070 = vector.broadcast %mul3A_2069 : i32 to vector<16xi32>
      %mul3A_2071 = arith.muli %mul3A_2070, %gather3A_2038 : vector<16xi32>
      %ge3A_2072 = arith.cmpi sge, %sub3A_2035, %mul3A_2071 : vector<16xi32>
      %convert_element_type3A_2073 = arith.extui %ge3A_2072 : vector<16xi1> to vector<16xi32>
      %add3A_2074 = arith.addi %add3A_2068, %convert_element_type3A_2073 : vector<16xi32>
      %mul3A_2075 = arith.constant 5 : i32
      %mul3A_2076 = vector.broadcast %mul3A_2075 : i32 to vector<16xi32>
      %mul3A_2077 = arith.muli %mul3A_2076, %gather3A_2038 : vector<16xi32>
      %ge3A_2078 = arith.cmpi sge, %sub3A_2035, %mul3A_2077 : vector<16xi32>
      %convert_element_type3A_2079 = arith.extui %ge3A_2078 : vector<16xi1> to vector<16xi32>
      %add3A_2080 = arith.addi %add3A_2074, %convert_element_type3A_2079 : vector<16xi32>
      %mul3A_2081 = arith.constant 6 : i32
      %mul3A_2082 = vector.broadcast %mul3A_2081 : i32 to vector<16xi32>
      %mul3A_2083 = arith.muli %mul3A_2082, %gather3A_2038 : vector<16xi32>
      %ge3A_2084 = arith.cmpi sge, %sub3A_2035, %mul3A_2083 : vector<16xi32>
      %convert_element_type3A_2085 = arith.extui %ge3A_2084 : vector<16xi1> to vector<16xi32>
      %add3A_2086 = arith.addi %add3A_2080, %convert_element_type3A_2085 : vector<16xi32>
      %mul3A_2087 = arith.constant 7 : i32
      %mul3A_2088 = vector.broadcast %mul3A_2087 : i32 to vector<16xi32>
      %mul3A_2089 = arith.muli %mul3A_2088, %gather3A_2038 : vector<16xi32>
      %ge3A_2090 = arith.cmpi sge, %sub3A_2035, %mul3A_2089 : vector<16xi32>
      %convert_element_type3A_2091 = arith.extui %ge3A_2090 : vector<16xi1> to vector<16xi32>
      %add3A_2092 = arith.addi %add3A_2086, %convert_element_type3A_2091 : vector<16xi32>
      %mul3A_2093 = arith.constant 15 : i32
      %mul3A_2094 = vector.broadcast %mul3A_2093 : i32 to vector<16xi32>
      %mul3A_2095 = arith.muli %add3A_2022, %mul3A_2094 : vector<16xi32>
      %jit3A_2096 = arith.constant 255 : i32
      %broadcast_in_dim3A_2097 = vector.broadcast %jit3A_2096 : i32 to vector<16xi32>
      %select_n3A_2098 = arith.select %lt3A_2024, %mul3A_2095, %broadcast_in_dim3A_2097 : vector<16xi1>, vector<16xi32>
      %swap3A_2099 = arith.constant 112 : index
      %swap3A_2100 = tpu.vector_load %arg7[%swap3A_2099] {strides = array<i32>} : memref<128xi32, #tpu.memory_space<vmem>>, vector<16xi32>,
      tpu.vector_store %arg7[%swap3A_2099], %select_n3A_2098 {strides = array<i32>} : memref<128xi32, #tpu.memory_space<vmem>>, vector<16xi32>,
      %add3A_2101 = arith.constant 1 : i32
      %add3A_2102 = vector.broadcast %add3A_2101 : i32 to vector<16xi32>
      %add3A_2103 = arith.addi %mul3A_2095, %add3A_2102 : vector<16xi32>
      %add3A_2104 = arith.addi %add3A_2103, %convert_element_type3A_2040 : vector<16xi32>
      %jit3A_2105 = arith.constant 255 : i32
      %broadcast_in_dim3A_2106 = vector.broadcast %jit3A_2105 : i32 to vector<16xi32>
      %select_n3A_2107 = arith.select %lt3A_2024, %add3A_2104, %broadcast_in_dim3A_2106 : vector<16xi1>, vector<16xi32>
      %swap3A_2108 = arith.constant 112 : index
      %swap3A_2109 = tpu.vector_load %arg8[%swap3A_2108] {strides = array<i32>} : memref<128xi32, #tpu.memory_space<vmem>>, vector<16xi32>,
      tpu.vector_store %arg8[%swap3A_2108], %select_n3A_2107 {strides = array<i32>} : memref<128xi32, #tpu.memory_space<vmem>>, vector<16xi32>,
      %add3A_2110 = arith.constant 3 : i32
      %add3A_2111 = vector.broadcast %add3A_2110 : i32 to vector<16xi32>
      %add3A_2112 = arith.addi %mul3A_2095, %add3A_2111 : vector<16xi32>
      %add3A_2113 = arith.addi %add3A_2112, %add3A_2054 : vector<16xi32>
      %jit3A_2114 = arith.constant 255 : i32
      %broadcast_in_dim3A_2115 = vector.broadcast %jit3A_2114 : i32 to vector<16xi32>
      %select_n3A_2116 = arith.select %lt3A_2024, %add3A_2113, %broadcast_in_dim3A_2115 : vector<16xi1>, vector<16xi32>
      %swap3A_2117 = arith.constant 112 : index
      %swap3A_2118 = tpu.vector_load %arg9[%swap3A_2117] {strides = array<i32>} : memref<128xi32, #tpu.memory_space<vmem>>, vector<16xi32>,
      tpu.vector_store %arg9[%swap3A_2117], %select_n3A_2116 {strides = array<i32>} : memref<128xi32, #tpu.memory_space<vmem>>, vector<16xi32>,
      %add3A_2119 = arith.constant 7 : i32
      %add3A_2120 = vector.broadcast %add3A_2119 : i32 to vector<16xi32>
      %add3A_2121 = arith.addi %mul3A_2095, %add3A_2120 : vector<16xi32>
      %add3A_2122 = arith.addi %add3A_2121, %add3A_2092 : vector<16xi32>
      %jit3A_2123 = arith.constant 255 : i32
      %broadcast_in_dim3A_2124 = vector.broadcast %jit3A_2123 : i32 to vector<16xi32>
      %select_n3A_2125 = arith.select %lt3A_2024, %add3A_2122, %broadcast_in_dim3A_2124 : vector<16xi1>, vector<16xi32>
      %swap3A_2126 = arith.constant 112 : index
      %swap3A_2127 = tpu.vector_load %arg10[%swap3A_2126] {strides = array<i32>} : memref<128xi32, #tpu.memory_space<vmem>>, vector<16xi32>,
      tpu.vector_store %arg10[%swap3A_2126], %select_n3A_2125 {strides = array<i32>} : memref<128xi32, #tpu.memory_space<vmem>>, vector<16xi32>,
      %run_scoped3A = arith.constant 0 : i32
      "tpu.region"() ({
        %run_scoped3A_2131 = tpu.sem_alloc : memref<!tpu.dma_semaphore, #tpu.memory_space<semaphore_mem>>
        %dma_start3A = tpu.memref_slice %arg5[%run_scoped3A, %multiple_of3A_698] : memref<4x32768xi32, #tpu.memory_space<hbm>> -> memref<1x128xi32, #tpu.memory_space<hbm>>
        %dma_start3A_2132 = tpu.memref_squeeze %dma_start3A : memref<1x128xi32, #tpu.memory_space<hbm>> -> memref<128xi32, #tpu.memory_space<hbm>>
        %dma_start3A_2133 = tpu.memref_slice %arg5[%run_scoped3A, %multiple_of3A_698] : memref<4x32768xi32, #tpu.memory_space<hbm>> -> memref<1x128xi32, #tpu.memory_space<hbm>>
        %dma_start3A_2134 = tpu.memref_squeeze %dma_start3A_2133 : memref<1x128xi32, #tpu.memory_space<hbm>> -> memref<128xi32, #tpu.memory_space<hbm>>
        tpu.enqueue_dma source(%arg7 : memref<128xi32, #tpu.memory_space<vmem>>) target(%dma_start3A_2134 : memref<128xi32, #tpu.memory_space<hbm>>) target_semaphore(%run_scoped3A_2131 : memref<!tpu.dma_semaphore, #tpu.memory_space<semaphore_mem>>)
        %dma_wait3A = tpu.memref_slice %arg5[%run_scoped3A, %multiple_of3A_698] : memref<4x32768xi32, #tpu.memory_space<hbm>> -> memref<1x128xi32, #tpu.memory_space<hbm>>
        %dma_wait3A_2135 = tpu.memref_squeeze %dma_wait3A : memref<1x128xi32, #tpu.memory_space<hbm>> -> memref<128xi32, #tpu.memory_space<hbm>>
        %dma_wait3A_2136 = tpu.memref_slice %arg5[%run_scoped3A, %multiple_of3A_698] : memref<4x32768xi32, #tpu.memory_space<hbm>> -> memref<1x128xi32, #tpu.memory_space<hbm>>
        %dma_wait3A_2137 = tpu.memref_squeeze %dma_wait3A_2136 : memref<1x128xi32, #tpu.memory_space<hbm>> -> memref<128xi32, #tpu.memory_space<hbm>>
        tpu.wait_dma2 semaphore(%run_scoped3A_2131 : memref<!tpu.dma_semaphore, #tpu.memory_space<semaphore_mem>>) src(%arg7 : memref<128xi32, #tpu.memory_space<vmem>>) dst(%dma_wait3A_2137 : memref<128xi32, #tpu.memory_space<hbm>>)
        tpu.yield
      }) : () -> ()
      %run_scoped3A_2128 = arith.constant 1 : i32
      "tpu.region"() ({
        %run_scoped3A_2131 = tpu.sem_alloc : memref<!tpu.dma_semaphore, #tpu.memory_space<semaphore_mem>>
        %dma_start3A = tpu.memref_slice %arg5[%run_scoped3A_2128, %multiple_of3A_698] : memref<4x32768xi32, #tpu.memory_space<hbm>> -> memref<1x128xi32, #tpu.memory_space<hbm>>
        %dma_start3A_2132 = tpu.memref_squeeze %dma_start3A : memref<1x128xi32, #tpu.memory_space<hbm>> -> memref<128xi32, #tpu.memory_space<hbm>>
        %dma_start3A_2133 = tpu.memref_slice %arg5[%run_scoped3A_2128, %multiple_of3A_698] : memref<4x32768xi32, #tpu.memory_space<hbm>> -> memref<1x128xi32, #tpu.memory_space<hbm>>
        %dma_start3A_2134 = tpu.memref_squeeze %dma_start3A_2133 : memref<1x128xi32, #tpu.memory_space<hbm>> -> memref<128xi32, #tpu.memory_space<hbm>>
        tpu.enqueue_dma source(%arg8 : memref<128xi32, #tpu.memory_space<vmem>>) target(%dma_start3A_2134 : memref<128xi32, #tpu.memory_space<hbm>>) target_semaphore(%run_scoped3A_2131 : memref<!tpu.dma_semaphore, #tpu.memory_space<semaphore_mem>>)
        %dma_wait3A = tpu.memref_slice %arg5[%run_scoped3A_2128, %multiple_of3A_698] : memref<4x32768xi32, #tpu.memory_space<hbm>> -> memref<1x128xi32, #tpu.memory_space<hbm>>
        %dma_wait3A_2135 = tpu.memref_squeeze %dma_wait3A : memref<1x128xi32, #tpu.memory_space<hbm>> -> memref<128xi32, #tpu.memory_space<hbm>>
        %dma_wait3A_2136 = tpu.memref_slice %arg5[%run_scoped3A_2128, %multiple_of3A_698] : memref<4x32768xi32, #tpu.memory_space<hbm>> -> memref<1x128xi32, #tpu.memory_space<hbm>>
        %dma_wait3A_2137 = tpu.memref_squeeze %dma_wait3A_2136 : memref<1x128xi32, #tpu.memory_space<hbm>> -> memref<128xi32, #tpu.memory_space<hbm>>
        tpu.wait_dma2 semaphore(%run_scoped3A_2131 : memref<!tpu.dma_semaphore, #tpu.memory_space<semaphore_mem>>) src(%arg8 : memref<128xi32, #tpu.memory_space<vmem>>) dst(%dma_wait3A_2137 : memref<128xi32, #tpu.memory_space<hbm>>)
        tpu.yield
      }) : () -> ()
      %run_scoped3A_2129 = arith.constant 2 : i32
      "tpu.region"() ({
        %run_scoped3A_2131 = tpu.sem_alloc : memref<!tpu.dma_semaphore, #tpu.memory_space<semaphore_mem>>
        %dma_start3A = tpu.memref_slice %arg5[%run_scoped3A_2129, %multiple_of3A_698] : memref<4x32768xi32, #tpu.memory_space<hbm>> -> memref<1x128xi32, #tpu.memory_space<hbm>>
        %dma_start3A_2132 = tpu.memref_squeeze %dma_start3A : memref<1x128xi32, #tpu.memory_space<hbm>> -> memref<128xi32, #tpu.memory_space<hbm>>
        %dma_start3A_2133 = tpu.memref_slice %arg5[%run_scoped3A_2129, %multiple_of3A_698] : memref<4x32768xi32, #tpu.memory_space<hbm>> -> memref<1x128xi32, #tpu.memory_space<hbm>>
        %dma_start3A_2134 = tpu.memref_squeeze %dma_start3A_2133 : memref<1x128xi32, #tpu.memory_space<hbm>> -> memref<128xi32, #tpu.memory_space<hbm>>
        tpu.enqueue_dma source(%arg9 : memref<128xi32, #tpu.memory_space<vmem>>) target(%dma_start3A_2134 : memref<128xi32, #tpu.memory_space<hbm>>) target_semaphore(%run_scoped3A_2131 : memref<!tpu.dma_semaphore, #tpu.memory_space<semaphore_mem>>)
        %dma_wait3A = tpu.memref_slice %arg5[%run_scoped3A_2129, %multiple_of3A_698] : memref<4x32768xi32, #tpu.memory_space<hbm>> -> memref<1x128xi32, #tpu.memory_space<hbm>>
        %dma_wait3A_2135 = tpu.memref_squeeze %dma_wait3A : memref<1x128xi32, #tpu.memory_space<hbm>> -> memref<128xi32, #tpu.memory_space<hbm>>
        %dma_wait3A_2136 = tpu.memref_slice %arg5[%run_scoped3A_2129, %multiple_of3A_698] : memref<4x32768xi32, #tpu.memory_space<hbm>> -> memref<1x128xi32, #tpu.memory_space<hbm>>
        %dma_wait3A_2137 = tpu.memref_squeeze %dma_wait3A_2136 : memref<1x128xi32, #tpu.memory_space<hbm>> -> memref<128xi32, #tpu.memory_space<hbm>>
        tpu.wait_dma2 semaphore(%run_scoped3A_2131 : memref<!tpu.dma_semaphore, #tpu.memory_space<semaphore_mem>>) src(%arg9 : memref<128xi32, #tpu.memory_space<vmem>>) dst(%dma_wait3A_2137 : memref<128xi32, #tpu.memory_space<hbm>>)
        tpu.yield
      }) : () -> ()
      %run_scoped3A_2130 = arith.constant 3 : i32
      "tpu.region"() ({
        %run_scoped3A_2131 = tpu.sem_alloc : memref<!tpu.dma_semaphore, #tpu.memory_space<semaphore_mem>>
        %dma_start3A = tpu.memref_slice %arg5[%run_scoped3A_2130, %multiple_of3A_698] : memref<4x32768xi32, #tpu.memory_space<hbm>> -> memref<1x128xi32, #tpu.memory_space<hbm>>
        %dma_start3A_2132 = tpu.memref_squeeze %dma_start3A : memref<1x128xi32, #tpu.memory_space<hbm>> -> memref<128xi32, #tpu.memory_space<hbm>>
        %dma_start3A_2133 = tpu.memref_slice %arg5[%run_scoped3A_2130, %multiple_of3A_698] : memref<4x32768xi32, #tpu.memory_space<hbm>> -> memref<1x128xi32, #tpu.memory_space<hbm>>
        %dma_start3A_2134 = tpu.memref_squeeze %dma_start3A_2133 : memref<1x128xi32, #tpu.memory_space<hbm>> -> memref<128xi32, #tpu.memory_space<hbm>>
        tpu.enqueue_dma source(%arg10 : memref<128xi32, #tpu.memory_space<vmem>>) target(%dma_start3A_2134 : memref<128xi32, #tpu.memory_space<hbm>>) target_semaphore(%run_scoped3A_2131 : memref<!tpu.dma_semaphore, #tpu.memory_space<semaphore_mem>>)
        %dma_wait3A = tpu.memref_slice %arg5[%run_scoped3A_2130, %multiple_of3A_698] : memref<4x32768xi32, #tpu.memory_space<hbm>> -> memref<1x128xi32, #tpu.memory_space<hbm>>
        %dma_wait3A_2135 = tpu.memref_squeeze %dma_wait3A : memref<1x128xi32, #tpu.memory_space<hbm>> -> memref<128xi32, #tpu.memory_space<hbm>>
        %dma_wait3A_2136 = tpu.memref_slice %arg5[%run_scoped3A_2130, %multiple_of3A_698] : memref<4x32768xi32, #tpu.memory_space<hbm>> -> memref<1x128xi32, #tpu.memory_space<hbm>>
        %dma_wait3A_2137 = tpu.memref_squeeze %dma_wait3A_2136 : memref<1x128xi32, #tpu.memory_space<hbm>> -> memref<128xi32, #tpu.memory_space<hbm>>
        tpu.wait_dma2 semaphore(%run_scoped3A_2131 : memref<!tpu.dma_semaphore, #tpu.memory_space<semaphore_mem>>) src(%arg10 : memref<128xi32, #tpu.memory_space<vmem>>) dst(%dma_wait3A_2137 : memref<128xi32, #tpu.memory_space<hbm>>)
        tpu.yield
      }) : () -> ()
    }
    %scan3A_693 = arith.constant 8 : i32
    return
  }
}

module attributes {stable_mosaic.version = 14 : i64} {
  func.func @_acc_body(%arg0: i32, %arg1: memref<4x4096xi32, #tpu.memory_space<vmem>>, %arg2: memref<4096x256xf32, #tpu.memory_space<vmem>>, %arg3: memref<256x256xf32, #tpu.memory_space<vmem>>, %arg4: memref<16x3840xf32, #tpu.memory_space<vmem>>, %arg5: memref<256x256xf32, #tpu.memory_space<vmem>>) attributes {dimension_semantics = [#tpu.dimension_semantics<arbitrary>], iteration_bounds = array<i64: 8>, scalar_prefetch = 0 : i64, scratch_operands = 1 : i64, tpu.core_type = #tpu.core_type<tc>, window_params = [{transform_indices = @transform_0, window_bounds = array<i64: 4, 4096>}, {transform_indices = @transform_1, window_bounds = array<i64: 4096, 256>}, {pipeline_mode = #tpu.pipeline_mode<synchronous>, transform_indices = @transform_2, window_bounds = array<i64: 256, 256>}, {pipeline_mode = #tpu.pipeline_mode<synchronous>, transform_indices = @transform_3, window_bounds = array<i64: 16, 3840>}]} {
    %eq3A = arith.constant 0 : i32
    %eq3A_0 = arith.cmpi eq, %arg0, %eq3A : i32
    %convert_element_type3A = arith.extui %eq3A_0 : i1 to i32
    %cond3A = arith.constant 0 : i32
    %cond3A_1 = arith.cmpi ne, %convert_element_type3A, %cond3A : i32
    scf.if %cond3A_1 {
      %broadcast_in_dim3A = arith.constant 0.000000e+00 : f32
      %broadcast_in_dim3A_45 = vector.broadcast %broadcast_in_dim3A : f32 to vector<256x256xf32>
      %swap3A_46 = arith.constant 0 : index
      %swap3A_47 = arith.constant 0 : index
      %swap3A_48 = vector.load %arg5[%swap3A_46, %swap3A_47] : memref<256x256xf32, #tpu.memory_space<vmem>>, vector<256x256xf32>
      tpu.vector_store %arg5[%swap3A_46, %swap3A_47], %broadcast_in_dim3A_45 {strides = array<i32>} : memref<256x256xf32, #tpu.memory_space<vmem>>, vector<256x256xf32>,
    } else {
    }
    %get3A = arith.constant 0 : index
    %get3A_2 = arith.constant 0 : index
    %get3A_3 = vector.load %arg1[%get3A, %get3A_2] : memref<4x4096xi32, #tpu.memory_space<vmem>>, vector<4x4096xi32>
    %get3A_4 = arith.constant 0 : index
    %get3A_5 = arith.constant 0 : index
    %get3A_6 = vector.load %arg2[%get3A_4, %get3A_5] : memref<4096x256xf32, #tpu.memory_space<vmem>>, vector<4096x256xf32>
    %iota3A = tpu.iota {dimensions = array<i32: 0>} : vector<256x4096xi32>
    %slice3A = vector.extract_strided_slice %get3A_3 {offsets = [0, 0], sizes = [1, 4096], strides = [1, 1]} : vector<4x4096xi32> to vector<1x4096xi32>
    %eq3A_7 = vector.broadcast %slice3A : vector<1x4096xi32> to vector<256x4096xi32>
    %eq3A_8 = arith.cmpi eq, %iota3A, %eq3A_7 : vector<256x4096xi32>
    %convert_element_type3A_9 = arith.extui %eq3A_8 : vector<256x4096xi1> to vector<256x4096xi32>
    %convert_element_type3A_10 = arith.sitofp %convert_element_type3A_9 : vector<256x4096xi32> to vector<256x4096xf32>
    %convert_element_type3A_11 = arith.truncf %convert_element_type3A_10 : vector<256x4096xf32> to vector<256x4096xbf16>
    %slice3A_12 = vector.extract_strided_slice %get3A_3 {offsets = [1, 0], sizes = [1, 4096], strides = [1, 1]} : vector<4x4096xi32> to vector<1x4096xi32>
    %eq3A_13 = vector.broadcast %slice3A_12 : vector<1x4096xi32> to vector<256x4096xi32>
    %eq3A_14 = arith.cmpi eq, %iota3A, %eq3A_13 : vector<256x4096xi32>
    %convert_element_type3A_15 = arith.extui %eq3A_14 : vector<256x4096xi1> to vector<256x4096xi32>
    %convert_element_type3A_16 = arith.sitofp %convert_element_type3A_15 : vector<256x4096xi32> to vector<256x4096xf32>
    %convert_element_type3A_17 = arith.truncf %convert_element_type3A_16 : vector<256x4096xf32> to vector<256x4096xbf16>
    %add3A = arith.addf %convert_element_type3A_11, %convert_element_type3A_17 : vector<256x4096xbf16>
    %slice3A_18 = vector.extract_strided_slice %get3A_3 {offsets = [2, 0], sizes = [1, 4096], strides = [1, 1]} : vector<4x4096xi32> to vector<1x4096xi32>
    %eq3A_19 = vector.broadcast %slice3A_18 : vector<1x4096xi32> to vector<256x4096xi32>
    %eq3A_20 = arith.cmpi eq, %iota3A, %eq3A_19 : vector<256x4096xi32>
    %convert_element_type3A_21 = arith.extui %eq3A_20 : vector<256x4096xi1> to vector<256x4096xi32>
    %convert_element_type3A_22 = arith.sitofp %convert_element_type3A_21 : vector<256x4096xi32> to vector<256x4096xf32>
    %convert_element_type3A_23 = arith.truncf %convert_element_type3A_22 : vector<256x4096xf32> to vector<256x4096xbf16>
    %add3A_24 = arith.addf %add3A, %convert_element_type3A_23 : vector<256x4096xbf16>
    %slice3A_25 = vector.extract_strided_slice %get3A_3 {offsets = [3, 0], sizes = [1, 4096], strides = [1, 1]} : vector<4x4096xi32> to vector<1x4096xi32>
    %eq3A_26 = vector.broadcast %slice3A_25 : vector<1x4096xi32> to vector<256x4096xi32>
    %eq3A_27 = arith.cmpi eq, %iota3A, %eq3A_26 : vector<256x4096xi32>
    %convert_element_type3A_28 = arith.extui %eq3A_27 : vector<256x4096xi1> to vector<256x4096xi32>
    %convert_element_type3A_29 = arith.sitofp %convert_element_type3A_28 : vector<256x4096xi32> to vector<256x4096xf32>
    %convert_element_type3A_30 = arith.truncf %convert_element_type3A_29 : vector<256x4096xf32> to vector<256x4096xbf16>
    %add3A_31 = arith.addf %add3A_24, %convert_element_type3A_30 : vector<256x4096xbf16>
    %get3A_32 = arith.constant 0 : index
    %get3A_33 = arith.constant 0 : index
    %get3A_34 = vector.load %arg5[%get3A_32, %get3A_33] : memref<256x256xf32, #tpu.memory_space<vmem>>, vector<256x256xf32>
    %convert_element_type3A_35 = arith.truncf %get3A_6 : vector<4096x256xf32> to vector<4096x256xbf16>
    %dot_general3A = arith.constant dense<0.000000e+00> : vector<256x256xf32>
    %dot_general3A_36 = tpu.matmul %add3A_31, %convert_element_type3A_35, %dot_general3A {dimension_numbers = #tpu.dot_dimension_numbers<[1], [0], [0], [1], [0, 0, 1, 1], [], []>, transpose_lhs_hint = false} : vector<256x4096xbf16>, vector<4096x256xbf16>, vector<256x256xf32> -> vector<256x256xf32>
    %add3A_37 = arith.addf %get3A_34, %dot_general3A_36 : vector<256x256xf32>
    %swap3A = arith.constant 0 : index
    %swap3A_38 = arith.constant 0 : index
    %swap3A_39 = vector.load %arg5[%swap3A, %swap3A_38] : memref<256x256xf32, #tpu.memory_space<vmem>>, vector<256x256xf32>
    tpu.vector_store %arg5[%swap3A, %swap3A_38], %add3A_37 {strides = array<i32>} : memref<256x256xf32, #tpu.memory_space<vmem>>, vector<256x256xf32>,
    %eq3A_40 = arith.constant 7 : i32
    %eq3A_41 = arith.cmpi eq, %arg0, %eq3A_40 : i32
    %convert_element_type3A_42 = arith.extui %eq3A_41 : i1 to i32
    %cond3A_43 = arith.constant 0 : i32
    %cond3A_44 = arith.cmpi ne, %convert_element_type3A_42, %cond3A_43 : i32
    scf.if %cond3A_44 {
      %get3A_45 = arith.constant 0 : index
      %get3A_46 = arith.constant 0 : index
      %get3A_47 = vector.load %arg5[%get3A_45, %get3A_46] : memref<256x256xf32, #tpu.memory_space<vmem>>, vector<256x256xf32>
      %get3A_48 = arith.constant 0 : index
      %get3A_49 = arith.constant 0 : index
      %get3A_50 = vector.load %arg3[%get3A_48, %get3A_49] : memref<256x256xf32, #tpu.memory_space<vmem>>, vector<256x256xf32>
      %mul3A = arith.mulf %get3A_47, %get3A_50 : vector<256x256xf32>
      %slice3A_51 = vector.extract_strided_slice %mul3A {offsets = [0, 0], sizes = [240, 256], strides = [1, 1]} : vector<256x256xf32> to vector<240x256xf32>
      %reshape3A = vector.shape_cast %slice3A_51 : vector<240x256xf32> to vector<16x15x256xf32>
      %transpose3A = tpu.transpose %reshape3A, [0, 2, 1] : vector<16x15x256xf32> -> vector<16x256x15xf32>
      %reshape3A_52 = vector.shape_cast %transpose3A : vector<16x256x15xf32> to vector<16x3840xf32>
      %swap3A_53 = arith.constant 0 : index
      %swap3A_54 = arith.constant 0 : index
      %swap3A_55 = vector.load %arg4[%swap3A_53, %swap3A_54] : memref<16x3840xf32, #tpu.memory_space<vmem>>, vector<16x3840xf32>
      tpu.vector_store %arg4[%swap3A_53, %swap3A_54], %reshape3A_52 {strides = array<i32>} : memref<16x3840xf32, #tpu.memory_space<vmem>>, vector<16x3840xf32>,
    } else {
    }
    return
  }
  func.func @transform_0(%arg0: i32) -> (i32, i32) {
    %c0_i32 = arith.constant 0 : i32
    %c0_i32_0 = arith.constant 0 : i32
    return %c0_i32, %arg0 : i32, i32
  }
  func.func @transform_1(%arg0: i32) -> (i32, i32) {
    %c0_i32 = arith.constant 0 : i32
    %c0_i32_0 = arith.constant 0 : i32
    return %arg0, %c0_i32 : i32, i32
  }
  func.func @transform_2(%arg0: i32) -> (i32, i32) {
    %c0_i32 = arith.constant 0 : i32
    %c0_i32_0 = arith.constant 0 : i32
    %c0_i32_1 = arith.constant 0 : i32
    return %c0_i32, %c0_i32_0 : i32, i32
  }
  func.func @transform_3(%arg0: i32) -> (i32, i32) {
    %c0_i32 = arith.constant 0 : i32
    %c0_i32_0 = arith.constant 0 : i32
    %c0_i32_1 = arith.constant 0 : i32
    return %c0_i32, %c0_i32_0 : i32, i32
  }
}

</mosaic_0001>

<sc_bundles>
// kernel: kernel.4.cloned.1.call-start
scs
__scs_entry_jumppad:
0x0: {  	(pc) =	sbr.rel $0x88, $3  }
0x1: {  	(tag) =	ssettag $0x0;
	lr =	simm.s32 $0x1  }
0x2: {  	[smem:$0x3F9E] =	sst lr;
	_ =	strace $0xD0000000  }
0x3: {  	_ = 	snop  }
0x4: {  	_ = 	snop  }
0x5: {  	_ = 	snop  }
0x6: {  	_ = 	snop  }
0x7: {  	_ = 	snop  }
__scs_overlays_trampoline_lowered:
0x8: {  	[smem:$0x3FAD] =	sst s0  }
0x9: {  	[smem:$0x3FAE] =	sst s1  }
0xa: {  	[smem:$0x3FAF] =	sst s2  }
0xb: {  	[smem:$0x3FB0] =	sst s3  }
0xc: {  	[smem:$0x3FB1] =	sst s4  }
0xd: {  	[smem:$0x3FB2] =	sst s5  }
0xe: {  	[smem:$0x3FB3] =	sst s6  }
0xf: {  	[smem:$0x3FB4] =	sst s7  }
0x10: {  	[smem:$0x3FB5] =	sst s8  }
0x11: {  	[smem:$0x3FB6] =	sst s9;
	s0 =	simm.s32 @!p0 $0x0  }
0x12: {  	s1 =	sld [smem:$0x3F9C];
	s0 =	simm.s32 @p0 $0x1  }
0x13: {  	[smem:$0x3FB7] =	sst s0;
	s0 =	simm.s32 @!p1 $0x0  }
0x14: {  	s2 =	sld [smem:$0x3F9B];
	s0 =	simm.s32 @p1 $0x1  }
0x15: {  	[smem:$0x3FB8] =	sst s0;
	s0 =	simm.s32 @!p2 $0x0  }
0x16: {  	s3 =	sld [smem:$0x3FDB];
	s0 =	simm.s32 @p2 $0x1  }
0x17: {  	s4 =	simm.s32 $0x1BF5;
	[smem:$0x3FBA] =	sst s0  }
0x18: {  	s0 =	sld [smem:$0x3F9D];
	_ =	swait.ge [sflag:s4], $0x0  }
0x19: {  	s7 =	sld [smem:$0x3F9E]  }
0x1a: {  	s8 =	sadd.s32 $0xFFFFE003, lr  }
0x1b: {  	s9 =	sadd.s32 $0xFFFFFEF7, lr;
	s5 =	simm.s32 $0xFFFFFFFF;
	p2 =	slt.u32 s8, $0xFFFFF086  }
0x1c: {  	p1 =	slt.u32 s9, $0xF7A;
	s5 =	simm.s32 @!p2 $0x0  }
0x1d: {  	s5 =	simm.s32 @p1 $0x1;
	p0 =	seq.s32 s7, s2  }
0x1e: {  	s7 =	smul.u32 @!p0 $0xF7A, s2;
	p2 =	seq.s32 @!p0 s5, $0x0  }
0x1f: {  	s9 =	smul.u32 $0xF7A, s1;
	s8 =	simm.s32 @!p0 $0x1BF5;
	p2 =	por !p2, p0  }
0x20: {  	[sflag:s8] =	ssyncset.s32 @!p0 $0xFFFFF086;
	s6 =	sadd.s32 @!p0 s3, s7;
	s7 =	simm.s32 @!p0 $0x108  }
0x21: {  	s3 =	sadd.s32 s3, s9;
	s6 =	sadd.s32 @!p0 $0x88, s6;
	s7 =	simm.s32 @p2 $0x1082  }
0x22: {  	[simem:s7], [sflag:s8] =	dma.local @!p0 [hbm:s6], $0xF7A  }
0x23: {  	s9 =	sor.u32 $0xD0000000, s2;
	s6 =	simm.s32 $0x108;
	_ =	swait.ge @!p0 [sflag:s8], $0x0  }
0x24: {  	s3 =	sadd.s32 $0x88, s3;
	s6 =	simm.s32 @!p1 $0x1082;
	[sflag:s4] =	ssyncset.s32 $0xFFFFF086  }
0x25: {  	[simem:s6], [sflag:s4] =	dma.local [hbm:s3], $0xF7A  }
0x26: {  	[smem:$0x3F9E] =	sst s1;
	(tag) =	ssettag s2;
	_ =	strace s9  }
0x27: {  	s1 =	sld [smem:$0x3FAE]  }
0x28: {  	s2 =	sld [smem:$0x3FAF]  }
0x29: {  	s4 =	sld [smem:$0x3FB1]  }
0x2a: {  	p0 =	seq.s32 s5, $0x0;
	s5 =	sld [smem:$0x3FB2]  }
0x2b: {  	s6 =	sld [smem:$0x3FB3]  }
0x2c: {  	s7 =	sld [smem:$0x3FB4]  }
0x2d: {  	s3 =	simm.s32 $0x108;
	s8 =	sld [smem:$0x3FB5]  }
0x2e: {  	s3 =	simm.s32 @!p0 $0x1082;
	s9 =	sld [smem:$0x3FB6]  }
0x2f: {  	lr =	sadd.s32 s0, s3;
	s0 =	sld [smem:$0x3FAD]  }
0x30: {  	s3 =	sld [smem:$0x3FB0]  }
0x31: {  	[smem:$0x3FB9] =	sst s10  }
0x32: {  	s10 =	sld [smem:$0x3FB7];
	_ =	sdelay $0x3  }
0x33: {  	p0 =	seq.s32 s10, $0x1;
	s10 =	sld [smem:$0x3FB9];
	_ =	sdelay $0x3  }
0x34: {  	[smem:$0x3FB9] =	sst s10  }
0x35: {  	s10 =	sld [smem:$0x3FB8];
	_ =	sdelay $0x3  }
0x36: {  	p1 =	seq.s32 s10, $0x1;
	s10 =	sld [smem:$0x3FB9];
	_ =	sdelay $0x3  }
0x37: {  	[smem:$0x3FB9] =	sst s10  }
0x38: {  	s10 =	sld [smem:$0x3FBA]  }
0x39: {  	_ = 	snop;
	(pc) =	sbr.ind lr, $3  }
0x3a: {  	_ = 	snop  }
0x3b: {  	_ = 	snop  }
0x3c: {  	p2 =	seq.s32 s10, $0x1;
	s10 =	sld [smem:$0x3FB9]  }
0x3d: {  	_ =	shalt  }
0x3e: {  	_ =	shalt  }
0x3f: {  	_ =	shalt  }
0x40: {  	_ =	shalt  }
0x41: {  	_ =	shalt  }
0x42: {  	_ =	shalt  }
0x43: {  	_ =	shalt  }
0x44: {  	_ =	shalt  }
0x45: {  	_ =	shalt  }
0x46: {  	_ =	shalt  }
0x47: {  	_ =	shalt  }
0x48: {  	_ =	shalt  }
0x49: {  	_ =	shalt  }
0x4a: {  	_ =	shalt  }
0x4b: {  	_ =	shalt  }
0x4c: {  	_ =	shalt  }
0x4d: {  	_ =	shalt  }
0x4e: {  	_ =	shalt  }
0x4f: {  	_ =	shalt  }
0x50: {  	_ =	shalt  }
0x51: {  	_ =	shalt  }
0x52: {  	_ =	shalt  }
0x53: {  	_ =	shalt  }
0x54: {  	_ =	shalt  }
0x55: {  	_ =	shalt  }
0x56: {  	_ =	shalt  }
0x57: {  	_ =	shalt  }
0x58: {  	_ =	shalt  }
0x59: {  	_ =	shalt  }
0x5a: {  	_ =	shalt  }
0x5b: {  	_ =	shalt  }
0x5c: {  	_ =	shalt  }
0x5d: {  	_ =	shalt  }
0x5e: {  	_ =	shalt  }
0x5f: {  	_ =	shalt  }
0x60: {  	_ =	shalt  }
0x61: {  	_ =	shalt  }
0x62: {  	_ =	shalt  }
0x63: {  	_ =	shalt  }
0x64: {  	_ =	shalt  }
0x65: {  	_ =	shalt  }
0x66: {  	_ =	shalt  }
0x67: {  	_ =	shalt  }
0x68: {  	_ =	shalt  }
0x69: {  	_ =	shalt  }
0x6a: {  	_ =	shalt  }
0x6b: {  	_ =	shalt  }
0x6c: {  	_ =	shalt  }
0x6d: {  	_ =	shalt  }
0x6e: {  	_ =	shalt  }
0x6f: {  	_ =	shalt  }
0x70: {  	_ =	shalt  }
0x71: {  	_ =	shalt  }
0x72: {  	_ =	shalt  }
0x73: {  	_ =	shalt  }
0x74: {  	_ =	shalt  }
0x75: {  	_ =	shalt  }
0x76: {  	_ =	shalt  }
0x77: {  	_ =	shalt  }
0x78: {  	_ =	shalt  }
0x79: {  	_ =	shalt  }
0x7a: {  	_ =	shalt  }
0x7b: {  	_ =	shalt  }
0x7c: {  	_ =	shalt  }
0x7d: {  	_ =	shalt  }
0x7e: {  	_ =	shalt  }
0x7f: {  	_ =	shalt  }
0x80: {  	_ =	shalt  }
0x81: {  	_ =	shalt  }
0x82: {  	_ =	shalt  }
0x83: {  	_ =	shalt  }
0x84: {  	_ =	shalt  }
0x85: {  	_ =	shalt  }
0x86: {  	_ =	shalt  }
0x87: {  	_ =	shalt  }
.Lfunc_end0:
.L_simem_size_0:
called_computation_lowered:
.L_overlay_start_0:
0x88: {  	s2 =	sld [smem:$0x3FD9]  }
0x89: {  	s3 =	sld [smem:$0x3FFE];
	_ =	sdelay $0x1  }
0x8a: {  	s1 =	srdreg.scid  }
0x8b: {  	s0 =	sand.u32 $0x1, s1  }
0x8c: {  	s17 =	sshll.u32 s0, $0xA;
	s2 =	sadd.s32 s3, s2  }
0x8d: {  	s2 =	sadd.s32 s2, s17  }
0x8e: {  	[smem:$0x3FC5] =	sst s2  }
0x8f: {  	_ = 	snop  }
0x90: {  	s2 =	sld [smem:$0x3FC8]  }
0x91: {  	s18 =	sld [smem:$0x3FC7]  }
0x92: {  	s4 =	sld [smem:$0x3FD0];
	(tm) =	ssettm $0x1  }
0x93: {  	s5 =	sld [smem:$0x3FFB];
	_ =	sdelay $0x3  }
0x94: {  	_ =	strace s5  }
0x95: {  	s5 =	sld [smem:$0x3FFC];
	_ =	sdelay $0x3  }
0x96: {  	_ =	strace s5  }
0x97: {  	s5 =	sld [smem:$0x3FFD];
	_ =	sdelay $0x3  }
0x98: {  	_ =	strace s5  }
0x99: {  	_ =	strace $0x8FFFFFFF  }
0x9a: {  	s19 =	sld [smem:$0x3FDB];
	_ =	sdelay $0x1  }
0x9b: {  	s6 =	simm.s32 $_scs_section_size  }
0x9c: {  	s7 =	simm.s32 $_size__tile_overlayer_lowered;
	s8 =	simm.s32 $_tile_overlayer_lowered  }
0x9d: {  	s22 =	simm.s32 $0x1BFF;
	s21 =	sshll.u32 s8, $0x1;
	s5 =	sadd.s32 s6, s19  }
0x9e: {  	s9 =	simm.s32 $0x0;
	s20 =	sshll.u32 s7, $0x1;
	s7 =	sadd.s32 s21, s5  }
0x9f: {  	[timem:s9], [sflag:s22] =	dma.local [hbm:s7], s20  }
0xa0: {  	_ =	swait.ge [sflag:s22], s20  }
0xa1: {  	s6 =	ssub.s32 $0x0, s20;
	[sflag:s22] =	ssyncset.done $0x0  }
0xa2: {  	[sflag:s22] =	ssyncadd.s32 s6;
	_ =	sdelay $0x1  }
0xa3: {  	s23 =	simm.s32 $0x1B8B  }
0xa4: {  	_ =	swait.ge [sflag:s23], $0x1  }
0xa5: {  	[sflag:s23] =	ssyncset.done $0x0  }
0xa6: {  	s25 =	simm.s32 $0x1B8E;
	s24 =	sld [smem:$0x3FFE];
	[sflag:s23] =	ssyncadd.s32 $0xFFFFFFFF  }
0xa7: {  	s26 =	simm.s32 $execute0_lowered;
	[smem:$0x3FD2] =	sst s25  }
0xa8: {  	s7 =	sshll.u32 s26, $0x1;
	_ =	strace $0x80000046;
	[dreg:$0x1] =	wrdreg $0xFFFFFFFF  }
0xa9: {  	s28 =	simm.s32 $_size_execute0_lowered;
	s5 =	sadd.s32 s5, s7;
	[dreg:$0x0] =	wrdreg $0x0  }
0xaa: {  	s7 =	sshll.u32 s28, $0x1;
	[dreg:$0x2] =	wrdreg s5  }
0xab: {  	[dreg:$0x3] =	wrdreg s7  }
0xac: {  	[dreg:$0x4] =	wrdreg $0xC0  }
0xad: {  	_ =	task [dreg:s9], $0x5FFFF  }
0xae: {  	[dreg:$0x1] =	wrdreg $0xFFFFFFFF  }
0xaf: {  	[dreg:$0x0] =	wrdreg $0x60  }
0xb0: {  	[dreg:$0x2] =	wrdreg s2  }
0xb1: {  	[dreg:$0x3] =	wrdreg s4  }
0xb2: {  	[dreg:$0x4] =	wrdreg s18  }
0xb3: {  	[dreg:$0x5] =	wrdreg s24  }
0xb4: {  	[dreg:$0x6] =	wrdreg $0x9  }
0xb5: {  	_ =	task.clear_ibuf [dreg:s9], $0x7FFFF;
	_ =	strace $0x90000046  }
0xb6: {  	s29 =	simm.s32 $0x9;
	_ =	strace $0x80000048  }
0xb7: {  	_ =	swait.ge [sflag:s29], $0x1  }
0xb8: {  	[sflag:s29] =	ssyncadd.s32 $0xFFFFFFFF  }
0xb9: {  	_ =	strace $0x90000048  }
0xba: {  	_ =	sfence  }
0xbb: {  	s30 =	sld [smem:$0x0];
	_ =	sdelay $0x2  }
0xbc: {  	s31 =	sshll.u32 s1, $0xD;
	s1 =	sshrl.u32 s1, $0x2  }
0xbd: {  	s3 =	sand.u32 $0x4000, s31;
	s1 =	sadd.s32 s1, s30  }
0xbe: {  	s0 =	sor.u32 s3, s0;
	s1 =	sshll.u32 s1, $0x11  }
0xbf: {  	s0 =	sor.u32 s1, s0  }
0xc0: {  	s0 =	sadd.s32 $0x8F2B, s0  }
0xc1: {  	[sflag:s0] =	ssyncadd.remote.s32 $0x1  }
0xc2: {  	_ =	sfence.sel $0xFFFF  }
0xc3: {  	[dreg:$0x0] =	wrdreg $0xFFFFFFFF;
	(pc) =	sbr.abs _section_cstart, $3  }
0xc4: {  	[dreg:$0x1] =	wrdreg $0xFFFFFFFF  }
0xc5: {  	_ =	task.clear_ibuf [dreg:s9], $0x2FFFF;
	_ =	strace $0x9FFFFFFF  }
0xc6: {  	(tm) =	ssettm $0x7FFFFFFF  }
0xc7: {  	_ =	shalt  }
tec
execute0_lowered:
.L_overlay_start_1:
0x0: {  	(tag) =	ssettag $0x1  }
0x1: {  	s1 =	rddreg [dreg:$0x0]  }
0x2: {  	s2 =	rddreg [dreg:$0x1]  }
0x3: {  	s3 =	rddreg [dreg:$0x2]  }
0x4: {  	s9 =	rddreg [dreg:$0x3]  }
0x5: {  	s0 =	rddreg [dreg:$0x4];
	s6 =	srdreg.scid  }
0x6: {  	s5 =	simm.s32 $0x0;
	s4 =	stileid.u32;
	s11 =	simm.s32 $0x1  }
0x7: {  	s12 =	simm.s32 $0x1F10;
	s13 =	simm.s32 $0x1680;
	s15 =	simm.s32 $0x1480  }
0x8: {  	s14 =	simm.s32 $0x1F20;
	s16 =	simm.s32 $0x1500;
	s17 =	simm.s32 $0x1580  }
0x9: {  	s31 =	simm.s32 $0x1600;
	s18 =	simm.s32 $0x0;
	[smem:$0x7FF] =	sst s5  }
0xa: {  	s6 =	sand.u32 $0x1, s6;
	_ =	strace $0x80000047;
	[dreg:$0x6] =	wrdreg s15  }
0xb: {  	vm0 =	vmmov $0x7fff;
	s8 =	sshll.u32 s4, $0xB;
	s7 =	ssub.s32 $0x2, s6;
	[dreg:$0x7] =	wrdreg s16  }
0xc: {  	v1 =	vimm.s32 $0x1;
	vm1 =	vmmov $0x1;
	vm6 =	vcmask $0x1318;
	s6 =	sshll.u32 s6, $0xA;
	s15 =	simm.s32 $0x1F40;
	[dreg:$0x8] =	wrdreg s17  }
0xd: {  	vm7 =	vcmask $0x171C;
	vm8 =	vcmask $0x1B20;
	vm9 =	vcmask $0x1F24;
	s16 =	simm.s32 $0x1F60;
	[dreg:$0x9] =	wrdreg s31;
	s6 =	sor.u32 s6, s8  }
0xe: {  	vm10 =	vcmask $0x2328;
	vm11 =	vcmask $0x272C;
	vm12 =	vcmask $0x2B30;
	s17 =	simm.s32 $0x1AC0;
	s10 =	sshrl.u32 s7, $0x1;
	s30 =	sshrl.u32 s6, $0x3  }
0xf: {  	vm13 =	vcmask $0x2F34;
	vm14 =	vcmask $0x3338;
	vm15 =	vcmask $0x373C;
	s29 =	ssub.s32 s7, s10;
	s7 =	sor.u32 $0x3FF, s6;
	s9 =	sadd.s32 s30, s9  }
0x10: {  	v2 =	vlaneseq.u32;
	v3 =	vimm.s32 $0x0;
	v0 =	vmov s6;
	s10 =	simm.s32 $0x1F00;
	s8 =	smax.u32 s29, $0x1;
	s9 =	sadd.s32 $0x3000, s9  }
.LBB2_1:
0x11: {  	[tilespmem:s10], [sflag:$0x1] =	stream.linear.gather [hbm4b:s1+s5], $0x10, $0x38;
	[tilespmem:$0x1F80] =	vst v63  }
0x12: {  	_ =	swait.ge [sflag:s11], $0x10  }
0x13: {  	[sflag:s11] =	ssyncset.done $0x0  }
0x14: {  	[sflag:s11] =	ssyncadd.s32 $0xFFFFFFF0  }
0x15: {  	[tilespmem:s12], [sflag:$0x1] =	stream.linear.gather [hbm4b:s2+s5], $0x10, $0x38;
	[tilespmem:$0x1F80] =	vst v63  }
0x16: {  	_ =	swait.ge [sflag:s11], $0x10  }
0x17: {  	[sflag:s11] =	ssyncset.done $0x0  }
0x18: {  	[sflag:s11] =	ssyncadd.s32 $0xFFFFFFF0  }
0x19: {  	v20 =	vld [tilespmem:$0x1F00];
	_ =	sdelay $0x4  }
0x1a: {  	(xrf0) =	vadd.scan.msk.s32 $0xffff, v20;
	_ =	sdelay $0x5  }
0x1b: {  	v21, _, _ =	vpop (xrf0)  }
0x1c: {  	v4 =	vsel vm0, $0x0, v21  }
0x1d: {  	(xrf0) =	vadd.scan.msk.s32 $0xffff, v4;
	v4 =	vnsel vm1, $0x0, v21  }
0x1e: {  	vm2 =	vcmask $0x308;
	(xrf0) =	vadd.scan.msk.s32 $0xffff, v4  }
0x1f: {  	v4 =	vsel vm2, $0x0, v21  }
0x20: {  	vm2 =	vcmask $0x70C;
	(xrf0) =	vadd.scan.msk.s32 $0xffff, v4  }
0x21: {  	v4 =	vsel vm2, $0x0, v21  }
0x22: {  	(xrf0) =	vadd.scan.msk.s32 $0xffff, v4  }
0x23: {  	vm2 =	vcmask $0xB10;
	v19, _, _ =	vpop (xrf0)  }
0x24: {  	v6 =	vsel vm2, $0x0, v21;
	v4, _, _ =	vpop (xrf0);
	(v2sf) =	vpush v19, $0xF  }
0x25: {  	(xrf0) =	vadd.scan.msk.s32 $0xffff, v6;
	(v2sf) =	vpush v4, $0xF  }
0x26: {  	vm2 =	vcmask $0xF14;
	v5, _, _ =	vpop (xrf0)  }
0x27: {  	v7 =	vsel vm2, $0x0, v21;
	(v2sf) =	vpush v5, $0xF  }
0x28: {  	(xrf0) =	vadd.scan.msk.s32 $0xffff, v7;
	v6, _, _ =	vpop (xrf0)  }
0x29: {  	(v2sf) =	vpush v6, $0xF  }
0x2a: {  	v8 =	vsel vm6, $0x0, v21  }
0x2b: {  	v7, _, _ =	vpop (xrf0);
	(xrf0) =	vadd.scan.msk.s32 $0xffff, v8  }
0x2c: {  	(v2sf) =	vpush v7, $0xF  }
0x2d: {  	v9 =	vsel vm7, $0x0, v21  }
0x2e: {  	v8, _, _ =	vpop (xrf0);
	(xrf0) =	vadd.scan.msk.s32 $0xffff, v9  }
0x2f: {  	(v2sf) =	vpush v8, $0xF  }
0x30: {  	v10 =	vsel vm8, $0x0, v21  }
0x31: {  	v9, _, _ =	vpop (xrf0);
	(xrf0) =	vadd.scan.msk.s32 $0xffff, v10;
	_ =	sdelay $0x1  }
0x32: {  	v11 =	vsel vm9, $0x0, v21;
	(v2sf) =	vpush v9, $0xF;
	s19 =	spop (v2sf)  }
0x33: {  	v10, _, _ =	vpop (xrf0);
	(xrf0) =	vadd.scan.msk.s32 $0xffff, v11;
	s20 =	spop (v2sf)  }
0x34: {  	s22 =	simm.s32 $0x1;
	p0 =	sge.s32 s6, s20  }
0x35: {  	s24 =	simm.s32 $0x1;
	v12 =	vsel vm10, $0x0, v21;
	(v2sf) =	vpush v10, $0xF;
	s21 =	spop (v2sf);
	s22 =	simm.s32 @!p0 $0x0  }
0x36: {  	v11, _, _ =	vpop (xrf0);
	(xrf0) =	vadd.scan.msk.s32 $0xffff, v12;
	p0 =	sge.s32 s7, s20;
	s20 =	simm.s32 $0x1;
	p1 =	sge.s32 s6, s21  }
0x37: {  	s23 =	spop (v2sf);
	s20 =	simm.s32 @!p0 $0x0;
	s24 =	simm.s32 @!p1 $0x0  }
0x38: {  	v13 =	vsel vm11, $0x0, v21;
	(v2sf) =	vpush v11, $0xF;
	p0 =	sge.s32 s7, s21;
	s21 =	simm.s32 $0x1;
	s22 =	sadd.s32 s24, s22  }
0x39: {  	v12, _, _ =	vpop (xrf0);
	(xrf0) =	vadd.scan.msk.s32 $0xffff, v13;
	s21 =	simm.s32 @!p0 $0x0;
	p0 =	sge.s32 s6, s23;
	s24 =	simm.s32 $0x1  }
0x3a: {  	(v2sf) =	vpush v12, $0xF;
	s25 =	spop (v2sf);
	s20 =	sadd.s32 s21, s20;
	s24 =	simm.s32 @!p0 $0x0  }
0x3b: {  	p0 =	sge.s32 s7, s23;
	s28 =	sadd.s32 s24, s22;
	s22 =	simm.s32 $0x1  }
0x3c: {  	v14 =	vsel vm12, $0x0, v21;
	s23 =	simm.s32 $0x1;
	v13, _, _ =	vpop (xrf0);
	s22 =	simm.s32 @!p0 $0x0;
	p0 =	sge.s32 s6, s25  }
0x3d: {  	s29 =	spop (v2sf);
	(xrf0) =	vadd.scan.msk.s32 $0xffff, v14;
	(v2sf) =	vpush v13, $0xF;
	s20 =	sadd.s32 s22, s20;
	s23 =	simm.s32 @!p0 $0x0  }
0x3e: {  	v15 =	vsel vm13, $0x0, v21;
	p0 =	sge.s32 s7, s25;
	s22 =	simm.s32 $0x1;
	s21 =	sadd.s32 s23, s28  }
0x3f: {  	v14, _, _ =	vpop (xrf0);
	(xrf0) =	vadd.scan.msk.s32 $0xffff, v15;
	s22 =	simm.s32 @!p0 $0x0;
	p0 =	sge.s32 s6, s29;
	s23 =	simm.s32 $0x1  }
0x40: {  	s20 =	sadd.s32 s22, s20;
	s23 =	simm.s32 @!p0 $0x0;
	p0 =	sge.s32 s7, s29  }
0x41: {  	(v2sf) =	vpush v14, $0xF;
	s22 =	simm.s32 $0x1;
	s30 =	spop (v2sf);
	s21 =	sadd.s32 s23, s21  }
0x42: {  	v16 =	vsel vm14, $0x0, v21;
	s22 =	simm.s32 @!p0 $0x0;
	s23 =	simm.s32 $0x1;
	p0 =	sge.s32 s6, s30  }
0x43: {  	s20 =	sadd.s32 s22, s20;
	s22 =	simm.s32 $0x1;
	v15, _, _ =	vpop (xrf0);
	(xrf0) =	vadd.scan.msk.s32 $0xffff, v16;
	s23 =	simm.s32 @!p0 $0x0  }
0x44: {  	v17 =	vsel vm15, $0x0, v21;
	p0 =	sge.s32 s7, s30;
	s31 =	spop (v2sf);
	s21 =	sadd.s32 s23, s21  }
0x45: {  	(v2sf) =	vpush v15, $0xF;
	v16, _, _ =	vpop (xrf0);
	(xrf0) =	vadd.scan.msk.s32 $0xffff, v17;
	s22 =	simm.s32 @!p0 $0x0;
	s23 =	simm.s32 $0x1;
	p0 =	sge.s32 s6, s31  }
0x46: {  	s20 =	sadd.s32 s22, s20;
	s22 =	simm.s32 $0x1;
	s23 =	simm.s32 @!p0 $0x0  }
0x47: {  	p0 =	sge.s32 s7, s31;
	s26 =	spop (v2sf);
	(v2sf) =	vpush v16, $0xF;
	s21 =	sadd.s32 s23, s21  }
0x48: {  	s22 =	simm.s32 @!p0 $0x0;
	s23 =	simm.s32 $0x1;
	p0 =	sge.s32 s6, s26  }
0x49: {  	s28 =	spop (v2sf);
	s20 =	sadd.s32 s22, s20;
	v17, _, _ =	vpop (xrf0);
	s23 =	simm.s32 @!p0 $0x0  }
0x4a: {  	s22 =	simm.s32 $0x1;
	p0 =	sge.s32 s7, s26;
	(v2sf) =	vpush v17, $0xF;
	s21 =	sadd.s32 s23, s21  }
0x4b: {  	v18, _, _ =	vpop (xrf0);
	s22 =	simm.s32 @!p0 $0x0;
	p0 =	sge.s32 s6, s28;
	s23 =	simm.s32 $0x1  }
0x4c: {  	s20 =	sadd.s32 s22, s20;
	s23 =	simm.s32 @!p0 $0x0;
	s29 =	spop (v2sf);
	(v2sf) =	vpush v18, $0xF  }
0x4d: {  	p0 =	sge.s32 s7, s28;
	s22 =	simm.s32 $0x1;
	s21 =	sadd.s32 s23, s21  }
0x4e: {  	s22 =	simm.s32 @!p0 $0x0;
	s23 =	simm.s32 $0x1;
	p0 =	sge.s32 s6, s29  }
0x4f: {  	s20 =	sadd.s32 s22, s20;
	s22 =	simm.s32 $0x1;
	s23 =	simm.s32 @!p0 $0x0  }
0x50: {  	s30 =	spop (v2sf);
	p0 =	sge.s32 s7, s29;
	s21 =	sadd.s32 s23, s21  }
0x51: {  	s22 =	simm.s32 @!p0 $0x0;
	p0 =	sge.s32 s6, s30;
	s23 =	simm.s32 $0x1  }
0x52: {  	s25 =	simm.s32 $0x1;
	s20 =	sadd.s32 s22, s20;
	s23 =	simm.s32 @!p0 $0x0  }
0x53: {  	p0 =	sge.s32 s7, s30;
	s22 =	simm.s32 $0x1;
	s21 =	sadd.s32 s23, s21  }
0x54: {  	s22 =	simm.s32 @!p0 $0x0;
	s23 =	simm.s32 $0x1;
	s31 =	spop (v2sf)  }
0x55: {  	s20 =	sadd.s32 s22, s20;
	s22 =	simm.s32 $0x1;
	p0 =	sge.s32 s6, s31  }
0x56: {  	s23 =	simm.s32 @!p0 $0x0;
	p0 =	sge.s32 s7, s31;
	s26 =	spop (v2sf)  }
0x57: {  	s21 =	sadd.s32 s23, s21;
	s22 =	simm.s32 @!p0 $0x0;
	s23 =	simm.s32 $0x1  }
0x58: {  	p0 =	sge.s32 s6, s26;
	s20 =	sadd.s32 s22, s20;
	s22 =	simm.s32 $0x1  }
0x59: {  	p1 =	sge.s32 s7, s26;
	s23 =	simm.s32 @!p0 $0x0;
	s28 =	spop (v2sf)  }
0x5a: {  	s21 =	sadd.s32 s23, s21;
	s23 =	simm.s32 $0x1;
	p0 =	sge.s32 s6, s28  }
0x5b: {  	s23 =	simm.s32 @!p1 $0x0;
	s22 =	simm.s32 @!p0 $0x0;
	s29 =	spop (v2sf)  }
0x5c: {  	s21 =	sadd.s32 s22, s21;
	s22 =	simm.s32 $0x1;
	p1 =	sge.s32 s6, s29  }
0x5d: {  	v22 =	vld [tilespmem:$0x1F10];
	p0 =	sge.s32 s7, s28;
	s22 =	simm.s32 @!p1 $0x0;
	p1 =	sge.s32 s6, s19  }
0x5e: {  	s25 =	simm.s32 @!p1 $0x0;
	s21 =	sadd.s32 s22, s21;
	s22 =	simm.s32 $0x1  }
0x5f: {  	s20 =	sadd.s32 s23, s20;
	s22 =	simm.s32 @!p0 $0x0;
	s21 =	sadd.s32 s25, s21  }
0x60: {  	p0 =	sge.s32 s7, s29;
	s20 =	sadd.s32 s22, s20;
	s22 =	simm.s32 $0x1;
	v23 =	vmov s21  }
0x61: {  	vm2 =	veq.s32 v23, v2;
	s22 =	simm.s32 @!p0 $0x0;
	p0 =	sge.s32 s7, s19;
	s19 =	simm.s32 $0x1  }
0x62: {  	v22 =	vnsel vm2, $0x0, v22;
	s20 =	sadd.s32 s22, s20;
	s19 =	simm.s32 @!p0 $0x0  }
0x63: {  	s20 =	sadd.s32 s19, s20;
	(xrf0) =	vadd.scan.msk.s32 $0xffff, v22  }
0x64: {  	s19 =	smin.u32 s20, $0xF  }
0x65: {  	v59 =	vmov s19  }
0x66: {  	vm2 =	veq.s32 v59, v2  }
0x67: {  	v21 =	vnsel vm2, $0x0, v21  }
0x68: {  	(xrf0) =	vadd.scan.msk.s32 $0xffff, v21  }
0x69: {  	v60, _, _ =	vpop (xrf0)  }
0x6a: {  	(v2sf) =	vpush v60, $0xF;
	_ =	sdelay $0x3  }
0x6b: {  	v61, _, _ =	vpop (xrf0)  }
0x6c: {  	(v2sf) =	vpush v61, $0xF;
	_ =	sdelay $0x9  }
0x6d: {  	[tilespmem:$0x1F30] =	vst v1;
	s22 =	spop (v2sf)  }
0x6e: {  	[tilespmem:$0x1F50] =	vst v1;
	v62 =	vadd.s32 $0x1, v20;
	v63 =	vadd.s32 $0x3, v20;
	v20 =	vadd.s32 $0x7, v20;
	s19 =	sand.u32 $0xFFFFFFF8, s22  }
0x6f: {  	[tilespmem:$0x1F70] =	vst v1;
	v20 =	vshra.s32 v20, $0x3;
	p0 =	slt.s32 s19, $0x6B80  }
0x70: {  	[tilespmem:$0x1F60] =	vst v20;
	v21 =	vshra.s32 v62, $0x1;
	s19 =	simm.s32 @!p0 $0x6B80  }
0x71: {  	[tilespmem:$0x1F20] =	vst v21;
	v21 =	vshra.s32 v63, $0x2;
	s30 =	sshrl.u32 s19, $0x3  }
0x72: {  	[tilespmem:$0x1F40] =	vst v21;
	s24 =	spop (v2sf);
	s23 =	sadd.s32 s3, s30  }
0x73: {  	[tilespmem:s5], [sflag:$0x1] =	stream.linear.gather [hbm4b:s23+s5], $0x1480, $0x38;
	[tilespmem:$0x1F80] =	vst v63  }
0x74: {  	_ =	swait.ge [sflag:s11], $0x1480  }
0x75: {  	[sflag:s11] =	ssyncset.done $0x0  }
0x76: {  	[sflag:s11] =	ssyncadd.s32 $0xFFFFEB80  }
0x77: {  	[tilespmem:$0x1680] =	vst v3  }
0x78: {  	[tilespmem:$0x1AC0] =	vst v3  }
0x79: {  	[tilespmem:$0x1690] =	vst v3  }
0x7a: {  	[tilespmem:$0x1AD0] =	vst v3  }
0x7b: {  	[tilespmem:$0x16A0] =	vst v3  }
0x7c: {  	[tilespmem:$0x1AE0] =	vst v3  }
0x7d: {  	[tilespmem:$0x16B0] =	vst v3  }
0x7e: {  	[tilespmem:$0x1AF0] =	vst v3  }
0x7f: {  	[tilespmem:$0x16C0] =	vst v3  }
0x80: {  	[tilespmem:$0x1B00] =	vst v3  }
0x81: {  	[tilespmem:$0x16D0] =	vst v3  }
0x82: {  	[tilespmem:$0x1B10] =	vst v3  }
0x83: {  	[tilespmem:$0x16E0] =	vst v3  }
0x84: {  	[tilespmem:$0x1B20] =	vst v3  }
0x85: {  	[tilespmem:$0x16F0] =	vst v3  }
0x86: {  	[tilespmem:$0x1B30] =	vst v3  }
0x87: {  	[tilespmem:$0x1700] =	vst v3  }
0x88: {  	[tilespmem:$0x1B40] =	vst v3  }
0x89: {  	[tilespmem:$0x1710] =	vst v3  }
0x8a: {  	[tilespmem:$0x1B50] =	vst v3  }
0x8b: {  	[tilespmem:$0x1720] =	vst v3  }
0x8c: {  	[tilespmem:$0x1B60] =	vst v3  }
0x8d: {  	[tilespmem:$0x1730] =	vst v3  }
0x8e: {  	[tilespmem:$0x1B70] =	vst v3  }
0x8f: {  	[tilespmem:$0x1740] =	vst v3  }
0x90: {  	[tilespmem:$0x1B80] =	vst v3  }
0x91: {  	[tilespmem:$0x1750] =	vst v3  }
0x92: {  	[tilespmem:$0x1B90] =	vst v3  }
0x93: {  	[tilespmem:$0x1760] =	vst v3  }
0x94: {  	[tilespmem:$0x1BA0] =	vst v3  }
0x95: {  	[tilespmem:$0x1770] =	vst v3  }
0x96: {  	[tilespmem:$0x1BB0] =	vst v3  }
0x97: {  	[tilespmem:$0x1780] =	vst v3  }
0x98: {  	[tilespmem:$0x1BC0] =	vst v3  }
0x99: {  	[tilespmem:$0x1790] =	vst v3  }
0x9a: {  	[tilespmem:$0x1BD0] =	vst v3  }
0x9b: {  	[tilespmem:$0x17A0] =	vst v3  }
0x9c: {  	[tilespmem:$0x1BE0] =	vst v3  }
0x9d: {  	[tilespmem:$0x17B0] =	vst v3  }
0x9e: {  	[tilespmem:$0x1BF0] =	vst v3  }
0x9f: {  	[tilespmem:$0x17C0] =	vst v3  }
0xa0: {  	[tilespmem:$0x1C00] =	vst v3  }
0xa1: {  	[tilespmem:$0x17D0] =	vst v3  }
0xa2: {  	[tilespmem:$0x1C10] =	vst v3  }
0xa3: {  	[tilespmem:$0x17E0] =	vst v3  }
0xa4: {  	[tilespmem:$0x1C20] =	vst v3  }
0xa5: {  	[tilespmem:$0x17F0] =	vst v3  }
0xa6: {  	[tilespmem:$0x1C30] =	vst v3  }
0xa7: {  	[tilespmem:$0x1800] =	vst v3  }
0xa8: {  	[tilespmem:$0x1C40] =	vst v3  }
0xa9: {  	[tilespmem:$0x1810] =	vst v3  }
0xaa: {  	[tilespmem:$0x1C50] =	vst v3  }
0xab: {  	[tilespmem:$0x1820] =	vst v3  }
0xac: {  	[tilespmem:$0x1C60] =	vst v3  }
0xad: {  	[tilespmem:$0x1830] =	vst v3  }
0xae: {  	[tilespmem:$0x1C70] =	vst v3  }
0xaf: {  	[tilespmem:$0x1840] =	vst v3  }
0xb0: {  	[tilespmem:$0x1C80] =	vst v3  }
0xb1: {  	[tilespmem:$0x1850] =	vst v3  }
0xb2: {  	[tilespmem:$0x1C90] =	vst v3  }
0xb3: {  	[tilespmem:$0x1860] =	vst v3  }
0xb4: {  	[tilespmem:$0x1CA0] =	vst v3  }
0xb5: {  	[tilespmem:$0x1870] =	vst v3  }
0xb6: {  	[tilespmem:$0x1CB0] =	vst v3  }
0xb7: {  	[tilespmem:$0x1880] =	vst v3  }
0xb8: {  	[tilespmem:$0x1CC0] =	vst v3  }
0xb9: {  	[tilespmem:$0x1890] =	vst v3  }
0xba: {  	[tilespmem:$0x1CD0] =	vst v3  }
0xbb: {  	[tilespmem:$0x18A0] =	vst v3  }
0xbc: {  	[tilespmem:$0x1CE0] =	vst v3  }
0xbd: {  	[tilespmem:$0x18B0] =	vst v3  }
0xbe: {  	[tilespmem:$0x1CF0] =	vst v3  }
0xbf: {  	[tilespmem:$0x18C0] =	vst v3  }
0xc0: {  	[tilespmem:$0x1D00] =	vst v3  }
0xc1: {  	[tilespmem:$0x18D0] =	vst v3  }
0xc2: {  	[tilespmem:$0x1D10] =	vst v3  }
0xc3: {  	[tilespmem:$0x18E0] =	vst v3  }
0xc4: {  	[tilespmem:$0x1D20] =	vst v3  }
0xc5: {  	[tilespmem:$0x18F0] =	vst v3  }
0xc6: {  	[tilespmem:$0x1D30] =	vst v3  }
0xc7: {  	[tilespmem:$0x1900] =	vst v3  }
0xc8: {  	[tilespmem:$0x1D40] =	vst v3  }
0xc9: {  	[tilespmem:$0x1910] =	vst v3  }
0xca: {  	[tilespmem:$0x1D50] =	vst v3  }
0xcb: {  	[tilespmem:$0x1920] =	vst v3  }
0xcc: {  	[tilespmem:$0x1D60] =	vst v3  }
0xcd: {  	[tilespmem:$0x1930] =	vst v3  }
0xce: {  	[tilespmem:$0x1D70] =	vst v3  }
0xcf: {  	[tilespmem:$0x1940] =	vst v3  }
0xd0: {  	[tilespmem:$0x1D80] =	vst v3  }
0xd1: {  	[tilespmem:$0x1950] =	vst v3  }
0xd2: {  	[tilespmem:$0x1D90] =	vst v3  }
0xd3: {  	[tilespmem:$0x1960] =	vst v3  }
0xd4: {  	[tilespmem:$0x1DA0] =	vst v3  }
0xd5: {  	[tilespmem:$0x1970] =	vst v3  }
0xd6: {  	[tilespmem:$0x1DB0] =	vst v3  }
0xd7: {  	[tilespmem:$0x1980] =	vst v3  }
0xd8: {  	[tilespmem:$0x1DC0] =	vst v3  }
0xd9: {  	[tilespmem:$0x1990] =	vst v3  }
0xda: {  	[tilespmem:$0x1DD0] =	vst v3  }
0xdb: {  	[tilespmem:$0x19A0] =	vst v3  }
0xdc: {  	[tilespmem:$0x1DE0] =	vst v3  }
0xdd: {  	[tilespmem:$0x19B0] =	vst v3  }
0xde: {  	[tilespmem:$0x1DF0] =	vst v3  }
0xdf: {  	[tilespmem:$0x19C0] =	vst v3  }
0xe0: {  	[tilespmem:$0x1E00] =	vst v3  }
0xe1: {  	[tilespmem:$0x19D0] =	vst v3  }
0xe2: {  	[tilespmem:$0x1E10] =	vst v3  }
0xe3: {  	[tilespmem:$0x19E0] =	vst v3  }
0xe4: {  	[tilespmem:$0x1E20] =	vst v3  }
0xe5: {  	[tilespmem:$0x19F0] =	vst v3  }
0xe6: {  	[tilespmem:$0x1E30] =	vst v3  }
0xe7: {  	[tilespmem:$0x1A00] =	vst v3  }
0xe8: {  	[tilespmem:$0x1E40] =	vst v3  }
0xe9: {  	[tilespmem:$0x1A10] =	vst v3  }
0xea: {  	[tilespmem:$0x1E50] =	vst v3  }
0xeb: {  	[tilespmem:$0x1A20] =	vst v3  }
0xec: {  	[tilespmem:$0x1E60] =	vst v3  }
0xed: {  	[tilespmem:$0x1A30] =	vst v3  }
0xee: {  	[tilespmem:$0x1E70] =	vst v3  }
0xef: {  	[tilespmem:$0x1A40] =	vst v3  }
0xf0: {  	[tilespmem:$0x1E80] =	vst v3  }
0xf1: {  	[tilespmem:$0x1A50] =	vst v3  }
0xf2: {  	p0 =	sgt.u32 s21, $0xF;
	[tilespmem:$0x1E90] =	vst v3  }
0xf3: {  	s24 =	simm.s32 @p0 $0x0;
	[tilespmem:$0x1A60] =	vst v3  }
0xf4: {  	s31 =	ssub.s32 s24, s22;
	[tilespmem:$0x1EA0] =	vst v3  }
0xf5: {  	s23 =	sadd.s32 $0xF, s31;
	[tilespmem:$0x1A70] =	vst v3  }
0xf6: {  	p0 =	sgt.s32 s23, $0x0;
	[tilespmem:$0x1EB0] =	vst v3  }
0xf7: {  	[tilespmem:$0x1A80] =	vst v3;
	s23 =	simm.s32 @!p0 $0x0  }
0xf8: {  	[tilespmem:$0x1EC0] =	vst v3;
	s25 =	sshrl.u32 s23, $0x4  }
0xf9: {  	[tilespmem:$0x1A90] =	vst v3;
	p0 =	seq.s32 s25, $0x0  }
.Ltmp0:
0xfa: {  	[tilespmem:$0x1ED0] =	vst v3;
	(pc) =	sbr.rel @p0 .LBB2_4-.Ltmp0, $4  }
0xfb: {  	[tilespmem:$0x1AA0] =	vst v3  }
0xfc: {  	[tilespmem:$0x1EE0] =	vst v3  }
0xfd: {  	[tilespmem:$0x1AB0] =	vst v3  }
0xfe: {  	[tilespmem:$0x1EF0] =	vst v3  }
0xff: {  	v36 =	vbroadcast v4, $0xF;
	v37 =	vbroadcast v5, $0xF  }
0x100: {  	v35 =	vbroadcast v6, $0xF;
	v34 =	vbroadcast v7, $0xF  }
0x101: {  	v33 =	vbroadcast v8, $0xF;
	v32 =	vbroadcast v9, $0xF  }
0x102: {  	v31 =	vbroadcast v10, $0xF;
	v30 =	vbroadcast v11, $0xF;
	p1 =	seq.s32 s25, $0x1  }
.Ltmp1:
0x103: {  	v29 =	vbroadcast v12, $0xF;
	v28 =	vbroadcast v13, $0xF;
	(pc) =	sbr.rel @p1 .LBB2_3-.Ltmp1, $4  }
0x104: {  	v26 =	vbroadcast v14, $0xF;
	v25 =	vbroadcast v15, $0xF  }
0x105: {  	v24 =	vbroadcast v16, $0xF;
	v23 =	vbroadcast v17, $0xF  }
0x106: {  	s23 =	sand.u32 $0x7, s22;
	v22 =	vbroadcast v18, $0xF;
	v21 =	vbroadcast v19, $0xF;
	v27 =	vadd.s32 s22, v2  }
0x107: {  	v20 =	vmov s24;
	s24 =	ssub.s32 $0x0, s19;
	s25 =	sadd.s32 $0xFFFFFFFF, s25;
	p0 =	por $0x0, $0x0;
	vm2 =	vge.s32 v27, v36;
	vm3 =	vge.s32 v27, v37  }
0x108: {  	v38 =	vsel vm2, $0x1, v3;
	v39 =	vsel vm3, $0x1, v3;
	vm2 =	vge.s32 v27, v35  }
0x109: {  	v38 =	vadd.s32 v39, v38;
	v50 =	vsel vm2, $0x1, v3;
	vm2 =	vge.s32 v27, v34  }
0x10a: {  	v38 =	vadd.s32 v50, v38;
	v51 =	vsel vm2, $0x1, v3;
	vm2 =	vge.s32 v27, v33  }
0x10b: {  	v38 =	vadd.s32 v51, v38;
	v52 =	vsel vm2, $0x1, v3;
	vm2 =	vge.s32 v27, v32  }
0x10c: {  	v38 =	vadd.s32 v52, v38;
	v53 =	vsel vm2, $0x1, v3;
	vm2 =	vge.s32 v27, v31  }
0x10d: {  	v38 =	vadd.s32 v53, v38;
	v54 =	vsel vm2, $0x1, v3;
	vm2 =	vge.s32 v27, v30  }
0x10e: {  	v38 =	vadd.s32 v54, v38;
	v55 =	vsel vm2, $0x1, v3;
	vm2 =	vge.s32 v27, v29  }
0x10f: {  	v38 =	vadd.s32 v55, v38;
	v56 =	vsel vm2, $0x1, v3;
	vm2 =	vge.s32 v27, v28  }
0x110: {  	v38 =	vadd.s32 v56, v38;
	v57 =	vsel vm2, $0x1, v3;
	vm2 =	vge.s32 v27, v26  }
0x111: {  	s26 =	sadd.s32 s22, s24;
	v38 =	vadd.s32 v57, v38;
	v58 =	vsel vm2, $0x1, v3;
	vm2 =	vge.s32 v27, v25  }
0x112: {  	s26 =	sand.u32 $0xFFFFFFF8, s26;
	v38 =	vadd.s32 v58, v38;
	v59 =	vsel vm2, $0x1, v3;
	vm2 =	vge.s32 v27, v24  }
0x113: {  	s26 =	sor.u32 s26, s23;
	v38 =	vadd.s32 v59, v38;
	v60 =	vsel vm2, $0x1, v3;
	vm2 =	vge.s32 v27, v23  }
0x114: {  	v40 =	vld [tilespmem:s26+$0x0];
	v38 =	vadd.s32 v60, v38;
	v61 =	vsel vm2, $0x1, v3;
	vm2 =	vge.s32 v27, v22  }
0x115: {  	v38 =	vadd.s32 v61, v38;
	v62 =	vsel vm2, $0x1, v3;
	vm2 =	vge.s32 v27, v21  }
0x116: {  	v38 =	vadd.s32 v62, v38;
	v63 =	vsel vm2, $0x1, v3  }
0x117: {  	v38 =	vadd.s32 v63, v38  }
0x118: {  	v38 =	vshll.u32 v38, $0x6  }
0x119: {  	vm2 =	vlt.s32 v27, v20;
	v38 =	vadd.s32 v38, v40  }
0x11a: {  	vm3 =	vlt.s32 v27, v0;
	(xrf1) =	vunique.msk.u32 vm2, v38  }
0x11b: {  	(xrf1) =	vunique.msk.u32 vm3, v38;
	_ =	sdelay $0x2  }
0x11c: {  	p1 =	seq.s32 s25, $0x1  }
.Ltmp2:
0x11d: {  	_ = 	snop;
	(pc) =	sbr.rel @p1 .LBB2_14-.Ltmp2, $4  }
0x11e: {  	_ = 	snop  }
0x11f: {  	s22 =	sadd.s32 $0x10, s22  }
0x120: {  	v27 =	vadd.s32 s22, v2  }
0x121: {  	s25 =	sadd.s32 $0xFFFFFFFF, s25;
	p0 =	por $0x1, $0x1;
	vm2 =	vge.s32 v27, v36;
	vm3 =	vge.s32 v27, v37  }
.LBB2_13:
0x122: {  	p1 =	seq.s32 s25, $0x1;
	v39 =	vsel vm2, $0x1, v3;
	v40 =	vsel vm3, $0x1, v3;
	vm2 =	vge.s32 v27, v35  }
0x123: {  	v39 =	vadd.s32 v40, v39;
	v40 =	vsel vm2, $0x1, v3;
	vm2 =	vge.s32 v27, v34  }
0x124: {  	v39 =	vadd.s32 v40, v39;
	v40 =	vsel vm2, $0x1, v3;
	vm2 =	vge.s32 v27, v33  }
0x125: {  	v39 =	vadd.s32 v40, v39;
	v40 =	vsel vm2, $0x1, v3;
	vm2 =	vge.s32 v27, v32  }
0x126: {  	v39 =	vadd.s32 v40, v39;
	v40 =	vsel vm2, $0x1, v3;
	vm2 =	vge.s32 v27, v31;
	_, v41, vm3 =	vpop (xrf1)  }
0x127: {  	v39 =	vadd.s32 v40, v39;
	v40 =	vsel vm2, $0x1, v3;
	vm2 =	vge.s32 v27, v30;
	_, v42, vm4 =	vpop (xrf1)  }
0x128: {  	v39 =	vadd.s32 v40, v39;
	v40 =	vsel vm2, $0x1, v3;
	vm2 =	vge.s32 v27, v29  }
0x129: {  	v39 =	vadd.s32 v40, v39;
	v40 =	vsel vm2, $0x1, v3;
	vm2 =	vge.s32 v27, v28  }
0x12a: {  	v39 =	vadd.s32 v40, v39;
	v40 =	vsel vm2, $0x1, v3;
	vm2 =	vge.s32 v27, v26  }
0x12b: {  	s26 =	sadd.s32 s22, s24;
	v39 =	vadd.s32 v40, v39;
	v40 =	vsel vm2, $0x1, v3;
	vm2 =	vge.s32 v27, v25  }
0x12c: {  	s26 =	sand.u32 $0xFFFFFFF8, s26;
	v39 =	vadd.s32 v40, v39;
	v40 =	vsel vm2, $0x1, v3;
	vm2 =	vge.s32 v27, v24;
	[tilespmem:v38+s13+$0x0] =	vst.idx.add.s32.msk vm3, v41  }
0x12d: {  	s26 =	sor.u32 s26, s23;
	v39 =	vadd.s32 v40, v39;
	v40 =	vsel vm2, $0x1, v3;
	vm2 =	vge.s32 v27, v23;
	[tilespmem:v38+s17+$0x0] =	vst.idx.add.s32.msk vm4, v42  }
0x12e: {  	v38 =	vld [tilespmem:s26+$0x0];
	v39 =	vadd.s32 v40, v39;
	v40 =	vsel vm2, $0x1, v3;
	vm2 =	vge.s32 v27, v22  }
0x12f: {  	v39 =	vadd.s32 v40, v39;
	v40 =	vsel vm2, $0x1, v3;
	vm2 =	vge.s32 v27, v21  }
0x130: {  	v39 =	vadd.s32 v40, v39;
	v40 =	vsel vm2, $0x1, v3  }
0x131: {  	v39 =	vadd.s32 v40, v39  }
0x132: {  	v39 =	vshll.u32 v39, $0x6  }
0x133: {  	vm2 =	vlt.s32 v27, v20;
	v38 =	vadd.s32 v39, v38  }
0x134: {  	vm3 =	vlt.s32 v27, v0;
	(xrf1) =	vunique.msk.u32 vm2, v38  }
0x135: {  	(xrf1) =	vunique.msk.u32 vm3, v38;
	_ =	sdelay $0x3  }
.Ltmp3:
0x136: {  	(pc) =	sbr.rel @!p1 .LBB2_13-.Ltmp3, $4  }
0x137: {  	_ = 	snop  }
0x138: {  	s22 =	sadd.s32 $0x10, s22  }
0x139: {  	v27 =	vadd.s32 s22, v2  }
0x13a: {  	s25 =	sadd.s32 $0xFFFFFFFF, s25;
	vm2 =	vge.s32 v27, v36;
	vm3 =	vge.s32 v27, v37  }
.LBB2_14:
0x13b: {  	v36 =	vsel vm2, $0x1, v3;
	v37 =	vsel vm3, $0x1, v3;
	vm2 =	vge.s32 v27, v35  }
0x13c: {  	v62 =	vadd.s32 v37, v36;
	v63 =	vsel vm2, $0x1, v3;
	vm2 =	vge.s32 v27, v34  }
0x13d: {  	v39 =	vadd.s32 v63, v62;
	v40 =	vsel vm2, $0x1, v3;
	vm2 =	vge.s32 v27, v33  }
0x13e: {  	v41 =	vadd.s32 v40, v39;
	v42 =	vsel vm2, $0x1, v3;
	vm2 =	vge.s32 v27, v32  }
0x13f: {  	v43 =	vadd.s32 v42, v41;
	v44 =	vsel vm2, $0x1, v3;
	vm2 =	vge.s32 v27, v31;
	_, v31, vm3 =	vpop @p0 (xrf1)  }
0x140: {  	v32 =	vadd.s32 v44, v43;
	v45 =	vsel vm2, $0x1, v3;
	vm2 =	vge.s32 v27, v30;
	_, v30, vm4 =	vpop @p0 (xrf1)  }
0x141: {  	v32 =	vadd.s32 v45, v32;
	v46 =	vsel vm2, $0x1, v3;
	vm2 =	vge.s32 v27, v29  }
0x142: {  	v47 =	vadd.s32 v46, v32;
	v48 =	vsel vm2, $0x1, v3;
	vm2 =	vge.s32 v27, v28  }
0x143: {  	v49 =	vadd.s32 v48, v47;
	v50 =	vsel vm2, $0x1, v3;
	vm2 =	vge.s32 v27, v26  }
0x144: {  	s22 =	sadd.s32 s22, s24;
	v51 =	vadd.s32 v50, v49;
	v52 =	vsel vm2, $0x1, v3;
	vm2 =	vge.s32 v27, v25  }
0x145: {  	s22 =	sand.u32 $0xFFFFFFF8, s22;
	v53 =	vadd.s32 v52, v51;
	v54 =	vsel vm2, $0x1, v3;
	vm2 =	vge.s32 v27, v24;
	[tilespmem:v38+s13+$0x0] =	vst.idx.add.s32.msk @p0 vm3, v31  }
0x146: {  	s22 =	sor.u32 s22, s23;
	v55 =	vadd.s32 v54, v53;
	v56 =	vsel vm2, $0x1, v3;
	vm2 =	vge.s32 v27, v23;
	[tilespmem:v38+s17+$0x0] =	vst.idx.add.s32.msk @p0 vm4, v30  }
0x147: {  	v57 =	vld [tilespmem:s22+$0x0];
	v24 =	vadd.s32 v56, v55;
	v58 =	vsel vm2, $0x1, v3;
	vm2 =	vge.s32 v27, v22  }
0x148: {  	v59 =	vadd.s32 v58, v24;
	v60 =	vsel vm2, $0x1, v3;
	vm2 =	vge.s32 v27, v21  }
0x149: {  	v61 =	vadd.s32 v60, v59;
	v62 =	vsel vm2, $0x1, v3  }
0x14a: {  	v21 =	vadd.s32 v62, v61  }
0x14b: {  	v21 =	vshll.u32 v21, $0x6  }
0x14c: {  	vm2 =	vlt.s32 v27, v20;
	v21 =	vadd.s32 v21, v57  }
0x14d: {  	vm3 =	vlt.s32 v27, v0;
	(xrf1) =	vunique.msk.u32 vm2, v21  }
0x14e: {  	(xrf1) =	vunique.msk.u32 vm3, v21;
	_ =	sdelay $0xc  }
0x14f: {  	_, v20, vm2 =	vpop (xrf1)  }
0x150: {  	_, v63, vm3 =	vpop (xrf1);
	_ =	sdelay $0x4  }
0x151: {  	[tilespmem:v21+s13+$0x0] =	vst.idx.add.s32.msk vm2, v20  }
0x152: {  	[tilespmem:v21+s17+$0x0] =	vst.idx.add.s32.msk vm3, v63  }
.LBB2_4:
0x153: {  	p0 =	sgt.u32 s21, s20  }
.Ltmp4:
0x154: {  	_ = 	snop;
	(pc) =	sbr.rel @p0 .LBB2_8-.Ltmp4, $1  }
0x155: {  	_ =	sdelay $0x3  }
0x156: {  	s22 =	sshll.u32 s21, $0x6  }
0x157: {  	s22 =	sand.u32 $0x3FFFFFC0, s22  }
0x158: {  	s23 =	sadd.s32 $0xFFFFFFFF, s21;
	s21 =	sadd.s32 $0x16A0, s22  }
0x159: {  	v20 =	vld [tilespmem:s21+$0x0]  }
0x15a: {  	v21 =	vld [tilespmem:s21+$0x10]  }
0x15b: {  	v22 =	vld [tilespmem:s21+$0xFFFFFFF0];
	_ =	sdelay $0x2  }
0x15c: {  	(xrf0) =	vadd.scan.msk.s32 $0xffff, v20  }
0x15d: {  	(xrf0) =	vadd.scan.msk.s32 $0xffff, v21  }
0x15e: {  	(xrf0) =	vadd.scan.msk.s32 $0xffff, v22;
	_ =	sdelay $0x3  }
0x15f: {  	v20, _, _ =	vpop (xrf0)  }
0x160: {  	(v2sf) =	vpush v20, $0xF;
	v21, _, _ =	vpop (xrf0)  }
0x161: {  	v22, _, _ =	vpop (xrf0);
	(v2sf) =	vpush v21, $0xF  }
0x162: {  	(v2sf) =	vpush v22, $0xF  }
0x163: {  	v23 =	vld [tilespmem:s21+$0xFFFFFFE0];
	_ =	sdelay $0x4  }
0x164: {  	(xrf0) =	vadd.scan.msk.s32 $0xffff, v23;
	_ =	sdelay $0x3  }
0x165: {  	s22 =	sadd.s32 $0x1AE0, s22  }
0x166: {  	v23 =	vld [tilespmem:s22+$0xFFFFFFE0]  }
0x167: {  	v24, _, _ =	vpop (xrf0)  }
0x168: {  	v25 =	vbroadcast v24, $0xF;
	s24 =	spop (v2sf)  }
0x169: {  	s25 =	spop (v2sf)  }
0x16a: {  	v24 =	vsub.s32 v25, v24;
	s24 =	sadd.s32 s24, s25;
	s31 =	spop (v2sf)  }
0x16b: {  	v23 =	vadd.s32 v23, v24;
	s25 =	sadd.s32 s31, s24  }
0x16c: {  	v23 =	vadd.s32 s25, v23  }
0x16d: {  	[tilespmem:s21+$0xFFFFFFE0] =	vst v23  }
0x16e: {  	v23 =	vld [tilespmem:s22+$0xFFFFFFF0];
	_ =	sdelay $0x1  }
0x16f: {  	v62 =	vbroadcast v22, $0xF;
	_ =	sdelay $0x1  }
0x170: {  	v22 =	vsub.s32 v62, v22  }
0x171: {  	v22 =	vadd.s32 v23, v22  }
0x172: {  	v22 =	vadd.s32 s24, v22  }
0x173: {  	[tilespmem:s21+$0xFFFFFFF0] =	vst v22  }
0x174: {  	v22 =	vld [tilespmem:s22+$0x0]  }
0x175: {  	v23 =	vbroadcast v20, $0xF  }
0x176: {  	v63 =	vbroadcast v21, $0xF  }
0x177: {  	v20 =	vsub.s32 v23, v20  }
0x178: {  	v20 =	vadd.s32 v63, v20  }
0x179: {  	v20 =	vadd.s32 v22, v20  }
0x17a: {  	s23 =	sadd.s32 $0x1, s23;
	[tilespmem:s21+$0x0] =	vst v20  }
0x17b: {  	p0 =	slt.u32 s23, s20;
	v20 =	vld [tilespmem:s22+$0x10]  }
.Ltmp5:
0x17c: {  	_ = 	snop;
	(pc) =	sbr.rel @!p0 .LBB2_7-.Ltmp5, $3  }
0x17d: {  	_ =	sdelay $0x1  }
0x17e: {  	v21 =	vsub.s32 v63, v21  }
0x17f: {  	s24 =	sadd.s32 $0x40, s21;
	v20 =	vadd.s32 v20, v21  }
.LBB2_6:
0x180: {  	v21 =	vld [tilespmem:s24+$0x0];
	s23 =	sadd.s32 $0x1, s23;
	[tilespmem:s21+$0x10] =	vst v20;
	s22 =	sadd.s32 $0x40, s22;
	s21 =	smov.u32 s24  }
0x181: {  	v20 =	vld [tilespmem:s24+$0x10];
	p0 =	slt.u32 s23, s20  }
0x182: {  	v22 =	vld [tilespmem:s24+$0xFFFFFFF0];
	_ =	sdelay $0x2  }
0x183: {  	(xrf0) =	vadd.scan.msk.s32 $0xffff, v21  }
0x184: {  	(xrf0) =	vadd.scan.msk.s32 $0xffff, v20  }
0x185: {  	(xrf0) =	vadd.scan.msk.s32 $0xffff, v22;
	_ =	sdelay $0x3  }
0x186: {  	v20, _, _ =	vpop (xrf0)  }
0x187: {  	v21 =	vbroadcast v20, $0xF;
	(v2sf) =	vpush v20, $0xF;
	v22, _, _ =	vpop (xrf0)  }
0x188: {  	v23 =	vbroadcast v22, $0xF;
	v24, _, _ =	vpop (xrf0);
	(v2sf) =	vpush v22, $0xF  }
0x189: {  	v25 =	vbroadcast v24, $0xF;
	v20 =	vsub.s32 v21, v20;
	(v2sf) =	vpush v24, $0xF  }
0x18a: {  	v21 =	vld [tilespmem:s24+$0xFFFFFFE0];
	v20 =	vadd.s32 v23, v20;
	v22 =	vsub.s32 v23, v22  }
0x18b: {  	v23 =	vsub.s32 v25, v24;
	_ =	sdelay $0x3  }
0x18c: {  	(xrf0) =	vadd.scan.msk.s32 $0xffff, v21;
	_ =	sdelay $0x4  }
0x18d: {  	v21 =	vld [tilespmem:s22+$0xFFFFFFE0]  }
0x18e: {  	v24, _, _ =	vpop (xrf0)  }
0x18f: {  	v25 =	vbroadcast v24, $0xF;
	s25 =	spop (v2sf)  }
0x190: {  	s26 =	spop (v2sf)  }
0x191: {  	s25 =	sadd.s32 s25, s26;
	v24 =	vsub.s32 v25, v24;
	s26 =	spop (v2sf)  }
0x192: {  	s26 =	sadd.s32 s26, s25;
	v21 =	vadd.s32 v21, v24  }
0x193: {  	v21 =	vadd.s32 s26, v21  }
0x194: {  	[tilespmem:s24+$0xFFFFFFE0] =	vst v21  }
0x195: {  	v21 =	vld [tilespmem:s22+$0xFFFFFFF0];
	_ =	sdelay $0x4  }
0x196: {  	v21 =	vadd.s32 v21, v23  }
0x197: {  	v21 =	vadd.s32 s25, v21  }
0x198: {  	[tilespmem:s24+$0xFFFFFFF0] =	vst v21  }
0x199: {  	v21 =	vld [tilespmem:s22+$0x0];
	_ =	sdelay $0x4  }
0x19a: {  	v20 =	vadd.s32 v21, v20  }
0x19b: {  	[tilespmem:s24+$0x0] =	vst v20  }
0x19c: {  	v20 =	vld [tilespmem:s22+$0x10]  }
.Ltmp6:
0x19d: {  	(pc) =	sbr.rel @p0 .LBB2_6-.Ltmp6, $2  }
0x19e: {  	_ =	sdelay $0x2  }
0x19f: {  	s24 =	sadd.s32 $0x40, s24;
	v20 =	vadd.s32 v20, v22  }
.LBB2_7:
0x1a0: {  	[tilespmem:s21+$0x10] =	vst v20  }
.LBB2_8:
0x1a1: {  	v4 =	vbroadcast v4, $0xF;
	v5 =	vbroadcast v5, $0xF  }
0x1a2: {  	v6 =	vbroadcast v6, $0xF;
	v7 =	vbroadcast v7, $0xF  }
0x1a3: {  	v8 =	vbroadcast v8, $0xF;
	v9 =	vbroadcast v9, $0xF  }
0x1a4: {  	v10 =	vbroadcast v10, $0xF;
	v11 =	vbroadcast v11, $0xF  }
0x1a5: {  	v12 =	vbroadcast v12, $0xF;
	v13 =	vbroadcast v13, $0xF  }
0x1a6: {  	v14 =	vbroadcast v14, $0xF;
	v15 =	vbroadcast v15, $0xF  }
0x1a7: {  	v16 =	vbroadcast v16, $0xF;
	v17 =	vbroadcast v17, $0xF;
	s19 =	ssub.s32 s6, s19  }
0x1a8: {  	v18 =	vbroadcast v18, $0xF;
	v19 =	vbroadcast v19, $0xF;
	s20 =	smov.u32 s9;
	[dreg:$0x5] =	wrdreg s19;
	s19 =	simm.s32 $0x0  }
.LBB2_9:
0x1a9: {  	s22 =	sadd.s32 s19, s6  }
0x1aa: {  	v20 =	vor.u32 s22, v2  }
0x1ab: {  	vm2 =	vge.s32 v20, v4;
	vm3 =	vge.s32 v20, v5  }
0x1ac: {  	v21 =	vsel vm2, $0x1, v3;
	v22 =	vsel vm3, $0x1, v3;
	vm2 =	vge.s32 v20, v6  }
0x1ad: {  	v21 =	vadd.s32 v22, v21;
	v30 =	vsel vm2, $0x1, v3;
	vm2 =	vge.s32 v20, v7  }
0x1ae: {  	v21 =	vadd.s32 v30, v21;
	v31 =	vsel vm2, $0x1, v3;
	vm2 =	vge.s32 v20, v8  }
0x1af: {  	v21 =	vadd.s32 v31, v21;
	v32 =	vsel vm2, $0x1, v3;
	vm2 =	vge.s32 v20, v9  }
0x1b0: {  	v21 =	vadd.s32 v32, v21;
	v33 =	vsel vm2, $0x1, v3;
	vm2 =	vge.s32 v20, v10  }
0x1b1: {  	v21 =	vadd.s32 v33, v21;
	v34 =	vsel vm2, $0x1, v3;
	vm2 =	vge.s32 v20, v11  }
0x1b2: {  	v21 =	vadd.s32 v34, v21;
	v35 =	vsel vm2, $0x1, v3;
	vm2 =	vge.s32 v20, v12  }
0x1b3: {  	v21 =	vadd.s32 v35, v21;
	v36 =	vsel vm2, $0x1, v3;
	vm2 =	vge.s32 v20, v13  }
0x1b4: {  	s21 =	rddreg [dreg:$0x5];
	v21 =	vadd.s32 v36, v21;
	v37 =	vsel vm2, $0x1, v3;
	vm2 =	vge.s32 v20, v14  }
0x1b5: {  	s21 =	sadd.s32 s19, s21;
	v21 =	vadd.s32 v37, v21;
	v38 =	vsel vm2, $0x1, v3;
	vm2 =	vge.s32 v20, v15  }
0x1b6: {  	p0 =	slt.s32 s21, $0x1470;
	s23 =	smov.u32 s21;
	v21 =	vadd.s32 v38, v21;
	v39 =	vsel vm2, $0x1, v3;
	vm2 =	vge.s32 v20, v16  }
0x1b7: {  	s23 =	simm.s32 @!p0 $0x1470;
	v21 =	vadd.s32 v39, v21;
	v40 =	vsel vm2, $0x1, v3;
	vm2 =	vge.s32 v20, v17  }
0x1b8: {  	v23 =	vld [tilespmem:s23+$0x0];
	v21 =	vadd.s32 v40, v21;
	v41 =	vsel vm2, $0x1, v3;
	vm2 =	vge.s32 v20, v18  }
0x1b9: {  	v21 =	vadd.s32 v41, v21;
	v42 =	vsel vm2, $0x1, v3;
	vm2 =	vge.s32 v20, v19  }
0x1ba: {  	v21 =	vadd.s32 v42, v21;
	v43 =	vsel vm2, $0x1, v3  }
0x1bb: {  	v21 =	vadd.s32 v43, v21  }
0x1bc: {  	v22 =	vshll.u32 v21, $0x6  }
0x1bd: {  	vm2 =	vlt.s32 v20, v19;
	v20 =	vadd.s32 v22, v23  }
0x1be: {  	(xrf1) =	vunique.msk.u32 vm2, v20;
	_ =	sdelay $0xd  }
0x1bf: {  	_, v44, vm3 =	vpop (xrf1);
	_ =	sdelay $0x4  }
0x1c0: {  	v23 =	vld.idx.msk [tilespmem:v20+s13+$0x0], $0xffff  }
0x1c1: {  	[tilespmem:v20+s13+$0x0] =	vst.idx.add.s32.msk vm3, v44  }
0x1c2: {  	v20 =	vld.idx.msk [tilespmem:v21+s14+$0x0], $0xffff  }
0x1c3: {  	v24 =	vld.idx.msk [tilespmem:v21+s15+$0x0], $0xffff  }
0x1c4: {  	v45 =	vld.idx.msk [tilespmem:v21+s16+$0x0], $0xffff  }
0x1c5: {  	v22 =	vadd.s32 v44, v23;
	v21 =	vmul.u32 $0xF, v21  }
0x1c6: {  	s25 =	sadd.s32 $0x10, s22;
	v22 =	vadd.s32 $0xFFFFFFFF, v22  }
0x1c7: {  	v55 =	vor.u32 s25, v2;
	v54 =	vnsel vm2, $0xFF, v21;
	vm3 =	vge.s32 v22, v20  }
0x1c8: {  	vm4 =	vge.s32 v22, v24;
	v20 =	vshll.u32 v24, $0x1;
	v24 =	vmul.u32 $0x3, v24  }
0x1c9: {  	v46 =	vshll.u32 v45, $0x1;
	v47 =	vmul.u32 $0x3, v45;
	v48 =	vshll.u32 v45, $0x2  }
0x1ca: {  	v30 =	vmul.u32 $0x5, v45;
	v49 =	vmul.u32 $0x6, v45;
	v23 =	vmul.u32 $0x7, v45  }
0x1cb: {  	v25 =	vsel vm3, $0x1, v3;
	v26 =	vsel vm4, $0x1, v3;
	vm3 =	vge.s32 v22, v20  }
0x1cc: {  	vm4 =	vge.s32 v22, v45;
	vm5 =	vge.s32 v22, v46;
	v20 =	vsel vm3, $0x1, v3  }
0x1cd: {  	vm3 =	vge.s32 v22, v24;
	v28 =	vsel vm4, $0x1, v3;
	v29 =	vsel vm5, $0x1, v3  }
0x1ce: {  	vm4 =	vge.s32 v22, v30;
	v27 =	vsel vm3, $0x1, v3;
	vm3 =	vge.s32 v22, v47  }
0x1cf: {  	v32 =	vsel vm4, $0x1, v3;
	v28 =	vadd.s32 v28, v21;
	vm4 =	vge.s32 v22, v23  }
0x1d0: {  	v31 =	vsel vm3, $0x1, v3;
	vm3 =	vge.s32 v22, v48;
	v51 =	vadd.s32 v29, v28  }
0x1d1: {  	v50 =	vsel vm3, $0x1, v3;
	vm3 =	vge.s32 v22, v49;
	v22 =	vadd.s32 v31, v51  }
0x1d2: {  	v26 =	vadd.s32 v26, v21;
	v21 =	vadd.s32 v25, v21;
	v22 =	vadd.s32 v50, v22  }
0x1d3: {  	v20 =	vadd.s32 v20, v26;
	v52 =	vsel vm3, $0x1, v3;
	v22 =	vadd.s32 v32, v22  }
0x1d4: {  	v53 =	vsel vm4, $0x1, v3;
	v20 =	vadd.s32 v27, v20;
	v22 =	vadd.s32 v52, v22  }
0x1d5: {  	v21 =	vadd.s32 $0x1, v21;
	v20 =	vadd.s32 $0x3, v20;
	v22 =	vadd.s32 v53, v22  }
0x1d6: {  	v21 =	vnsel vm2, $0xFF, v21;
	v20 =	vnsel vm2, $0xFF, v20;
	v22 =	vadd.s32 $0x7, v22  }
0x1d7: {  	vm3 =	vge.s32 v55, v5;
	v22 =	vnsel vm2, $0xFF, v22;
	vm2 =	vge.s32 v55, v4  }
0x1d8: {  	v57 =	vsel vm3, $0x1, v3;
	v56 =	vsel vm2, $0x1, v3;
	vm2 =	vge.s32 v55, v6  }
0x1d9: {  	v24 =	vadd.s32 v57, v56;
	v58 =	vsel vm2, $0x1, v3;
	vm2 =	vge.s32 v55, v7  }
0x1da: {  	v24 =	vadd.s32 v58, v24;
	v59 =	vsel vm2, $0x1, v3;
	vm2 =	vge.s32 v55, v8  }
0x1db: {  	v24 =	vadd.s32 v59, v24;
	v60 =	vsel vm2, $0x1, v3;
	vm2 =	vge.s32 v55, v9  }
0x1dc: {  	v24 =	vadd.s32 v60, v24;
	v61 =	vsel vm2, $0x1, v3;
	vm2 =	vge.s32 v55, v10  }
0x1dd: {  	v24 =	vadd.s32 v61, v24;
	v62 =	vsel vm2, $0x1, v3;
	vm2 =	vge.s32 v55, v11  }
0x1de: {  	v24 =	vadd.s32 v62, v24;
	v63 =	vsel vm2, $0x1, v3;
	vm2 =	vge.s32 v55, v12  }
0x1df: {  	v24 =	vadd.s32 v63, v24;
	v29 =	vsel vm2, $0x1, v3;
	vm2 =	vge.s32 v55, v13  }
0x1e0: {  	[tilespmem:$0x1480] =	vst v54;
	v24 =	vadd.s32 v29, v24;
	v30 =	vsel vm2, $0x1, v3;
	vm2 =	vge.s32 v55, v14  }
0x1e1: {  	s23 =	sadd.s32 $0x10, s21;
	[tilespmem:$0x1500] =	vst v21;
	v31 =	vadd.s32 v30, v24;
	v32 =	vsel vm2, $0x1, v3;
	vm2 =	vge.s32 v55, v15  }
0x1e2: {  	p0 =	slt.s32 s23, $0x1470;
	[tilespmem:$0x1580] =	vst v20;
	v20 =	vadd.s32 v32, v31;
	v33 =	vsel vm2, $0x1, v3;
	vm2 =	vge.s32 v55, v16  }
0x1e3: {  	s23 =	simm.s32 @!p0 $0x1470;
	[tilespmem:$0x1600] =	vst v22;
	v20 =	vadd.s32 v33, v20;
	v34 =	vsel vm2, $0x1, v3;
	vm2 =	vge.s32 v55, v17  }
0x1e4: {  	v22 =	vld [tilespmem:s23+$0x0];
	v20 =	vadd.s32 v34, v20;
	v35 =	vsel vm2, $0x1, v3;
	vm2 =	vge.s32 v55, v18  }
0x1e5: {  	v20 =	vadd.s32 v35, v20;
	v36 =	vsel vm2, $0x1, v3;
	vm2 =	vge.s32 v55, v19  }
0x1e6: {  	v20 =	vadd.s32 v36, v20;
	v37 =	vsel vm2, $0x1, v3  }
0x1e7: {  	v20 =	vadd.s32 v37, v20  }
0x1e8: {  	v21 =	vshll.u32 v20, $0x6  }
0x1e9: {  	vm2 =	vlt.s32 v55, v19;
	v21 =	vadd.s32 v21, v22  }
0x1ea: {  	(xrf1) =	vunique.msk.u32 vm2, v21;
	_ =	sdelay $0xd  }
0x1eb: {  	_, v38, vm3 =	vpop (xrf1);
	_ =	sdelay $0x4  }
0x1ec: {  	v39 =	vld.idx.msk [tilespmem:v21+s13+$0x0], $0xffff  }
0x1ed: {  	[tilespmem:v21+s13+$0x0] =	vst.idx.add.s32.msk vm3, v38  }
0x1ee: {  	v21 =	vld.idx.msk [tilespmem:v20+s14+$0x0], $0xffff  }
0x1ef: {  	v40 =	vld.idx.msk [tilespmem:v20+s15+$0x0], $0xffff  }
0x1f0: {  	v41 =	vld.idx.msk [tilespmem:v20+s16+$0x0], $0xffff  }
0x1f1: {  	v22 =	vadd.s32 v38, v39;
	v20 =	vmul.u32 $0xF, v20  }
0x1f2: {  	s26 =	sadd.s32 $0x20, s22;
	v22 =	vadd.s32 $0xFFFFFFFF, v22  }
0x1f3: {  	v60 =	vor.u32 s26, v2;
	v59 =	vnsel vm2, $0xFF, v20;
	vm3 =	vge.s32 v22, v21  }
0x1f4: {  	vm4 =	vge.s32 v22, v40;
	v42 =	vshll.u32 v40, $0x1;
	v24 =	vmul.u32 $0x3, v40  }
0x1f5: {  	v45 =	vshll.u32 v41, $0x1;
	v46 =	vmul.u32 $0x3, v41;
	v50 =	vshll.u32 v41, $0x2  }
0x1f6: {  	v51 =	vmul.u32 $0x5, v41;
	v53 =	vmul.u32 $0x6, v41;
	v23 =	vmul.u32 $0x7, v41  }
0x1f7: {  	v43 =	vsel vm3, $0x1, v3;
	v44 =	vsel vm4, $0x1, v3;
	vm3 =	vge.s32 v22, v42  }
0x1f8: {  	vm4 =	vge.s32 v22, v41;
	vm5 =	vge.s32 v22, v45;
	v21 =	vsel vm3, $0x1, v3  }
0x1f9: {  	vm3 =	vge.s32 v22, v24;
	v48 =	vsel vm4, $0x1, v3;
	v49 =	vsel vm5, $0x1, v3  }
0x1fa: {  	vm4 =	vge.s32 v22, v51;
	v47 =	vsel vm3, $0x1, v3;
	vm3 =	vge.s32 v22, v46  }
0x1fb: {  	v55 =	vsel vm4, $0x1, v3;
	v28 =	vadd.s32 v48, v20;
	vm4 =	vge.s32 v22, v23  }
0x1fc: {  	v52 =	vsel vm3, $0x1, v3;
	vm3 =	vge.s32 v22, v50;
	v56 =	vadd.s32 v49, v28  }
0x1fd: {  	v54 =	vsel vm3, $0x1, v3;
	vm3 =	vge.s32 v22, v53;
	v22 =	vadd.s32 v52, v56  }
0x1fe: {  	v26 =	vadd.s32 v44, v20;
	v20 =	vadd.s32 v43, v20;
	v22 =	vadd.s32 v54, v22  }
0x1ff: {  	v21 =	vadd.s32 v21, v26;
	v57 =	vsel vm3, $0x1, v3;
	v22 =	vadd.s32 v55, v22  }
0x200: {  	v58 =	vsel vm4, $0x1, v3;
	v21 =	vadd.s32 v47, v21;
	v22 =	vadd.s32 v57, v22  }
0x201: {  	v20 =	vadd.s32 $0x1, v20;
	v21 =	vadd.s32 $0x3, v21;
	v22 =	vadd.s32 v58, v22  }
0x202: {  	v20 =	vnsel vm2, $0xFF, v20;
	v21 =	vnsel vm2, $0xFF, v21;
	v22 =	vadd.s32 $0x7, v22  }
0x203: {  	vm3 =	vge.s32 v60, v5;
	v22 =	vnsel vm2, $0xFF, v22;
	vm2 =	vge.s32 v60, v4  }
0x204: {  	v62 =	vsel vm3, $0x1, v3;
	v61 =	vsel vm2, $0x1, v3;
	vm2 =	vge.s32 v60, v6  }
0x205: {  	v24 =	vadd.s32 v62, v61;
	v63 =	vsel vm2, $0x1, v3;
	vm2 =	vge.s32 v60, v7  }
0x206: {  	v24 =	vadd.s32 v63, v24;
	v29 =	vsel vm2, $0x1, v3;
	vm2 =	vge.s32 v60, v8  }
0x207: {  	v24 =	vadd.s32 v29, v24;
	v30 =	vsel vm2, $0x1, v3;
	vm2 =	vge.s32 v60, v9  }
0x208: {  	v24 =	vadd.s32 v30, v24;
	v31 =	vsel vm2, $0x1, v3;
	vm2 =	vge.s32 v60, v10  }
0x209: {  	v24 =	vadd.s32 v31, v24;
	v32 =	vsel vm2, $0x1, v3;
	vm2 =	vge.s32 v60, v11  }
0x20a: {  	v24 =	vadd.s32 v32, v24;
	v33 =	vsel vm2, $0x1, v3;
	vm2 =	vge.s32 v60, v12  }
0x20b: {  	v24 =	vadd.s32 v33, v24;
	v34 =	vsel vm2, $0x1, v3;
	vm2 =	vge.s32 v60, v13  }
0x20c: {  	[tilespmem:$0x1490] =	vst v59;
	v24 =	vadd.s32 v34, v24;
	v35 =	vsel vm2, $0x1, v3;
	vm2 =	vge.s32 v60, v14  }
0x20d: {  	s23 =	sadd.s32 $0x20, s21;
	[tilespmem:$0x1510] =	vst v20;
	v20 =	vadd.s32 v35, v24;
	v36 =	vsel vm2, $0x1, v3;
	vm2 =	vge.s32 v60, v15  }
0x20e: {  	p0 =	slt.s32 s23, $0x1470;
	[tilespmem:$0x1590] =	vst v21;
	v20 =	vadd.s32 v36, v20;
	v37 =	vsel vm2, $0x1, v3;
	vm2 =	vge.s32 v60, v16  }
0x20f: {  	s23 =	simm.s32 @!p0 $0x1470;
	[tilespmem:$0x1610] =	vst v22;
	v20 =	vadd.s32 v37, v20;
	v38 =	vsel vm2, $0x1, v3;
	vm2 =	vge.s32 v60, v17  }
0x210: {  	v22 =	vld [tilespmem:s23+$0x0];
	v20 =	vadd.s32 v38, v20;
	v39 =	vsel vm2, $0x1, v3;
	vm2 =	vge.s32 v60, v18  }
0x211: {  	v20 =	vadd.s32 v39, v20;
	v40 =	vsel vm2, $0x1, v3;
	vm2 =	vge.s32 v60, v19  }
0x212: {  	v20 =	vadd.s32 v40, v20;
	v41 =	vsel vm2, $0x1, v3  }
0x213: {  	v20 =	vadd.s32 v41, v20  }
0x214: {  	v21 =	vshll.u32 v20, $0x6  }
0x215: {  	vm2 =	vlt.s32 v60, v19;
	v21 =	vadd.s32 v21, v22  }
0x216: {  	(xrf1) =	vunique.msk.u32 vm2, v21;
	_ =	sdelay $0xd  }
0x217: {  	_, v42, vm3 =	vpop (xrf1);
	_ =	sdelay $0x4  }
0x218: {  	v43 =	vld.idx.msk [tilespmem:v21+s13+$0x0], $0xffff  }
0x219: {  	[tilespmem:v21+s13+$0x0] =	vst.idx.add.s32.msk vm3, v42  }
0x21a: {  	v21 =	vld.idx.msk [tilespmem:v20+s14+$0x0], $0xffff  }
0x21b: {  	v44 =	vld.idx.msk [tilespmem:v20+s15+$0x0], $0xffff  }
0x21c: {  	v45 =	vld.idx.msk [tilespmem:v20+s16+$0x0], $0xffff  }
0x21d: {  	v22 =	vadd.s32 v42, v43;
	v20 =	vmul.u32 $0xF, v20  }
0x21e: {  	s28 =	sadd.s32 $0x30, s22;
	v22 =	vadd.s32 $0xFFFFFFFF, v22  }
0x21f: {  	v30 =	vor.u32 s28, v2;
	v63 =	vnsel vm2, $0xFF, v20;
	vm3 =	vge.s32 v22, v21  }
0x220: {  	vm4 =	vge.s32 v22, v44;
	v46 =	vshll.u32 v44, $0x1;
	v24 =	vmul.u32 $0x3, v44  }
0x221: {  	v49 =	vshll.u32 v45, $0x1;
	v50 =	vmul.u32 $0x3, v45;
	v54 =	vshll.u32 v45, $0x2  }
0x222: {  	v55 =	vmul.u32 $0x5, v45;
	v57 =	vmul.u32 $0x6, v45;
	v23 =	vmul.u32 $0x7, v45  }
0x223: {  	v47 =	vsel vm3, $0x1, v3;
	v48 =	vsel vm4, $0x1, v3;
	vm3 =	vge.s32 v22, v46  }
0x224: {  	vm4 =	vge.s32 v22, v45;
	vm5 =	vge.s32 v22, v49;
	v21 =	vsel vm3, $0x1, v3  }
0x225: {  	vm3 =	vge.s32 v22, v24;
	v52 =	vsel vm4, $0x1, v3;
	v53 =	vsel vm5, $0x1, v3  }
0x226: {  	vm4 =	vge.s32 v22, v55;
	v51 =	vsel vm3, $0x1, v3;
	vm3 =	vge.s32 v22, v50  }
0x227: {  	v59 =	vsel vm4, $0x1, v3;
	v28 =	vadd.s32 v52, v20;
	vm4 =	vge.s32 v22, v23  }
0x228: {  	v56 =	vsel vm3, $0x1, v3;
	vm3 =	vge.s32 v22, v54;
	v60 =	vadd.s32 v53, v28  }
0x229: {  	v58 =	vsel vm3, $0x1, v3;
	vm3 =	vge.s32 v22, v57;
	v22 =	vadd.s32 v56, v60  }
0x22a: {  	v26 =	vadd.s32 v48, v20;
	v20 =	vadd.s32 v47, v20;
	v22 =	vadd.s32 v58, v22  }
0x22b: {  	v21 =	vadd.s32 v21, v26;
	v61 =	vsel vm3, $0x1, v3;
	v22 =	vadd.s32 v59, v22  }
0x22c: {  	v62 =	vsel vm4, $0x1, v3;
	v21 =	vadd.s32 v51, v21;
	v22 =	vadd.s32 v61, v22  }
0x22d: {  	v20 =	vadd.s32 $0x1, v20;
	v21 =	vadd.s32 $0x3, v21;
	v22 =	vadd.s32 v62, v22  }
0x22e: {  	v20 =	vnsel vm2, $0xFF, v20;
	v21 =	vnsel vm2, $0xFF, v21;
	v22 =	vadd.s32 $0x7, v22  }
0x22f: {  	vm3 =	vge.s32 v30, v5;
	v22 =	vnsel vm2, $0xFF, v22;
	vm2 =	vge.s32 v30, v4  }
0x230: {  	v32 =	vsel vm3, $0x1, v3;
	v31 =	vsel vm2, $0x1, v3;
	vm2 =	vge.s32 v30, v6  }
0x231: {  	v24 =	vadd.s32 v32, v31;
	v33 =	vsel vm2, $0x1, v3;
	vm2 =	vge.s32 v30, v7  }
0x232: {  	v24 =	vadd.s32 v33, v24;
	v34 =	vsel vm2, $0x1, v3;
	vm2 =	vge.s32 v30, v8  }
0x233: {  	v24 =	vadd.s32 v34, v24;
	v35 =	vsel vm2, $0x1, v3;
	vm2 =	vge.s32 v30, v9  }
0x234: {  	v24 =	vadd.s32 v35, v24;
	v36 =	vsel vm2, $0x1, v3;
	vm2 =	vge.s32 v30, v10  }
0x235: {  	v24 =	vadd.s32 v36, v24;
	v37 =	vsel vm2, $0x1, v3;
	vm2 =	vge.s32 v30, v11  }
0x236: {  	v24 =	vadd.s32 v37, v24;
	v38 =	vsel vm2, $0x1, v3;
	vm2 =	vge.s32 v30, v12  }
0x237: {  	v24 =	vadd.s32 v38, v24;
	v39 =	vsel vm2, $0x1, v3;
	vm2 =	vge.s32 v30, v13  }
0x238: {  	[tilespmem:$0x14A0] =	vst v63;
	v24 =	vadd.s32 v39, v24;
	v40 =	vsel vm2, $0x1, v3;
	vm2 =	vge.s32 v30, v14  }
0x239: {  	s23 =	sadd.s32 $0x30, s21;
	[tilespmem:$0x1520] =	vst v20;
	v20 =	vadd.s32 v40, v24;
	v41 =	vsel vm2, $0x1, v3;
	vm2 =	vge.s32 v30, v15  }
0x23a: {  	p0 =	slt.s32 s23, $0x1470;
	[tilespmem:$0x15A0] =	vst v21;
	v20 =	vadd.s32 v41, v20;
	v42 =	vsel vm2, $0x1, v3;
	vm2 =	vge.s32 v30, v16  }
0x23b: {  	s23 =	simm.s32 @!p0 $0x1470;
	[tilespmem:$0x1620] =	vst v22;
	v20 =	vadd.s32 v42, v20;
	v43 =	vsel vm2, $0x1, v3;
	vm2 =	vge.s32 v30, v17  }
0x23c: {  	v22 =	vld [tilespmem:s23+$0x0];
	v20 =	vadd.s32 v43, v20;
	v44 =	vsel vm2, $0x1, v3;
	vm2 =	vge.s32 v30, v18  }
0x23d: {  	v20 =	vadd.s32 v44, v20;
	v45 =	vsel vm2, $0x1, v3;
	vm2 =	vge.s32 v30, v19  }
0x23e: {  	v20 =	vadd.s32 v45, v20;
	v46 =	vsel vm2, $0x1, v3  }
0x23f: {  	v20 =	vadd.s32 v46, v20  }
0x240: {  	v21 =	vshll.u32 v20, $0x6  }
0x241: {  	vm2 =	vlt.s32 v30, v19;
	v21 =	vadd.s32 v21, v22  }
0x242: {  	(xrf1) =	vunique.msk.u32 vm2, v21;
	_ =	sdelay $0xd  }
0x243: {  	_, v47, vm3 =	vpop (xrf1);
	_ =	sdelay $0x4  }
0x244: {  	v48 =	vld.idx.msk [tilespmem:v21+s13+$0x0], $0xffff  }
0x245: {  	[tilespmem:v21+s13+$0x0] =	vst.idx.add.s32.msk vm3, v47  }
0x246: {  	v21 =	vld.idx.msk [tilespmem:v20+s14+$0x0], $0xffff  }
0x247: {  	v49 =	vld.idx.msk [tilespmem:v20+s15+$0x0], $0xffff  }
0x248: {  	v50 =	vld.idx.msk [tilespmem:v20+s16+$0x0], $0xffff  }
0x249: {  	v22 =	vadd.s32 v47, v48;
	v20 =	vmul.u32 $0xF, v20  }
0x24a: {  	s29 =	sadd.s32 $0x40, s22;
	v22 =	vadd.s32 $0xFFFFFFFF, v22  }
0x24b: {  	v41 =	vor.u32 s29, v2;
	v40 =	vnsel vm2, $0xFF, v20;
	vm3 =	vge.s32 v22, v21  }
0x24c: {  	vm4 =	vge.s32 v22, v49;
	v51 =	vshll.u32 v49, $0x1;
	v24 =	vmul.u32 $0x3, v49  }
0x24d: {  	v54 =	vshll.u32 v50, $0x1;
	v55 =	vmul.u32 $0x3, v50;
	v59 =	vshll.u32 v50, $0x2  }
0x24e: {  	v60 =	vmul.u32 $0x5, v50;
	v62 =	vmul.u32 $0x6, v50;
	v23 =	vmul.u32 $0x7, v50  }
0x24f: {  	v52 =	vsel vm3, $0x1, v3;
	v53 =	vsel vm4, $0x1, v3;
	vm3 =	vge.s32 v22, v51  }
0x250: {  	vm4 =	vge.s32 v22, v50;
	vm5 =	vge.s32 v22, v54;
	v21 =	vsel vm3, $0x1, v3  }
0x251: {  	vm3 =	vge.s32 v22, v24;
	v57 =	vsel vm4, $0x1, v3;
	v58 =	vsel vm5, $0x1, v3  }
0x252: {  	vm4 =	vge.s32 v22, v60;
	v56 =	vsel vm3, $0x1, v3;
	vm3 =	vge.s32 v22, v55  }
0x253: {  	v36 =	vsel vm4, $0x1, v3;
	v28 =	vadd.s32 v57, v20;
	vm4 =	vge.s32 v22, v23  }
0x254: {  	v61 =	vsel vm3, $0x1, v3;
	vm3 =	vge.s32 v22, v59;
	v37 =	vadd.s32 v58, v28  }
0x255: {  	v63 =	vsel vm3, $0x1, v3;
	vm3 =	vge.s32 v22, v62;
	v22 =	vadd.s32 v61, v37  }
0x256: {  	v26 =	vadd.s32 v53, v20;
	v20 =	vadd.s32 v52, v20;
	v22 =	vadd.s32 v63, v22  }
0x257: {  	v21 =	vadd.s32 v21, v26;
	v38 =	vsel vm3, $0x1, v3;
	v22 =	vadd.s32 v36, v22  }
0x258: {  	v39 =	vsel vm4, $0x1, v3;
	v21 =	vadd.s32 v56, v21;
	v22 =	vadd.s32 v38, v22  }
0x259: {  	v20 =	vadd.s32 $0x1, v20;
	v21 =	vadd.s32 $0x3, v21;
	v22 =	vadd.s32 v39, v22  }
0x25a: {  	v20 =	vnsel vm2, $0xFF, v20;
	v21 =	vnsel vm2, $0xFF, v21;
	v22 =	vadd.s32 $0x7, v22  }
0x25b: {  	vm3 =	vge.s32 v41, v5;
	v22 =	vnsel vm2, $0xFF, v22;
	vm2 =	vge.s32 v41, v4  }
0x25c: {  	v43 =	vsel vm3, $0x1, v3;
	v42 =	vsel vm2, $0x1, v3;
	vm2 =	vge.s32 v41, v6  }
0x25d: {  	v24 =	vadd.s32 v43, v42;
	v44 =	vsel vm2, $0x1, v3;
	vm2 =	vge.s32 v41, v7  }
0x25e: {  	v24 =	vadd.s32 v44, v24;
	v45 =	vsel vm2, $0x1, v3;
	vm2 =	vge.s32 v41, v8  }
0x25f: {  	v24 =	vadd.s32 v45, v24;
	v46 =	vsel vm2, $0x1, v3;
	vm2 =	vge.s32 v41, v9  }
0x260: {  	v24 =	vadd.s32 v46, v24;
	v47 =	vsel vm2, $0x1, v3;
	vm2 =	vge.s32 v41, v10  }
0x261: {  	v24 =	vadd.s32 v47, v24;
	v48 =	vsel vm2, $0x1, v3;
	vm2 =	vge.s32 v41, v11  }
0x262: {  	v24 =	vadd.s32 v48, v24;
	v49 =	vsel vm2, $0x1, v3;
	vm2 =	vge.s32 v41, v12  }
0x263: {  	v24 =	vadd.s32 v49, v24;
	v50 =	vsel vm2, $0x1, v3;
	vm2 =	vge.s32 v41, v13  }
0x264: {  	[tilespmem:$0x14B0] =	vst v40;
	v24 =	vadd.s32 v50, v24;
	v51 =	vsel vm2, $0x1, v3;
	vm2 =	vge.s32 v41, v14  }
0x265: {  	s23 =	sadd.s32 $0x40, s21;
	[tilespmem:$0x1530] =	vst v20;
	v20 =	vadd.s32 v51, v24;
	v52 =	vsel vm2, $0x1, v3;
	vm2 =	vge.s32 v41, v15  }
0x266: {  	p0 =	slt.s32 s23, $0x1470;
	[tilespmem:$0x15B0] =	vst v21;
	v20 =	vadd.s32 v52, v20;
	v53 =	vsel vm2, $0x1, v3;
	vm2 =	vge.s32 v41, v16  }
0x267: {  	s23 =	simm.s32 @!p0 $0x1470;
	[tilespmem:$0x1630] =	vst v22;
	v20 =	vadd.s32 v53, v20;
	v54 =	vsel vm2, $0x1, v3;
	vm2 =	vge.s32 v41, v17  }
0x268: {  	v22 =	vld [tilespmem:s23+$0x0];
	v20 =	vadd.s32 v54, v20;
	v55 =	vsel vm2, $0x1, v3;
	vm2 =	vge.s32 v41, v18  }
0x269: {  	v20 =	vadd.s32 v55, v20;
	v56 =	vsel vm2, $0x1, v3;
	vm2 =	vge.s32 v41, v19  }
0x26a: {  	v20 =	vadd.s32 v56, v20;
	v57 =	vsel vm2, $0x1, v3  }
0x26b: {  	v20 =	vadd.s32 v57, v20  }
0x26c: {  	v21 =	vshll.u32 v20, $0x6  }
0x26d: {  	vm2 =	vlt.s32 v41, v19;
	v21 =	vadd.s32 v21, v22  }
0x26e: {  	(xrf1) =	vunique.msk.u32 vm2, v21;
	_ =	sdelay $0xd  }
0x26f: {  	_, v58, vm3 =	vpop (xrf1);
	_ =	sdelay $0x4  }
0x270: {  	v59 =	vld.idx.msk [tilespmem:v21+s13+$0x0], $0xffff  }
0x271: {  	[tilespmem:v21+s13+$0x0] =	vst.idx.add.s32.msk vm3, v58  }
0x272: {  	v21 =	vld.idx.msk [tilespmem:v20+s14+$0x0], $0xffff  }
0x273: {  	v60 =	vld.idx.msk [tilespmem:v20+s15+$0x0], $0xffff  }
0x274: {  	v61 =	vld.idx.msk [tilespmem:v20+s16+$0x0], $0xffff  }
0x275: {  	v22 =	vadd.s32 v58, v59;
	v20 =	vmul.u32 $0xF, v20  }
0x276: {  	s30 =	sadd.s32 $0x50, s22;
	v22 =	vadd.s32 $0xFFFFFFFF, v22  }
0x277: {  	v52 =	vor.u32 s30, v2;
	v51 =	vnsel vm2, $0xFF, v20;
	vm3 =	vge.s32 v22, v21  }
0x278: {  	vm4 =	vge.s32 v22, v60;
	v62 =	vshll.u32 v60, $0x1;
	v24 =	vmul.u32 $0x3, v60  }
0x279: {  	v37 =	vshll.u32 v61, $0x1;
	v38 =	vmul.u32 $0x3, v61;
	v42 =	vshll.u32 v61, $0x2  }
0x27a: {  	v43 =	vmul.u32 $0x5, v61;
	v45 =	vmul.u32 $0x6, v61;
	v23 =	vmul.u32 $0x7, v61  }
0x27b: {  	v63 =	vsel vm3, $0x1, v3;
	v36 =	vsel vm4, $0x1, v3;
	vm3 =	vge.s32 v22, v62  }
0x27c: {  	vm4 =	vge.s32 v22, v61;
	vm5 =	vge.s32 v22, v37;
	v21 =	vsel vm3, $0x1, v3  }
0x27d: {  	vm3 =	vge.s32 v22, v24;
	v40 =	vsel vm4, $0x1, v3;
	v41 =	vsel vm5, $0x1, v3  }
0x27e: {  	vm4 =	vge.s32 v22, v43;
	v39 =	vsel vm3, $0x1, v3;
	vm3 =	vge.s32 v22, v38  }
0x27f: {  	v47 =	vsel vm4, $0x1, v3;
	v28 =	vadd.s32 v40, v20;
	vm4 =	vge.s32 v22, v23  }
0x280: {  	v44 =	vsel vm3, $0x1, v3;
	vm3 =	vge.s32 v22, v42;
	v48 =	vadd.s32 v41, v28  }
0x281: {  	v46 =	vsel vm3, $0x1, v3;
	vm3 =	vge.s32 v22, v45;
	v22 =	vadd.s32 v44, v48  }
0x282: {  	v26 =	vadd.s32 v36, v20;
	v20 =	vadd.s32 v63, v20;
	v22 =	vadd.s32 v46, v22  }
0x283: {  	v21 =	vadd.s32 v21, v26;
	v49 =	vsel vm3, $0x1, v3;
	v22 =	vadd.s32 v47, v22  }
0x284: {  	v50 =	vsel vm4, $0x1, v3;
	v21 =	vadd.s32 v39, v21;
	v22 =	vadd.s32 v49, v22  }
0x285: {  	v20 =	vadd.s32 $0x1, v20;
	v21 =	vadd.s32 $0x3, v21;
	v22 =	vadd.s32 v50, v22  }
0x286: {  	v20 =	vnsel vm2, $0xFF, v20;
	v21 =	vnsel vm2, $0xFF, v21;
	v22 =	vadd.s32 $0x7, v22  }
0x287: {  	vm3 =	vge.s32 v52, v5;
	v22 =	vnsel vm2, $0xFF, v22;
	vm2 =	vge.s32 v52, v4  }
0x288: {  	v54 =	vsel vm3, $0x1, v3;
	v53 =	vsel vm2, $0x1, v3;
	vm2 =	vge.s32 v52, v6  }
0x289: {  	v24 =	vadd.s32 v54, v53;
	v55 =	vsel vm2, $0x1, v3;
	vm2 =	vge.s32 v52, v7  }
0x28a: {  	v24 =	vadd.s32 v55, v24;
	v56 =	vsel vm2, $0x1, v3;
	vm2 =	vge.s32 v52, v8  }
0x28b: {  	v24 =	vadd.s32 v56, v24;
	v57 =	vsel vm2, $0x1, v3;
	vm2 =	vge.s32 v52, v9  }
0x28c: {  	v24 =	vadd.s32 v57, v24;
	v58 =	vsel vm2, $0x1, v3;
	vm2 =	vge.s32 v52, v10  }
0x28d: {  	v24 =	vadd.s32 v58, v24;
	v59 =	vsel vm2, $0x1, v3;
	vm2 =	vge.s32 v52, v11  }
0x28e: {  	v24 =	vadd.s32 v59, v24;
	v60 =	vsel vm2, $0x1, v3;
	vm2 =	vge.s32 v52, v12  }
0x28f: {  	v24 =	vadd.s32 v60, v24;
	v61 =	vsel vm2, $0x1, v3;
	vm2 =	vge.s32 v52, v13  }
0x290: {  	[tilespmem:$0x14C0] =	vst v51;
	v24 =	vadd.s32 v61, v24;
	v62 =	vsel vm2, $0x1, v3;
	vm2 =	vge.s32 v52, v14  }
0x291: {  	s23 =	sadd.s32 $0x50, s21;
	[tilespmem:$0x1540] =	vst v20;
	v20 =	vadd.s32 v62, v24;
	v63 =	vsel vm2, $0x1, v3;
	vm2 =	vge.s32 v52, v15  }
0x292: {  	p0 =	slt.s32 s23, $0x1470;
	[tilespmem:$0x15C0] =	vst v21;
	v20 =	vadd.s32 v63, v20;
	v28 =	vsel vm2, $0x1, v3;
	vm2 =	vge.s32 v52, v16  }
0x293: {  	s23 =	simm.s32 @!p0 $0x1470;
	[tilespmem:$0x1640] =	vst v22;
	v20 =	vadd.s32 v28, v20;
	v29 =	vsel vm2, $0x1, v3;
	vm2 =	vge.s32 v52, v17  }
0x294: {  	v22 =	vld [tilespmem:s23+$0x0];
	v20 =	vadd.s32 v29, v20;
	v30 =	vsel vm2, $0x1, v3;
	vm2 =	vge.s32 v52, v18  }
0x295: {  	v20 =	vadd.s32 v30, v20;
	v31 =	vsel vm2, $0x1, v3;
	vm2 =	vge.s32 v52, v19  }
0x296: {  	v20 =	vadd.s32 v31, v20;
	v32 =	vsel vm2, $0x1, v3  }
0x297: {  	v20 =	vadd.s32 v32, v20  }
0x298: {  	v21 =	vshll.u32 v20, $0x6  }
0x299: {  	vm2 =	vlt.s32 v52, v19;
	v21 =	vadd.s32 v21, v22  }
0x29a: {  	(xrf1) =	vunique.msk.u32 vm2, v21;
	_ =	sdelay $0xd  }
0x29b: {  	_, v33, vm3 =	vpop (xrf1);
	_ =	sdelay $0x4  }
0x29c: {  	v34 =	vld.idx.msk [tilespmem:v21+s13+$0x0], $0xffff  }
0x29d: {  	[tilespmem:v21+s13+$0x0] =	vst.idx.add.s32.msk vm3, v33  }
0x29e: {  	v21 =	vld.idx.msk [tilespmem:v20+s14+$0x0], $0xffff  }
0x29f: {  	v35 =	vld.idx.msk [tilespmem:v20+s15+$0x0], $0xffff  }
0x2a0: {  	v36 =	vld.idx.msk [tilespmem:v20+s16+$0x0], $0xffff  }
0x2a1: {  	v22 =	vadd.s32 v33, v34;
	v20 =	vmul.u32 $0xF, v20  }
0x2a2: {  	s31 =	sadd.s32 $0x60, s22;
	v22 =	vadd.s32 $0xFFFFFFFF, v22  }
0x2a3: {  	v55 =	vor.u32 s31, v2;
	v54 =	vnsel vm2, $0xFF, v20;
	vm3 =	vge.s32 v22, v21  }
0x2a4: {  	vm4 =	vge.s32 v22, v35;
	v37 =	vshll.u32 v35, $0x1;
	v24 =	vmul.u32 $0x3, v35  }
0x2a5: {  	v40 =	vshll.u32 v36, $0x1;
	v41 =	vmul.u32 $0x3, v36;
	v45 =	vshll.u32 v36, $0x2  }
0x2a6: {  	v46 =	vmul.u32 $0x5, v36;
	v48 =	vmul.u32 $0x6, v36;
	v23 =	vmul.u32 $0x7, v36  }
0x2a7: {  	v38 =	vsel vm3, $0x1, v3;
	v39 =	vsel vm4, $0x1, v3;
	vm3 =	vge.s32 v22, v37  }
0x2a8: {  	vm4 =	vge.s32 v22, v36;
	vm5 =	vge.s32 v22, v40;
	v21 =	vsel vm3, $0x1, v3  }
0x2a9: {  	vm3 =	vge.s32 v22, v24;
	v43 =	vsel vm4, $0x1, v3;
	v44 =	vsel vm5, $0x1, v3  }
0x2aa: {  	vm4 =	vge.s32 v22, v46;
	v42 =	vsel vm3, $0x1, v3;
	vm3 =	vge.s32 v22, v41  }
0x2ab: {  	v50 =	vsel vm4, $0x1, v3;
	v28 =	vadd.s32 v43, v20;
	vm4 =	vge.s32 v22, v23  }
0x2ac: {  	v47 =	vsel vm3, $0x1, v3;
	vm3 =	vge.s32 v22, v45;
	v51 =	vadd.s32 v44, v28  }
0x2ad: {  	v49 =	vsel vm3, $0x1, v3;
	vm3 =	vge.s32 v22, v48;
	v22 =	vadd.s32 v47, v51  }
0x2ae: {  	v26 =	vadd.s32 v39, v20;
	v20 =	vadd.s32 v38, v20;
	v22 =	vadd.s32 v49, v22  }
0x2af: {  	v21 =	vadd.s32 v21, v26;
	v52 =	vsel vm3, $0x1, v3;
	v22 =	vadd.s32 v50, v22  }
0x2b0: {  	v53 =	vsel vm4, $0x1, v3;
	v21 =	vadd.s32 v42, v21;
	v22 =	vadd.s32 v52, v22  }
0x2b1: {  	v20 =	vadd.s32 $0x1, v20;
	v21 =	vadd.s32 $0x3, v21;
	v22 =	vadd.s32 v53, v22  }
0x2b2: {  	v20 =	vnsel vm2, $0xFF, v20;
	v21 =	vnsel vm2, $0xFF, v21;
	v22 =	vadd.s32 $0x7, v22  }
0x2b3: {  	vm3 =	vge.s32 v55, v5;
	v22 =	vnsel vm2, $0xFF, v22;
	vm2 =	vge.s32 v55, v4  }
0x2b4: {  	v57 =	vsel vm3, $0x1, v3;
	v56 =	vsel vm2, $0x1, v3;
	vm2 =	vge.s32 v55, v6  }
0x2b5: {  	v24 =	vadd.s32 v57, v56;
	v58 =	vsel vm2, $0x1, v3;
	vm2 =	vge.s32 v55, v7  }
0x2b6: {  	v24 =	vadd.s32 v58, v24;
	v59 =	vsel vm2, $0x1, v3;
	vm2 =	vge.s32 v55, v8  }
0x2b7: {  	v24 =	vadd.s32 v59, v24;
	v60 =	vsel vm2, $0x1, v3;
	vm2 =	vge.s32 v55, v9  }
0x2b8: {  	v24 =	vadd.s32 v60, v24;
	v61 =	vsel vm2, $0x1, v3;
	vm2 =	vge.s32 v55, v10  }
0x2b9: {  	v24 =	vadd.s32 v61, v24;
	v62 =	vsel vm2, $0x1, v3;
	vm2 =	vge.s32 v55, v11  }
0x2ba: {  	v24 =	vadd.s32 v62, v24;
	v63 =	vsel vm2, $0x1, v3;
	vm2 =	vge.s32 v55, v12  }
0x2bb: {  	v24 =	vadd.s32 v63, v24;
	v29 =	vsel vm2, $0x1, v3;
	vm2 =	vge.s32 v55, v13  }
0x2bc: {  	[tilespmem:$0x14D0] =	vst v54;
	v24 =	vadd.s32 v29, v24;
	v30 =	vsel vm2, $0x1, v3;
	vm2 =	vge.s32 v55, v14  }
0x2bd: {  	s23 =	sadd.s32 $0x60, s21;
	[tilespmem:$0x1550] =	vst v20;
	v20 =	vadd.s32 v30, v24;
	v31 =	vsel vm2, $0x1, v3;
	vm2 =	vge.s32 v55, v15  }
0x2be: {  	p0 =	slt.s32 s23, $0x1470;
	[tilespmem:$0x15D0] =	vst v21;
	v20 =	vadd.s32 v31, v20;
	v32 =	vsel vm2, $0x1, v3;
	vm2 =	vge.s32 v55, v16  }
0x2bf: {  	s23 =	simm.s32 @!p0 $0x1470;
	[tilespmem:$0x1650] =	vst v22;
	v20 =	vadd.s32 v32, v20;
	v33 =	vsel vm2, $0x1, v3;
	vm2 =	vge.s32 v55, v17  }
0x2c0: {  	v22 =	vld [tilespmem:s23+$0x0];
	v20 =	vadd.s32 v33, v20;
	v34 =	vsel vm2, $0x1, v3;
	vm2 =	vge.s32 v55, v18  }
0x2c1: {  	v20 =	vadd.s32 v34, v20;
	v35 =	vsel vm2, $0x1, v3;
	vm2 =	vge.s32 v55, v19  }
0x2c2: {  	v20 =	vadd.s32 v35, v20;
	v36 =	vsel vm2, $0x1, v3  }
0x2c3: {  	v20 =	vadd.s32 v36, v20  }
0x2c4: {  	v21 =	vshll.u32 v20, $0x6  }
0x2c5: {  	vm2 =	vlt.s32 v55, v19;
	v21 =	vadd.s32 v21, v22  }
0x2c6: {  	(xrf1) =	vunique.msk.u32 vm2, v21;
	_ =	sdelay $0xd  }
0x2c7: {  	_, v37, vm3 =	vpop (xrf1);
	_ =	sdelay $0x4  }
0x2c8: {  	v38 =	vld.idx.msk [tilespmem:v21+s13+$0x0], $0xffff  }
0x2c9: {  	[tilespmem:v21+s13+$0x0] =	vst.idx.add.s32.msk vm3, v37  }
0x2ca: {  	v21 =	vld.idx.msk [tilespmem:v20+s14+$0x0], $0xffff  }
0x2cb: {  	v39 =	vld.idx.msk [tilespmem:v20+s15+$0x0], $0xffff  }
0x2cc: {  	v40 =	vld.idx.msk [tilespmem:v20+s16+$0x0], $0xffff  }
0x2cd: {  	v22 =	vadd.s32 v37, v38;
	v20 =	vmul.u32 $0xF, v20  }
0x2ce: {  	s22 =	sadd.s32 $0x70, s22;
	v22 =	vadd.s32 $0xFFFFFFFF, v22  }
0x2cf: {  	v59 =	vor.u32 s22, v2;
	v58 =	vnsel vm2, $0xFF, v20;
	vm3 =	vge.s32 v22, v21  }
0x2d0: {  	vm4 =	vge.s32 v22, v39;
	v41 =	vshll.u32 v39, $0x1;
	v24 =	vmul.u32 $0x3, v39  }
0x2d1: {  	v44 =	vshll.u32 v40, $0x1;
	v45 =	vmul.u32 $0x3, v40;
	v49 =	vshll.u32 v40, $0x2  }
0x2d2: {  	v50 =	vmul.u32 $0x5, v40;
	v52 =	vmul.u32 $0x6, v40;
	v23 =	vmul.u32 $0x7, v40  }
0x2d3: {  	v42 =	vsel vm3, $0x1, v3;
	v43 =	vsel vm4, $0x1, v3;
	vm3 =	vge.s32 v22, v41  }
0x2d4: {  	vm4 =	vge.s32 v22, v40;
	vm5 =	vge.s32 v22, v44;
	v21 =	vsel vm3, $0x1, v3  }
0x2d5: {  	vm3 =	vge.s32 v22, v24;
	v47 =	vsel vm4, $0x1, v3;
	v48 =	vsel vm5, $0x1, v3  }
0x2d6: {  	vm4 =	vge.s32 v22, v50;
	v46 =	vsel vm3, $0x1, v3;
	vm3 =	vge.s32 v22, v45  }
0x2d7: {  	v54 =	vsel vm4, $0x1, v3;
	v28 =	vadd.s32 v47, v20;
	vm4 =	vge.s32 v22, v23  }
0x2d8: {  	v51 =	vsel vm3, $0x1, v3;
	vm3 =	vge.s32 v22, v49;
	v55 =	vadd.s32 v48, v28  }
0x2d9: {  	v53 =	vsel vm3, $0x1, v3;
	vm3 =	vge.s32 v22, v52;
	v22 =	vadd.s32 v51, v55  }
0x2da: {  	v26 =	vadd.s32 v43, v20;
	v20 =	vadd.s32 v42, v20;
	v22 =	vadd.s32 v53, v22  }
0x2db: {  	v21 =	vadd.s32 v21, v26;
	v56 =	vsel vm3, $0x1, v3;
	v22 =	vadd.s32 v54, v22  }
0x2dc: {  	v57 =	vsel vm4, $0x1, v3;
	v21 =	vadd.s32 v46, v21;
	v22 =	vadd.s32 v56, v22  }
0x2dd: {  	v20 =	vadd.s32 $0x1, v20;
	v21 =	vadd.s32 $0x3, v21;
	v22 =	vadd.s32 v57, v22  }
0x2de: {  	v20 =	vnsel vm2, $0xFF, v20;
	v21 =	vnsel vm2, $0xFF, v21;
	v22 =	vadd.s32 $0x7, v22  }
0x2df: {  	vm3 =	vge.s32 v59, v5;
	v22 =	vnsel vm2, $0xFF, v22;
	vm2 =	vge.s32 v59, v4  }
0x2e0: {  	v61 =	vsel vm3, $0x1, v3;
	v60 =	vsel vm2, $0x1, v3;
	vm2 =	vge.s32 v59, v6  }
0x2e1: {  	v24 =	vadd.s32 v61, v60;
	v62 =	vsel vm2, $0x1, v3;
	vm2 =	vge.s32 v59, v7  }
0x2e2: {  	v24 =	vadd.s32 v62, v24;
	v63 =	vsel vm2, $0x1, v3;
	vm2 =	vge.s32 v59, v8  }
0x2e3: {  	v24 =	vadd.s32 v63, v24;
	v29 =	vsel vm2, $0x1, v3;
	vm2 =	vge.s32 v59, v9  }
0x2e4: {  	v24 =	vadd.s32 v29, v24;
	v30 =	vsel vm2, $0x1, v3;
	vm2 =	vge.s32 v59, v10  }
0x2e5: {  	v24 =	vadd.s32 v30, v24;
	v31 =	vsel vm2, $0x1, v3;
	vm2 =	vge.s32 v59, v11  }
0x2e6: {  	v24 =	vadd.s32 v31, v24;
	v32 =	vsel vm2, $0x1, v3;
	vm2 =	vge.s32 v59, v12  }
0x2e7: {  	v24 =	vadd.s32 v32, v24;
	v33 =	vsel vm2, $0x1, v3;
	vm2 =	vge.s32 v59, v13  }
0x2e8: {  	[tilespmem:$0x14E0] =	vst v58;
	v24 =	vadd.s32 v33, v24;
	v34 =	vsel vm2, $0x1, v3;
	vm2 =	vge.s32 v59, v14  }
0x2e9: {  	s21 =	sadd.s32 $0x70, s21;
	[tilespmem:$0x1560] =	vst v20;
	v20 =	vadd.s32 v34, v24;
	v35 =	vsel vm2, $0x1, v3;
	vm2 =	vge.s32 v59, v15  }
0x2ea: {  	p0 =	slt.s32 s21, $0x1470;
	[tilespmem:$0x15E0] =	vst v21;
	v20 =	vadd.s32 v35, v20;
	v36 =	vsel vm2, $0x1, v3;
	vm2 =	vge.s32 v59, v16  }
0x2eb: {  	s21 =	simm.s32 @!p0 $0x1470;
	[tilespmem:$0x1660] =	vst v22;
	v20 =	vadd.s32 v36, v20;
	v37 =	vsel vm2, $0x1, v3;
	vm2 =	vge.s32 v59, v17  }
0x2ec: {  	v22 =	vld [tilespmem:s21+$0x0];
	v20 =	vadd.s32 v37, v20;
	v38 =	vsel vm2, $0x1, v3;
	vm2 =	vge.s32 v59, v18  }
0x2ed: {  	v20 =	vadd.s32 v38, v20;
	v39 =	vsel vm2, $0x1, v3;
	vm2 =	vge.s32 v59, v19  }
0x2ee: {  	v20 =	vadd.s32 v39, v20;
	v40 =	vsel vm2, $0x1, v3  }
0x2ef: {  	v20 =	vadd.s32 v40, v20  }
0x2f0: {  	v21 =	vshll.u32 v20, $0x6  }
0x2f1: {  	vm2 =	vlt.s32 v59, v19;
	v21 =	vadd.s32 v21, v22  }
0x2f2: {  	(xrf1) =	vunique.msk.u32 vm2, v21;
	_ =	sdelay $0xd  }
0x2f3: {  	_, v41, vm3 =	vpop (xrf1);
	_ =	sdelay $0x4  }
0x2f4: {  	v42 =	vld.idx.msk [tilespmem:v21+s13+$0x0], $0xffff  }
0x2f5: {  	[tilespmem:v21+s13+$0x0] =	vst.idx.add.s32.msk vm3, v41  }
0x2f6: {  	v21 =	vld.idx.msk [tilespmem:v20+s14+$0x0], $0xffff  }
0x2f7: {  	v43 =	vld.idx.msk [tilespmem:v20+s15+$0x0], $0xffff  }
0x2f8: {  	v44 =	vld.idx.msk [tilespmem:v20+s16+$0x0], $0xffff;
	_ =	sdelay $0x1  }
0x2f9: {  	v22 =	vadd.s32 v41, v42;
	v20 =	vmul.u32 $0xF, v20  }
0x2fa: {  	v22 =	vadd.s32 $0xFFFFFFFF, v22  }
0x2fb: {  	v62 =	vnsel vm2, $0xFF, v20;
	vm3 =	vge.s32 v22, v21;
	vm4 =	vge.s32 v22, v43  }
0x2fc: {  	v45 =	vshll.u32 v43, $0x1;
	v24 =	vmul.u32 $0x3, v43;
	v48 =	vshll.u32 v44, $0x1  }
0x2fd: {  	v49 =	vmul.u32 $0x3, v44;
	v53 =	vshll.u32 v44, $0x2;
	v54 =	vmul.u32 $0x5, v44  }
0x2fe: {  	v56 =	vmul.u32 $0x6, v44;
	v23 =	vmul.u32 $0x7, v44;
	v46 =	vsel vm3, $0x1, v3  }
0x2ff: {  	v47 =	vsel vm4, $0x1, v3;
	vm3 =	vge.s32 v22, v45;
	vm4 =	vge.s32 v22, v44  }
0x300: {  	vm5 =	vge.s32 v22, v48;
	v21 =	vsel vm3, $0x1, v3;
	vm3 =	vge.s32 v22, v24  }
0x301: {  	v51 =	vsel vm4, $0x1, v3;
	v52 =	vsel vm5, $0x1, v3;
	vm4 =	vge.s32 v22, v54  }
0x302: {  	v26 =	vadd.s32 v47, v20;
	v50 =	vsel vm3, $0x1, v3;
	vm3 =	vge.s32 v22, v49  }
0x303: {  	v58 =	vsel vm4, $0x1, v3;
	v28 =	vadd.s32 v51, v20;
	vm4 =	vge.s32 v22, v23  }
0x304: {  	v55 =	vsel vm3, $0x1, v3;
	vm3 =	vge.s32 v22, v53;
	v59 =	vadd.s32 v52, v28  }
0x305: {  	v57 =	vsel vm3, $0x1, v3;
	vm3 =	vge.s32 v22, v56;
	v22 =	vadd.s32 v55, v59  }
0x306: {  	v20 =	vadd.s32 v46, v20;
	v21 =	vadd.s32 v21, v26;
	v22 =	vadd.s32 v57, v22  }
0x307: {  	v61 =	vsel vm4, $0x1, v3;
	v60 =	vsel vm3, $0x1, v3;
	v22 =	vadd.s32 v58, v22  }
0x308: {  	v20 =	vadd.s32 $0x1, v20;
	v21 =	vadd.s32 v50, v21;
	v22 =	vadd.s32 v60, v22  }
0x309: {  	[tilespmem:$0x14F0] =	vst v62;
	v20 =	vnsel vm2, $0xFF, v20;
	v21 =	vadd.s32 $0x3, v21;
	v22 =	vadd.s32 v61, v22  }
0x30a: {  	[tilespmem:$0x1570] =	vst v20;
	v20 =	vnsel vm2, $0xFF, v21;
	v63 =	vadd.s32 $0x7, v22  }
0x30b: {  	[tilespmem:$0x15F0] =	vst v20;
	v20 =	vnsel vm2, $0xFF, v63  }
0x30c: {  	s24 =	rddreg [dreg:$0x6];
	s25 =	sadd.s32 $0xFFFFD000, s20;
	[tilespmem:$0x1670] =	vst v20  }
0x30d: {  	[hbm4b:s25+s5] =	stream.linear.scatter [tilespmem:s24], [sflag:$0x1], $0x80, $0x38;
	[tilespmem:$0x1F80] =	vst v63  }
0x30e: {  	_ =	swait.ge [sflag:s11], $0x80  }
0x30f: {  	[sflag:s11] =	ssyncset.done $0x0  }
0x310: {  	s28 =	sadd.s32 $0xFFFFE000, s20;
	s26 =	rddreg [dreg:$0x7];
	[sflag:s11] =	ssyncadd.s32 $0xFFFFFF80  }
0x311: {  	[hbm4b:s28+s5] =	stream.linear.scatter [tilespmem:s26], [sflag:$0x1], $0x80, $0x38;
	[tilespmem:$0x1F80] =	vst v63  }
0x312: {  	_ =	swait.ge [sflag:s11], $0x80  }
0x313: {  	[sflag:s11] =	ssyncset.done $0x0  }
0x314: {  	s30 =	sadd.s32 $0xFFFFF000, s20;
	s29 =	rddreg [dreg:$0x8];
	[sflag:s11] =	ssyncadd.s32 $0xFFFFFF80  }
0x315: {  	[hbm4b:s30+s5] =	stream.linear.scatter [tilespmem:s29], [sflag:$0x1], $0x80, $0x38;
	[tilespmem:$0x1F80] =	vst v63  }
0x316: {  	_ =	swait.ge [sflag:s11], $0x80  }
0x317: {  	p0 =	sne.s32 s19, $0x380;
	[sflag:s11] =	ssyncset.done $0x0  }
.Ltmp7:
0x318: {  	s31 =	rddreg [dreg:$0x9];
	[sflag:s11] =	ssyncadd.s32 $0xFFFFFF80;
	(pc) =	sbr.rel @p0 .LBB2_9-.Ltmp7, $4  }
0x319: {  	[hbm4b:s20+s5] =	stream.linear.scatter [tilespmem:s31], [sflag:$0x1], $0x80, $0x38;
	[tilespmem:$0x1F80] =	vst v63  }
0x31a: {  	_ =	swait.ge [sflag:s11], $0x80  }
0x31b: {  	[sflag:s11] =	ssyncset.done $0x0  }
0x31c: {  	s19 =	sadd.s32 $0x80, s19;
	s20 =	sadd.s32 $0x10, s20;
	[sflag:s11] =	ssyncadd.s32 $0xFFFFFF80  }
0x31d: {  	s18 =	sadd.s32 $0x1, s18  }
0x31e: {  	p0 =	sne.s32 s18, s8  }
.Ltmp8:
0x31f: {  	_ = 	snop;
	(pc) =	sbr.rel @p0 .LBB2_1-.Ltmp8, $4  }
.Ltmp9:
0x320: {  	_ = 	snop;
	(pc) =	sbr.rel @!p0 .LBB2_11-.Ltmp9, $4  }
0x321: {  	_ = 	snop  }
0x322: {  	_ = 	snop  }
0x323: {  	_ = 	snop  }
0x324: {  	_ = 	snop  }
.LBB2_3:
.Ltmp10:
0x325: {  	(pc) =	sbr.rel .LBB2_14-.Ltmp10, $2  }
0x326: {  	_ =	sdelay $0x2  }
0x327: {  	_ = 	snop  }
.LBB2_11:
0x328: {  	_ =	sfence.sel $0x180000  }
0x329: {  	[bflag:$0x0] =	sbarrier.arrive $0xFFFF  }
0x32a: {  	p0 =	sne.s32 s4, $0x0;
	_ =	strace $0x90000047  }
0x32b: {  	s0 =	sadd.s32 @!p0 $0x100000, s0;
	[bflag:$0x2] =	sbarrier.arrive $0xFFFF  }
0x32c: {  	[sflag:s0] =	ssyncadd.tile.s32 @!p0 $0x1;
	_ =	shalt  }
.Lfunc_end2:
_tile_overlayer_lowered:
.L_overlay_start_2:
0x32d: {  	(tag) =	ssettag $0x2  }
0x32e: {  	s0 =	rddreg [dreg:$0x0];
	s2 =	stileid.u32  }
0x32f: {  	s1 =	rddreg [dreg:$0x1];
	p0 =	sne.s32 s2, $0x0  }
0x330: {  	s3 =	rddreg [dreg:$0x2];
	[bflag:$0x3] =	sbarrier.arrive $0xFFFF;
	s2 =	simm.s32 @!p0 $0x1C01  }
0x331: {  	[timem:s3], [sflag:s2] =	dma.local @!p0 [hbm:s0], s1  }
0x332: {  	s0 =	simm.s32 @!p0 $0x1  }
0x333: {  	_ =	swait.ge @!p0 [sflag:s0], s1  }
0x334: {  	s1 =	ssub.s32 @!p0 $0x0, s1;
	[sflag:s0] =	ssyncset.done @!p0 $0x0  }
0x335: {  	[sflag:s0] =	ssyncadd.s32 @!p0 s1  }
0x336: {  	[bflag:$0x3] =	sbarrier.arrive $0xFFFF  }
0x337: {  	_ =	shalt  }

</sc_bundles>
